<compile_context>
chip_gen: v7x
topology: tpu7x:2x2x1
jax: 0.10.2.dev20260603
libtpu: 0.0.44.dev20260713+nightly
codegen_flags: <defaults>
</compile_context>

<pallas_src>
import functools

import jax
import jax.numpy as jnp
from jax import lax
from jax.experimental import pallas as pl
from jax.experimental.pallas import tpu as pltpu
from jax.experimental.pallas import tpu_sc as plsc

KNN = 20
BN_ROWS = 512
PB = 128
SB_ROWS = 1024
LW = 128


GW = 128


def _extract_topk(work, idx_ref, b, n):
    rows = work.shape[0]
    ng = n // GW
    lane = lax.broadcasted_iota(jnp.int32, (rows, GW), 1)
    giota = lax.broadcasted_iota(jnp.int32, (rows, ng), 1)
    tiles = [work[:, g * GW:(g + 1) * GW] for g in range(ng)]
    gm = jnp.concatenate(
        [jnp.max(t, axis=1, keepdims=True) for t in tiles], axis=1)
    removed = []
    for t in range(KNN):
        m = jnp.max(gm, axis=1, keepdims=True)
        wg = jnp.min(jnp.where(gm == m, giota, ng), axis=1, keepdims=True)
        tile = tiles[0]
        for g in range(1, ng):
            tile = jnp.where(wg == g, tiles[g], tile)
        base = wg * GW
        for r in removed:
            tile = jnp.where(lane == r - base, -jnp.inf, tile)
        lidx = jnp.min(jnp.where(tile == m, lane, GW), axis=1, keepdims=True)
        gidx = base + lidx
        idx_ref[:, t:t + 1] = gidx + b * n
        removed.append(gidx)
        gnew = jnp.max(jnp.where(lane == lidx, -jnp.inf, tile),
                       axis=1, keepdims=True)
        gm = jnp.where(giota == wg, gnew, gm)


def _topk_body(h_rows_ref, h_all_ref, xxr_ref, xxc_ref, idx_ref):
    b = pl.program_id(0)
    rows = h_rows_ref[...]
    alls = h_all_ref[...]
    g = lax.dot_general(rows, alls, (((1,), (1,)), ((), ())),
                        precision=lax.Precision.DEFAULT,
                        preferred_element_type=jnp.float32)
    work = 2.0 * g - xxr_ref[...] - xxc_ref[0]
    _extract_topk(work, idx_ref, b, work.shape[1])


def _topk(h_pm, batches, n):
    rows_total, d = h_pm.shape
    nb = n // BN_ROWS
    xb = h_pm.reshape(batches, n, d).transpose(0, 2, 1)
    xx = jnp.sum(xb ** 2, axis=1)
    return pl.pallas_call(
        _topk_body,
        grid=(batches, nb),
        in_specs=[
            pl.BlockSpec((BN_ROWS, d), lambda b, i: (b * nb + i, 0)),
            pl.BlockSpec((n, d), lambda b, i: (b, 0)),
            pl.BlockSpec((BN_ROWS, 1), lambda b, i: (b * nb + i, 0)),
            pl.BlockSpec((1, 1, n), lambda b, i: (b, 0, 0)),
        ],
        out_specs=pl.BlockSpec((BN_ROWS, KNN), lambda b, i: (b * nb + i, 0)),
        out_shape=jax.ShapeDtypeStruct((rows_total, KNN), jnp.int32),
    )(h_pm, h_pm, xx.reshape(rows_total, 1), xx.reshape(batches, 1, n))


def _make_gather(rows_total):
    info = plsc.get_sparse_core_info()
    nw = info.num_cores * info.num_subcores
    total = rows_total * KNN
    ow = total // nw
    cr = 256
    nchunk = ow // cr
    mesh = plsc.VectorSubcoreMesh(core_axis_name="c", subcore_axis_name="s")
    oshape = jax.ShapeDtypeStruct((total, LW), jnp.float32)

    @functools.partial(
        pl.kernel,
        out_type=oshape,
        mesh=mesh,
        scratch_types=[
            pltpu.VMEM((cr,), jnp.int32),
            pltpu.VMEM((cr, LW), jnp.float32),
            pltpu.SemaphoreType.DMA,
        ],
    )
    def gather(h_hbm, idxp_hbm, out_hbm, idx_v, gath_v, sem_g):
        wid = lax.axis_index("s") * info.num_cores + lax.axis_index("c")
        base = wid * ow

        def chunk(gi, carry):
            r0 = base + gi * cr
            pltpu.sync_copy(idxp_hbm.at[pl.ds(r0, cr)], idx_v)
            pltpu.async_copy(h_hbm.at[idx_v], gath_v, sem_g).wait()
            pltpu.sync_copy(gath_v, out_hbm.at[pl.ds(r0, cr)])
            return carry

        lax.fori_loop(0, nchunk, chunk, 0)

    return gather


def _econv_body(tw, dd, nbr_ref, h_ref, wc_ref, mx_ref, sum_ref):
    i = pl.program_id(0)
    wc = wc_ref[...]
    xi = h_ref[:, :dd]
    mx = None
    for k in range(KNN):
        xj = nbr_ref[pl.ds(k * PB, PB), :dd]
        xk = jnp.concatenate([xj - xi, xi], axis=1)
        yk = lax.dot_general(xk, wc, (((1,), (1,)), ((), ())),
                             precision=lax.Precision.DEFAULT,
                             preferred_element_type=jnp.float32)
        if mx is None:
            mx, s, ss = yk, yk, yk * yk
        else:
            mx = jnp.maximum(mx, yk)
            s = s + yk
            ss = ss + yk * yk
    mx_ref[...] = mx
    t1 = jnp.sum(s, axis=0, keepdims=True)
    t2 = jnp.sum(ss, axis=0, keepdims=True)
    both = jnp.concatenate([t1, t2], axis=0)

    @pl.when(i == 0)
    def _():
        sum_ref[...] = both

    @pl.when(i > 0)
    def _():
        sum_ref[...] += both


def _econv(nbr, h_pm, wcat, rows_total, tw, dd):
    f = wcat.shape[0]
    nb = rows_total // PB
    return pl.pallas_call(
        functools.partial(_econv_body, tw, dd),
        grid=(nb,),
        in_specs=[
            pl.BlockSpec((PB * KNN, LW), lambda i: (i, 0)),
            pl.BlockSpec((PB, LW), lambda i: (i, 0)),
            pl.BlockSpec((f, tw), lambda i: (0, 0)),
        ],
        out_specs=[
            pl.BlockSpec((PB, f), lambda i: (i, 0)),
            pl.BlockSpec((2, f), lambda i: (0, 0)),
        ],
        out_shape=[
            jax.ShapeDtypeStruct((rows_total, f), jnp.float32),
            jax.ShapeDtypeStruct((2, f), jnp.float32),
        ],
    )(nbr, h_pm, wcat)


def _norm_body(count, mx_ref, sum_ref, g_ref, b_ref, out_ref):
    m = sum_ref[0:1, :] * (1.0 / count)
    ey2 = sum_ref[1:2, :] * (1.0 / count)
    v = ey2 - m * m
    inv = lax.rsqrt(v + 1e-5)
    y = (mx_ref[...] - m) * (inv * g_ref[...]) + b_ref[...]
    out_ref[...] = jnp.where(y > 0, y, 0.2 * y)


def _norm(mx, sums, gamma, beta, count):
    rows_total, f = mx.shape
    nb = rows_total // SB_ROWS
    return pl.pallas_call(
        functools.partial(_norm_body, count),
        grid=(nb,),
        in_specs=[
            pl.BlockSpec((SB_ROWS, f), lambda i: (i, 0)),
            pl.BlockSpec((2, f), lambda i: (0, 0)),
            pl.BlockSpec((1, f), lambda i: (0, 0)),
            pl.BlockSpec((1, f), lambda i: (0, 0)),
        ],
        out_specs=pl.BlockSpec((SB_ROWS, f), lambda i: (i, 0)),
        out_shape=jax.ShapeDtypeStruct((rows_total, f), jnp.float32),
    )(mx, sums, gamma, beta)


def _fc_body(z_ref, w_ref, y_ref, sum_ref):
    i = pl.program_id(0)
    y = lax.dot_general(z_ref[...], w_ref[...],
                        (((1,), (1,)), ((), ())),
                        precision=lax.Precision.DEFAULT,
                        preferred_element_type=jnp.float32)
    y_ref[...] = y
    t1 = jnp.sum(y, axis=0, keepdims=True)
    t2 = jnp.sum(y * y, axis=0, keepdims=True)
    both = jnp.concatenate([t1, t2], axis=0)

    @pl.when(i == 0)
    def _():
        sum_ref[...] = both

    @pl.when(i > 0)
    def _():
        sum_ref[...] += both


def _final_conv(z, wf):
    rows_total, cin = z.shape
    f = wf.shape[0]
    nb = rows_total // SB_ROWS
    return pl.pallas_call(
        _fc_body,
        grid=(nb,),
        in_specs=[
            pl.BlockSpec((SB_ROWS, cin), lambda i: (i, 0)),
            pl.BlockSpec((f, cin), lambda i: (0, 0)),
        ],
        out_specs=[
            pl.BlockSpec((SB_ROWS, f), lambda i: (i, 0)),
            pl.BlockSpec((2, f), lambda i: (0, 0)),
        ],
        out_shape=[
            jax.ShapeDtypeStruct((rows_total, f), jnp.float32),
            jax.ShapeDtypeStruct((2, f), jnp.float32),
        ],
    )(z, wf)


def _edge_layer(h_pm, w, gamma, beta, batches, n):
    rows_total = h_pm.shape[0]
    f = w.shape[0]
    din = w.shape[1] // 2
    dd = max(din, 16)
    tw = 2 * dd
    fpad = max(f, LW)
    wcat = jnp.zeros((fpad, tw), jnp.float32)
    wcat = wcat.at[:f, :din].set(w[:, :din])
    wcat = wcat.at[:f, dd:dd + din].set(w[:, din:])
    gp = jnp.pad(gamma, (0, fpad - f), constant_values=1.0).reshape(1, fpad)
    bp = jnp.pad(beta, (0, fpad - f)).reshape(1, fpad)

    idx = _topk(h_pm, batches, n)
    idxp = idx.reshape(rows_total // PB, PB, KNN).transpose(0, 2, 1)
    nbr = _make_gather(rows_total)(h_pm, idxp.reshape(-1))
    mx, sums = _econv(nbr, h_pm, wcat, rows_total, tw, dd)
    count = float(rows_total * KNN)
    return _norm(mx, sums, gp, bp, count)


def kernel(x, center, W0, g0, b0, W1, g1, b1, W2, g2, b2, W3, g3, b3,
           Wf, gf, bf):
    batches, d0, n = x.shape
    rows_total = batches * n
    h = jnp.transpose(x, (0, 2, 1)).reshape(rows_total, d0)
    h = jnp.pad(h, ((0, 0), (0, LW - d0)))
    feats = []
    for w, g, b in ((W0, g0, b0), (W1, g1, b1), (W2, g2, b2), (W3, g3, b3)):
        h = _edge_layer(h, w, g, b, batches, n)
        feats.append(h[:, :w.shape[0]])
    z = jnp.concatenate(feats, axis=1)
    f = Wf.shape[0]
    y, sums = _final_conv(z, Wf)
    out = _norm(y, sums, gf.reshape(1, f), bf.reshape(1, f),
                float(rows_total))
    return jnp.transpose(out.reshape(batches, n, f), (0, 2, 1))

# --- scband reference (transcript-rebuilt; emitter-appended) ---
"""Pipeline reference for scband-dgcnn-82300163326097 (READ-ONLY COPY).

The authoritative reference and input builder live on the scoring server;
editing this copy changes nothing except your own understanding.
"""

import jax, jax.numpy as jnp
import numpy as np

K = 20
DIMS = [64, 64, 128, 256]


def knn(x, k):
    inner = -2.0 * jnp.einsum('bdn,bdm->bnm', x, x)
    xx = jnp.sum(x ** 2, axis=1, keepdims=True)
    pairwise = -xx - inner - jnp.transpose(xx, (0, 2, 1))
    idx = jax.lax.top_k(pairwise, k)[1]
    return idx


def get_graph_feature(x, k):
    B, D, N = x.shape
    idx = knn(x, k)
    idx_base = jnp.arange(B, dtype=idx.dtype)[:, None, None] * N
    idxf = (idx + idx_base).reshape(-1)
    xt = jnp.transpose(x, (0, 2, 1))
    feature = xt.reshape(B * N, D)[idxf].reshape(B, N, k, D)
    xr = jnp.broadcast_to(xt[:, :, None, :], (B, N, k, D))
    interaction = feature - xr
    feat = jnp.concatenate([interaction, xr], axis=3)
    return jnp.transpose(feat, (0, 3, 1, 2))


def lrelu(y):
    return jnp.where(y > 0, y, 0.2 * y)


def setup_inputs(seed: int = 0):
    key = jax.random.key(seed)
    ks = jax.random.split(key, 16)
    B, D0, N = 4, 3, 2048
    inp = {}
    inp['x'] = jax.random.normal(ks[0], (B, D0, N), dtype=jnp.float32)
    inp['center'] = jax.random.normal(ks[1], (B, 3, N), dtype=jnp.float32)
    in_ch = D0
    ki = 2
    for li, fdim in enumerate(DIMS):
        inp['W%d' % li] = jax.random.normal(ks[ki], (fdim, in_ch * 2), dtype=jnp.float32) * 0.1
        ki += 1
        inp['g%d' % li] = jnp.ones((fdim,), dtype=jnp.float32)
        inp['b%d' % li] = jnp.zeros((fdim,), dtype=jnp.float32)
        in_ch = fdim
    inp['Wf'] = jax.random.normal(ks[ki], (256, sum(DIMS)), dtype=jnp.float32) * 0.05
    inp['gf'] = jnp.ones((256,), dtype=jnp.float32)
    inp['bf'] = jnp.zeros((256,), dtype=jnp.float32)
    return inp


def reference(x, center, W0, g0, b0, W1, g1, b1, W2, g2, b2, W3, g3, b3, Wf, gf, bf):
    params = [(W0, g0, b0), (W1, g1, b1), (W2, g2, b2), (W3, g3, b3)]
    feats = []
    h = x
    for (W, g, b) in params:
        f = get_graph_feature(h, K)
        y = jnp.einsum('oc,bcnk->bonk', W, f)
        m = jnp.mean(y, axis=(0, 2, 3), keepdims=True)
        v = jnp.var(y, axis=(0, 2, 3), keepdims=True)
        y = (y - m) / jnp.sqrt(v + 1e-5)
        y = g[None, :, None, None] * y + b[None, :, None, None]
        y = lrelu(y)
        h = jnp.max(y, axis=-1)
        feats.append(h)
    z = jnp.concatenate(feats, axis=1)
    y = jnp.einsum('oc,bcn->bon', Wf, z)
    m = jnp.mean(y, axis=(0, 2), keepdims=True)
    v = jnp.var(y, axis=(0, 2), keepdims=True)
    y = (y - m) / jnp.sqrt(v + 1e-5)
    y = gf[None, :, None] * y + bf[None, :, None]
    return lrelu(y)

if __name__ == "__main__":
    import jax
    _d = setup_inputs()
    print(jax.jit(kernel)(*tuple(_d.values())))

</pallas_src>

<mosaic_0001>
#map = affine_map<(d0, d1) -> (0, 0)>
#map1 = affine_map<(d0, d1) -> (0)>
module attributes {stable_mosaic.version = 14 : i64} {
  func.func @gather(%arg0: i32, %arg1: i32, %arg2: memref<8192x128xf32, #tpu.memory_space<hbm>>, %arg3: memref<163840xi32, #tpu.memory_space<hbm>>, %arg4: memref<163840x128xf32, #tpu.memory_space<hbm>>, %arg5: memref<256xi32, #tpu.memory_space<vmem>>, %arg6: memref<256x128xf32, #tpu.memory_space<vmem>>, %arg7: memref<!tpu.dma_semaphore, #tpu.memory_space<semaphore_mem>>) attributes {dimension_semantics = [#tpu.dimension_semantics<core_parallel>, #tpu.dimension_semantics<subcore_parallel>], iteration_bounds = array<i64: 2, 16>, scalar_prefetch = 0 : i64, scratch_operands = 3 : i64, tpu.core_type = #tpu.core_type<sc_vector_subcore>, window_params = [{transform_indices = #map}, {transform_indices = #map1}, {transform_indices = #map}]} {
    %mul3A = arith.constant 2 : i32
    %mul3A_0 = arith.muli %arg1, %mul3A : i32
    %add3A = arith.addi %mul3A_0, %arg0 : i32
    %mul3A_1 = arith.constant 5120 : i32
    %mul3A_2 = arith.muli %add3A, %mul3A_1 : i32
    %scan3A = arith.constant 0 : i32
    %scan3A_3 = arith.constant 0 : i32
    %scan3A_4 = arith.constant 20 : i32
    %scan3A_5 = arith.addi %scan3A_3, %scan3A_4 : i32
    %scan3A_6 = arith.constant 1 : i32
    scf.for %scan3A_8 = %scan3A_3 to %scan3A_5 step %scan3A_6  : i32 {
      %mul3A_9 = arith.constant 256 : i32
      %mul3A_10 = arith.muli %scan3A_8, %mul3A_9 : i32
      %add3A_11 = arith.addi %mul3A_2, %mul3A_10 : i32
      "tpu.region"() ({
        %run_scoped3A = tpu.sem_alloc : memref<!tpu.dma_semaphore, #tpu.memory_space<semaphore_mem>>
        %dma_start3A_16 = tpu.memref_slice %arg3[%add3A_11] : memref<163840xi32, #tpu.memory_space<hbm>> -> memref<256xi32, #tpu.memory_space<hbm>>
        %dma_start3A_17 = tpu.memref_slice %arg3[%add3A_11] : memref<163840xi32, #tpu.memory_space<hbm>> -> memref<256xi32, #tpu.memory_space<hbm>>
        tpu.enqueue_dma source(%dma_start3A_17 : memref<256xi32, #tpu.memory_space<hbm>>) target(%arg5 : memref<256xi32, #tpu.memory_space<vmem>>) target_semaphore(%run_scoped3A : memref<!tpu.dma_semaphore, #tpu.memory_space<semaphore_mem>>)
        %dma_wait3A_18 = tpu.memref_slice %arg3[%add3A_11] : memref<163840xi32, #tpu.memory_space<hbm>> -> memref<256xi32, #tpu.memory_space<hbm>>
        %dma_wait3A_19 = tpu.memref_slice %arg3[%add3A_11] : memref<163840xi32, #tpu.memory_space<hbm>> -> memref<256xi32, #tpu.memory_space<hbm>>
        tpu.wait_dma2 semaphore(%run_scoped3A : memref<!tpu.dma_semaphore, #tpu.memory_space<semaphore_mem>>) src(%dma_wait3A_19 : memref<256xi32, #tpu.memory_space<hbm>>) dst(%arg5 : memref<256xi32, #tpu.memory_space<vmem>>)
        tpu.yield
      }) : () -> ()
      %dma_start3A = arith.constant 0 : i32
      %dma_start3A_12 = arith.constant 0 : i32
      %dma_start3A_13 = tpu.memref_slice %arg2[%dma_start3A, %dma_start3A_12] : memref<8192x128xf32, #tpu.memory_space<hbm>> -> memref<8192x128xf32, #tpu.memory_space<hbm>>
      tpu.enqueue_indirect_dma source(%dma_start3A_13 : memref<8192x128xf32, #tpu.memory_space<hbm>>) target(%arg6 : memref<256x128xf32, #tpu.memory_space<vmem>>) offsets(%arg5 : memref<256xi32, #tpu.memory_space<vmem>>) semaphore(%arg7 : memref<!tpu.dma_semaphore, #tpu.memory_space<semaphore_mem>>)
      %dma_wait3A = arith.constant 0 : i32
      %dma_wait3A_14 = arith.constant 0 : i32
      %dma_wait3A_15 = tpu.memref_slice %arg2[%dma_wait3A, %dma_wait3A_14] : memref<8192x128xf32, #tpu.memory_space<hbm>> -> memref<8192x128xf32, #tpu.memory_space<hbm>>
      tpu.wait_indirect_dma semaphore(%arg7 : memref<!tpu.dma_semaphore, #tpu.memory_space<semaphore_mem>>) src(%dma_wait3A_15 : memref<8192x128xf32, #tpu.memory_space<hbm>>) dst(%arg6 : memref<256x128xf32, #tpu.memory_space<vmem>>)
      "tpu.region"() ({
        %run_scoped3A = tpu.sem_alloc : memref<!tpu.dma_semaphore, #tpu.memory_space<semaphore_mem>>
        %dma_start3A_16 = arith.constant 0 : i32
        %dma_start3A_17 = tpu.memref_slice %arg4[%add3A_11, %dma_start3A_16] : memref<163840x128xf32, #tpu.memory_space<hbm>> -> memref<256x128xf32, #tpu.memory_space<hbm>>
        %dma_start3A_18 = arith.constant 0 : i32
        %dma_start3A_19 = tpu.memref_slice %arg4[%add3A_11, %dma_start3A_18] : memref<163840x128xf32, #tpu.memory_space<hbm>> -> memref<256x128xf32, #tpu.memory_space<hbm>>
        tpu.enqueue_dma source(%arg6 : memref<256x128xf32, #tpu.memory_space<vmem>>) target(%dma_start3A_19 : memref<256x128xf32, #tpu.memory_space<hbm>>) target_semaphore(%run_scoped3A : memref<!tpu.dma_semaphore, #tpu.memory_space<semaphore_mem>>)
        %dma_wait3A_20 = arith.constant 0 : i32
        %dma_wait3A_21 = tpu.memref_slice %arg4[%add3A_11, %dma_wait3A_20] : memref<163840x128xf32, #tpu.memory_space<hbm>> -> memref<256x128xf32, #tpu.memory_space<hbm>>
        %dma_wait3A_22 = arith.constant 0 : i32
        %dma_wait3A_23 = tpu.memref_slice %arg4[%add3A_11, %dma_wait3A_22] : memref<163840x128xf32, #tpu.memory_space<hbm>> -> memref<256x128xf32, #tpu.memory_space<hbm>>
        tpu.wait_dma2 semaphore(%run_scoped3A : memref<!tpu.dma_semaphore, #tpu.memory_space<semaphore_mem>>) src(%arg6 : memref<256x128xf32, #tpu.memory_space<vmem>>) dst(%dma_wait3A_23 : memref<256x128xf32, #tpu.memory_space<hbm>>)
        tpu.yield
      }) : () -> ()
    }
    %scan3A_7 = arith.constant 20 : i32
    return
  }
}

#map = affine_map<(d0, d1) -> (0, 0)>
#map1 = affine_map<(d0, d1) -> (0)>
module attributes {stable_mosaic.version = 14 : i64} {
  func.func @gather(%arg0: i32, %arg1: i32, %arg2: memref<8192x128xf32, #tpu.memory_space<hbm>>, %arg3: memref<163840xi32, #tpu.memory_space<hbm>>, %arg4: memref<163840x128xf32, #tpu.memory_space<hbm>>, %arg5: memref<256xi32, #tpu.memory_space<vmem>>, %arg6: memref<256x128xf32, #tpu.memory_space<vmem>>, %arg7: memref<!tpu.dma_semaphore, #tpu.memory_space<semaphore_mem>>) attributes {dimension_semantics = [#tpu.dimension_semantics<core_parallel>, #tpu.dimension_semantics<subcore_parallel>], iteration_bounds = array<i64: 2, 16>, scalar_prefetch = 0 : i64, scratch_operands = 3 : i64, tpu.core_type = #tpu.core_type<sc_vector_subcore>, window_params = [{transform_indices = #map}, {transform_indices = #map1}, {transform_indices = #map}]} {
    %mul3A = arith.constant 2 : i32
    %mul3A_0 = arith.muli %arg1, %mul3A : i32
    %add3A = arith.addi %mul3A_0, %arg0 : i32
    %mul3A_1 = arith.constant 5120 : i32
    %mul3A_2 = arith.muli %add3A, %mul3A_1 : i32
    %scan3A = arith.constant 0 : i32
    %scan3A_3 = arith.constant 0 : i32
    %scan3A_4 = arith.constant 20 : i32
    %scan3A_5 = arith.addi %scan3A_3, %scan3A_4 : i32
    %scan3A_6 = arith.constant 1 : i32
    scf.for %scan3A_8 = %scan3A_3 to %scan3A_5 step %scan3A_6  : i32 {
      %mul3A_9 = arith.constant 256 : i32
      %mul3A_10 = arith.muli %scan3A_8, %mul3A_9 : i32
      %add3A_11 = arith.addi %mul3A_2, %mul3A_10 : i32
      "tpu.region"() ({
        %run_scoped3A = tpu.sem_alloc : memref<!tpu.dma_semaphore, #tpu.memory_space<semaphore_mem>>
        %dma_start3A_16 = tpu.memref_slice %arg3[%add3A_11] : memref<163840xi32, #tpu.memory_space<hbm>> -> memref<256xi32, #tpu.memory_space<hbm>>
        %dma_start3A_17 = tpu.memref_slice %arg3[%add3A_11] : memref<163840xi32, #tpu.memory_space<hbm>> -> memref<256xi32, #tpu.memory_space<hbm>>
        tpu.enqueue_dma source(%dma_start3A_17 : memref<256xi32, #tpu.memory_space<hbm>>) target(%arg5 : memref<256xi32, #tpu.memory_space<vmem>>) target_semaphore(%run_scoped3A : memref<!tpu.dma_semaphore, #tpu.memory_space<semaphore_mem>>)
        %dma_wait3A_18 = tpu.memref_slice %arg3[%add3A_11] : memref<163840xi32, #tpu.memory_space<hbm>> -> memref<256xi32, #tpu.memory_space<hbm>>
        %dma_wait3A_19 = tpu.memref_slice %arg3[%add3A_11] : memref<163840xi32, #tpu.memory_space<hbm>> -> memref<256xi32, #tpu.memory_space<hbm>>
        tpu.wait_dma2 semaphore(%run_scoped3A : memref<!tpu.dma_semaphore, #tpu.memory_space<semaphore_mem>>) src(%dma_wait3A_19 : memref<256xi32, #tpu.memory_space<hbm>>) dst(%arg5 : memref<256xi32, #tpu.memory_space<vmem>>)
        tpu.yield
      }) : () -> ()
      %dma_start3A = arith.constant 0 : i32
      %dma_start3A_12 = arith.constant 0 : i32
      %dma_start3A_13 = tpu.memref_slice %arg2[%dma_start3A, %dma_start3A_12] : memref<8192x128xf32, #tpu.memory_space<hbm>> -> memref<8192x128xf32, #tpu.memory_space<hbm>>
      tpu.enqueue_indirect_dma source(%dma_start3A_13 : memref<8192x128xf32, #tpu.memory_space<hbm>>) target(%arg6 : memref<256x128xf32, #tpu.memory_space<vmem>>) offsets(%arg5 : memref<256xi32, #tpu.memory_space<vmem>>) semaphore(%arg7 : memref<!tpu.dma_semaphore, #tpu.memory_space<semaphore_mem>>)
      %dma_wait3A = arith.constant 0 : i32
      %dma_wait3A_14 = arith.constant 0 : i32
      %dma_wait3A_15 = tpu.memref_slice %arg2[%dma_wait3A, %dma_wait3A_14] : memref<8192x128xf32, #tpu.memory_space<hbm>> -> memref<8192x128xf32, #tpu.memory_space<hbm>>
      tpu.wait_indirect_dma semaphore(%arg7 : memref<!tpu.dma_semaphore, #tpu.memory_space<semaphore_mem>>) src(%dma_wait3A_15 : memref<8192x128xf32, #tpu.memory_space<hbm>>) dst(%arg6 : memref<256x128xf32, #tpu.memory_space<vmem>>)
      "tpu.region"() ({
        %run_scoped3A = tpu.sem_alloc : memref<!tpu.dma_semaphore, #tpu.memory_space<semaphore_mem>>
        %dma_start3A_16 = arith.constant 0 : i32
        %dma_start3A_17 = tpu.memref_slice %arg4[%add3A_11, %dma_start3A_16] : memref<163840x128xf32, #tpu.memory_space<hbm>> -> memref<256x128xf32, #tpu.memory_space<hbm>>
        %dma_start3A_18 = arith.constant 0 : i32
        %dma_start3A_19 = tpu.memref_slice %arg4[%add3A_11, %dma_start3A_18] : memref<163840x128xf32, #tpu.memory_space<hbm>> -> memref<256x128xf32, #tpu.memory_space<hbm>>
        tpu.enqueue_dma source(%arg6 : memref<256x128xf32, #tpu.memory_space<vmem>>) target(%dma_start3A_19 : memref<256x128xf32, #tpu.memory_space<hbm>>) target_semaphore(%run_scoped3A : memref<!tpu.dma_semaphore, #tpu.memory_space<semaphore_mem>>)
        %dma_wait3A_20 = arith.constant 0 : i32
        %dma_wait3A_21 = tpu.memref_slice %arg4[%add3A_11, %dma_wait3A_20] : memref<163840x128xf32, #tpu.memory_space<hbm>> -> memref<256x128xf32, #tpu.memory_space<hbm>>
        %dma_wait3A_22 = arith.constant 0 : i32
        %dma_wait3A_23 = tpu.memref_slice %arg4[%add3A_11, %dma_wait3A_22] : memref<163840x128xf32, #tpu.memory_space<hbm>> -> memref<256x128xf32, #tpu.memory_space<hbm>>
        tpu.wait_dma2 semaphore(%run_scoped3A : memref<!tpu.dma_semaphore, #tpu.memory_space<semaphore_mem>>) src(%arg6 : memref<256x128xf32, #tpu.memory_space<vmem>>) dst(%dma_wait3A_23 : memref<256x128xf32, #tpu.memory_space<hbm>>)
        tpu.yield
      }) : () -> ()
    }
    %scan3A_7 = arith.constant 20 : i32
    return
  }
}

#map = affine_map<(d0, d1) -> (0, 0)>
#map1 = affine_map<(d0, d1) -> (0)>
module attributes {stable_mosaic.version = 14 : i64} {
  func.func @gather(%arg0: i32, %arg1: i32, %arg2: memref<8192x128xf32, #tpu.memory_space<hbm>>, %arg3: memref<163840xi32, #tpu.memory_space<hbm>>, %arg4: memref<163840x128xf32, #tpu.memory_space<hbm>>, %arg5: memref<256xi32, #tpu.memory_space<vmem>>, %arg6: memref<256x128xf32, #tpu.memory_space<vmem>>, %arg7: memref<!tpu.dma_semaphore, #tpu.memory_space<semaphore_mem>>) attributes {dimension_semantics = [#tpu.dimension_semantics<core_parallel>, #tpu.dimension_semantics<subcore_parallel>], iteration_bounds = array<i64: 2, 16>, scalar_prefetch = 0 : i64, scratch_operands = 3 : i64, tpu.core_type = #tpu.core_type<sc_vector_subcore>, window_params = [{transform_indices = #map}, {transform_indices = #map1}, {transform_indices = #map}]} {
    %mul3A = arith.constant 2 : i32
    %mul3A_0 = arith.muli %arg1, %mul3A : i32
    %add3A = arith.addi %mul3A_0, %arg0 : i32
    %mul3A_1 = arith.constant 5120 : i32
    %mul3A_2 = arith.muli %add3A, %mul3A_1 : i32
    %scan3A = arith.constant 0 : i32
    %scan3A_3 = arith.constant 0 : i32
    %scan3A_4 = arith.constant 20 : i32
    %scan3A_5 = arith.addi %scan3A_3, %scan3A_4 : i32
    %scan3A_6 = arith.constant 1 : i32
    scf.for %scan3A_8 = %scan3A_3 to %scan3A_5 step %scan3A_6  : i32 {
      %mul3A_9 = arith.constant 256 : i32
      %mul3A_10 = arith.muli %scan3A_8, %mul3A_9 : i32
      %add3A_11 = arith.addi %mul3A_2, %mul3A_10 : i32
      "tpu.region"() ({
        %run_scoped3A = tpu.sem_alloc : memref<!tpu.dma_semaphore, #tpu.memory_space<semaphore_mem>>
        %dma_start3A_16 = tpu.memref_slice %arg3[%add3A_11] : memref<163840xi32, #tpu.memory_space<hbm>> -> memref<256xi32, #tpu.memory_space<hbm>>
        %dma_start3A_17 = tpu.memref_slice %arg3[%add3A_11] : memref<163840xi32, #tpu.memory_space<hbm>> -> memref<256xi32, #tpu.memory_space<hbm>>
        tpu.enqueue_dma source(%dma_start3A_17 : memref<256xi32, #tpu.memory_space<hbm>>) target(%arg5 : memref<256xi32, #tpu.memory_space<vmem>>) target_semaphore(%run_scoped3A : memref<!tpu.dma_semaphore, #tpu.memory_space<semaphore_mem>>)
        %dma_wait3A_18 = tpu.memref_slice %arg3[%add3A_11] : memref<163840xi32, #tpu.memory_space<hbm>> -> memref<256xi32, #tpu.memory_space<hbm>>
        %dma_wait3A_19 = tpu.memref_slice %arg3[%add3A_11] : memref<163840xi32, #tpu.memory_space<hbm>> -> memref<256xi32, #tpu.memory_space<hbm>>
        tpu.wait_dma2 semaphore(%run_scoped3A : memref<!tpu.dma_semaphore, #tpu.memory_space<semaphore_mem>>) src(%dma_wait3A_19 : memref<256xi32, #tpu.memory_space<hbm>>) dst(%arg5 : memref<256xi32, #tpu.memory_space<vmem>>)
        tpu.yield
      }) : () -> ()
      %dma_start3A = arith.constant 0 : i32
      %dma_start3A_12 = arith.constant 0 : i32
      %dma_start3A_13 = tpu.memref_slice %arg2[%dma_start3A, %dma_start3A_12] : memref<8192x128xf32, #tpu.memory_space<hbm>> -> memref<8192x128xf32, #tpu.memory_space<hbm>>
      tpu.enqueue_indirect_dma source(%dma_start3A_13 : memref<8192x128xf32, #tpu.memory_space<hbm>>) target(%arg6 : memref<256x128xf32, #tpu.memory_space<vmem>>) offsets(%arg5 : memref<256xi32, #tpu.memory_space<vmem>>) semaphore(%arg7 : memref<!tpu.dma_semaphore, #tpu.memory_space<semaphore_mem>>)
      %dma_wait3A = arith.constant 0 : i32
      %dma_wait3A_14 = arith.constant 0 : i32
      %dma_wait3A_15 = tpu.memref_slice %arg2[%dma_wait3A, %dma_wait3A_14] : memref<8192x128xf32, #tpu.memory_space<hbm>> -> memref<8192x128xf32, #tpu.memory_space<hbm>>
      tpu.wait_indirect_dma semaphore(%arg7 : memref<!tpu.dma_semaphore, #tpu.memory_space<semaphore_mem>>) src(%dma_wait3A_15 : memref<8192x128xf32, #tpu.memory_space<hbm>>) dst(%arg6 : memref<256x128xf32, #tpu.memory_space<vmem>>)
      "tpu.region"() ({
        %run_scoped3A = tpu.sem_alloc : memref<!tpu.dma_semaphore, #tpu.memory_space<semaphore_mem>>
        %dma_start3A_16 = arith.constant 0 : i32
        %dma_start3A_17 = tpu.memref_slice %arg4[%add3A_11, %dma_start3A_16] : memref<163840x128xf32, #tpu.memory_space<hbm>> -> memref<256x128xf32, #tpu.memory_space<hbm>>
        %dma_start3A_18 = arith.constant 0 : i32
        %dma_start3A_19 = tpu.memref_slice %arg4[%add3A_11, %dma_start3A_18] : memref<163840x128xf32, #tpu.memory_space<hbm>> -> memref<256x128xf32, #tpu.memory_space<hbm>>
        tpu.enqueue_dma source(%arg6 : memref<256x128xf32, #tpu.memory_space<vmem>>) target(%dma_start3A_19 : memref<256x128xf32, #tpu.memory_space<hbm>>) target_semaphore(%run_scoped3A : memref<!tpu.dma_semaphore, #tpu.memory_space<semaphore_mem>>)
        %dma_wait3A_20 = arith.constant 0 : i32
        %dma_wait3A_21 = tpu.memref_slice %arg4[%add3A_11, %dma_wait3A_20] : memref<163840x128xf32, #tpu.memory_space<hbm>> -> memref<256x128xf32, #tpu.memory_space<hbm>>
        %dma_wait3A_22 = arith.constant 0 : i32
        %dma_wait3A_23 = tpu.memref_slice %arg4[%add3A_11, %dma_wait3A_22] : memref<163840x128xf32, #tpu.memory_space<hbm>> -> memref<256x128xf32, #tpu.memory_space<hbm>>
        tpu.wait_dma2 semaphore(%run_scoped3A : memref<!tpu.dma_semaphore, #tpu.memory_space<semaphore_mem>>) src(%arg6 : memref<256x128xf32, #tpu.memory_space<vmem>>) dst(%dma_wait3A_23 : memref<256x128xf32, #tpu.memory_space<hbm>>)
        tpu.yield
      }) : () -> ()
    }
    %scan3A_7 = arith.constant 20 : i32
    return
  }
}

#map = affine_map<(d0, d1) -> (0, 0)>
#map1 = affine_map<(d0, d1) -> (0)>
module attributes {stable_mosaic.version = 14 : i64} {
  func.func @gather(%arg0: i32, %arg1: i32, %arg2: memref<8192x128xf32, #tpu.memory_space<hbm>>, %arg3: memref<163840xi32, #tpu.memory_space<hbm>>, %arg4: memref<163840x128xf32, #tpu.memory_space<hbm>>, %arg5: memref<256xi32, #tpu.memory_space<vmem>>, %arg6: memref<256x128xf32, #tpu.memory_space<vmem>>, %arg7: memref<!tpu.dma_semaphore, #tpu.memory_space<semaphore_mem>>) attributes {dimension_semantics = [#tpu.dimension_semantics<core_parallel>, #tpu.dimension_semantics<subcore_parallel>], iteration_bounds = array<i64: 2, 16>, scalar_prefetch = 0 : i64, scratch_operands = 3 : i64, tpu.core_type = #tpu.core_type<sc_vector_subcore>, window_params = [{transform_indices = #map}, {transform_indices = #map1}, {transform_indices = #map}]} {
    %mul3A = arith.constant 2 : i32
    %mul3A_0 = arith.muli %arg1, %mul3A : i32
    %add3A = arith.addi %mul3A_0, %arg0 : i32
    %mul3A_1 = arith.constant 5120 : i32
    %mul3A_2 = arith.muli %add3A, %mul3A_1 : i32
    %scan3A = arith.constant 0 : i32
    %scan3A_3 = arith.constant 0 : i32
    %scan3A_4 = arith.constant 20 : i32
    %scan3A_5 = arith.addi %scan3A_3, %scan3A_4 : i32
    %scan3A_6 = arith.constant 1 : i32
    scf.for %scan3A_8 = %scan3A_3 to %scan3A_5 step %scan3A_6  : i32 {
      %mul3A_9 = arith.constant 256 : i32
      %mul3A_10 = arith.muli %scan3A_8, %mul3A_9 : i32
      %add3A_11 = arith.addi %mul3A_2, %mul3A_10 : i32
      "tpu.region"() ({
        %run_scoped3A = tpu.sem_alloc : memref<!tpu.dma_semaphore, #tpu.memory_space<semaphore_mem>>
        %dma_start3A_16 = tpu.memref_slice %arg3[%add3A_11] : memref<163840xi32, #tpu.memory_space<hbm>> -> memref<256xi32, #tpu.memory_space<hbm>>
        %dma_start3A_17 = tpu.memref_slice %arg3[%add3A_11] : memref<163840xi32, #tpu.memory_space<hbm>> -> memref<256xi32, #tpu.memory_space<hbm>>
        tpu.enqueue_dma source(%dma_start3A_17 : memref<256xi32, #tpu.memory_space<hbm>>) target(%arg5 : memref<256xi32, #tpu.memory_space<vmem>>) target_semaphore(%run_scoped3A : memref<!tpu.dma_semaphore, #tpu.memory_space<semaphore_mem>>)
        %dma_wait3A_18 = tpu.memref_slice %arg3[%add3A_11] : memref<163840xi32, #tpu.memory_space<hbm>> -> memref<256xi32, #tpu.memory_space<hbm>>
        %dma_wait3A_19 = tpu.memref_slice %arg3[%add3A_11] : memref<163840xi32, #tpu.memory_space<hbm>> -> memref<256xi32, #tpu.memory_space<hbm>>
        tpu.wait_dma2 semaphore(%run_scoped3A : memref<!tpu.dma_semaphore, #tpu.memory_space<semaphore_mem>>) src(%dma_wait3A_19 : memref<256xi32, #tpu.memory_space<hbm>>) dst(%arg5 : memref<256xi32, #tpu.memory_space<vmem>>)
        tpu.yield
      }) : () -> ()
      %dma_start3A = arith.constant 0 : i32
      %dma_start3A_12 = arith.constant 0 : i32
      %dma_start3A_13 = tpu.memref_slice %arg2[%dma_start3A, %dma_start3A_12] : memref<8192x128xf32, #tpu.memory_space<hbm>> -> memref<8192x128xf32, #tpu.memory_space<hbm>>
      tpu.enqueue_indirect_dma source(%dma_start3A_13 : memref<8192x128xf32, #tpu.memory_space<hbm>>) target(%arg6 : memref<256x128xf32, #tpu.memory_space<vmem>>) offsets(%arg5 : memref<256xi32, #tpu.memory_space<vmem>>) semaphore(%arg7 : memref<!tpu.dma_semaphore, #tpu.memory_space<semaphore_mem>>)
      %dma_wait3A = arith.constant 0 : i32
      %dma_wait3A_14 = arith.constant 0 : i32
      %dma_wait3A_15 = tpu.memref_slice %arg2[%dma_wait3A, %dma_wait3A_14] : memref<8192x128xf32, #tpu.memory_space<hbm>> -> memref<8192x128xf32, #tpu.memory_space<hbm>>
      tpu.wait_indirect_dma semaphore(%arg7 : memref<!tpu.dma_semaphore, #tpu.memory_space<semaphore_mem>>) src(%dma_wait3A_15 : memref<8192x128xf32, #tpu.memory_space<hbm>>) dst(%arg6 : memref<256x128xf32, #tpu.memory_space<vmem>>)
      "tpu.region"() ({
        %run_scoped3A = tpu.sem_alloc : memref<!tpu.dma_semaphore, #tpu.memory_space<semaphore_mem>>
        %dma_start3A_16 = arith.constant 0 : i32
        %dma_start3A_17 = tpu.memref_slice %arg4[%add3A_11, %dma_start3A_16] : memref<163840x128xf32, #tpu.memory_space<hbm>> -> memref<256x128xf32, #tpu.memory_space<hbm>>
        %dma_start3A_18 = arith.constant 0 : i32
        %dma_start3A_19 = tpu.memref_slice %arg4[%add3A_11, %dma_start3A_18] : memref<163840x128xf32, #tpu.memory_space<hbm>> -> memref<256x128xf32, #tpu.memory_space<hbm>>
        tpu.enqueue_dma source(%arg6 : memref<256x128xf32, #tpu.memory_space<vmem>>) target(%dma_start3A_19 : memref<256x128xf32, #tpu.memory_space<hbm>>) target_semaphore(%run_scoped3A : memref<!tpu.dma_semaphore, #tpu.memory_space<semaphore_mem>>)
        %dma_wait3A_20 = arith.constant 0 : i32
        %dma_wait3A_21 = tpu.memref_slice %arg4[%add3A_11, %dma_wait3A_20] : memref<163840x128xf32, #tpu.memory_space<hbm>> -> memref<256x128xf32, #tpu.memory_space<hbm>>
        %dma_wait3A_22 = arith.constant 0 : i32
        %dma_wait3A_23 = tpu.memref_slice %arg4[%add3A_11, %dma_wait3A_22] : memref<163840x128xf32, #tpu.memory_space<hbm>> -> memref<256x128xf32, #tpu.memory_space<hbm>>
        tpu.wait_dma2 semaphore(%run_scoped3A : memref<!tpu.dma_semaphore, #tpu.memory_space<semaphore_mem>>) src(%arg6 : memref<256x128xf32, #tpu.memory_space<vmem>>) dst(%dma_wait3A_23 : memref<256x128xf32, #tpu.memory_space<hbm>>)
        tpu.yield
      }) : () -> ()
    }
    %scan3A_7 = arith.constant 20 : i32
    return
  }
}

module attributes {stable_mosaic.version = 14 : i64} {
  func.func @_topk_body(%arg0: i32, %arg1: i32, %arg2: memref<512x128xf32, #tpu.memory_space<vmem>>, %arg3: memref<2048x128xf32, #tpu.memory_space<vmem>>, %arg4: memref<512x1xf32, #tpu.memory_space<vmem>>, %arg5: memref<1x1x2048xf32, #tpu.memory_space<vmem>>, %arg6: memref<512x20xi32, #tpu.memory_space<vmem>>) attributes {dimension_semantics = [#tpu.dimension_semantics<arbitrary>, #tpu.dimension_semantics<arbitrary>], iteration_bounds = array<i64: 4, 4>, scalar_prefetch = 0 : i64, scratch_operands = 0 : i64, tpu.core_type = #tpu.core_type<tc>, window_params = [{transform_indices = @transform_0, window_bounds = array<i64: 512, 128>}, {transform_indices = @transform_1, window_bounds = array<i64: 2048, 128>}, {transform_indices = @transform_2, window_bounds = array<i64: 512, 1>}, {transform_indices = @transform_3, window_bounds = array<i64: 1, 1, 2048>}, {transform_indices = @transform_4, window_bounds = array<i64: 512, 20>}]} {
    %get3A = arith.constant 0 : index
    %get3A_0 = arith.constant 0 : index
    %get3A_1 = vector.load %arg2[%get3A, %get3A_0] : memref<512x128xf32, #tpu.memory_space<vmem>>, vector<512x128xf32>
    %get3A_2 = arith.constant 0 : index
    %get3A_3 = arith.constant 0 : index
    %get3A_4 = vector.load %arg3[%get3A_2, %get3A_3] : memref<2048x128xf32, #tpu.memory_space<vmem>>, vector<2048x128xf32>
    %dot_general3A = arith.constant dense<0.000000e+00> : vector<512x2048xf32>
    %dot_general3A_5 = tpu.matmul %get3A_1, %get3A_4, %dot_general3A {dimension_numbers = #tpu.dot_dimension_numbers<[1], [1], [0], [0], [0, 0, 1, 0], [], []>, transpose_lhs_hint = false} : vector<512x128xf32>, vector<2048x128xf32>, vector<512x2048xf32> -> vector<512x2048xf32>
    %mul3A = arith.constant 2.000000e+00 : f32
    %mul3A_6 = vector.broadcast %mul3A : f32 to vector<512x2048xf32>
    %mul3A_7 = arith.mulf %mul3A_6, %dot_general3A_5 : vector<512x2048xf32>
    %get3A_8 = arith.constant 0 : index
    %get3A_9 = arith.constant 0 : index
    %get3A_10 = vector.load %arg4[%get3A_8, %get3A_9] : memref<512x1xf32, #tpu.memory_space<vmem>>, vector<512x1xf32>
    %sub3A = vector.broadcast %get3A_10 : vector<512x1xf32> to vector<512x2048xf32>
    %sub3A_11 = arith.subf %mul3A_7, %sub3A : vector<512x2048xf32>
    %get3A_12 = arith.constant 0 : index
    %get3A_13 = arith.constant 0 : index
    %get3A_14 = arith.constant 0 : index
    %get3A_15 = vector.load %arg5[%get3A_12, %get3A_13, %get3A_14] : memref<1x1x2048xf32, #tpu.memory_space<vmem>>, vector<1x1x2048xf32>
    %get3A_16 = vector.shape_cast %get3A_15 : vector<1x1x2048xf32> to vector<1x2048xf32>
    %sub3A_17 = vector.broadcast %get3A_16 : vector<1x2048xf32> to vector<512x2048xf32>
    %sub3A_18 = arith.subf %sub3A_11, %sub3A_17 : vector<512x2048xf32>
    %iota3A = tpu.iota {dimensions = array<i32: 1>} : vector<512x128xi32>
    %iota3A_19 = tpu.iota {dimensions = array<i32: 1>} : vector<512x16xi32>
    %slice3A = vector.extract_strided_slice %sub3A_18 {offsets = [0, 0], sizes = [512, 128], strides = [1, 1]} : vector<512x2048xf32> to vector<512x128xf32>
    %slice3A_20 = vector.extract_strided_slice %sub3A_18 {offsets = [0, 128], sizes = [512, 128], strides = [1, 1]} : vector<512x2048xf32> to vector<512x128xf32>
    %slice3A_21 = vector.extract_strided_slice %sub3A_18 {offsets = [0, 256], sizes = [512, 128], strides = [1, 1]} : vector<512x2048xf32> to vector<512x128xf32>
    %slice3A_22 = vector.extract_strided_slice %sub3A_18 {offsets = [0, 384], sizes = [512, 128], strides = [1, 1]} : vector<512x2048xf32> to vector<512x128xf32>
    %slice3A_23 = vector.extract_strided_slice %sub3A_18 {offsets = [0, 512], sizes = [512, 128], strides = [1, 1]} : vector<512x2048xf32> to vector<512x128xf32>
    %slice3A_24 = vector.extract_strided_slice %sub3A_18 {offsets = [0, 640], sizes = [512, 128], strides = [1, 1]} : vector<512x2048xf32> to vector<512x128xf32>
    %slice3A_25 = vector.extract_strided_slice %sub3A_18 {offsets = [0, 768], sizes = [512, 128], strides = [1, 1]} : vector<512x2048xf32> to vector<512x128xf32>
    %slice3A_26 = vector.extract_strided_slice %sub3A_18 {offsets = [0, 896], sizes = [512, 128], strides = [1, 1]} : vector<512x2048xf32> to vector<512x128xf32>
    %slice3A_27 = vector.extract_strided_slice %sub3A_18 {offsets = [0, 1024], sizes = [512, 128], strides = [1, 1]} : vector<512x2048xf32> to vector<512x128xf32>
    %slice3A_28 = vector.extract_strided_slice %sub3A_18 {offsets = [0, 1152], sizes = [512, 128], strides = [1, 1]} : vector<512x2048xf32> to vector<512x128xf32>
    %slice3A_29 = vector.extract_strided_slice %sub3A_18 {offsets = [0, 1280], sizes = [512, 128], strides = [1, 1]} : vector<512x2048xf32> to vector<512x128xf32>
    %slice3A_30 = vector.extract_strided_slice %sub3A_18 {offsets = [0, 1408], sizes = [512, 128], strides = [1, 1]} : vector<512x2048xf32> to vector<512x128xf32>
    %slice3A_31 = vector.extract_strided_slice %sub3A_18 {offsets = [0, 1536], sizes = [512, 128], strides = [1, 1]} : vector<512x2048xf32> to vector<512x128xf32>
    %slice3A_32 = vector.extract_strided_slice %sub3A_18 {offsets = [0, 1664], sizes = [512, 128], strides = [1, 1]} : vector<512x2048xf32> to vector<512x128xf32>
    %slice3A_33 = vector.extract_strided_slice %sub3A_18 {offsets = [0, 1792], sizes = [512, 128], strides = [1, 1]} : vector<512x2048xf32> to vector<512x128xf32>
    %slice3A_34 = vector.extract_strided_slice %sub3A_18 {offsets = [0, 1920], sizes = [512, 128], strides = [1, 1]} : vector<512x2048xf32> to vector<512x128xf32>
    %reduce_max3A = arith.constant dense<0xFF800000> : vector<512xf32>
    %reduce_max3A_35 = vector.multi_reduction <maximumf>, %slice3A, %reduce_max3A [1] : vector<512x128xf32> to vector<512xf32>
    %broadcast_in_dim3A = vector.shape_cast %reduce_max3A_35 : vector<512xf32> to vector<512x1xf32>
    %reduce_max3A_36 = arith.constant dense<0xFF800000> : vector<512xf32>
    %reduce_max3A_37 = vector.multi_reduction <maximumf>, %slice3A_20, %reduce_max3A_36 [1] : vector<512x128xf32> to vector<512xf32>
    %broadcast_in_dim3A_38 = vector.shape_cast %reduce_max3A_37 : vector<512xf32> to vector<512x1xf32>
    %reduce_max3A_39 = arith.constant dense<0xFF800000> : vector<512xf32>
    %reduce_max3A_40 = vector.multi_reduction <maximumf>, %slice3A_21, %reduce_max3A_39 [1] : vector<512x128xf32> to vector<512xf32>
    %broadcast_in_dim3A_41 = vector.shape_cast %reduce_max3A_40 : vector<512xf32> to vector<512x1xf32>
    %reduce_max3A_42 = arith.constant dense<0xFF800000> : vector<512xf32>
    %reduce_max3A_43 = vector.multi_reduction <maximumf>, %slice3A_22, %reduce_max3A_42 [1] : vector<512x128xf32> to vector<512xf32>
    %broadcast_in_dim3A_44 = vector.shape_cast %reduce_max3A_43 : vector<512xf32> to vector<512x1xf32>
    %reduce_max3A_45 = arith.constant dense<0xFF800000> : vector<512xf32>
    %reduce_max3A_46 = vector.multi_reduction <maximumf>, %slice3A_23, %reduce_max3A_45 [1] : vector<512x128xf32> to vector<512xf32>
    %broadcast_in_dim3A_47 = vector.shape_cast %reduce_max3A_46 : vector<512xf32> to vector<512x1xf32>
    %reduce_max3A_48 = arith.constant dense<0xFF800000> : vector<512xf32>
    %reduce_max3A_49 = vector.multi_reduction <maximumf>, %slice3A_24, %reduce_max3A_48 [1] : vector<512x128xf32> to vector<512xf32>
    %broadcast_in_dim3A_50 = vector.shape_cast %reduce_max3A_49 : vector<512xf32> to vector<512x1xf32>
    %reduce_max3A_51 = arith.constant dense<0xFF800000> : vector<512xf32>
    %reduce_max3A_52 = vector.multi_reduction <maximumf>, %slice3A_25, %reduce_max3A_51 [1] : vector<512x128xf32> to vector<512xf32>
    %broadcast_in_dim3A_53 = vector.shape_cast %reduce_max3A_52 : vector<512xf32> to vector<512x1xf32>
    %reduce_max3A_54 = arith.constant dense<0xFF800000> : vector<512xf32>
    %reduce_max3A_55 = vector.multi_reduction <maximumf>, %slice3A_26, %reduce_max3A_54 [1] : vector<512x128xf32> to vector<512xf32>
    %broadcast_in_dim3A_56 = vector.shape_cast %reduce_max3A_55 : vector<512xf32> to vector<512x1xf32>
    %reduce_max3A_57 = arith.constant dense<0xFF800000> : vector<512xf32>
    %reduce_max3A_58 = vector.multi_reduction <maximumf>, %slice3A_27, %reduce_max3A_57 [1] : vector<512x128xf32> to vector<512xf32>
    %broadcast_in_dim3A_59 = vector.shape_cast %reduce_max3A_58 : vector<512xf32> to vector<512x1xf32>
    %reduce_max3A_60 = arith.constant dense<0xFF800000> : vector<512xf32>
    %reduce_max3A_61 = vector.multi_reduction <maximumf>, %slice3A_28, %reduce_max3A_60 [1] : vector<512x128xf32> to vector<512xf32>
    %broadcast_in_dim3A_62 = vector.shape_cast %reduce_max3A_61 : vector<512xf32> to vector<512x1xf32>
    %reduce_max3A_63 = arith.constant dense<0xFF800000> : vector<512xf32>
    %reduce_max3A_64 = vector.multi_reduction <maximumf>, %slice3A_29, %reduce_max3A_63 [1] : vector<512x128xf32> to vector<512xf32>
    %broadcast_in_dim3A_65 = vector.shape_cast %reduce_max3A_64 : vector<512xf32> to vector<512x1xf32>
    %reduce_max3A_66 = arith.constant dense<0xFF800000> : vector<512xf32>
    %reduce_max3A_67 = vector.multi_reduction <maximumf>, %slice3A_30, %reduce_max3A_66 [1] : vector<512x128xf32> to vector<512xf32>
    %broadcast_in_dim3A_68 = vector.shape_cast %reduce_max3A_67 : vector<512xf32> to vector<512x1xf32>
    %reduce_max3A_69 = arith.constant dense<0xFF800000> : vector<512xf32>
    %reduce_max3A_70 = vector.multi_reduction <maximumf>, %slice3A_31, %reduce_max3A_69 [1] : vector<512x128xf32> to vector<512xf32>
    %broadcast_in_dim3A_71 = vector.shape_cast %reduce_max3A_70 : vector<512xf32> to vector<512x1xf32>
    %reduce_max3A_72 = arith.constant dense<0xFF800000> : vector<512xf32>
    %reduce_max3A_73 = vector.multi_reduction <maximumf>, %slice3A_32, %reduce_max3A_72 [1] : vector<512x128xf32> to vector<512xf32>
    %broadcast_in_dim3A_74 = vector.shape_cast %reduce_max3A_73 : vector<512xf32> to vector<512x1xf32>
    %reduce_max3A_75 = arith.constant dense<0xFF800000> : vector<512xf32>
    %reduce_max3A_76 = vector.multi_reduction <maximumf>, %slice3A_33, %reduce_max3A_75 [1] : vector<512x128xf32> to vector<512xf32>
    %broadcast_in_dim3A_77 = vector.shape_cast %reduce_max3A_76 : vector<512xf32> to vector<512x1xf32>
    %reduce_max3A_78 = arith.constant dense<0xFF800000> : vector<512xf32>
    %reduce_max3A_79 = vector.multi_reduction <maximumf>, %slice3A_34, %reduce_max3A_78 [1] : vector<512x128xf32> to vector<512xf32>
    %broadcast_in_dim3A_80 = vector.shape_cast %reduce_max3A_79 : vector<512xf32> to vector<512x1xf32>
    %concatenate3A = tpu.concatenate %broadcast_in_dim3A, %broadcast_in_dim3A_38, %broadcast_in_dim3A_41, %broadcast_in_dim3A_44, %broadcast_in_dim3A_47, %broadcast_in_dim3A_50, %broadcast_in_dim3A_53, %broadcast_in_dim3A_56, %broadcast_in_dim3A_59, %broadcast_in_dim3A_62, %broadcast_in_dim3A_65, %broadcast_in_dim3A_68, %broadcast_in_dim3A_71, %broadcast_in_dim3A_74, %broadcast_in_dim3A_77, %broadcast_in_dim3A_80 in 1 : vector<512x1xf32>, vector<512x1xf32>, vector<512x1xf32>, vector<512x1xf32>, vector<512x1xf32>, vector<512x1xf32>, vector<512x1xf32>, vector<512x1xf32>, vector<512x1xf32>, vector<512x1xf32>, vector<512x1xf32>, vector<512x1xf32>, vector<512x1xf32>, vector<512x1xf32>, vector<512x1xf32>, vector<512x1xf32> -> vector<512x16xf32>
    %reduce_max3A_81 = arith.constant dense<0xFF800000> : vector<512xf32>
    %reduce_max3A_82 = vector.multi_reduction <maximumf>, %concatenate3A, %reduce_max3A_81 [1] : vector<512x16xf32> to vector<512xf32>
    %broadcast_in_dim3A_83 = vector.shape_cast %reduce_max3A_82 : vector<512xf32> to vector<512x1xf32>
    %eq3A = vector.broadcast %broadcast_in_dim3A_83 : vector<512x1xf32> to vector<512x16xf32>
    %eq3A_84 = arith.cmpf oeq, %concatenate3A, %eq3A : vector<512x16xf32>
    %jit3A = arith.constant 16 : i32
    %broadcast_in_dim3A_85 = vector.broadcast %jit3A : i32 to vector<512x16xi32>
    %select_n3A = arith.select %eq3A_84, %iota3A_19, %broadcast_in_dim3A_85 : vector<512x16xi1>, vector<512x16xi32>
    %reduce_min3A = arith.constant dense<2147483647> : vector<512xi32>
    %reduce_min3A_86 = vector.multi_reduction <minsi>, %select_n3A, %reduce_min3A [1] : vector<512x16xi32> to vector<512xi32>
    %broadcast_in_dim3A_87 = vector.shape_cast %reduce_min3A_86 : vector<512xi32> to vector<512x1xi32>
    %eq3A_88 = arith.constant 1 : i32
    %eq3A_89 = vector.broadcast %eq3A_88 : i32 to vector<512x1xi32>
    %eq3A_90 = arith.cmpi eq, %broadcast_in_dim3A_87, %eq3A_89 : vector<512x1xi32>
    %broadcast_in_dim3A_91 = vector.shape_cast %eq3A_90 : vector<512x1xi1> to vector<512x1xi1>
    %broadcast_in_dim3A_92 = vector.broadcast %broadcast_in_dim3A_91 : vector<512x1xi1> to vector<512x128xi1>
    %select_n3A_93 = arith.select %broadcast_in_dim3A_92, %slice3A_20, %slice3A : vector<512x128xi1>, vector<512x128xf32>
    %eq3A_94 = arith.constant 2 : i32
    %eq3A_95 = vector.broadcast %eq3A_94 : i32 to vector<512x1xi32>
    %eq3A_96 = arith.cmpi eq, %broadcast_in_dim3A_87, %eq3A_95 : vector<512x1xi32>
    %broadcast_in_dim3A_97 = vector.shape_cast %eq3A_96 : vector<512x1xi1> to vector<512x1xi1>
    %broadcast_in_dim3A_98 = vector.broadcast %broadcast_in_dim3A_97 : vector<512x1xi1> to vector<512x128xi1>
    %select_n3A_99 = arith.select %broadcast_in_dim3A_98, %slice3A_21, %select_n3A_93 : vector<512x128xi1>, vector<512x128xf32>
    %eq3A_100 = arith.constant 3 : i32
    %eq3A_101 = vector.broadcast %eq3A_100 : i32 to vector<512x1xi32>
    %eq3A_102 = arith.cmpi eq, %broadcast_in_dim3A_87, %eq3A_101 : vector<512x1xi32>
    %broadcast_in_dim3A_103 = vector.shape_cast %eq3A_102 : vector<512x1xi1> to vector<512x1xi1>
    %broadcast_in_dim3A_104 = vector.broadcast %broadcast_in_dim3A_103 : vector<512x1xi1> to vector<512x128xi1>
    %select_n3A_105 = arith.select %broadcast_in_dim3A_104, %slice3A_22, %select_n3A_99 : vector<512x128xi1>, vector<512x128xf32>
    %eq3A_106 = arith.constant 4 : i32
    %eq3A_107 = vector.broadcast %eq3A_106 : i32 to vector<512x1xi32>
    %eq3A_108 = arith.cmpi eq, %broadcast_in_dim3A_87, %eq3A_107 : vector<512x1xi32>
    %broadcast_in_dim3A_109 = vector.shape_cast %eq3A_108 : vector<512x1xi1> to vector<512x1xi1>
    %broadcast_in_dim3A_110 = vector.broadcast %broadcast_in_dim3A_109 : vector<512x1xi1> to vector<512x128xi1>
    %select_n3A_111 = arith.select %broadcast_in_dim3A_110, %slice3A_23, %select_n3A_105 : vector<512x128xi1>, vector<512x128xf32>
    %eq3A_112 = arith.constant 5 : i32
    %eq3A_113 = vector.broadcast %eq3A_112 : i32 to vector<512x1xi32>
    %eq3A_114 = arith.cmpi eq, %broadcast_in_dim3A_87, %eq3A_113 : vector<512x1xi32>
    %broadcast_in_dim3A_115 = vector.shape_cast %eq3A_114 : vector<512x1xi1> to vector<512x1xi1>
    %broadcast_in_dim3A_116 = vector.broadcast %broadcast_in_dim3A_115 : vector<512x1xi1> to vector<512x128xi1>
    %select_n3A_117 = arith.select %broadcast_in_dim3A_116, %slice3A_24, %select_n3A_111 : vector<512x128xi1>, vector<512x128xf32>
    %eq3A_118 = arith.constant 6 : i32
    %eq3A_119 = vector.broadcast %eq3A_118 : i32 to vector<512x1xi32>
    %eq3A_120 = arith.cmpi eq, %broadcast_in_dim3A_87, %eq3A_119 : vector<512x1xi32>
    %broadcast_in_dim3A_121 = vector.shape_cast %eq3A_120 : vector<512x1xi1> to vector<512x1xi1>
    %broadcast_in_dim3A_122 = vector.broadcast %broadcast_in_dim3A_121 : vector<512x1xi1> to vector<512x128xi1>
    %select_n3A_123 = arith.select %broadcast_in_dim3A_122, %slice3A_25, %select_n3A_117 : vector<512x128xi1>, vector<512x128xf32>
    %eq3A_124 = arith.constant 7 : i32
    %eq3A_125 = vector.broadcast %eq3A_124 : i32 to vector<512x1xi32>
    %eq3A_126 = arith.cmpi eq, %broadcast_in_dim3A_87, %eq3A_125 : vector<512x1xi32>
    %broadcast_in_dim3A_127 = vector.shape_cast %eq3A_126 : vector<512x1xi1> to vector<512x1xi1>
    %broadcast_in_dim3A_128 = vector.broadcast %broadcast_in_dim3A_127 : vector<512x1xi1> to vector<512x128xi1>
    %select_n3A_129 = arith.select %broadcast_in_dim3A_128, %slice3A_26, %select_n3A_123 : vector<512x128xi1>, vector<512x128xf32>
    %eq3A_130 = arith.constant 8 : i32
    %eq3A_131 = vector.broadcast %eq3A_130 : i32 to vector<512x1xi32>
    %eq3A_132 = arith.cmpi eq, %broadcast_in_dim3A_87, %eq3A_131 : vector<512x1xi32>
    %broadcast_in_dim3A_133 = vector.shape_cast %eq3A_132 : vector<512x1xi1> to vector<512x1xi1>
    %broadcast_in_dim3A_134 = vector.broadcast %broadcast_in_dim3A_133 : vector<512x1xi1> to vector<512x128xi1>
    %select_n3A_135 = arith.select %broadcast_in_dim3A_134, %slice3A_27, %select_n3A_129 : vector<512x128xi1>, vector<512x128xf32>
    %eq3A_136 = arith.constant 9 : i32
    %eq3A_137 = vector.broadcast %eq3A_136 : i32 to vector<512x1xi32>
    %eq3A_138 = arith.cmpi eq, %broadcast_in_dim3A_87, %eq3A_137 : vector<512x1xi32>
    %broadcast_in_dim3A_139 = vector.shape_cast %eq3A_138 : vector<512x1xi1> to vector<512x1xi1>
    %broadcast_in_dim3A_140 = vector.broadcast %broadcast_in_dim3A_139 : vector<512x1xi1> to vector<512x128xi1>
    %select_n3A_141 = arith.select %broadcast_in_dim3A_140, %slice3A_28, %select_n3A_135 : vector<512x128xi1>, vector<512x128xf32>
    %eq3A_142 = arith.constant 10 : i32
    %eq3A_143 = vector.broadcast %eq3A_142 : i32 to vector<512x1xi32>
    %eq3A_144 = arith.cmpi eq, %broadcast_in_dim3A_87, %eq3A_143 : vector<512x1xi32>
    %broadcast_in_dim3A_145 = vector.shape_cast %eq3A_144 : vector<512x1xi1> to vector<512x1xi1>
    %broadcast_in_dim3A_146 = vector.broadcast %broadcast_in_dim3A_145 : vector<512x1xi1> to vector<512x128xi1>
    %select_n3A_147 = arith.select %broadcast_in_dim3A_146, %slice3A_29, %select_n3A_141 : vector<512x128xi1>, vector<512x128xf32>
    %eq3A_148 = arith.constant 11 : i32
    %eq3A_149 = vector.broadcast %eq3A_148 : i32 to vector<512x1xi32>
    %eq3A_150 = arith.cmpi eq, %broadcast_in_dim3A_87, %eq3A_149 : vector<512x1xi32>
    %broadcast_in_dim3A_151 = vector.shape_cast %eq3A_150 : vector<512x1xi1> to vector<512x1xi1>
    %broadcast_in_dim3A_152 = vector.broadcast %broadcast_in_dim3A_151 : vector<512x1xi1> to vector<512x128xi1>
    %select_n3A_153 = arith.select %broadcast_in_dim3A_152, %slice3A_30, %select_n3A_147 : vector<512x128xi1>, vector<512x128xf32>
    %eq3A_154 = arith.constant 12 : i32
    %eq3A_155 = vector.broadcast %eq3A_154 : i32 to vector<512x1xi32>
    %eq3A_156 = arith.cmpi eq, %broadcast_in_dim3A_87, %eq3A_155 : vector<512x1xi32>
    %broadcast_in_dim3A_157 = vector.shape_cast %eq3A_156 : vector<512x1xi1> to vector<512x1xi1>
    %broadcast_in_dim3A_158 = vector.broadcast %broadcast_in_dim3A_157 : vector<512x1xi1> to vector<512x128xi1>
    %select_n3A_159 = arith.select %broadcast_in_dim3A_158, %slice3A_31, %select_n3A_153 : vector<512x128xi1>, vector<512x128xf32>
    %eq3A_160 = arith.constant 13 : i32
    %eq3A_161 = vector.broadcast %eq3A_160 : i32 to vector<512x1xi32>
    %eq3A_162 = arith.cmpi eq, %broadcast_in_dim3A_87, %eq3A_161 : vector<512x1xi32>
    %broadcast_in_dim3A_163 = vector.shape_cast %eq3A_162 : vector<512x1xi1> to vector<512x1xi1>
    %broadcast_in_dim3A_164 = vector.broadcast %broadcast_in_dim3A_163 : vector<512x1xi1> to vector<512x128xi1>
    %select_n3A_165 = arith.select %broadcast_in_dim3A_164, %slice3A_32, %select_n3A_159 : vector<512x128xi1>, vector<512x128xf32>
    %eq3A_166 = arith.constant 14 : i32
    %eq3A_167 = vector.broadcast %eq3A_166 : i32 to vector<512x1xi32>
    %eq3A_168 = arith.cmpi eq, %broadcast_in_dim3A_87, %eq3A_167 : vector<512x1xi32>
    %broadcast_in_dim3A_169 = vector.shape_cast %eq3A_168 : vector<512x1xi1> to vector<512x1xi1>
    %broadcast_in_dim3A_170 = vector.broadcast %broadcast_in_dim3A_169 : vector<512x1xi1> to vector<512x128xi1>
    %select_n3A_171 = arith.select %broadcast_in_dim3A_170, %slice3A_33, %select_n3A_165 : vector<512x128xi1>, vector<512x128xf32>
    %eq3A_172 = arith.constant 15 : i32
    %eq3A_173 = vector.broadcast %eq3A_172 : i32 to vector<512x1xi32>
    %eq3A_174 = arith.cmpi eq, %broadcast_in_dim3A_87, %eq3A_173 : vector<512x1xi32>
    %broadcast_in_dim3A_175 = vector.shape_cast %eq3A_174 : vector<512x1xi1> to vector<512x1xi1>
    %broadcast_in_dim3A_176 = vector.broadcast %broadcast_in_dim3A_175 : vector<512x1xi1> to vector<512x128xi1>
    %select_n3A_177 = arith.select %broadcast_in_dim3A_176, %slice3A_34, %select_n3A_171 : vector<512x128xi1>, vector<512x128xf32>
    %mul3A_178 = arith.constant 128 : i32
    %mul3A_179 = vector.broadcast %mul3A_178 : i32 to vector<512x1xi32>
    %mul3A_180 = arith.muli %broadcast_in_dim3A_87, %mul3A_179 : vector<512x1xi32>
    %eq3A_181 = vector.broadcast %broadcast_in_dim3A_83 : vector<512x1xf32> to vector<512x128xf32>
    %eq3A_182 = arith.cmpf oeq, %select_n3A_177, %eq3A_181 : vector<512x128xf32>
    %jit3A_183 = arith.constant 128 : i32
    %broadcast_in_dim3A_184 = vector.broadcast %jit3A_183 : i32 to vector<512x128xi32>
    %select_n3A_185 = arith.select %eq3A_182, %iota3A, %broadcast_in_dim3A_184 : vector<512x128xi1>, vector<512x128xi32>
    %reduce_min3A_186 = arith.constant dense<2147483647> : vector<512xi32>
    %reduce_min3A_187 = vector.multi_reduction <minsi>, %select_n3A_185, %reduce_min3A_186 [1] : vector<512x128xi32> to vector<512xi32>
    %broadcast_in_dim3A_188 = vector.shape_cast %reduce_min3A_187 : vector<512xi32> to vector<512x1xi32>
    %add3A = arith.addi %mul3A_180, %broadcast_in_dim3A_188 : vector<512x1xi32>
    %mul3A_189 = arith.constant 2048 : i32
    %mul3A_190 = arith.muli %arg0, %mul3A_189 : i32
    %add3A_191 = vector.broadcast %mul3A_190 : i32 to vector<512x1xi32>
    %add3A_192 = arith.addi %add3A, %add3A_191 : vector<512x1xi32>
    %swap3A = arith.constant 0 : index
    %swap3A_193 = arith.constant 0 : index
    %swap3A_194 = vector.load %arg6[%swap3A, %swap3A_193] : memref<512x20xi32, #tpu.memory_space<vmem>>, vector<512x1xi32>
    tpu.vector_store %arg6[%swap3A, %swap3A_193], %add3A_192 {strides = array<i32>} : memref<512x20xi32, #tpu.memory_space<vmem>>, vector<512x1xi32>,
    %eq3A_195 = vector.broadcast %broadcast_in_dim3A_188 : vector<512x1xi32> to vector<512x128xi32>
    %eq3A_196 = arith.cmpi eq, %iota3A, %eq3A_195 : vector<512x128xi32>
    %jit3A_197 = arith.constant 0xFF800000 : f32
    %broadcast_in_dim3A_198 = vector.broadcast %jit3A_197 : f32 to vector<512x128xf32>
    %select_n3A_199 = arith.select %eq3A_196, %broadcast_in_dim3A_198, %select_n3A_177 : vector<512x128xi1>, vector<512x128xf32>
    %reduce_max3A_200 = arith.constant dense<0xFF800000> : vector<512xf32>
    %reduce_max3A_201 = vector.multi_reduction <maximumf>, %select_n3A_199, %reduce_max3A_200 [1] : vector<512x128xf32> to vector<512xf32>
    %broadcast_in_dim3A_202 = vector.shape_cast %reduce_max3A_201 : vector<512xf32> to vector<512x1xf32>
    %eq3A_203 = vector.broadcast %broadcast_in_dim3A_87 : vector<512x1xi32> to vector<512x16xi32>
    %eq3A_204 = arith.cmpi eq, %iota3A_19, %eq3A_203 : vector<512x16xi32>
    %broadcast_in_dim3A_205 = vector.shape_cast %broadcast_in_dim3A_202 : vector<512x1xf32> to vector<512x1xf32>
    %broadcast_in_dim3A_206 = vector.broadcast %broadcast_in_dim3A_205 : vector<512x1xf32> to vector<512x16xf32>
    %select_n3A_207 = arith.select %eq3A_204, %broadcast_in_dim3A_206, %concatenate3A : vector<512x16xi1>, vector<512x16xf32>
    %reduce_max3A_208 = arith.constant dense<0xFF800000> : vector<512xf32>
    %reduce_max3A_209 = vector.multi_reduction <maximumf>, %select_n3A_207, %reduce_max3A_208 [1] : vector<512x16xf32> to vector<512xf32>
    %broadcast_in_dim3A_210 = vector.shape_cast %reduce_max3A_209 : vector<512xf32> to vector<512x1xf32>
    %eq3A_211 = vector.broadcast %broadcast_in_dim3A_210 : vector<512x1xf32> to vector<512x16xf32>
    %eq3A_212 = arith.cmpf oeq, %select_n3A_207, %eq3A_211 : vector<512x16xf32>
    %jit3A_213 = arith.constant 16 : i32
    %broadcast_in_dim3A_214 = vector.broadcast %jit3A_213 : i32 to vector<512x16xi32>
    %select_n3A_215 = arith.select %eq3A_212, %iota3A_19, %broadcast_in_dim3A_214 : vector<512x16xi1>, vector<512x16xi32>
    %reduce_min3A_216 = arith.constant dense<2147483647> : vector<512xi32>
    %reduce_min3A_217 = vector.multi_reduction <minsi>, %select_n3A_215, %reduce_min3A_216 [1] : vector<512x16xi32> to vector<512xi32>
    %broadcast_in_dim3A_218 = vector.shape_cast %reduce_min3A_217 : vector<512xi32> to vector<512x1xi32>
    %eq3A_219 = arith.constant 1 : i32
    %eq3A_220 = vector.broadcast %eq3A_219 : i32 to vector<512x1xi32>
    %eq3A_221 = arith.cmpi eq, %broadcast_in_dim3A_218, %eq3A_220 : vector<512x1xi32>
    %broadcast_in_dim3A_222 = vector.shape_cast %eq3A_221 : vector<512x1xi1> to vector<512x1xi1>
    %broadcast_in_dim3A_223 = vector.broadcast %broadcast_in_dim3A_222 : vector<512x1xi1> to vector<512x128xi1>
    %select_n3A_224 = arith.select %broadcast_in_dim3A_223, %slice3A_20, %slice3A : vector<512x128xi1>, vector<512x128xf32>
    %eq3A_225 = arith.constant 2 : i32
    %eq3A_226 = vector.broadcast %eq3A_225 : i32 to vector<512x1xi32>
    %eq3A_227 = arith.cmpi eq, %broadcast_in_dim3A_218, %eq3A_226 : vector<512x1xi32>
    %broadcast_in_dim3A_228 = vector.shape_cast %eq3A_227 : vector<512x1xi1> to vector<512x1xi1>
    %broadcast_in_dim3A_229 = vector.broadcast %broadcast_in_dim3A_228 : vector<512x1xi1> to vector<512x128xi1>
    %select_n3A_230 = arith.select %broadcast_in_dim3A_229, %slice3A_21, %select_n3A_224 : vector<512x128xi1>, vector<512x128xf32>
    %eq3A_231 = arith.constant 3 : i32
    %eq3A_232 = vector.broadcast %eq3A_231 : i32 to vector<512x1xi32>
    %eq3A_233 = arith.cmpi eq, %broadcast_in_dim3A_218, %eq3A_232 : vector<512x1xi32>
    %broadcast_in_dim3A_234 = vector.shape_cast %eq3A_233 : vector<512x1xi1> to vector<512x1xi1>
    %broadcast_in_dim3A_235 = vector.broadcast %broadcast_in_dim3A_234 : vector<512x1xi1> to vector<512x128xi1>
    %select_n3A_236 = arith.select %broadcast_in_dim3A_235, %slice3A_22, %select_n3A_230 : vector<512x128xi1>, vector<512x128xf32>
    %eq3A_237 = arith.constant 4 : i32
    %eq3A_238 = vector.broadcast %eq3A_237 : i32 to vector<512x1xi32>
    %eq3A_239 = arith.cmpi eq, %broadcast_in_dim3A_218, %eq3A_238 : vector<512x1xi32>
    %broadcast_in_dim3A_240 = vector.shape_cast %eq3A_239 : vector<512x1xi1> to vector<512x1xi1>
    %broadcast_in_dim3A_241 = vector.broadcast %broadcast_in_dim3A_240 : vector<512x1xi1> to vector<512x128xi1>
    %select_n3A_242 = arith.select %broadcast_in_dim3A_241, %slice3A_23, %select_n3A_236 : vector<512x128xi1>, vector<512x128xf32>
    %eq3A_243 = arith.constant 5 : i32
    %eq3A_244 = vector.broadcast %eq3A_243 : i32 to vector<512x1xi32>
    %eq3A_245 = arith.cmpi eq, %broadcast_in_dim3A_218, %eq3A_244 : vector<512x1xi32>
    %broadcast_in_dim3A_246 = vector.shape_cast %eq3A_245 : vector<512x1xi1> to vector<512x1xi1>
    %broadcast_in_dim3A_247 = vector.broadcast %broadcast_in_dim3A_246 : vector<512x1xi1> to vector<512x128xi1>
    %select_n3A_248 = arith.select %broadcast_in_dim3A_247, %slice3A_24, %select_n3A_242 : vector<512x128xi1>, vector<512x128xf32>
    %eq3A_249 = arith.constant 6 : i32
    %eq3A_250 = vector.broadcast %eq3A_249 : i32 to vector<512x1xi32>
    %eq3A_251 = arith.cmpi eq, %broadcast_in_dim3A_218, %eq3A_250 : vector<512x1xi32>
    %broadcast_in_dim3A_252 = vector.shape_cast %eq3A_251 : vector<512x1xi1> to vector<512x1xi1>
    %broadcast_in_dim3A_253 = vector.broadcast %broadcast_in_dim3A_252 : vector<512x1xi1> to vector<512x128xi1>
    %select_n3A_254 = arith.select %broadcast_in_dim3A_253, %slice3A_25, %select_n3A_248 : vector<512x128xi1>, vector<512x128xf32>
    %eq3A_255 = arith.constant 7 : i32
    %eq3A_256 = vector.broadcast %eq3A_255 : i32 to vector<512x1xi32>
    %eq3A_257 = arith.cmpi eq, %broadcast_in_dim3A_218, %eq3A_256 : vector<512x1xi32>
    %broadcast_in_dim3A_258 = vector.shape_cast %eq3A_257 : vector<512x1xi1> to vector<512x1xi1>
    %broadcast_in_dim3A_259 = vector.broadcast %broadcast_in_dim3A_258 : vector<512x1xi1> to vector<512x128xi1>
    %select_n3A_260 = arith.select %broadcast_in_dim3A_259, %slice3A_26, %select_n3A_254 : vector<512x128xi1>, vector<512x128xf32>
    %eq3A_261 = arith.constant 8 : i32
    %eq3A_262 = vector.broadcast %eq3A_261 : i32 to vector<512x1xi32>
    %eq3A_263 = arith.cmpi eq, %broadcast_in_dim3A_218, %eq3A_262 : vector<512x1xi32>
    %broadcast_in_dim3A_264 = vector.shape_cast %eq3A_263 : vector<512x1xi1> to vector<512x1xi1>
    %broadcast_in_dim3A_265 = vector.broadcast %broadcast_in_dim3A_264 : vector<512x1xi1> to vector<512x128xi1>
    %select_n3A_266 = arith.select %broadcast_in_dim3A_265, %slice3A_27, %select_n3A_260 : vector<512x128xi1>, vector<512x128xf32>
    %eq3A_267 = arith.constant 9 : i32
    %eq3A_268 = vector.broadcast %eq3A_267 : i32 to vector<512x1xi32>
    %eq3A_269 = arith.cmpi eq, %broadcast_in_dim3A_218, %eq3A_268 : vector<512x1xi32>
    %broadcast_in_dim3A_270 = vector.shape_cast %eq3A_269 : vector<512x1xi1> to vector<512x1xi1>
    %broadcast_in_dim3A_271 = vector.broadcast %broadcast_in_dim3A_270 : vector<512x1xi1> to vector<512x128xi1>
    %select_n3A_272 = arith.select %broadcast_in_dim3A_271, %slice3A_28, %select_n3A_266 : vector<512x128xi1>, vector<512x128xf32>
    %eq3A_273 = arith.constant 10 : i32
    %eq3A_274 = vector.broadcast %eq3A_273 : i32 to vector<512x1xi32>
    %eq3A_275 = arith.cmpi eq, %broadcast_in_dim3A_218, %eq3A_274 : vector<512x1xi32>
    %broadcast_in_dim3A_276 = vector.shape_cast %eq3A_275 : vector<512x1xi1> to vector<512x1xi1>
    %broadcast_in_dim3A_277 = vector.broadcast %broadcast_in_dim3A_276 : vector<512x1xi1> to vector<512x128xi1>
    %select_n3A_278 = arith.select %broadcast_in_dim3A_277, %slice3A_29, %select_n3A_272 : vector<512x128xi1>, vector<512x128xf32>
    %eq3A_279 = arith.constant 11 : i32
    %eq3A_280 = vector.broadcast %eq3A_279 : i32 to vector<512x1xi32>
    %eq3A_281 = arith.cmpi eq, %broadcast_in_dim3A_218, %eq3A_280 : vector<512x1xi32>
    %broadcast_in_dim3A_282 = vector.shape_cast %eq3A_281 : vector<512x1xi1> to vector<512x1xi1>
    %broadcast_in_dim3A_283 = vector.broadcast %broadcast_in_dim3A_282 : vector<512x1xi1> to vector<512x128xi1>
    %select_n3A_284 = arith.select %broadcast_in_dim3A_283, %slice3A_30, %select_n3A_278 : vector<512x128xi1>, vector<512x128xf32>
    %eq3A_285 = arith.constant 12 : i32
    %eq3A_286 = vector.broadcast %eq3A_285 : i32 to vector<512x1xi32>
    %eq3A_287 = arith.cmpi eq, %broadcast_in_dim3A_218, %eq3A_286 : vector<512x1xi32>
    %broadcast_in_dim3A_288 = vector.shape_cast %eq3A_287 : vector<512x1xi1> to vector<512x1xi1>
    %broadcast_in_dim3A_289 = vector.broadcast %broadcast_in_dim3A_288 : vector<512x1xi1> to vector<512x128xi1>
    %select_n3A_290 = arith.select %broadcast_in_dim3A_289, %slice3A_31, %select_n3A_284 : vector<512x128xi1>, vector<512x128xf32>
    %eq3A_291 = arith.constant 13 : i32
    %eq3A_292 = vector.broadcast %eq3A_291 : i32 to vector<512x1xi32>
    %eq3A_293 = arith.cmpi eq, %broadcast_in_dim3A_218, %eq3A_292 : vector<512x1xi32>
    %broadcast_in_dim3A_294 = vector.shape_cast %eq3A_293 : vector<512x1xi1> to vector<512x1xi1>
    %broadcast_in_dim3A_295 = vector.broadcast %broadcast_in_dim3A_294 : vector<512x1xi1> to vector<512x128xi1>
    %select_n3A_296 = arith.select %broadcast_in_dim3A_295, %slice3A_32, %select_n3A_290 : vector<512x128xi1>, vector<512x128xf32>
    %eq3A_297 = arith.constant 14 : i32
    %eq3A_298 = vector.broadcast %eq3A_297 : i32 to vector<512x1xi32>
    %eq3A_299 = arith.cmpi eq, %broadcast_in_dim3A_218, %eq3A_298 : vector<512x1xi32>
    %broadcast_in_dim3A_300 = vector.shape_cast %eq3A_299 : vector<512x1xi1> to vector<512x1xi1>
    %broadcast_in_dim3A_301 = vector.broadcast %broadcast_in_dim3A_300 : vector<512x1xi1> to vector<512x128xi1>
    %select_n3A_302 = arith.select %broadcast_in_dim3A_301, %slice3A_33, %select_n3A_296 : vector<512x128xi1>, vector<512x128xf32>
    %eq3A_303 = arith.constant 15 : i32
    %eq3A_304 = vector.broadcast %eq3A_303 : i32 to vector<512x1xi32>
    %eq3A_305 = arith.cmpi eq, %broadcast_in_dim3A_218, %eq3A_304 : vector<512x1xi32>
    %broadcast_in_dim3A_306 = vector.shape_cast %eq3A_305 : vector<512x1xi1> to vector<512x1xi1>
    %broadcast_in_dim3A_307 = vector.broadcast %broadcast_in_dim3A_306 : vector<512x1xi1> to vector<512x128xi1>
    %select_n3A_308 = arith.select %broadcast_in_dim3A_307, %slice3A_34, %select_n3A_302 : vector<512x128xi1>, vector<512x128xf32>
    %mul3A_309 = arith.constant 128 : i32
    %mul3A_310 = vector.broadcast %mul3A_309 : i32 to vector<512x1xi32>
    %mul3A_311 = arith.muli %broadcast_in_dim3A_218, %mul3A_310 : vector<512x1xi32>
    %sub3A_312 = arith.subi %add3A, %mul3A_311 : vector<512x1xi32>
    %eq3A_313 = vector.broadcast %sub3A_312 : vector<512x1xi32> to vector<512x128xi32>
    %eq3A_314 = arith.cmpi eq, %iota3A, %eq3A_313 : vector<512x128xi32>
    %jit3A_315 = arith.constant 0xFF800000 : f32
    %broadcast_in_dim3A_316 = vector.broadcast %jit3A_315 : f32 to vector<512x128xf32>
    %select_n3A_317 = arith.select %eq3A_314, %broadcast_in_dim3A_316, %select_n3A_308 : vector<512x128xi1>, vector<512x128xf32>
    %eq3A_318 = vector.broadcast %broadcast_in_dim3A_210 : vector<512x1xf32> to vector<512x128xf32>
    %eq3A_319 = arith.cmpf oeq, %select_n3A_317, %eq3A_318 : vector<512x128xf32>
    %jit3A_320 = arith.constant 128 : i32
    %broadcast_in_dim3A_321 = vector.broadcast %jit3A_320 : i32 to vector<512x128xi32>
    %select_n3A_322 = arith.select %eq3A_319, %iota3A, %broadcast_in_dim3A_321 : vector<512x128xi1>, vector<512x128xi32>
    %reduce_min3A_323 = arith.constant dense<2147483647> : vector<512xi32>
    %reduce_min3A_324 = vector.multi_reduction <minsi>, %select_n3A_322, %reduce_min3A_323 [1] : vector<512x128xi32> to vector<512xi32>
    %broadcast_in_dim3A_325 = vector.shape_cast %reduce_min3A_324 : vector<512xi32> to vector<512x1xi32>
    %add3A_326 = arith.addi %mul3A_311, %broadcast_in_dim3A_325 : vector<512x1xi32>
    %mul3A_327 = arith.constant 2048 : i32
    %mul3A_328 = arith.muli %arg0, %mul3A_327 : i32
    %add3A_329 = vector.broadcast %mul3A_328 : i32 to vector<512x1xi32>
    %add3A_330 = arith.addi %add3A_326, %add3A_329 : vector<512x1xi32>
    %swap3A_331 = arith.constant 0 : index
    %swap3A_332 = arith.constant 1 : index
    %swap3A_333 = vector.load %arg6[%swap3A_331, %swap3A_332] : memref<512x20xi32, #tpu.memory_space<vmem>>, vector<512x1xi32>
    tpu.vector_store %arg6[%swap3A_331, %swap3A_332], %add3A_330 {strides = array<i32>} : memref<512x20xi32, #tpu.memory_space<vmem>>, vector<512x1xi32>,
    %eq3A_334 = vector.broadcast %broadcast_in_dim3A_325 : vector<512x1xi32> to vector<512x128xi32>
    %eq3A_335 = arith.cmpi eq, %iota3A, %eq3A_334 : vector<512x128xi32>
    %jit3A_336 = arith.constant 0xFF800000 : f32
    %broadcast_in_dim3A_337 = vector.broadcast %jit3A_336 : f32 to vector<512x128xf32>
    %select_n3A_338 = arith.select %eq3A_335, %broadcast_in_dim3A_337, %select_n3A_317 : vector<512x128xi1>, vector<512x128xf32>
    %reduce_max3A_339 = arith.constant dense<0xFF800000> : vector<512xf32>
    %reduce_max3A_340 = vector.multi_reduction <maximumf>, %select_n3A_338, %reduce_max3A_339 [1] : vector<512x128xf32> to vector<512xf32>
    %broadcast_in_dim3A_341 = vector.shape_cast %reduce_max3A_340 : vector<512xf32> to vector<512x1xf32>
    %eq3A_342 = vector.broadcast %broadcast_in_dim3A_218 : vector<512x1xi32> to vector<512x16xi32>
    %eq3A_343 = arith.cmpi eq, %iota3A_19, %eq3A_342 : vector<512x16xi32>
    %broadcast_in_dim3A_344 = vector.shape_cast %broadcast_in_dim3A_341 : vector<512x1xf32> to vector<512x1xf32>
    %broadcast_in_dim3A_345 = vector.broadcast %broadcast_in_dim3A_344 : vector<512x1xf32> to vector<512x16xf32>
    %select_n3A_346 = arith.select %eq3A_343, %broadcast_in_dim3A_345, %select_n3A_207 : vector<512x16xi1>, vector<512x16xf32>
    %reduce_max3A_347 = arith.constant dense<0xFF800000> : vector<512xf32>
    %reduce_max3A_348 = vector.multi_reduction <maximumf>, %select_n3A_346, %reduce_max3A_347 [1] : vector<512x16xf32> to vector<512xf32>
    %broadcast_in_dim3A_349 = vector.shape_cast %reduce_max3A_348 : vector<512xf32> to vector<512x1xf32>
    %eq3A_350 = vector.broadcast %broadcast_in_dim3A_349 : vector<512x1xf32> to vector<512x16xf32>
    %eq3A_351 = arith.cmpf oeq, %select_n3A_346, %eq3A_350 : vector<512x16xf32>
    %jit3A_352 = arith.constant 16 : i32
    %broadcast_in_dim3A_353 = vector.broadcast %jit3A_352 : i32 to vector<512x16xi32>
    %select_n3A_354 = arith.select %eq3A_351, %iota3A_19, %broadcast_in_dim3A_353 : vector<512x16xi1>, vector<512x16xi32>
    %reduce_min3A_355 = arith.constant dense<2147483647> : vector<512xi32>
    %reduce_min3A_356 = vector.multi_reduction <minsi>, %select_n3A_354, %reduce_min3A_355 [1] : vector<512x16xi32> to vector<512xi32>
    %broadcast_in_dim3A_357 = vector.shape_cast %reduce_min3A_356 : vector<512xi32> to vector<512x1xi32>
    %eq3A_358 = arith.constant 1 : i32
    %eq3A_359 = vector.broadcast %eq3A_358 : i32 to vector<512x1xi32>
    %eq3A_360 = arith.cmpi eq, %broadcast_in_dim3A_357, %eq3A_359 : vector<512x1xi32>
    %broadcast_in_dim3A_361 = vector.shape_cast %eq3A_360 : vector<512x1xi1> to vector<512x1xi1>
    %broadcast_in_dim3A_362 = vector.broadcast %broadcast_in_dim3A_361 : vector<512x1xi1> to vector<512x128xi1>
    %select_n3A_363 = arith.select %broadcast_in_dim3A_362, %slice3A_20, %slice3A : vector<512x128xi1>, vector<512x128xf32>
    %eq3A_364 = arith.constant 2 : i32
    %eq3A_365 = vector.broadcast %eq3A_364 : i32 to vector<512x1xi32>
    %eq3A_366 = arith.cmpi eq, %broadcast_in_dim3A_357, %eq3A_365 : vector<512x1xi32>
    %broadcast_in_dim3A_367 = vector.shape_cast %eq3A_366 : vector<512x1xi1> to vector<512x1xi1>
    %broadcast_in_dim3A_368 = vector.broadcast %broadcast_in_dim3A_367 : vector<512x1xi1> to vector<512x128xi1>
    %select_n3A_369 = arith.select %broadcast_in_dim3A_368, %slice3A_21, %select_n3A_363 : vector<512x128xi1>, vector<512x128xf32>
    %eq3A_370 = arith.constant 3 : i32
    %eq3A_371 = vector.broadcast %eq3A_370 : i32 to vector<512x1xi32>
    %eq3A_372 = arith.cmpi eq, %broadcast_in_dim3A_357, %eq3A_371 : vector<512x1xi32>
    %broadcast_in_dim3A_373 = vector.shape_cast %eq3A_372 : vector<512x1xi1> to vector<512x1xi1>
    %broadcast_in_dim3A_374 = vector.broadcast %broadcast_in_dim3A_373 : vector<512x1xi1> to vector<512x128xi1>
    %select_n3A_375 = arith.select %broadcast_in_dim3A_374, %slice3A_22, %select_n3A_369 : vector<512x128xi1>, vector<512x128xf32>
    %eq3A_376 = arith.constant 4 : i32
    %eq3A_377 = vector.broadcast %eq3A_376 : i32 to vector<512x1xi32>
    %eq3A_378 = arith.cmpi eq, %broadcast_in_dim3A_357, %eq3A_377 : vector<512x1xi32>
    %broadcast_in_dim3A_379 = vector.shape_cast %eq3A_378 : vector<512x1xi1> to vector<512x1xi1>
    %broadcast_in_dim3A_380 = vector.broadcast %broadcast_in_dim3A_379 : vector<512x1xi1> to vector<512x128xi1>
    %select_n3A_381 = arith.select %broadcast_in_dim3A_380, %slice3A_23, %select_n3A_375 : vector<512x128xi1>, vector<512x128xf32>
    %eq3A_382 = arith.constant 5 : i32
    %eq3A_383 = vector.broadcast %eq3A_382 : i32 to vector<512x1xi32>
    %eq3A_384 = arith.cmpi eq, %broadcast_in_dim3A_357, %eq3A_383 : vector<512x1xi32>
    %broadcast_in_dim3A_385 = vector.shape_cast %eq3A_384 : vector<512x1xi1> to vector<512x1xi1>
    %broadcast_in_dim3A_386 = vector.broadcast %broadcast_in_dim3A_385 : vector<512x1xi1> to vector<512x128xi1>
    %select_n3A_387 = arith.select %broadcast_in_dim3A_386, %slice3A_24, %select_n3A_381 : vector<512x128xi1>, vector<512x128xf32>
    %eq3A_388 = arith.constant 6 : i32
    %eq3A_389 = vector.broadcast %eq3A_388 : i32 to vector<512x1xi32>
    %eq3A_390 = arith.cmpi eq, %broadcast_in_dim3A_357, %eq3A_389 : vector<512x1xi32>
    %broadcast_in_dim3A_391 = vector.shape_cast %eq3A_390 : vector<512x1xi1> to vector<512x1xi1>
    %broadcast_in_dim3A_392 = vector.broadcast %broadcast_in_dim3A_391 : vector<512x1xi1> to vector<512x128xi1>
    %select_n3A_393 = arith.select %broadcast_in_dim3A_392, %slice3A_25, %select_n3A_387 : vector<512x128xi1>, vector<512x128xf32>
    %eq3A_394 = arith.constant 7 : i32
    %eq3A_395 = vector.broadcast %eq3A_394 : i32 to vector<512x1xi32>
    %eq3A_396 = arith.cmpi eq, %broadcast_in_dim3A_357, %eq3A_395 : vector<512x1xi32>
    %broadcast_in_dim3A_397 = vector.shape_cast %eq3A_396 : vector<512x1xi1> to vector<512x1xi1>
    %broadcast_in_dim3A_398 = vector.broadcast %broadcast_in_dim3A_397 : vector<512x1xi1> to vector<512x128xi1>
    %select_n3A_399 = arith.select %broadcast_in_dim3A_398, %slice3A_26, %select_n3A_393 : vector<512x128xi1>, vector<512x128xf32>
    %eq3A_400 = arith.constant 8 : i32
    %eq3A_401 = vector.broadcast %eq3A_400 : i32 to vector<512x1xi32>
    %eq3A_402 = arith.cmpi eq, %broadcast_in_dim3A_357, %eq3A_401 : vector<512x1xi32>
    %broadcast_in_dim3A_403 = vector.shape_cast %eq3A_402 : vector<512x1xi1> to vector<512x1xi1>
    %broadcast_in_dim3A_404 = vector.broadcast %broadcast_in_dim3A_403 : vector<512x1xi1> to vector<512x128xi1>
    %select_n3A_405 = arith.select %broadcast_in_dim3A_404, %slice3A_27, %select_n3A_399 : vector<512x128xi1>, vector<512x128xf32>
    %eq3A_406 = arith.constant 9 : i32
    %eq3A_407 = vector.broadcast %eq3A_406 : i32 to vector<512x1xi32>
    %eq3A_408 = arith.cmpi eq, %broadcast_in_dim3A_357, %eq3A_407 : vector<512x1xi32>
    %broadcast_in_dim3A_409 = vector.shape_cast %eq3A_408 : vector<512x1xi1> to vector<512x1xi1>
    %broadcast_in_dim3A_410 = vector.broadcast %broadcast_in_dim3A_409 : vector<512x1xi1> to vector<512x128xi1>
    %select_n3A_411 = arith.select %broadcast_in_dim3A_410, %slice3A_28, %select_n3A_405 : vector<512x128xi1>, vector<512x128xf32>
    %eq3A_412 = arith.constant 10 : i32
    %eq3A_413 = vector.broadcast %eq3A_412 : i32 to vector<512x1xi32>
    %eq3A_414 = arith.cmpi eq, %broadcast_in_dim3A_357, %eq3A_413 : vector<512x1xi32>
    %broadcast_in_dim3A_415 = vector.shape_cast %eq3A_414 : vector<512x1xi1> to vector<512x1xi1>
    %broadcast_in_dim3A_416 = vector.broadcast %broadcast_in_dim3A_415 : vector<512x1xi1> to vector<512x128xi1>
    %select_n3A_417 = arith.select %broadcast_in_dim3A_416, %slice3A_29, %select_n3A_411 : vector<512x128xi1>, vector<512x128xf32>
    %eq3A_418 = arith.constant 11 : i32
    %eq3A_419 = vector.broadcast %eq3A_418 : i32 to vector<512x1xi32>
    %eq3A_420 = arith.cmpi eq, %broadcast_in_dim3A_357, %eq3A_419 : vector<512x1xi32>
    %broadcast_in_dim3A_421 = vector.shape_cast %eq3A_420 : vector<512x1xi1> to vector<512x1xi1>
    %broadcast_in_dim3A_422 = vector.broadcast %broadcast_in_dim3A_421 : vector<512x1xi1> to vector<512x128xi1>
    %select_n3A_423 = arith.select %broadcast_in_dim3A_422, %slice3A_30, %select_n3A_417 : vector<512x128xi1>, vector<512x128xf32>
    %eq3A_424 = arith.constant 12 : i32
    %eq3A_425 = vector.broadcast %eq3A_424 : i32 to vector<512x1xi32>
    %eq3A_426 = arith.cmpi eq, %broadcast_in_dim3A_357, %eq3A_425 : vector<512x1xi32>
    %broadcast_in_dim3A_427 = vector.shape_cast %eq3A_426 : vector<512x1xi1> to vector<512x1xi1>
    %broadcast_in_dim3A_428 = vector.broadcast %broadcast_in_dim3A_427 : vector<512x1xi1> to vector<512x128xi1>
    %select_n3A_429 = arith.select %broadcast_in_dim3A_428, %slice3A_31, %select_n3A_423 : vector<512x128xi1>, vector<512x128xf32>
    %eq3A_430 = arith.constant 13 : i32
    %eq3A_431 = vector.broadcast %eq3A_430 : i32 to vector<512x1xi32>
    %eq3A_432 = arith.cmpi eq, %broadcast_in_dim3A_357, %eq3A_431 : vector<512x1xi32>
    %broadcast_in_dim3A_433 = vector.shape_cast %eq3A_432 : vector<512x1xi1> to vector<512x1xi1>
    %broadcast_in_dim3A_434 = vector.broadcast %broadcast_in_dim3A_433 : vector<512x1xi1> to vector<512x128xi1>
    %select_n3A_435 = arith.select %broadcast_in_dim3A_434, %slice3A_32, %select_n3A_429 : vector<512x128xi1>, vector<512x128xf32>
    %eq3A_436 = arith.constant 14 : i32
    %eq3A_437 = vector.broadcast %eq3A_436 : i32 to vector<512x1xi32>
    %eq3A_438 = arith.cmpi eq, %broadcast_in_dim3A_357, %eq3A_437 : vector<512x1xi32>
    %broadcast_in_dim3A_439 = vector.shape_cast %eq3A_438 : vector<512x1xi1> to vector<512x1xi1>
    %broadcast_in_dim3A_440 = vector.broadcast %broadcast_in_dim3A_439 : vector<512x1xi1> to vector<512x128xi1>
    %select_n3A_441 = arith.select %broadcast_in_dim3A_440, %slice3A_33, %select_n3A_435 : vector<512x128xi1>, vector<512x128xf32>
    %eq3A_442 = arith.constant 15 : i32
    %eq3A_443 = vector.broadcast %eq3A_442 : i32 to vector<512x1xi32>
    %eq3A_444 = arith.cmpi eq, %broadcast_in_dim3A_357, %eq3A_443 : vector<512x1xi32>
    %broadcast_in_dim3A_445 = vector.shape_cast %eq3A_444 : vector<512x1xi1> to vector<512x1xi1>
    %broadcast_in_dim3A_446 = vector.broadcast %broadcast_in_dim3A_445 : vector<512x1xi1> to vector<512x128xi1>
    %select_n3A_447 = arith.select %broadcast_in_dim3A_446, %slice3A_34, %select_n3A_441 : vector<512x128xi1>, vector<512x128xf32>
    %mul3A_448 = arith.constant 128 : i32
    %mul3A_449 = vector.broadcast %mul3A_448 : i32 to vector<512x1xi32>
    %mul3A_450 = arith.muli %broadcast_in_dim3A_357, %mul3A_449 : vector<512x1xi32>
    %sub3A_451 = arith.subi %add3A, %mul3A_450 : vector<512x1xi32>
    %eq3A_452 = vector.broadcast %sub3A_451 : vector<512x1xi32> to vector<512x128xi32>
    %eq3A_453 = arith.cmpi eq, %iota3A, %eq3A_452 : vector<512x128xi32>
    %jit3A_454 = arith.constant 0xFF800000 : f32
    %broadcast_in_dim3A_455 = vector.broadcast %jit3A_454 : f32 to vector<512x128xf32>
    %select_n3A_456 = arith.select %eq3A_453, %broadcast_in_dim3A_455, %select_n3A_447 : vector<512x128xi1>, vector<512x128xf32>
    %sub3A_457 = arith.subi %add3A_326, %mul3A_450 : vector<512x1xi32>
    %eq3A_458 = vector.broadcast %sub3A_457 : vector<512x1xi32> to vector<512x128xi32>
    %eq3A_459 = arith.cmpi eq, %iota3A, %eq3A_458 : vector<512x128xi32>
    %jit3A_460 = arith.constant 0xFF800000 : f32
    %broadcast_in_dim3A_461 = vector.broadcast %jit3A_460 : f32 to vector<512x128xf32>
    %select_n3A_462 = arith.select %eq3A_459, %broadcast_in_dim3A_461, %select_n3A_456 : vector<512x128xi1>, vector<512x128xf32>
    %eq3A_463 = vector.broadcast %broadcast_in_dim3A_349 : vector<512x1xf32> to vector<512x128xf32>
    %eq3A_464 = arith.cmpf oeq, %select_n3A_462, %eq3A_463 : vector<512x128xf32>
    %jit3A_465 = arith.constant 128 : i32
    %broadcast_in_dim3A_466 = vector.broadcast %jit3A_465 : i32 to vector<512x128xi32>
    %select_n3A_467 = arith.select %eq3A_464, %iota3A, %broadcast_in_dim3A_466 : vector<512x128xi1>, vector<512x128xi32>
    %reduce_min3A_468 = arith.constant dense<2147483647> : vector<512xi32>
    %reduce_min3A_469 = vector.multi_reduction <minsi>, %select_n3A_467, %reduce_min3A_468 [1] : vector<512x128xi32> to vector<512xi32>
    %broadcast_in_dim3A_470 = vector.shape_cast %reduce_min3A_469 : vector<512xi32> to vector<512x1xi32>
    %add3A_471 = arith.addi %mul3A_450, %broadcast_in_dim3A_470 : vector<512x1xi32>
    %mul3A_472 = arith.constant 2048 : i32
    %mul3A_473 = arith.muli %arg0, %mul3A_472 : i32
    %add3A_474 = vector.broadcast %mul3A_473 : i32 to vector<512x1xi32>
    %add3A_475 = arith.addi %add3A_471, %add3A_474 : vector<512x1xi32>
    %swap3A_476 = arith.constant 0 : index
    %swap3A_477 = arith.constant 2 : index
    %swap3A_478 = vector.load %arg6[%swap3A_476, %swap3A_477] : memref<512x20xi32, #tpu.memory_space<vmem>>, vector<512x1xi32>
    tpu.vector_store %arg6[%swap3A_476, %swap3A_477], %add3A_475 {strides = array<i32>} : memref<512x20xi32, #tpu.memory_space<vmem>>, vector<512x1xi32>,
    %eq3A_479 = vector.broadcast %broadcast_in_dim3A_470 : vector<512x1xi32> to vector<512x128xi32>
    %eq3A_480 = arith.cmpi eq, %iota3A, %eq3A_479 : vector<512x128xi32>
    %jit3A_481 = arith.constant 0xFF800000 : f32
    %broadcast_in_dim3A_482 = vector.broadcast %jit3A_481 : f32 to vector<512x128xf32>
    %select_n3A_483 = arith.select %eq3A_480, %broadcast_in_dim3A_482, %select_n3A_462 : vector<512x128xi1>, vector<512x128xf32>
    %reduce_max3A_484 = arith.constant dense<0xFF800000> : vector<512xf32>
    %reduce_max3A_485 = vector.multi_reduction <maximumf>, %select_n3A_483, %reduce_max3A_484 [1] : vector<512x128xf32> to vector<512xf32>
    %broadcast_in_dim3A_486 = vector.shape_cast %reduce_max3A_485 : vector<512xf32> to vector<512x1xf32>
    %eq3A_487 = vector.broadcast %broadcast_in_dim3A_357 : vector<512x1xi32> to vector<512x16xi32>
    %eq3A_488 = arith.cmpi eq, %iota3A_19, %eq3A_487 : vector<512x16xi32>
    %broadcast_in_dim3A_489 = vector.shape_cast %broadcast_in_dim3A_486 : vector<512x1xf32> to vector<512x1xf32>
    %broadcast_in_dim3A_490 = vector.broadcast %broadcast_in_dim3A_489 : vector<512x1xf32> to vector<512x16xf32>
    %select_n3A_491 = arith.select %eq3A_488, %broadcast_in_dim3A_490, %select_n3A_346 : vector<512x16xi1>, vector<512x16xf32>
    %reduce_max3A_492 = arith.constant dense<0xFF800000> : vector<512xf32>
    %reduce_max3A_493 = vector.multi_reduction <maximumf>, %select_n3A_491, %reduce_max3A_492 [1] : vector<512x16xf32> to vector<512xf32>
    %broadcast_in_dim3A_494 = vector.shape_cast %reduce_max3A_493 : vector<512xf32> to vector<512x1xf32>
    %eq3A_495 = vector.broadcast %broadcast_in_dim3A_494 : vector<512x1xf32> to vector<512x16xf32>
    %eq3A_496 = arith.cmpf oeq, %select_n3A_491, %eq3A_495 : vector<512x16xf32>
    %jit3A_497 = arith.constant 16 : i32
    %broadcast_in_dim3A_498 = vector.broadcast %jit3A_497 : i32 to vector<512x16xi32>
    %select_n3A_499 = arith.select %eq3A_496, %iota3A_19, %broadcast_in_dim3A_498 : vector<512x16xi1>, vector<512x16xi32>
    %reduce_min3A_500 = arith.constant dense<2147483647> : vector<512xi32>
    %reduce_min3A_501 = vector.multi_reduction <minsi>, %select_n3A_499, %reduce_min3A_500 [1] : vector<512x16xi32> to vector<512xi32>
    %broadcast_in_dim3A_502 = vector.shape_cast %reduce_min3A_501 : vector<512xi32> to vector<512x1xi32>
    %eq3A_503 = arith.constant 1 : i32
    %eq3A_504 = vector.broadcast %eq3A_503 : i32 to vector<512x1xi32>
    %eq3A_505 = arith.cmpi eq, %broadcast_in_dim3A_502, %eq3A_504 : vector<512x1xi32>
    %broadcast_in_dim3A_506 = vector.shape_cast %eq3A_505 : vector<512x1xi1> to vector<512x1xi1>
    %broadcast_in_dim3A_507 = vector.broadcast %broadcast_in_dim3A_506 : vector<512x1xi1> to vector<512x128xi1>
    %select_n3A_508 = arith.select %broadcast_in_dim3A_507, %slice3A_20, %slice3A : vector<512x128xi1>, vector<512x128xf32>
    %eq3A_509 = arith.constant 2 : i32
    %eq3A_510 = vector.broadcast %eq3A_509 : i32 to vector<512x1xi32>
    %eq3A_511 = arith.cmpi eq, %broadcast_in_dim3A_502, %eq3A_510 : vector<512x1xi32>
    %broadcast_in_dim3A_512 = vector.shape_cast %eq3A_511 : vector<512x1xi1> to vector<512x1xi1>
    %broadcast_in_dim3A_513 = vector.broadcast %broadcast_in_dim3A_512 : vector<512x1xi1> to vector<512x128xi1>
    %select_n3A_514 = arith.select %broadcast_in_dim3A_513, %slice3A_21, %select_n3A_508 : vector<512x128xi1>, vector<512x128xf32>
    %eq3A_515 = arith.constant 3 : i32
    %eq3A_516 = vector.broadcast %eq3A_515 : i32 to vector<512x1xi32>
    %eq3A_517 = arith.cmpi eq, %broadcast_in_dim3A_502, %eq3A_516 : vector<512x1xi32>
    %broadcast_in_dim3A_518 = vector.shape_cast %eq3A_517 : vector<512x1xi1> to vector<512x1xi1>
    %broadcast_in_dim3A_519 = vector.broadcast %broadcast_in_dim3A_518 : vector<512x1xi1> to vector<512x128xi1>
    %select_n3A_520 = arith.select %broadcast_in_dim3A_519, %slice3A_22, %select_n3A_514 : vector<512x128xi1>, vector<512x128xf32>
    %eq3A_521 = arith.constant 4 : i32
    %eq3A_522 = vector.broadcast %eq3A_521 : i32 to vector<512x1xi32>
    %eq3A_523 = arith.cmpi eq, %broadcast_in_dim3A_502, %eq3A_522 : vector<512x1xi32>
    %broadcast_in_dim3A_524 = vector.shape_cast %eq3A_523 : vector<512x1xi1> to vector<512x1xi1>
    %broadcast_in_dim3A_525 = vector.broadcast %broadcast_in_dim3A_524 : vector<512x1xi1> to vector<512x128xi1>
    %select_n3A_526 = arith.select %broadcast_in_dim3A_525, %slice3A_23, %select_n3A_520 : vector<512x128xi1>, vector<512x128xf32>
    %eq3A_527 = arith.constant 5 : i32
    %eq3A_528 = vector.broadcast %eq3A_527 : i32 to vector<512x1xi32>
    %eq3A_529 = arith.cmpi eq, %broadcast_in_dim3A_502, %eq3A_528 : vector<512x1xi32>
    %broadcast_in_dim3A_530 = vector.shape_cast %eq3A_529 : vector<512x1xi1> to vector<512x1xi1>
    %broadcast_in_dim3A_531 = vector.broadcast %broadcast_in_dim3A_530 : vector<512x1xi1> to vector<512x128xi1>
    %select_n3A_532 = arith.select %broadcast_in_dim3A_531, %slice3A_24, %select_n3A_526 : vector<512x128xi1>, vector<512x128xf32>
    %eq3A_533 = arith.constant 6 : i32
    %eq3A_534 = vector.broadcast %eq3A_533 : i32 to vector<512x1xi32>
    %eq3A_535 = arith.cmpi eq, %broadcast_in_dim3A_502, %eq3A_534 : vector<512x1xi32>
    %broadcast_in_dim3A_536 = vector.shape_cast %eq3A_535 : vector<512x1xi1> to vector<512x1xi1>
    %broadcast_in_dim3A_537 = vector.broadcast %broadcast_in_dim3A_536 : vector<512x1xi1> to vector<512x128xi1>
    %select_n3A_538 = arith.select %broadcast_in_dim3A_537, %slice3A_25, %select_n3A_532 : vector<512x128xi1>, vector<512x128xf32>
    %eq3A_539 = arith.constant 7 : i32
    %eq3A_540 = vector.broadcast %eq3A_539 : i32 to vector<512x1xi32>
    %eq3A_541 = arith.cmpi eq, %broadcast_in_dim3A_502, %eq3A_540 : vector<512x1xi32>
    %broadcast_in_dim3A_542 = vector.shape_cast %eq3A_541 : vector<512x1xi1> to vector<512x1xi1>
    %broadcast_in_dim3A_543 = vector.broadcast %broadcast_in_dim3A_542 : vector<512x1xi1> to vector<512x128xi1>
    %select_n3A_544 = arith.select %broadcast_in_dim3A_543, %slice3A_26, %select_n3A_538 : vector<512x128xi1>, vector<512x128xf32>
    %eq3A_545 = arith.constant 8 : i32
    %eq3A_546 = vector.broadcast %eq3A_545 : i32 to vector<512x1xi32>
    %eq3A_547 = arith.cmpi eq, %broadcast_in_dim3A_502, %eq3A_546 : vector<512x1xi32>
    %broadcast_in_dim3A_548 = vector.shape_cast %eq3A_547 : vector<512x1xi1> to vector<512x1xi1>
    %broadcast_in_dim3A_549 = vector.broadcast %broadcast_in_dim3A_548 : vector<512x1xi1> to vector<512x128xi1>
    %select_n3A_550 = arith.select %broadcast_in_dim3A_549, %slice3A_27, %select_n3A_544 : vector<512x128xi1>, vector<512x128xf32>
    %eq3A_551 = arith.constant 9 : i32
    %eq3A_552 = vector.broadcast %eq3A_551 : i32 to vector<512x1xi32>
    %eq3A_553 = arith.cmpi eq, %broadcast_in_dim3A_502, %eq3A_552 : vector<512x1xi32>
    %broadcast_in_dim3A_554 = vector.shape_cast %eq3A_553 : vector<512x1xi1> to vector<512x1xi1>
    %broadcast_in_dim3A_555 = vector.broadcast %broadcast_in_dim3A_554 : vector<512x1xi1> to vector<512x128xi1>
    %select_n3A_556 = arith.select %broadcast_in_dim3A_555, %slice3A_28, %select_n3A_550 : vector<512x128xi1>, vector<512x128xf32>
    %eq3A_557 = arith.constant 10 : i32
    %eq3A_558 = vector.broadcast %eq3A_557 : i32 to vector<512x1xi32>
    %eq3A_559 = arith.cmpi eq, %broadcast_in_dim3A_502, %eq3A_558 : vector<512x1xi32>
    %broadcast_in_dim3A_560 = vector.shape_cast %eq3A_559 : vector<512x1xi1> to vector<512x1xi1>
    %broadcast_in_dim3A_561 = vector.broadcast %broadcast_in_dim3A_560 : vector<512x1xi1> to vector<512x128xi1>
    %select_n3A_562 = arith.select %broadcast_in_dim3A_561, %slice3A_29, %select_n3A_556 : vector<512x128xi1>, vector<512x128xf32>
    %eq3A_563 = arith.constant 11 : i32
    %eq3A_564 = vector.broadcast %eq3A_563 : i32 to vector<512x1xi32>
    %eq3A_565 = arith.cmpi eq, %broadcast_in_dim3A_502, %eq3A_564 : vector<512x1xi32>
    %broadcast_in_dim3A_566 = vector.shape_cast %eq3A_565 : vector<512x1xi1> to vector<512x1xi1>
    %broadcast_in_dim3A_567 = vector.broadcast %broadcast_in_dim3A_566 : vector<512x1xi1> to vector<512x128xi1>
    %select_n3A_568 = arith.select %broadcast_in_dim3A_567, %slice3A_30, %select_n3A_562 : vector<512x128xi1>, vector<512x128xf32>
    %eq3A_569 = arith.constant 12 : i32
    %eq3A_570 = vector.broadcast %eq3A_569 : i32 to vector<512x1xi32>
    %eq3A_571 = arith.cmpi eq, %broadcast_in_dim3A_502, %eq3A_570 : vector<512x1xi32>
    %broadcast_in_dim3A_572 = vector.shape_cast %eq3A_571 : vector<512x1xi1> to vector<512x1xi1>
    %broadcast_in_dim3A_573 = vector.broadcast %broadcast_in_dim3A_572 : vector<512x1xi1> to vector<512x128xi1>
    %select_n3A_574 = arith.select %broadcast_in_dim3A_573, %slice3A_31, %select_n3A_568 : vector<512x128xi1>, vector<512x128xf32>
    %eq3A_575 = arith.constant 13 : i32
    %eq3A_576 = vector.broadcast %eq3A_575 : i32 to vector<512x1xi32>
    %eq3A_577 = arith.cmpi eq, %broadcast_in_dim3A_502, %eq3A_576 : vector<512x1xi32>
    %broadcast_in_dim3A_578 = vector.shape_cast %eq3A_577 : vector<512x1xi1> to vector<512x1xi1>
    %broadcast_in_dim3A_579 = vector.broadcast %broadcast_in_dim3A_578 : vector<512x1xi1> to vector<512x128xi1>
    %select_n3A_580 = arith.select %broadcast_in_dim3A_579, %slice3A_32, %select_n3A_574 : vector<512x128xi1>, vector<512x128xf32>
    %eq3A_581 = arith.constant 14 : i32
    %eq3A_582 = vector.broadcast %eq3A_581 : i32 to vector<512x1xi32>
    %eq3A_583 = arith.cmpi eq, %broadcast_in_dim3A_502, %eq3A_582 : vector<512x1xi32>
    %broadcast_in_dim3A_584 = vector.shape_cast %eq3A_583 : vector<512x1xi1> to vector<512x1xi1>
    %broadcast_in_dim3A_585 = vector.broadcast %broadcast_in_dim3A_584 : vector<512x1xi1> to vector<512x128xi1>
    %select_n3A_586 = arith.select %broadcast_in_dim3A_585, %slice3A_33, %select_n3A_580 : vector<512x128xi1>, vector<512x128xf32>
    %eq3A_587 = arith.constant 15 : i32
    %eq3A_588 = vector.broadcast %eq3A_587 : i32 to vector<512x1xi32>
    %eq3A_589 = arith.cmpi eq, %broadcast_in_dim3A_502, %eq3A_588 : vector<512x1xi32>
    %broadcast_in_dim3A_590 = vector.shape_cast %eq3A_589 : vector<512x1xi1> to vector<512x1xi1>
    %broadcast_in_dim3A_591 = vector.broadcast %broadcast_in_dim3A_590 : vector<512x1xi1> to vector<512x128xi1>
    %select_n3A_592 = arith.select %broadcast_in_dim3A_591, %slice3A_34, %select_n3A_586 : vector<512x128xi1>, vector<512x128xf32>
    %mul3A_593 = arith.constant 128 : i32
    %mul3A_594 = vector.broadcast %mul3A_593 : i32 to vector<512x1xi32>
    %mul3A_595 = arith.muli %broadcast_in_dim3A_502, %mul3A_594 : vector<512x1xi32>
    %sub3A_596 = arith.subi %add3A, %mul3A_595 : vector<512x1xi32>
    %eq3A_597 = vector.broadcast %sub3A_596 : vector<512x1xi32> to vector<512x128xi32>
    %eq3A_598 = arith.cmpi eq, %iota3A, %eq3A_597 : vector<512x128xi32>
    %jit3A_599 = arith.constant 0xFF800000 : f32
    %broadcast_in_dim3A_600 = vector.broadcast %jit3A_599 : f32 to vector<512x128xf32>
    %select_n3A_601 = arith.select %eq3A_598, %broadcast_in_dim3A_600, %select_n3A_592 : vector<512x128xi1>, vector<512x128xf32>
    %sub3A_602 = arith.subi %add3A_326, %mul3A_595 : vector<512x1xi32>
    %eq3A_603 = vector.broadcast %sub3A_602 : vector<512x1xi32> to vector<512x128xi32>
    %eq3A_604 = arith.cmpi eq, %iota3A, %eq3A_603 : vector<512x128xi32>
    %jit3A_605 = arith.constant 0xFF800000 : f32
    %broadcast_in_dim3A_606 = vector.broadcast %jit3A_605 : f32 to vector<512x128xf32>
    %select_n3A_607 = arith.select %eq3A_604, %broadcast_in_dim3A_606, %select_n3A_601 : vector<512x128xi1>, vector<512x128xf32>
    %sub3A_608 = arith.subi %add3A_471, %mul3A_595 : vector<512x1xi32>
    %eq3A_609 = vector.broadcast %sub3A_608 : vector<512x1xi32> to vector<512x128xi32>
    %eq3A_610 = arith.cmpi eq, %iota3A, %eq3A_609 : vector<512x128xi32>
    %jit3A_611 = arith.constant 0xFF800000 : f32
    %broadcast_in_dim3A_612 = vector.broadcast %jit3A_611 : f32 to vector<512x128xf32>
    %select_n3A_613 = arith.select %eq3A_610, %broadcast_in_dim3A_612, %select_n3A_607 : vector<512x128xi1>, vector<512x128xf32>
    %eq3A_614 = vector.broadcast %broadcast_in_dim3A_494 : vector<512x1xf32> to vector<512x128xf32>
    %eq3A_615 = arith.cmpf oeq, %select_n3A_613, %eq3A_614 : vector<512x128xf32>
    %jit3A_616 = arith.constant 128 : i32
    %broadcast_in_dim3A_617 = vector.broadcast %jit3A_616 : i32 to vector<512x128xi32>
    %select_n3A_618 = arith.select %eq3A_615, %iota3A, %broadcast_in_dim3A_617 : vector<512x128xi1>, vector<512x128xi32>
    %reduce_min3A_619 = arith.constant dense<2147483647> : vector<512xi32>
    %reduce_min3A_620 = vector.multi_reduction <minsi>, %select_n3A_618, %reduce_min3A_619 [1] : vector<512x128xi32> to vector<512xi32>
    %broadcast_in_dim3A_621 = vector.shape_cast %reduce_min3A_620 : vector<512xi32> to vector<512x1xi32>
    %add3A_622 = arith.addi %mul3A_595, %broadcast_in_dim3A_621 : vector<512x1xi32>
    %mul3A_623 = arith.constant 2048 : i32
    %mul3A_624 = arith.muli %arg0, %mul3A_623 : i32
    %add3A_625 = vector.broadcast %mul3A_624 : i32 to vector<512x1xi32>
    %add3A_626 = arith.addi %add3A_622, %add3A_625 : vector<512x1xi32>
    %swap3A_627 = arith.constant 0 : index
    %swap3A_628 = arith.constant 3 : index
    %swap3A_629 = vector.load %arg6[%swap3A_627, %swap3A_628] : memref<512x20xi32, #tpu.memory_space<vmem>>, vector<512x1xi32>
    tpu.vector_store %arg6[%swap3A_627, %swap3A_628], %add3A_626 {strides = array<i32>} : memref<512x20xi32, #tpu.memory_space<vmem>>, vector<512x1xi32>,
    %eq3A_630 = vector.broadcast %broadcast_in_dim3A_621 : vector<512x1xi32> to vector<512x128xi32>
    %eq3A_631 = arith.cmpi eq, %iota3A, %eq3A_630 : vector<512x128xi32>
    %jit3A_632 = arith.constant 0xFF800000 : f32
    %broadcast_in_dim3A_633 = vector.broadcast %jit3A_632 : f32 to vector<512x128xf32>
    %select_n3A_634 = arith.select %eq3A_631, %broadcast_in_dim3A_633, %select_n3A_613 : vector<512x128xi1>, vector<512x128xf32>
    %reduce_max3A_635 = arith.constant dense<0xFF800000> : vector<512xf32>
    %reduce_max3A_636 = vector.multi_reduction <maximumf>, %select_n3A_634, %reduce_max3A_635 [1] : vector<512x128xf32> to vector<512xf32>
    %broadcast_in_dim3A_637 = vector.shape_cast %reduce_max3A_636 : vector<512xf32> to vector<512x1xf32>
    %eq3A_638 = vector.broadcast %broadcast_in_dim3A_502 : vector<512x1xi32> to vector<512x16xi32>
    %eq3A_639 = arith.cmpi eq, %iota3A_19, %eq3A_638 : vector<512x16xi32>
    %broadcast_in_dim3A_640 = vector.shape_cast %broadcast_in_dim3A_637 : vector<512x1xf32> to vector<512x1xf32>
    %broadcast_in_dim3A_641 = vector.broadcast %broadcast_in_dim3A_640 : vector<512x1xf32> to vector<512x16xf32>
    %select_n3A_642 = arith.select %eq3A_639, %broadcast_in_dim3A_641, %select_n3A_491 : vector<512x16xi1>, vector<512x16xf32>
    %reduce_max3A_643 = arith.constant dense<0xFF800000> : vector<512xf32>
    %reduce_max3A_644 = vector.multi_reduction <maximumf>, %select_n3A_642, %reduce_max3A_643 [1] : vector<512x16xf32> to vector<512xf32>
    %broadcast_in_dim3A_645 = vector.shape_cast %reduce_max3A_644 : vector<512xf32> to vector<512x1xf32>
    %eq3A_646 = vector.broadcast %broadcast_in_dim3A_645 : vector<512x1xf32> to vector<512x16xf32>
    %eq3A_647 = arith.cmpf oeq, %select_n3A_642, %eq3A_646 : vector<512x16xf32>
    %jit3A_648 = arith.constant 16 : i32
    %broadcast_in_dim3A_649 = vector.broadcast %jit3A_648 : i32 to vector<512x16xi32>
    %select_n3A_650 = arith.select %eq3A_647, %iota3A_19, %broadcast_in_dim3A_649 : vector<512x16xi1>, vector<512x16xi32>
    %reduce_min3A_651 = arith.constant dense<2147483647> : vector<512xi32>
    %reduce_min3A_652 = vector.multi_reduction <minsi>, %select_n3A_650, %reduce_min3A_651 [1] : vector<512x16xi32> to vector<512xi32>
    %broadcast_in_dim3A_653 = vector.shape_cast %reduce_min3A_652 : vector<512xi32> to vector<512x1xi32>
    %eq3A_654 = arith.constant 1 : i32
    %eq3A_655 = vector.broadcast %eq3A_654 : i32 to vector<512x1xi32>
    %eq3A_656 = arith.cmpi eq, %broadcast_in_dim3A_653, %eq3A_655 : vector<512x1xi32>
    %broadcast_in_dim3A_657 = vector.shape_cast %eq3A_656 : vector<512x1xi1> to vector<512x1xi1>
    %broadcast_in_dim3A_658 = vector.broadcast %broadcast_in_dim3A_657 : vector<512x1xi1> to vector<512x128xi1>
    %select_n3A_659 = arith.select %broadcast_in_dim3A_658, %slice3A_20, %slice3A : vector<512x128xi1>, vector<512x128xf32>
    %eq3A_660 = arith.constant 2 : i32
    %eq3A_661 = vector.broadcast %eq3A_660 : i32 to vector<512x1xi32>
    %eq3A_662 = arith.cmpi eq, %broadcast_in_dim3A_653, %eq3A_661 : vector<512x1xi32>
    %broadcast_in_dim3A_663 = vector.shape_cast %eq3A_662 : vector<512x1xi1> to vector<512x1xi1>
    %broadcast_in_dim3A_664 = vector.broadcast %broadcast_in_dim3A_663 : vector<512x1xi1> to vector<512x128xi1>
    %select_n3A_665 = arith.select %broadcast_in_dim3A_664, %slice3A_21, %select_n3A_659 : vector<512x128xi1>, vector<512x128xf32>
    %eq3A_666 = arith.constant 3 : i32
    %eq3A_667 = vector.broadcast %eq3A_666 : i32 to vector<512x1xi32>
    %eq3A_668 = arith.cmpi eq, %broadcast_in_dim3A_653, %eq3A_667 : vector<512x1xi32>
    %broadcast_in_dim3A_669 = vector.shape_cast %eq3A_668 : vector<512x1xi1> to vector<512x1xi1>
    %broadcast_in_dim3A_670 = vector.broadcast %broadcast_in_dim3A_669 : vector<512x1xi1> to vector<512x128xi1>
    %select_n3A_671 = arith.select %broadcast_in_dim3A_670, %slice3A_22, %select_n3A_665 : vector<512x128xi1>, vector<512x128xf32>
    %eq3A_672 = arith.constant 4 : i32
    %eq3A_673 = vector.broadcast %eq3A_672 : i32 to vector<512x1xi32>
    %eq3A_674 = arith.cmpi eq, %broadcast_in_dim3A_653, %eq3A_673 : vector<512x1xi32>
    %broadcast_in_dim3A_675 = vector.shape_cast %eq3A_674 : vector<512x1xi1> to vector<512x1xi1>
    %broadcast_in_dim3A_676 = vector.broadcast %broadcast_in_dim3A_675 : vector<512x1xi1> to vector<512x128xi1>
    %select_n3A_677 = arith.select %broadcast_in_dim3A_676, %slice3A_23, %select_n3A_671 : vector<512x128xi1>, vector<512x128xf32>
    %eq3A_678 = arith.constant 5 : i32
    %eq3A_679 = vector.broadcast %eq3A_678 : i32 to vector<512x1xi32>
    %eq3A_680 = arith.cmpi eq, %broadcast_in_dim3A_653, %eq3A_679 : vector<512x1xi32>
    %broadcast_in_dim3A_681 = vector.shape_cast %eq3A_680 : vector<512x1xi1> to vector<512x1xi1>
    %broadcast_in_dim3A_682 = vector.broadcast %broadcast_in_dim3A_681 : vector<512x1xi1> to vector<512x128xi1>
    %select_n3A_683 = arith.select %broadcast_in_dim3A_682, %slice3A_24, %select_n3A_677 : vector<512x128xi1>, vector<512x128xf32>
    %eq3A_684 = arith.constant 6 : i32
    %eq3A_685 = vector.broadcast %eq3A_684 : i32 to vector<512x1xi32>
    %eq3A_686 = arith.cmpi eq, %broadcast_in_dim3A_653, %eq3A_685 : vector<512x1xi32>
    %broadcast_in_dim3A_687 = vector.shape_cast %eq3A_686 : vector<512x1xi1> to vector<512x1xi1>
    %broadcast_in_dim3A_688 = vector.broadcast %broadcast_in_dim3A_687 : vector<512x1xi1> to vector<512x128xi1>
    %select_n3A_689 = arith.select %broadcast_in_dim3A_688, %slice3A_25, %select_n3A_683 : vector<512x128xi1>, vector<512x128xf32>
    %eq3A_690 = arith.constant 7 : i32
    %eq3A_691 = vector.broadcast %eq3A_690 : i32 to vector<512x1xi32>
    %eq3A_692 = arith.cmpi eq, %broadcast_in_dim3A_653, %eq3A_691 : vector<512x1xi32>
    %broadcast_in_dim3A_693 = vector.shape_cast %eq3A_692 : vector<512x1xi1> to vector<512x1xi1>
    %broadcast_in_dim3A_694 = vector.broadcast %broadcast_in_dim3A_693 : vector<512x1xi1> to vector<512x128xi1>
    %select_n3A_695 = arith.select %broadcast_in_dim3A_694, %slice3A_26, %select_n3A_689 : vector<512x128xi1>, vector<512x128xf32>
    %eq3A_696 = arith.constant 8 : i32
    %eq3A_697 = vector.broadcast %eq3A_696 : i32 to vector<512x1xi32>
    %eq3A_698 = arith.cmpi eq, %broadcast_in_dim3A_653, %eq3A_697 : vector<512x1xi32>
    %broadcast_in_dim3A_699 = vector.shape_cast %eq3A_698 : vector<512x1xi1> to vector<512x1xi1>
    %broadcast_in_dim3A_700 = vector.broadcast %broadcast_in_dim3A_699 : vector<512x1xi1> to vector<512x128xi1>
    %select_n3A_701 = arith.select %broadcast_in_dim3A_700, %slice3A_27, %select_n3A_695 : vector<512x128xi1>, vector<512x128xf32>
    %eq3A_702 = arith.constant 9 : i32
    %eq3A_703 = vector.broadcast %eq3A_702 : i32 to vector<512x1xi32>
    %eq3A_704 = arith.cmpi eq, %broadcast_in_dim3A_653, %eq3A_703 : vector<512x1xi32>
    %broadcast_in_dim3A_705 = vector.shape_cast %eq3A_704 : vector<512x1xi1> to vector<512x1xi1>
    %broadcast_in_dim3A_706 = vector.broadcast %broadcast_in_dim3A_705 : vector<512x1xi1> to vector<512x128xi1>
    %select_n3A_707 = arith.select %broadcast_in_dim3A_706, %slice3A_28, %select_n3A_701 : vector<512x128xi1>, vector<512x128xf32>
    %eq3A_708 = arith.constant 10 : i32
    %eq3A_709 = vector.broadcast %eq3A_708 : i32 to vector<512x1xi32>
    %eq3A_710 = arith.cmpi eq, %broadcast_in_dim3A_653, %eq3A_709 : vector<512x1xi32>
    %broadcast_in_dim3A_711 = vector.shape_cast %eq3A_710 : vector<512x1xi1> to vector<512x1xi1>
    %broadcast_in_dim3A_712 = vector.broadcast %broadcast_in_dim3A_711 : vector<512x1xi1> to vector<512x128xi1>
    %select_n3A_713 = arith.select %broadcast_in_dim3A_712, %slice3A_29, %select_n3A_707 : vector<512x128xi1>, vector<512x128xf32>
    %eq3A_714 = arith.constant 11 : i32
    %eq3A_715 = vector.broadcast %eq3A_714 : i32 to vector<512x1xi32>
    %eq3A_716 = arith.cmpi eq, %broadcast_in_dim3A_653, %eq3A_715 : vector<512x1xi32>
    %broadcast_in_dim3A_717 = vector.shape_cast %eq3A_716 : vector<512x1xi1> to vector<512x1xi1>
    %broadcast_in_dim3A_718 = vector.broadcast %broadcast_in_dim3A_717 : vector<512x1xi1> to vector<512x128xi1>
    %select_n3A_719 = arith.select %broadcast_in_dim3A_718, %slice3A_30, %select_n3A_713 : vector<512x128xi1>, vector<512x128xf32>
    %eq3A_720 = arith.constant 12 : i32
    %eq3A_721 = vector.broadcast %eq3A_720 : i32 to vector<512x1xi32>
    %eq3A_722 = arith.cmpi eq, %broadcast_in_dim3A_653, %eq3A_721 : vector<512x1xi32>
    %broadcast_in_dim3A_723 = vector.shape_cast %eq3A_722 : vector<512x1xi1> to vector<512x1xi1>
    %broadcast_in_dim3A_724 = vector.broadcast %broadcast_in_dim3A_723 : vector<512x1xi1> to vector<512x128xi1>
    %select_n3A_725 = arith.select %broadcast_in_dim3A_724, %slice3A_31, %select_n3A_719 : vector<512x128xi1>, vector<512x128xf32>
    %eq3A_726 = arith.constant 13 : i32
    %eq3A_727 = vector.broadcast %eq3A_726 : i32 to vector<512x1xi32>
    %eq3A_728 = arith.cmpi eq, %broadcast_in_dim3A_653, %eq3A_727 : vector<512x1xi32>
    %broadcast_in_dim3A_729 = vector.shape_cast %eq3A_728 : vector<512x1xi1> to vector<512x1xi1>
    %broadcast_in_dim3A_730 = vector.broadcast %broadcast_in_dim3A_729 : vector<512x1xi1> to vector<512x128xi1>
    %select_n3A_731 = arith.select %broadcast_in_dim3A_730, %slice3A_32, %select_n3A_725 : vector<512x128xi1>, vector<512x128xf32>
    %eq3A_732 = arith.constant 14 : i32
    %eq3A_733 = vector.broadcast %eq3A_732 : i32 to vector<512x1xi32>
    %eq3A_734 = arith.cmpi eq, %broadcast_in_dim3A_653, %eq3A_733 : vector<512x1xi32>
    %broadcast_in_dim3A_735 = vector.shape_cast %eq3A_734 : vector<512x1xi1> to vector<512x1xi1>
    %broadcast_in_dim3A_736 = vector.broadcast %broadcast_in_dim3A_735 : vector<512x1xi1> to vector<512x128xi1>
    %select_n3A_737 = arith.select %broadcast_in_dim3A_736, %slice3A_33, %select_n3A_731 : vector<512x128xi1>, vector<512x128xf32>
    %eq3A_738 = arith.constant 15 : i32
    %eq3A_739 = vector.broadcast %eq3A_738 : i32 to vector<512x1xi32>
    %eq3A_740 = arith.cmpi eq, %broadcast_in_dim3A_653, %eq3A_739 : vector<512x1xi32>
    %broadcast_in_dim3A_741 = vector.shape_cast %eq3A_740 : vector<512x1xi1> to vector<512x1xi1>
    %broadcast_in_dim3A_742 = vector.broadcast %broadcast_in_dim3A_741 : vector<512x1xi1> to vector<512x128xi1>
    %select_n3A_743 = arith.select %broadcast_in_dim3A_742, %slice3A_34, %select_n3A_737 : vector<512x128xi1>, vector<512x128xf32>
    %mul3A_744 = arith.constant 128 : i32
    %mul3A_745 = vector.broadcast %mul3A_744 : i32 to vector<512x1xi32>
    %mul3A_746 = arith.muli %broadcast_in_dim3A_653, %mul3A_745 : vector<512x1xi32>
    %sub3A_747 = arith.subi %add3A, %mul3A_746 : vector<512x1xi32>
    %eq3A_748 = vector.broadcast %sub3A_747 : vector<512x1xi32> to vector<512x128xi32>
    %eq3A_749 = arith.cmpi eq, %iota3A, %eq3A_748 : vector<512x128xi32>
    %jit3A_750 = arith.constant 0xFF800000 : f32
    %broadcast_in_dim3A_751 = vector.broadcast %jit3A_750 : f32 to vector<512x128xf32>
    %select_n3A_752 = arith.select %eq3A_749, %broadcast_in_dim3A_751, %select_n3A_743 : vector<512x128xi1>, vector<512x128xf32>
    %sub3A_753 = arith.subi %add3A_326, %mul3A_746 : vector<512x1xi32>
    %eq3A_754 = vector.broadcast %sub3A_753 : vector<512x1xi32> to vector<512x128xi32>
    %eq3A_755 = arith.cmpi eq, %iota3A, %eq3A_754 : vector<512x128xi32>
    %jit3A_756 = arith.constant 0xFF800000 : f32
    %broadcast_in_dim3A_757 = vector.broadcast %jit3A_756 : f32 to vector<512x128xf32>
    %select_n3A_758 = arith.select %eq3A_755, %broadcast_in_dim3A_757, %select_n3A_752 : vector<512x128xi1>, vector<512x128xf32>
    %sub3A_759 = arith.subi %add3A_471, %mul3A_746 : vector<512x1xi32>
    %eq3A_760 = vector.broadcast %sub3A_759 : vector<512x1xi32> to vector<512x128xi32>
    %eq3A_761 = arith.cmpi eq, %iota3A, %eq3A_760 : vector<512x128xi32>
    %jit3A_762 = arith.constant 0xFF800000 : f32
    %broadcast_in_dim3A_763 = vector.broadcast %jit3A_762 : f32 to vector<512x128xf32>
    %select_n3A_764 = arith.select %eq3A_761, %broadcast_in_dim3A_763, %select_n3A_758 : vector<512x128xi1>, vector<512x128xf32>
    %sub3A_765 = arith.subi %add3A_622, %mul3A_746 : vector<512x1xi32>
    %eq3A_766 = vector.broadcast %sub3A_765 : vector<512x1xi32> to vector<512x128xi32>
    %eq3A_767 = arith.cmpi eq, %iota3A, %eq3A_766 : vector<512x128xi32>
    %jit3A_768 = arith.constant 0xFF800000 : f32
    %broadcast_in_dim3A_769 = vector.broadcast %jit3A_768 : f32 to vector<512x128xf32>
    %select_n3A_770 = arith.select %eq3A_767, %broadcast_in_dim3A_769, %select_n3A_764 : vector<512x128xi1>, vector<512x128xf32>
    %eq3A_771 = vector.broadcast %broadcast_in_dim3A_645 : vector<512x1xf32> to vector<512x128xf32>
    %eq3A_772 = arith.cmpf oeq, %select_n3A_770, %eq3A_771 : vector<512x128xf32>
    %jit3A_773 = arith.constant 128 : i32
    %broadcast_in_dim3A_774 = vector.broadcast %jit3A_773 : i32 to vector<512x128xi32>
    %select_n3A_775 = arith.select %eq3A_772, %iota3A, %broadcast_in_dim3A_774 : vector<512x128xi1>, vector<512x128xi32>
    %reduce_min3A_776 = arith.constant dense<2147483647> : vector<512xi32>
    %reduce_min3A_777 = vector.multi_reduction <minsi>, %select_n3A_775, %reduce_min3A_776 [1] : vector<512x128xi32> to vector<512xi32>
    %broadcast_in_dim3A_778 = vector.shape_cast %reduce_min3A_777 : vector<512xi32> to vector<512x1xi32>
    %add3A_779 = arith.addi %mul3A_746, %broadcast_in_dim3A_778 : vector<512x1xi32>
    %mul3A_780 = arith.constant 2048 : i32
    %mul3A_781 = arith.muli %arg0, %mul3A_780 : i32
    %add3A_782 = vector.broadcast %mul3A_781 : i32 to vector<512x1xi32>
    %add3A_783 = arith.addi %add3A_779, %add3A_782 : vector<512x1xi32>
    %swap3A_784 = arith.constant 0 : index
    %swap3A_785 = arith.constant 4 : index
    %swap3A_786 = vector.load %arg6[%swap3A_784, %swap3A_785] : memref<512x20xi32, #tpu.memory_space<vmem>>, vector<512x1xi32>
    tpu.vector_store %arg6[%swap3A_784, %swap3A_785], %add3A_783 {strides = array<i32>} : memref<512x20xi32, #tpu.memory_space<vmem>>, vector<512x1xi32>,
    %eq3A_787 = vector.broadcast %broadcast_in_dim3A_778 : vector<512x1xi32> to vector<512x128xi32>
    %eq3A_788 = arith.cmpi eq, %iota3A, %eq3A_787 : vector<512x128xi32>
    %jit3A_789 = arith.constant 0xFF800000 : f32
    %broadcast_in_dim3A_790 = vector.broadcast %jit3A_789 : f32 to vector<512x128xf32>
    %select_n3A_791 = arith.select %eq3A_788, %broadcast_in_dim3A_790, %select_n3A_770 : vector<512x128xi1>, vector<512x128xf32>
    %reduce_max3A_792 = arith.constant dense<0xFF800000> : vector<512xf32>
    %reduce_max3A_793 = vector.multi_reduction <maximumf>, %select_n3A_791, %reduce_max3A_792 [1] : vector<512x128xf32> to vector<512xf32>
    %broadcast_in_dim3A_794 = vector.shape_cast %reduce_max3A_793 : vector<512xf32> to vector<512x1xf32>
    %eq3A_795 = vector.broadcast %broadcast_in_dim3A_653 : vector<512x1xi32> to vector<512x16xi32>
    %eq3A_796 = arith.cmpi eq, %iota3A_19, %eq3A_795 : vector<512x16xi32>
    %broadcast_in_dim3A_797 = vector.shape_cast %broadcast_in_dim3A_794 : vector<512x1xf32> to vector<512x1xf32>
    %broadcast_in_dim3A_798 = vector.broadcast %broadcast_in_dim3A_797 : vector<512x1xf32> to vector<512x16xf32>
    %select_n3A_799 = arith.select %eq3A_796, %broadcast_in_dim3A_798, %select_n3A_642 : vector<512x16xi1>, vector<512x16xf32>
    %reduce_max3A_800 = arith.constant dense<0xFF800000> : vector<512xf32>
    %reduce_max3A_801 = vector.multi_reduction <maximumf>, %select_n3A_799, %reduce_max3A_800 [1] : vector<512x16xf32> to vector<512xf32>
    %broadcast_in_dim3A_802 = vector.shape_cast %reduce_max3A_801 : vector<512xf32> to vector<512x1xf32>
    %eq3A_803 = vector.broadcast %broadcast_in_dim3A_802 : vector<512x1xf32> to vector<512x16xf32>
    %eq3A_804 = arith.cmpf oeq, %select_n3A_799, %eq3A_803 : vector<512x16xf32>
    %jit3A_805 = arith.constant 16 : i32
    %broadcast_in_dim3A_806 = vector.broadcast %jit3A_805 : i32 to vector<512x16xi32>
    %select_n3A_807 = arith.select %eq3A_804, %iota3A_19, %broadcast_in_dim3A_806 : vector<512x16xi1>, vector<512x16xi32>
    %reduce_min3A_808 = arith.constant dense<2147483647> : vector<512xi32>
    %reduce_min3A_809 = vector.multi_reduction <minsi>, %select_n3A_807, %reduce_min3A_808 [1] : vector<512x16xi32> to vector<512xi32>
    %broadcast_in_dim3A_810 = vector.shape_cast %reduce_min3A_809 : vector<512xi32> to vector<512x1xi32>
    %eq3A_811 = arith.constant 1 : i32
    %eq3A_812 = vector.broadcast %eq3A_811 : i32 to vector<512x1xi32>
    %eq3A_813 = arith.cmpi eq, %broadcast_in_dim3A_810, %eq3A_812 : vector<512x1xi32>
    %broadcast_in_dim3A_814 = vector.shape_cast %eq3A_813 : vector<512x1xi1> to vector<512x1xi1>
    %broadcast_in_dim3A_815 = vector.broadcast %broadcast_in_dim3A_814 : vector<512x1xi1> to vector<512x128xi1>
    %select_n3A_816 = arith.select %broadcast_in_dim3A_815, %slice3A_20, %slice3A : vector<512x128xi1>, vector<512x128xf32>
    %eq3A_817 = arith.constant 2 : i32
    %eq3A_818 = vector.broadcast %eq3A_817 : i32 to vector<512x1xi32>
    %eq3A_819 = arith.cmpi eq, %broadcast_in_dim3A_810, %eq3A_818 : vector<512x1xi32>
    %broadcast_in_dim3A_820 = vector.shape_cast %eq3A_819 : vector<512x1xi1> to vector<512x1xi1>
    %broadcast_in_dim3A_821 = vector.broadcast %broadcast_in_dim3A_820 : vector<512x1xi1> to vector<512x128xi1>
    %select_n3A_822 = arith.select %broadcast_in_dim3A_821, %slice3A_21, %select_n3A_816 : vector<512x128xi1>, vector<512x128xf32>
    %eq3A_823 = arith.constant 3 : i32
    %eq3A_824 = vector.broadcast %eq3A_823 : i32 to vector<512x1xi32>
    %eq3A_825 = arith.cmpi eq, %broadcast_in_dim3A_810, %eq3A_824 : vector<512x1xi32>
    %broadcast_in_dim3A_826 = vector.shape_cast %eq3A_825 : vector<512x1xi1> to vector<512x1xi1>
    %broadcast_in_dim3A_827 = vector.broadcast %broadcast_in_dim3A_826 : vector<512x1xi1> to vector<512x128xi1>
    %select_n3A_828 = arith.select %broadcast_in_dim3A_827, %slice3A_22, %select_n3A_822 : vector<512x128xi1>, vector<512x128xf32>
    %eq3A_829 = arith.constant 4 : i32
    %eq3A_830 = vector.broadcast %eq3A_829 : i32 to vector<512x1xi32>
    %eq3A_831 = arith.cmpi eq, %broadcast_in_dim3A_810, %eq3A_830 : vector<512x1xi32>
    %broadcast_in_dim3A_832 = vector.shape_cast %eq3A_831 : vector<512x1xi1> to vector<512x1xi1>
    %broadcast_in_dim3A_833 = vector.broadcast %broadcast_in_dim3A_832 : vector<512x1xi1> to vector<512x128xi1>
    %select_n3A_834 = arith.select %broadcast_in_dim3A_833, %slice3A_23, %select_n3A_828 : vector<512x128xi1>, vector<512x128xf32>
    %eq3A_835 = arith.constant 5 : i32
    %eq3A_836 = vector.broadcast %eq3A_835 : i32 to vector<512x1xi32>
    %eq3A_837 = arith.cmpi eq, %broadcast_in_dim3A_810, %eq3A_836 : vector<512x1xi32>
    %broadcast_in_dim3A_838 = vector.shape_cast %eq3A_837 : vector<512x1xi1> to vector<512x1xi1>
    %broadcast_in_dim3A_839 = vector.broadcast %broadcast_in_dim3A_838 : vector<512x1xi1> to vector<512x128xi1>
    %select_n3A_840 = arith.select %broadcast_in_dim3A_839, %slice3A_24, %select_n3A_834 : vector<512x128xi1>, vector<512x128xf32>
    %eq3A_841 = arith.constant 6 : i32
    %eq3A_842 = vector.broadcast %eq3A_841 : i32 to vector<512x1xi32>
    %eq3A_843 = arith.cmpi eq, %broadcast_in_dim3A_810, %eq3A_842 : vector<512x1xi32>
    %broadcast_in_dim3A_844 = vector.shape_cast %eq3A_843 : vector<512x1xi1> to vector<512x1xi1>
    %broadcast_in_dim3A_845 = vector.broadcast %broadcast_in_dim3A_844 : vector<512x1xi1> to vector<512x128xi1>
    %select_n3A_846 = arith.select %broadcast_in_dim3A_845, %slice3A_25, %select_n3A_840 : vector<512x128xi1>, vector<512x128xf32>
    %eq3A_847 = arith.constant 7 : i32
    %eq3A_848 = vector.broadcast %eq3A_847 : i32 to vector<512x1xi32>
    %eq3A_849 = arith.cmpi eq, %broadcast_in_dim3A_810, %eq3A_848 : vector<512x1xi32>
    %broadcast_in_dim3A_850 = vector.shape_cast %eq3A_849 : vector<512x1xi1> to vector<512x1xi1>
    %broadcast_in_dim3A_851 = vector.broadcast %broadcast_in_dim3A_850 : vector<512x1xi1> to vector<512x128xi1>
    %select_n3A_852 = arith.select %broadcast_in_dim3A_851, %slice3A_26, %select_n3A_846 : vector<512x128xi1>, vector<512x128xf32>
    %eq3A_853 = arith.constant 8 : i32
    %eq3A_854 = vector.broadcast %eq3A_853 : i32 to vector<512x1xi32>
    %eq3A_855 = arith.cmpi eq, %broadcast_in_dim3A_810, %eq3A_854 : vector<512x1xi32>
    %broadcast_in_dim3A_856 = vector.shape_cast %eq3A_855 : vector<512x1xi1> to vector<512x1xi1>
    %broadcast_in_dim3A_857 = vector.broadcast %broadcast_in_dim3A_856 : vector<512x1xi1> to vector<512x128xi1>
    %select_n3A_858 = arith.select %broadcast_in_dim3A_857, %slice3A_27, %select_n3A_852 : vector<512x128xi1>, vector<512x128xf32>
    %eq3A_859 = arith.constant 9 : i32
    %eq3A_860 = vector.broadcast %eq3A_859 : i32 to vector<512x1xi32>
    %eq3A_861 = arith.cmpi eq, %broadcast_in_dim3A_810, %eq3A_860 : vector<512x1xi32>
    %broadcast_in_dim3A_862 = vector.shape_cast %eq3A_861 : vector<512x1xi1> to vector<512x1xi1>
    %broadcast_in_dim3A_863 = vector.broadcast %broadcast_in_dim3A_862 : vector<512x1xi1> to vector<512x128xi1>
    %select_n3A_864 = arith.select %broadcast_in_dim3A_863, %slice3A_28, %select_n3A_858 : vector<512x128xi1>, vector<512x128xf32>
    %eq3A_865 = arith.constant 10 : i32
    %eq3A_866 = vector.broadcast %eq3A_865 : i32 to vector<512x1xi32>
    %eq3A_867 = arith.cmpi eq, %broadcast_in_dim3A_810, %eq3A_866 : vector<512x1xi32>
    %broadcast_in_dim3A_868 = vector.shape_cast %eq3A_867 : vector<512x1xi1> to vector<512x1xi1>
    %broadcast_in_dim3A_869 = vector.broadcast %broadcast_in_dim3A_868 : vector<512x1xi1> to vector<512x128xi1>
    %select_n3A_870 = arith.select %broadcast_in_dim3A_869, %slice3A_29, %select_n3A_864 : vector<512x128xi1>, vector<512x128xf32>
    %eq3A_871 = arith.constant 11 : i32
    %eq3A_872 = vector.broadcast %eq3A_871 : i32 to vector<512x1xi32>
    %eq3A_873 = arith.cmpi eq, %broadcast_in_dim3A_810, %eq3A_872 : vector<512x1xi32>
    %broadcast_in_dim3A_874 = vector.shape_cast %eq3A_873 : vector<512x1xi1> to vector<512x1xi1>
    %broadcast_in_dim3A_875 = vector.broadcast %broadcast_in_dim3A_874 : vector<512x1xi1> to vector<512x128xi1>
    %select_n3A_876 = arith.select %broadcast_in_dim3A_875, %slice3A_30, %select_n3A_870 : vector<512x128xi1>, vector<512x128xf32>
    %eq3A_877 = arith.constant 12 : i32
    %eq3A_878 = vector.broadcast %eq3A_877 : i32 to vector<512x1xi32>
    %eq3A_879 = arith.cmpi eq, %broadcast_in_dim3A_810, %eq3A_878 : vector<512x1xi32>
    %broadcast_in_dim3A_880 = vector.shape_cast %eq3A_879 : vector<512x1xi1> to vector<512x1xi1>
    %broadcast_in_dim3A_881 = vector.broadcast %broadcast_in_dim3A_880 : vector<512x1xi1> to vector<512x128xi1>
    %select_n3A_882 = arith.select %broadcast_in_dim3A_881, %slice3A_31, %select_n3A_876 : vector<512x128xi1>, vector<512x128xf32>
    %eq3A_883 = arith.constant 13 : i32
    %eq3A_884 = vector.broadcast %eq3A_883 : i32 to vector<512x1xi32>
    %eq3A_885 = arith.cmpi eq, %broadcast_in_dim3A_810, %eq3A_884 : vector<512x1xi32>
    %broadcast_in_dim3A_886 = vector.shape_cast %eq3A_885 : vector<512x1xi1> to vector<512x1xi1>
    %broadcast_in_dim3A_887 = vector.broadcast %broadcast_in_dim3A_886 : vector<512x1xi1> to vector<512x128xi1>
    %select_n3A_888 = arith.select %broadcast_in_dim3A_887, %slice3A_32, %select_n3A_882 : vector<512x128xi1>, vector<512x128xf32>
    %eq3A_889 = arith.constant 14 : i32
    %eq3A_890 = vector.broadcast %eq3A_889 : i32 to vector<512x1xi32>
    %eq3A_891 = arith.cmpi eq, %broadcast_in_dim3A_810, %eq3A_890 : vector<512x1xi32>
    %broadcast_in_dim3A_892 = vector.shape_cast %eq3A_891 : vector<512x1xi1> to vector<512x1xi1>
    %broadcast_in_dim3A_893 = vector.broadcast %broadcast_in_dim3A_892 : vector<512x1xi1> to vector<512x128xi1>
    %select_n3A_894 = arith.select %broadcast_in_dim3A_893, %slice3A_33, %select_n3A_888 : vector<512x128xi1>, vector<512x128xf32>
    %eq3A_895 = arith.constant 15 : i32
    %eq3A_896 = vector.broadcast %eq3A_895 : i32 to vector<512x1xi32>
    %eq3A_897 = arith.cmpi eq, %broadcast_in_dim3A_810, %eq3A_896 : vector<512x1xi32>
    %broadcast_in_dim3A_898 = vector.shape_cast %eq3A_897 : vector<512x1xi1> to vector<512x1xi1>
    %broadcast_in_dim3A_899 = vector.broadcast %broadcast_in_dim3A_898 : vector<512x1xi1> to vector<512x128xi1>
    %select_n3A_900 = arith.select %broadcast_in_dim3A_899, %slice3A_34, %select_n3A_894 : vector<512x128xi1>, vector<512x128xf32>
    %mul3A_901 = arith.constant 128 : i32
    %mul3A_902 = vector.broadcast %mul3A_901 : i32 to vector<512x1xi32>
    %mul3A_903 = arith.muli %broadcast_in_dim3A_810, %mul3A_902 : vector<512x1xi32>
    %sub3A_904 = arith.subi %add3A, %mul3A_903 : vector<512x1xi32>
    %eq3A_905 = vector.broadcast %sub3A_904 : vector<512x1xi32> to vector<512x128xi32>
    %eq3A_906 = arith.cmpi eq, %iota3A, %eq3A_905 : vector<512x128xi32>
    %jit3A_907 = arith.constant 0xFF800000 : f32
    %broadcast_in_dim3A_908 = vector.broadcast %jit3A_907 : f32 to vector<512x128xf32>
    %select_n3A_909 = arith.select %eq3A_906, %broadcast_in_dim3A_908, %select_n3A_900 : vector<512x128xi1>, vector<512x128xf32>
    %sub3A_910 = arith.subi %add3A_326, %mul3A_903 : vector<512x1xi32>
    %eq3A_911 = vector.broadcast %sub3A_910 : vector<512x1xi32> to vector<512x128xi32>
    %eq3A_912 = arith.cmpi eq, %iota3A, %eq3A_911 : vector<512x128xi32>
    %jit3A_913 = arith.constant 0xFF800000 : f32
    %broadcast_in_dim3A_914 = vector.broadcast %jit3A_913 : f32 to vector<512x128xf32>
    %select_n3A_915 = arith.select %eq3A_912, %broadcast_in_dim3A_914, %select_n3A_909 : vector<512x128xi1>, vector<512x128xf32>
    %sub3A_916 = arith.subi %add3A_471, %mul3A_903 : vector<512x1xi32>
    %eq3A_917 = vector.broadcast %sub3A_916 : vector<512x1xi32> to vector<512x128xi32>
    %eq3A_918 = arith.cmpi eq, %iota3A, %eq3A_917 : vector<512x128xi32>
    %jit3A_919 = arith.constant 0xFF800000 : f32
    %broadcast_in_dim3A_920 = vector.broadcast %jit3A_919 : f32 to vector<512x128xf32>
    %select_n3A_921 = arith.select %eq3A_918, %broadcast_in_dim3A_920, %select_n3A_915 : vector<512x128xi1>, vector<512x128xf32>
    %sub3A_922 = arith.subi %add3A_622, %mul3A_903 : vector<512x1xi32>
    %eq3A_923 = vector.broadcast %sub3A_922 : vector<512x1xi32> to vector<512x128xi32>
    %eq3A_924 = arith.cmpi eq, %iota3A, %eq3A_923 : vector<512x128xi32>
    %jit3A_925 = arith.constant 0xFF800000 : f32
    %broadcast_in_dim3A_926 = vector.broadcast %jit3A_925 : f32 to vector<512x128xf32>
    %select_n3A_927 = arith.select %eq3A_924, %broadcast_in_dim3A_926, %select_n3A_921 : vector<512x128xi1>, vector<512x128xf32>
    %sub3A_928 = arith.subi %add3A_779, %mul3A_903 : vector<512x1xi32>
    %eq3A_929 = vector.broadcast %sub3A_928 : vector<512x1xi32> to vector<512x128xi32>
    %eq3A_930 = arith.cmpi eq, %iota3A, %eq3A_929 : vector<512x128xi32>
    %jit3A_931 = arith.constant 0xFF800000 : f32
    %broadcast_in_dim3A_932 = vector.broadcast %jit3A_931 : f32 to vector<512x128xf32>
    %select_n3A_933 = arith.select %eq3A_930, %broadcast_in_dim3A_932, %select_n3A_927 : vector<512x128xi1>, vector<512x128xf32>
    %eq3A_934 = vector.broadcast %broadcast_in_dim3A_802 : vector<512x1xf32> to vector<512x128xf32>
    %eq3A_935 = arith.cmpf oeq, %select_n3A_933, %eq3A_934 : vector<512x128xf32>
    %jit3A_936 = arith.constant 128 : i32
    %broadcast_in_dim3A_937 = vector.broadcast %jit3A_936 : i32 to vector<512x128xi32>
    %select_n3A_938 = arith.select %eq3A_935, %iota3A, %broadcast_in_dim3A_937 : vector<512x128xi1>, vector<512x128xi32>
    %reduce_min3A_939 = arith.constant dense<2147483647> : vector<512xi32>
    %reduce_min3A_940 = vector.multi_reduction <minsi>, %select_n3A_938, %reduce_min3A_939 [1] : vector<512x128xi32> to vector<512xi32>
    %broadcast_in_dim3A_941 = vector.shape_cast %reduce_min3A_940 : vector<512xi32> to vector<512x1xi32>
    %add3A_942 = arith.addi %mul3A_903, %broadcast_in_dim3A_941 : vector<512x1xi32>
    %mul3A_943 = arith.constant 2048 : i32
    %mul3A_944 = arith.muli %arg0, %mul3A_943 : i32
    %add3A_945 = vector.broadcast %mul3A_944 : i32 to vector<512x1xi32>
    %add3A_946 = arith.addi %add3A_942, %add3A_945 : vector<512x1xi32>
    %swap3A_947 = arith.constant 0 : index
    %swap3A_948 = arith.constant 5 : index
    %swap3A_949 = vector.load %arg6[%swap3A_947, %swap3A_948] : memref<512x20xi32, #tpu.memory_space<vmem>>, vector<512x1xi32>
    tpu.vector_store %arg6[%swap3A_947, %swap3A_948], %add3A_946 {strides = array<i32>} : memref<512x20xi32, #tpu.memory_space<vmem>>, vector<512x1xi32>,
    %eq3A_950 = vector.broadcast %broadcast_in_dim3A_941 : vector<512x1xi32> to vector<512x128xi32>
    %eq3A_951 = arith.cmpi eq, %iota3A, %eq3A_950 : vector<512x128xi32>
    %jit3A_952 = arith.constant 0xFF800000 : f32
    %broadcast_in_dim3A_953 = vector.broadcast %jit3A_952 : f32 to vector<512x128xf32>
    %select_n3A_954 = arith.select %eq3A_951, %broadcast_in_dim3A_953, %select_n3A_933 : vector<512x128xi1>, vector<512x128xf32>
    %reduce_max3A_955 = arith.constant dense<0xFF800000> : vector<512xf32>
    %reduce_max3A_956 = vector.multi_reduction <maximumf>, %select_n3A_954, %reduce_max3A_955 [1] : vector<512x128xf32> to vector<512xf32>
    %broadcast_in_dim3A_957 = vector.shape_cast %reduce_max3A_956 : vector<512xf32> to vector<512x1xf32>
    %eq3A_958 = vector.broadcast %broadcast_in_dim3A_810 : vector<512x1xi32> to vector<512x16xi32>
    %eq3A_959 = arith.cmpi eq, %iota3A_19, %eq3A_958 : vector<512x16xi32>
    %broadcast_in_dim3A_960 = vector.shape_cast %broadcast_in_dim3A_957 : vector<512x1xf32> to vector<512x1xf32>
    %broadcast_in_dim3A_961 = vector.broadcast %broadcast_in_dim3A_960 : vector<512x1xf32> to vector<512x16xf32>
    %select_n3A_962 = arith.select %eq3A_959, %broadcast_in_dim3A_961, %select_n3A_799 : vector<512x16xi1>, vector<512x16xf32>
    %reduce_max3A_963 = arith.constant dense<0xFF800000> : vector<512xf32>
    %reduce_max3A_964 = vector.multi_reduction <maximumf>, %select_n3A_962, %reduce_max3A_963 [1] : vector<512x16xf32> to vector<512xf32>
    %broadcast_in_dim3A_965 = vector.shape_cast %reduce_max3A_964 : vector<512xf32> to vector<512x1xf32>
    %eq3A_966 = vector.broadcast %broadcast_in_dim3A_965 : vector<512x1xf32> to vector<512x16xf32>
    %eq3A_967 = arith.cmpf oeq, %select_n3A_962, %eq3A_966 : vector<512x16xf32>
    %jit3A_968 = arith.constant 16 : i32
    %broadcast_in_dim3A_969 = vector.broadcast %jit3A_968 : i32 to vector<512x16xi32>
    %select_n3A_970 = arith.select %eq3A_967, %iota3A_19, %broadcast_in_dim3A_969 : vector<512x16xi1>, vector<512x16xi32>
    %reduce_min3A_971 = arith.constant dense<2147483647> : vector<512xi32>
    %reduce_min3A_972 = vector.multi_reduction <minsi>, %select_n3A_970, %reduce_min3A_971 [1] : vector<512x16xi32> to vector<512xi32>
    %broadcast_in_dim3A_973 = vector.shape_cast %reduce_min3A_972 : vector<512xi32> to vector<512x1xi32>
    %eq3A_974 = arith.constant 1 : i32
    %eq3A_975 = vector.broadcast %eq3A_974 : i32 to vector<512x1xi32>
    %eq3A_976 = arith.cmpi eq, %broadcast_in_dim3A_973, %eq3A_975 : vector<512x1xi32>
    %broadcast_in_dim3A_977 = vector.shape_cast %eq3A_976 : vector<512x1xi1> to vector<512x1xi1>
    %broadcast_in_dim3A_978 = vector.broadcast %broadcast_in_dim3A_977 : vector<512x1xi1> to vector<512x128xi1>
    %select_n3A_979 = arith.select %broadcast_in_dim3A_978, %slice3A_20, %slice3A : vector<512x128xi1>, vector<512x128xf32>
    %eq3A_980 = arith.constant 2 : i32
    %eq3A_981 = vector.broadcast %eq3A_980 : i32 to vector<512x1xi32>
    %eq3A_982 = arith.cmpi eq, %broadcast_in_dim3A_973, %eq3A_981 : vector<512x1xi32>
    %broadcast_in_dim3A_983 = vector.shape_cast %eq3A_982 : vector<512x1xi1> to vector<512x1xi1>
    %broadcast_in_dim3A_984 = vector.broadcast %broadcast_in_dim3A_983 : vector<512x1xi1> to vector<512x128xi1>
    %select_n3A_985 = arith.select %broadcast_in_dim3A_984, %slice3A_21, %select_n3A_979 : vector<512x128xi1>, vector<512x128xf32>
    %eq3A_986 = arith.constant 3 : i32
    %eq3A_987 = vector.broadcast %eq3A_986 : i32 to vector<512x1xi32>
    %eq3A_988 = arith.cmpi eq, %broadcast_in_dim3A_973, %eq3A_987 : vector<512x1xi32>
    %broadcast_in_dim3A_989 = vector.shape_cast %eq3A_988 : vector<512x1xi1> to vector<512x1xi1>
    %broadcast_in_dim3A_990 = vector.broadcast %broadcast_in_dim3A_989 : vector<512x1xi1> to vector<512x128xi1>
    %select_n3A_991 = arith.select %broadcast_in_dim3A_990, %slice3A_22, %select_n3A_985 : vector<512x128xi1>, vector<512x128xf32>
    %eq3A_992 = arith.constant 4 : i32
    %eq3A_993 = vector.broadcast %eq3A_992 : i32 to vector<512x1xi32>
    %eq3A_994 = arith.cmpi eq, %broadcast_in_dim3A_973, %eq3A_993 : vector<512x1xi32>
    %broadcast_in_dim3A_995 = vector.shape_cast %eq3A_994 : vector<512x1xi1> to vector<512x1xi1>
    %broadcast_in_dim3A_996 = vector.broadcast %broadcast_in_dim3A_995 : vector<512x1xi1> to vector<512x128xi1>
    %select_n3A_997 = arith.select %broadcast_in_dim3A_996, %slice3A_23, %select_n3A_991 : vector<512x128xi1>, vector<512x128xf32>
    %eq3A_998 = arith.constant 5 : i32
    %eq3A_999 = vector.broadcast %eq3A_998 : i32 to vector<512x1xi32>
    %eq3A_1000 = arith.cmpi eq, %broadcast_in_dim3A_973, %eq3A_999 : vector<512x1xi32>
    %broadcast_in_dim3A_1001 = vector.shape_cast %eq3A_1000 : vector<512x1xi1> to vector<512x1xi1>
    %broadcast_in_dim3A_1002 = vector.broadcast %broadcast_in_dim3A_1001 : vector<512x1xi1> to vector<512x128xi1>
    %select_n3A_1003 = arith.select %broadcast_in_dim3A_1002, %slice3A_24, %select_n3A_997 : vector<512x128xi1>, vector<512x128xf32>
    %eq3A_1004 = arith.constant 6 : i32
    %eq3A_1005 = vector.broadcast %eq3A_1004 : i32 to vector<512x1xi32>
    %eq3A_1006 = arith.cmpi eq, %broadcast_in_dim3A_973, %eq3A_1005 : vector<512x1xi32>
    %broadcast_in_dim3A_1007 = vector.shape_cast %eq3A_1006 : vector<512x1xi1> to vector<512x1xi1>
    %broadcast_in_dim3A_1008 = vector.broadcast %broadcast_in_dim3A_1007 : vector<512x1xi1> to vector<512x128xi1>
    %select_n3A_1009 = arith.select %broadcast_in_dim3A_1008, %slice3A_25, %select_n3A_1003 : vector<512x128xi1>, vector<512x128xf32>
    %eq3A_1010 = arith.constant 7 : i32
    %eq3A_1011 = vector.broadcast %eq3A_1010 : i32 to vector<512x1xi32>
    %eq3A_1012 = arith.cmpi eq, %broadcast_in_dim3A_973, %eq3A_1011 : vector<512x1xi32>
    %broadcast_in_dim3A_1013 = vector.shape_cast %eq3A_1012 : vector<512x1xi1> to vector<512x1xi1>
    %broadcast_in_dim3A_1014 = vector.broadcast %broadcast_in_dim3A_1013 : vector<512x1xi1> to vector<512x128xi1>
    %select_n3A_1015 = arith.select %broadcast_in_dim3A_1014, %slice3A_26, %select_n3A_1009 : vector<512x128xi1>, vector<512x128xf32>
    %eq3A_1016 = arith.constant 8 : i32
    %eq3A_1017 = vector.broadcast %eq3A_1016 : i32 to vector<512x1xi32>
    %eq3A_1018 = arith.cmpi eq, %broadcast_in_dim3A_973, %eq3A_1017 : vector<512x1xi32>
    %broadcast_in_dim3A_1019 = vector.shape_cast %eq3A_1018 : vector<512x1xi1> to vector<512x1xi1>
    %broadcast_in_dim3A_1020 = vector.broadcast %broadcast_in_dim3A_1019 : vector<512x1xi1> to vector<512x128xi1>
    %select_n3A_1021 = arith.select %broadcast_in_dim3A_1020, %slice3A_27, %select_n3A_1015 : vector<512x128xi1>, vector<512x128xf32>
    %eq3A_1022 = arith.constant 9 : i32
    %eq3A_1023 = vector.broadcast %eq3A_1022 : i32 to vector<512x1xi32>
    %eq3A_1024 = arith.cmpi eq, %broadcast_in_dim3A_973, %eq3A_1023 : vector<512x1xi32>
    %broadcast_in_dim3A_1025 = vector.shape_cast %eq3A_1024 : vector<512x1xi1> to vector<512x1xi1>
    %broadcast_in_dim3A_1026 = vector.broadcast %broadcast_in_dim3A_1025 : vector<512x1xi1> to vector<512x128xi1>
    %select_n3A_1027 = arith.select %broadcast_in_dim3A_1026, %slice3A_28, %select_n3A_1021 : vector<512x128xi1>, vector<512x128xf32>
    %eq3A_1028 = arith.constant 10 : i32
    %eq3A_1029 = vector.broadcast %eq3A_1028 : i32 to vector<512x1xi32>
    %eq3A_1030 = arith.cmpi eq, %broadcast_in_dim3A_973, %eq3A_1029 : vector<512x1xi32>
    %broadcast_in_dim3A_1031 = vector.shape_cast %eq3A_1030 : vector<512x1xi1> to vector<512x1xi1>
    %broadcast_in_dim3A_1032 = vector.broadcast %broadcast_in_dim3A_1031 : vector<512x1xi1> to vector<512x128xi1>
    %select_n3A_1033 = arith.select %broadcast_in_dim3A_1032, %slice3A_29, %select_n3A_1027 : vector<512x128xi1>, vector<512x128xf32>
    %eq3A_1034 = arith.constant 11 : i32
    %eq3A_1035 = vector.broadcast %eq3A_1034 : i32 to vector<512x1xi32>
    %eq3A_1036 = arith.cmpi eq, %broadcast_in_dim3A_973, %eq3A_1035 : vector<512x1xi32>
    %broadcast_in_dim3A_1037 = vector.shape_cast %eq3A_1036 : vector<512x1xi1> to vector<512x1xi1>
    %broadcast_in_dim3A_1038 = vector.broadcast %broadcast_in_dim3A_1037 : vector<512x1xi1> to vector<512x128xi1>
    %select_n3A_1039 = arith.select %broadcast_in_dim3A_1038, %slice3A_30, %select_n3A_1033 : vector<512x128xi1>, vector<512x128xf32>
    %eq3A_1040 = arith.constant 12 : i32
    %eq3A_1041 = vector.broadcast %eq3A_1040 : i32 to vector<512x1xi32>
    %eq3A_1042 = arith.cmpi eq, %broadcast_in_dim3A_973, %eq3A_1041 : vector<512x1xi32>
    %broadcast_in_dim3A_1043 = vector.shape_cast %eq3A_1042 : vector<512x1xi1> to vector<512x1xi1>
    %broadcast_in_dim3A_1044 = vector.broadcast %broadcast_in_dim3A_1043 : vector<512x1xi1> to vector<512x128xi1>
    %select_n3A_1045 = arith.select %broadcast_in_dim3A_1044, %slice3A_31, %select_n3A_1039 : vector<512x128xi1>, vector<512x128xf32>
    %eq3A_1046 = arith.constant 13 : i32
    %eq3A_1047 = vector.broadcast %eq3A_1046 : i32 to vector<512x1xi32>
    %eq3A_1048 = arith.cmpi eq, %broadcast_in_dim3A_973, %eq3A_1047 : vector<512x1xi32>
    %broadcast_in_dim3A_1049 = vector.shape_cast %eq3A_1048 : vector<512x1xi1> to vector<512x1xi1>
    %broadcast_in_dim3A_1050 = vector.broadcast %broadcast_in_dim3A_1049 : vector<512x1xi1> to vector<512x128xi1>
    %select_n3A_1051 = arith.select %broadcast_in_dim3A_1050, %slice3A_32, %select_n3A_1045 : vector<512x128xi1>, vector<512x128xf32>
    %eq3A_1052 = arith.constant 14 : i32
    %eq3A_1053 = vector.broadcast %eq3A_1052 : i32 to vector<512x1xi32>
    %eq3A_1054 = arith.cmpi eq, %broadcast_in_dim3A_973, %eq3A_1053 : vector<512x1xi32>
    %broadcast_in_dim3A_1055 = vector.shape_cast %eq3A_1054 : vector<512x1xi1> to vector<512x1xi1>
    %broadcast_in_dim3A_1056 = vector.broadcast %broadcast_in_dim3A_1055 : vector<512x1xi1> to vector<512x128xi1>
    %select_n3A_1057 = arith.select %broadcast_in_dim3A_1056, %slice3A_33, %select_n3A_1051 : vector<512x128xi1>, vector<512x128xf32>
    %eq3A_1058 = arith.constant 15 : i32
    %eq3A_1059 = vector.broadcast %eq3A_1058 : i32 to vector<512x1xi32>
    %eq3A_1060 = arith.cmpi eq, %broadcast_in_dim3A_973, %eq3A_1059 : vector<512x1xi32>
    %broadcast_in_dim3A_1061 = vector.shape_cast %eq3A_1060 : vector<512x1xi1> to vector<512x1xi1>
    %broadcast_in_dim3A_1062 = vector.broadcast %broadcast_in_dim3A_1061 : vector<512x1xi1> to vector<512x128xi1>
    %select_n3A_1063 = arith.select %broadcast_in_dim3A_1062, %slice3A_34, %select_n3A_1057 : vector<512x128xi1>, vector<512x128xf32>
    %mul3A_1064 = arith.constant 128 : i32
    %mul3A_1065 = vector.broadcast %mul3A_1064 : i32 to vector<512x1xi32>
    %mul3A_1066 = arith.muli %broadcast_in_dim3A_973, %mul3A_1065 : vector<512x1xi32>
    %sub3A_1067 = arith.subi %add3A, %mul3A_1066 : vector<512x1xi32>
    %eq3A_1068 = vector.broadcast %sub3A_1067 : vector<512x1xi32> to vector<512x128xi32>
    %eq3A_1069 = arith.cmpi eq, %iota3A, %eq3A_1068 : vector<512x128xi32>
    %jit3A_1070 = arith.constant 0xFF800000 : f32
    %broadcast_in_dim3A_1071 = vector.broadcast %jit3A_1070 : f32 to vector<512x128xf32>
    %select_n3A_1072 = arith.select %eq3A_1069, %broadcast_in_dim3A_1071, %select_n3A_1063 : vector<512x128xi1>, vector<512x128xf32>
    %sub3A_1073 = arith.subi %add3A_326, %mul3A_1066 : vector<512x1xi32>
    %eq3A_1074 = vector.broadcast %sub3A_1073 : vector<512x1xi32> to vector<512x128xi32>
    %eq3A_1075 = arith.cmpi eq, %iota3A, %eq3A_1074 : vector<512x128xi32>
    %jit3A_1076 = arith.constant 0xFF800000 : f32
    %broadcast_in_dim3A_1077 = vector.broadcast %jit3A_1076 : f32 to vector<512x128xf32>
    %select_n3A_1078 = arith.select %eq3A_1075, %broadcast_in_dim3A_1077, %select_n3A_1072 : vector<512x128xi1>, vector<512x128xf32>
    %sub3A_1079 = arith.subi %add3A_471, %mul3A_1066 : vector<512x1xi32>
    %eq3A_1080 = vector.broadcast %sub3A_1079 : vector<512x1xi32> to vector<512x128xi32>
    %eq3A_1081 = arith.cmpi eq, %iota3A, %eq3A_1080 : vector<512x128xi32>
    %jit3A_1082 = arith.constant 0xFF800000 : f32
    %broadcast_in_dim3A_1083 = vector.broadcast %jit3A_1082 : f32 to vector<512x128xf32>
    %select_n3A_1084 = arith.select %eq3A_1081, %broadcast_in_dim3A_1083, %select_n3A_1078 : vector<512x128xi1>, vector<512x128xf32>
    %sub3A_1085 = arith.subi %add3A_622, %mul3A_1066 : vector<512x1xi32>
    %eq3A_1086 = vector.broadcast %sub3A_1085 : vector<512x1xi32> to vector<512x128xi32>
    %eq3A_1087 = arith.cmpi eq, %iota3A, %eq3A_1086 : vector<512x128xi32>
    %jit3A_1088 = arith.constant 0xFF800000 : f32
    %broadcast_in_dim3A_1089 = vector.broadcast %jit3A_1088 : f32 to vector<512x128xf32>
    %select_n3A_1090 = arith.select %eq3A_1087, %broadcast_in_dim3A_1089, %select_n3A_1084 : vector<512x128xi1>, vector<512x128xf32>
    %sub3A_1091 = arith.subi %add3A_779, %mul3A_1066 : vector<512x1xi32>
    %eq3A_1092 = vector.broadcast %sub3A_1091 : vector<512x1xi32> to vector<512x128xi32>
    %eq3A_1093 = arith.cmpi eq, %iota3A, %eq3A_1092 : vector<512x128xi32>
    %jit3A_1094 = arith.constant 0xFF800000 : f32
    %broadcast_in_dim3A_1095 = vector.broadcast %jit3A_1094 : f32 to vector<512x128xf32>
    %select_n3A_1096 = arith.select %eq3A_1093, %broadcast_in_dim3A_1095, %select_n3A_1090 : vector<512x128xi1>, vector<512x128xf32>
    %sub3A_1097 = arith.subi %add3A_942, %mul3A_1066 : vector<512x1xi32>
    %eq3A_1098 = vector.broadcast %sub3A_1097 : vector<512x1xi32> to vector<512x128xi32>
    %eq3A_1099 = arith.cmpi eq, %iota3A, %eq3A_1098 : vector<512x128xi32>
    %jit3A_1100 = arith.constant 0xFF800000 : f32
    %broadcast_in_dim3A_1101 = vector.broadcast %jit3A_1100 : f32 to vector<512x128xf32>
    %select_n3A_1102 = arith.select %eq3A_1099, %broadcast_in_dim3A_1101, %select_n3A_1096 : vector<512x128xi1>, vector<512x128xf32>
    %eq3A_1103 = vector.broadcast %broadcast_in_dim3A_965 : vector<512x1xf32> to vector<512x128xf32>
    %eq3A_1104 = arith.cmpf oeq, %select_n3A_1102, %eq3A_1103 : vector<512x128xf32>
    %jit3A_1105 = arith.constant 128 : i32
    %broadcast_in_dim3A_1106 = vector.broadcast %jit3A_1105 : i32 to vector<512x128xi32>
    %select_n3A_1107 = arith.select %eq3A_1104, %iota3A, %broadcast_in_dim3A_1106 : vector<512x128xi1>, vector<512x128xi32>
    %reduce_min3A_1108 = arith.constant dense<2147483647> : vector<512xi32>
    %reduce_min3A_1109 = vector.multi_reduction <minsi>, %select_n3A_1107, %reduce_min3A_1108 [1] : vector<512x128xi32> to vector<512xi32>
    %broadcast_in_dim3A_1110 = vector.shape_cast %reduce_min3A_1109 : vector<512xi32> to vector<512x1xi32>
    %add3A_1111 = arith.addi %mul3A_1066, %broadcast_in_dim3A_1110 : vector<512x1xi32>
    %mul3A_1112 = arith.constant 2048 : i32
    %mul3A_1113 = arith.muli %arg0, %mul3A_1112 : i32
    %add3A_1114 = vector.broadcast %mul3A_1113 : i32 to vector<512x1xi32>
    %add3A_1115 = arith.addi %add3A_1111, %add3A_1114 : vector<512x1xi32>
    %swap3A_1116 = arith.constant 0 : index
    %swap3A_1117 = arith.constant 6 : index
    %swap3A_1118 = vector.load %arg6[%swap3A_1116, %swap3A_1117] : memref<512x20xi32, #tpu.memory_space<vmem>>, vector<512x1xi32>
    tpu.vector_store %arg6[%swap3A_1116, %swap3A_1117], %add3A_1115 {strides = array<i32>} : memref<512x20xi32, #tpu.memory_space<vmem>>, vector<512x1xi32>,
    %eq3A_1119 = vector.broadcast %broadcast_in_dim3A_1110 : vector<512x1xi32> to vector<512x128xi32>
    %eq3A_1120 = arith.cmpi eq, %iota3A, %eq3A_1119 : vector<512x128xi32>
    %jit3A_1121 = arith.constant 0xFF800000 : f32
    %broadcast_in_dim3A_1122 = vector.broadcast %jit3A_1121 : f32 to vector<512x128xf32>
    %select_n3A_1123 = arith.select %eq3A_1120, %broadcast_in_dim3A_1122, %select_n3A_1102 : vector<512x128xi1>, vector<512x128xf32>
    %reduce_max3A_1124 = arith.constant dense<0xFF800000> : vector<512xf32>
    %reduce_max3A_1125 = vector.multi_reduction <maximumf>, %select_n3A_1123, %reduce_max3A_1124 [1] : vector<512x128xf32> to vector<512xf32>
    %broadcast_in_dim3A_1126 = vector.shape_cast %reduce_max3A_1125 : vector<512xf32> to vector<512x1xf32>
    %eq3A_1127 = vector.broadcast %broadcast_in_dim3A_973 : vector<512x1xi32> to vector<512x16xi32>
    %eq3A_1128 = arith.cmpi eq, %iota3A_19, %eq3A_1127 : vector<512x16xi32>
    %broadcast_in_dim3A_1129 = vector.shape_cast %broadcast_in_dim3A_1126 : vector<512x1xf32> to vector<512x1xf32>
    %broadcast_in_dim3A_1130 = vector.broadcast %broadcast_in_dim3A_1129 : vector<512x1xf32> to vector<512x16xf32>
    %select_n3A_1131 = arith.select %eq3A_1128, %broadcast_in_dim3A_1130, %select_n3A_962 : vector<512x16xi1>, vector<512x16xf32>
    %reduce_max3A_1132 = arith.constant dense<0xFF800000> : vector<512xf32>
    %reduce_max3A_1133 = vector.multi_reduction <maximumf>, %select_n3A_1131, %reduce_max3A_1132 [1] : vector<512x16xf32> to vector<512xf32>
    %broadcast_in_dim3A_1134 = vector.shape_cast %reduce_max3A_1133 : vector<512xf32> to vector<512x1xf32>
    %eq3A_1135 = vector.broadcast %broadcast_in_dim3A_1134 : vector<512x1xf32> to vector<512x16xf32>
    %eq3A_1136 = arith.cmpf oeq, %select_n3A_1131, %eq3A_1135 : vector<512x16xf32>
    %jit3A_1137 = arith.constant 16 : i32
    %broadcast_in_dim3A_1138 = vector.broadcast %jit3A_1137 : i32 to vector<512x16xi32>
    %select_n3A_1139 = arith.select %eq3A_1136, %iota3A_19, %broadcast_in_dim3A_1138 : vector<512x16xi1>, vector<512x16xi32>
    %reduce_min3A_1140 = arith.constant dense<2147483647> : vector<512xi32>
    %reduce_min3A_1141 = vector.multi_reduction <minsi>, %select_n3A_1139, %reduce_min3A_1140 [1] : vector<512x16xi32> to vector<512xi32>
    %broadcast_in_dim3A_1142 = vector.shape_cast %reduce_min3A_1141 : vector<512xi32> to vector<512x1xi32>
    %eq3A_1143 = arith.constant 1 : i32
    %eq3A_1144 = vector.broadcast %eq3A_1143 : i32 to vector<512x1xi32>
    %eq3A_1145 = arith.cmpi eq, %broadcast_in_dim3A_1142, %eq3A_1144 : vector<512x1xi32>
    %broadcast_in_dim3A_1146 = vector.shape_cast %eq3A_1145 : vector<512x1xi1> to vector<512x1xi1>
    %broadcast_in_dim3A_1147 = vector.broadcast %broadcast_in_dim3A_1146 : vector<512x1xi1> to vector<512x128xi1>
    %select_n3A_1148 = arith.select %broadcast_in_dim3A_1147, %slice3A_20, %slice3A : vector<512x128xi1>, vector<512x128xf32>
    %eq3A_1149 = arith.constant 2 : i32
    %eq3A_1150 = vector.broadcast %eq3A_1149 : i32 to vector<512x1xi32>
    %eq3A_1151 = arith.cmpi eq, %broadcast_in_dim3A_1142, %eq3A_1150 : vector<512x1xi32>
    %broadcast_in_dim3A_1152 = vector.shape_cast %eq3A_1151 : vector<512x1xi1> to vector<512x1xi1>
    %broadcast_in_dim3A_1153 = vector.broadcast %broadcast_in_dim3A_1152 : vector<512x1xi1> to vector<512x128xi1>
    %select_n3A_1154 = arith.select %broadcast_in_dim3A_1153, %slice3A_21, %select_n3A_1148 : vector<512x128xi1>, vector<512x128xf32>
    %eq3A_1155 = arith.constant 3 : i32
    %eq3A_1156 = vector.broadcast %eq3A_1155 : i32 to vector<512x1xi32>
    %eq3A_1157 = arith.cmpi eq, %broadcast_in_dim3A_1142, %eq3A_1156 : vector<512x1xi32>
    %broadcast_in_dim3A_1158 = vector.shape_cast %eq3A_1157 : vector<512x1xi1> to vector<512x1xi1>
    %broadcast_in_dim3A_1159 = vector.broadcast %broadcast_in_dim3A_1158 : vector<512x1xi1> to vector<512x128xi1>
    %select_n3A_1160 = arith.select %broadcast_in_dim3A_1159, %slice3A_22, %select_n3A_1154 : vector<512x128xi1>, vector<512x128xf32>
    %eq3A_1161 = arith.constant 4 : i32
    %eq3A_1162 = vector.broadcast %eq3A_1161 : i32 to vector<512x1xi32>
    %eq3A_1163 = arith.cmpi eq, %broadcast_in_dim3A_1142, %eq3A_1162 : vector<512x1xi32>
    %broadcast_in_dim3A_1164 = vector.shape_cast %eq3A_1163 : vector<512x1xi1> to vector<512x1xi1>
    %broadcast_in_dim3A_1165 = vector.broadcast %broadcast_in_dim3A_1164 : vector<512x1xi1> to vector<512x128xi1>
    %select_n3A_1166 = arith.select %broadcast_in_dim3A_1165, %slice3A_23, %select_n3A_1160 : vector<512x128xi1>, vector<512x128xf32>
    %eq3A_1167 = arith.constant 5 : i32
    %eq3A_1168 = vector.broadcast %eq3A_1167 : i32 to vector<512x1xi32>
    %eq3A_1169 = arith.cmpi eq, %broadcast_in_dim3A_1142, %eq3A_1168 : vector<512x1xi32>
    %broadcast_in_dim3A_1170 = vector.shape_cast %eq3A_1169 : vector<512x1xi1> to vector<512x1xi1>
    %broadcast_in_dim3A_1171 = vector.broadcast %broadcast_in_dim3A_1170 : vector<512x1xi1> to vector<512x128xi1>
    %select_n3A_1172 = arith.select %broadcast_in_dim3A_1171, %slice3A_24, %select_n3A_1166 : vector<512x128xi1>, vector<512x128xf32>
    %eq3A_1173 = arith.constant 6 : i32
    %eq3A_1174 = vector.broadcast %eq3A_1173 : i32 to vector<512x1xi32>
    %eq3A_1175 = arith.cmpi eq, %broadcast_in_dim3A_1142, %eq3A_1174 : vector<512x1xi32>
    %broadcast_in_dim3A_1176 = vector.shape_cast %eq3A_1175 : vector<512x1xi1> to vector<512x1xi1>
    %broadcast_in_dim3A_1177 = vector.broadcast %broadcast_in_dim3A_1176 : vector<512x1xi1> to vector<512x128xi1>
    %select_n3A_1178 = arith.select %broadcast_in_dim3A_1177, %slice3A_25, %select_n3A_1172 : vector<512x128xi1>, vector<512x128xf32>
    %eq3A_1179 = arith.constant 7 : i32
    %eq3A_1180 = vector.broadcast %eq3A_1179 : i32 to vector<512x1xi32>
    %eq3A_1181 = arith.cmpi eq, %broadcast_in_dim3A_1142, %eq3A_1180 : vector<512x1xi32>
    %broadcast_in_dim3A_1182 = vector.shape_cast %eq3A_1181 : vector<512x1xi1> to vector<512x1xi1>
    %broadcast_in_dim3A_1183 = vector.broadcast %broadcast_in_dim3A_1182 : vector<512x1xi1> to vector<512x128xi1>
    %select_n3A_1184 = arith.select %broadcast_in_dim3A_1183, %slice3A_26, %select_n3A_1178 : vector<512x128xi1>, vector<512x128xf32>
    %eq3A_1185 = arith.constant 8 : i32
    %eq3A_1186 = vector.broadcast %eq3A_1185 : i32 to vector<512x1xi32>
    %eq3A_1187 = arith.cmpi eq, %broadcast_in_dim3A_1142, %eq3A_1186 : vector<512x1xi32>
    %broadcast_in_dim3A_1188 = vector.shape_cast %eq3A_1187 : vector<512x1xi1> to vector<512x1xi1>
    %broadcast_in_dim3A_1189 = vector.broadcast %broadcast_in_dim3A_1188 : vector<512x1xi1> to vector<512x128xi1>
    %select_n3A_1190 = arith.select %broadcast_in_dim3A_1189, %slice3A_27, %select_n3A_1184 : vector<512x128xi1>, vector<512x128xf32>
    %eq3A_1191 = arith.constant 9 : i32
    %eq3A_1192 = vector.broadcast %eq3A_1191 : i32 to vector<512x1xi32>
    %eq3A_1193 = arith.cmpi eq, %broadcast_in_dim3A_1142, %eq3A_1192 : vector<512x1xi32>
    %broadcast_in_dim3A_1194 = vector.shape_cast %eq3A_1193 : vector<512x1xi1> to vector<512x1xi1>
    %broadcast_in_dim3A_1195 = vector.broadcast %broadcast_in_dim3A_1194 : vector<512x1xi1> to vector<512x128xi1>
    %select_n3A_1196 = arith.select %broadcast_in_dim3A_1195, %slice3A_28, %select_n3A_1190 : vector<512x128xi1>, vector<512x128xf32>
    %eq3A_1197 = arith.constant 10 : i32
    %eq3A_1198 = vector.broadcast %eq3A_1197 : i32 to vector<512x1xi32>
    %eq3A_1199 = arith.cmpi eq, %broadcast_in_dim3A_1142, %eq3A_1198 : vector<512x1xi32>
    %broadcast_in_dim3A_1200 = vector.shape_cast %eq3A_1199 : vector<512x1xi1> to vector<512x1xi1>
    %broadcast_in_dim3A_1201 = vector.broadcast %broadcast_in_dim3A_1200 : vector<512x1xi1> to vector<512x128xi1>
    %select_n3A_1202 = arith.select %broadcast_in_dim3A_1201, %slice3A_29, %select_n3A_1196 : vector<512x128xi1>, vector<512x128xf32>
    %eq3A_1203 = arith.constant 11 : i32
    %eq3A_1204 = vector.broadcast %eq3A_1203 : i32 to vector<512x1xi32>
    %eq3A_1205 = arith.cmpi eq, %broadcast_in_dim3A_1142, %eq3A_1204 : vector<512x1xi32>
    %broadcast_in_dim3A_1206 = vector.shape_cast %eq3A_1205 : vector<512x1xi1> to vector<512x1xi1>
    %broadcast_in_dim3A_1207 = vector.broadcast %broadcast_in_dim3A_1206 : vector<512x1xi1> to vector<512x128xi1>
    %select_n3A_1208 = arith.select %broadcast_in_dim3A_1207, %slice3A_30, %select_n3A_1202 : vector<512x128xi1>, vector<512x128xf32>
    %eq3A_1209 = arith.constant 12 : i32
    %eq3A_1210 = vector.broadcast %eq3A_1209 : i32 to vector<512x1xi32>
    %eq3A_1211 = arith.cmpi eq, %broadcast_in_dim3A_1142, %eq3A_1210 : vector<512x1xi32>
    %broadcast_in_dim3A_1212 = vector.shape_cast %eq3A_1211 : vector<512x1xi1> to vector<512x1xi1>
    %broadcast_in_dim3A_1213 = vector.broadcast %broadcast_in_dim3A_1212 : vector<512x1xi1> to vector<512x128xi1>
    %select_n3A_1214 = arith.select %broadcast_in_dim3A_1213, %slice3A_31, %select_n3A_1208 : vector<512x128xi1>, vector<512x128xf32>
    %eq3A_1215 = arith.constant 13 : i32
    %eq3A_1216 = vector.broadcast %eq3A_1215 : i32 to vector<512x1xi32>
    %eq3A_1217 = arith.cmpi eq, %broadcast_in_dim3A_1142, %eq3A_1216 : vector<512x1xi32>
    %broadcast_in_dim3A_1218 = vector.shape_cast %eq3A_1217 : vector<512x1xi1> to vector<512x1xi1>
    %broadcast_in_dim3A_1219 = vector.broadcast %broadcast_in_dim3A_1218 : vector<512x1xi1> to vector<512x128xi1>
    %select_n3A_1220 = arith.select %broadcast_in_dim3A_1219, %slice3A_32, %select_n3A_1214 : vector<512x128xi1>, vector<512x128xf32>
    %eq3A_1221 = arith.constant 14 : i32
    %eq3A_1222 = vector.broadcast %eq3A_1221 : i32 to vector<512x1xi32>
    %eq3A_1223 = arith.cmpi eq, %broadcast_in_dim3A_1142, %eq3A_1222 : vector<512x1xi32>
    %broadcast_in_dim3A_1224 = vector.shape_cast %eq3A_1223 : vector<512x1xi1> to vector<512x1xi1>
    %broadcast_in_dim3A_1225 = vector.broadcast %broadcast_in_dim3A_1224 : vector<512x1xi1> to vector<512x128xi1>
    %select_n3A_1226 = arith.select %broadcast_in_dim3A_1225, %slice3A_33, %select_n3A_1220 : vector<512x128xi1>, vector<512x128xf32>
    %eq3A_1227 = arith.constant 15 : i32
    %eq3A_1228 = vector.broadcast %eq3A_1227 : i32 to vector<512x1xi32>
    %eq3A_1229 = arith.cmpi eq, %broadcast_in_dim3A_1142, %eq3A_1228 : vector<512x1xi32>
    %broadcast_in_dim3A_1230 = vector.shape_cast %eq3A_1229 : vector<512x1xi1> to vector<512x1xi1>
    %broadcast_in_dim3A_1231 = vector.broadcast %broadcast_in_dim3A_1230 : vector<512x1xi1> to vector<512x128xi1>
    %select_n3A_1232 = arith.select %broadcast_in_dim3A_1231, %slice3A_34, %select_n3A_1226 : vector<512x128xi1>, vector<512x128xf32>
    %mul3A_1233 = arith.constant 128 : i32
    %mul3A_1234 = vector.broadcast %mul3A_1233 : i32 to vector<512x1xi32>
    %mul3A_1235 = arith.muli %broadcast_in_dim3A_1142, %mul3A_1234 : vector<512x1xi32>
    %sub3A_1236 = arith.subi %add3A, %mul3A_1235 : vector<512x1xi32>
    %eq3A_1237 = vector.broadcast %sub3A_1236 : vector<512x1xi32> to vector<512x128xi32>
    %eq3A_1238 = arith.cmpi eq, %iota3A, %eq3A_1237 : vector<512x128xi32>
    %jit3A_1239 = arith.constant 0xFF800000 : f32
    %broadcast_in_dim3A_1240 = vector.broadcast %jit3A_1239 : f32 to vector<512x128xf32>
    %select_n3A_1241 = arith.select %eq3A_1238, %broadcast_in_dim3A_1240, %select_n3A_1232 : vector<512x128xi1>, vector<512x128xf32>
    %sub3A_1242 = arith.subi %add3A_326, %mul3A_1235 : vector<512x1xi32>
    %eq3A_1243 = vector.broadcast %sub3A_1242 : vector<512x1xi32> to vector<512x128xi32>
    %eq3A_1244 = arith.cmpi eq, %iota3A, %eq3A_1243 : vector<512x128xi32>
    %jit3A_1245 = arith.constant 0xFF800000 : f32
    %broadcast_in_dim3A_1246 = vector.broadcast %jit3A_1245 : f32 to vector<512x128xf32>
    %select_n3A_1247 = arith.select %eq3A_1244, %broadcast_in_dim3A_1246, %select_n3A_1241 : vector<512x128xi1>, vector<512x128xf32>
    %sub3A_1248 = arith.subi %add3A_471, %mul3A_1235 : vector<512x1xi32>
    %eq3A_1249 = vector.broadcast %sub3A_1248 : vector<512x1xi32> to vector<512x128xi32>
    %eq3A_1250 = arith.cmpi eq, %iota3A, %eq3A_1249 : vector<512x128xi32>
    %jit3A_1251 = arith.constant 0xFF800000 : f32
    %broadcast_in_dim3A_1252 = vector.broadcast %jit3A_1251 : f32 to vector<512x128xf32>
    %select_n3A_1253 = arith.select %eq3A_1250, %broadcast_in_dim3A_1252, %select_n3A_1247 : vector<512x128xi1>, vector<512x128xf32>
    %sub3A_1254 = arith.subi %add3A_622, %mul3A_1235 : vector<512x1xi32>
    %eq3A_1255 = vector.broadcast %sub3A_1254 : vector<512x1xi32> to vector<512x128xi32>
    %eq3A_1256 = arith.cmpi eq, %iota3A, %eq3A_1255 : vector<512x128xi32>
    %jit3A_1257 = arith.constant 0xFF800000 : f32
    %broadcast_in_dim3A_1258 = vector.broadcast %jit3A_1257 : f32 to vector<512x128xf32>
    %select_n3A_1259 = arith.select %eq3A_1256, %broadcast_in_dim3A_1258, %select_n3A_1253 : vector<512x128xi1>, vector<512x128xf32>
    %sub3A_1260 = arith.subi %add3A_779, %mul3A_1235 : vector<512x1xi32>
    %eq3A_1261 = vector.broadcast %sub3A_1260 : vector<512x1xi32> to vector<512x128xi32>
    %eq3A_1262 = arith.cmpi eq, %iota3A, %eq3A_1261 : vector<512x128xi32>
    %jit3A_1263 = arith.constant 0xFF800000 : f32
    %broadcast_in_dim3A_1264 = vector.broadcast %jit3A_1263 : f32 to vector<512x128xf32>
    %select_n3A_1265 = arith.select %eq3A_1262, %broadcast_in_dim3A_1264, %select_n3A_1259 : vector<512x128xi1>, vector<512x128xf32>
    %sub3A_1266 = arith.subi %add3A_942, %mul3A_1235 : vector<512x1xi32>
    %eq3A_1267 = vector.broadcast %sub3A_1266 : vector<512x1xi32> to vector<512x128xi32>
    %eq3A_1268 = arith.cmpi eq, %iota3A, %eq3A_1267 : vector<512x128xi32>
    %jit3A_1269 = arith.constant 0xFF800000 : f32
    %broadcast_in_dim3A_1270 = vector.broadcast %jit3A_1269 : f32 to vector<512x128xf32>
    %select_n3A_1271 = arith.select %eq3A_1268, %broadcast_in_dim3A_1270, %select_n3A_1265 : vector<512x128xi1>, vector<512x128xf32>
    %sub3A_1272 = arith.subi %add3A_1111, %mul3A_1235 : vector<512x1xi32>
    %eq3A_1273 = vector.broadcast %sub3A_1272 : vector<512x1xi32> to vector<512x128xi32>
    %eq3A_1274 = arith.cmpi eq, %iota3A, %eq3A_1273 : vector<512x128xi32>
    %jit3A_1275 = arith.constant 0xFF800000 : f32
    %broadcast_in_dim3A_1276 = vector.broadcast %jit3A_1275 : f32 to vector<512x128xf32>
    %select_n3A_1277 = arith.select %eq3A_1274, %broadcast_in_dim3A_1276, %select_n3A_1271 : vector<512x128xi1>, vector<512x128xf32>
    %eq3A_1278 = vector.broadcast %broadcast_in_dim3A_1134 : vector<512x1xf32> to vector<512x128xf32>
    %eq3A_1279 = arith.cmpf oeq, %select_n3A_1277, %eq3A_1278 : vector<512x128xf32>
    %jit3A_1280 = arith.constant 128 : i32
    %broadcast_in_dim3A_1281 = vector.broadcast %jit3A_1280 : i32 to vector<512x128xi32>
    %select_n3A_1282 = arith.select %eq3A_1279, %iota3A, %broadcast_in_dim3A_1281 : vector<512x128xi1>, vector<512x128xi32>
    %reduce_min3A_1283 = arith.constant dense<2147483647> : vector<512xi32>
    %reduce_min3A_1284 = vector.multi_reduction <minsi>, %select_n3A_1282, %reduce_min3A_1283 [1] : vector<512x128xi32> to vector<512xi32>
    %broadcast_in_dim3A_1285 = vector.shape_cast %reduce_min3A_1284 : vector<512xi32> to vector<512x1xi32>
    %add3A_1286 = arith.addi %mul3A_1235, %broadcast_in_dim3A_1285 : vector<512x1xi32>
    %mul3A_1287 = arith.constant 2048 : i32
    %mul3A_1288 = arith.muli %arg0, %mul3A_1287 : i32
    %add3A_1289 = vector.broadcast %mul3A_1288 : i32 to vector<512x1xi32>
    %add3A_1290 = arith.addi %add3A_1286, %add3A_1289 : vector<512x1xi32>
    %swap3A_1291 = arith.constant 0 : index
    %swap3A_1292 = arith.constant 7 : index
    %swap3A_1293 = vector.load %arg6[%swap3A_1291, %swap3A_1292] : memref<512x20xi32, #tpu.memory_space<vmem>>, vector<512x1xi32>
    tpu.vector_store %arg6[%swap3A_1291, %swap3A_1292], %add3A_1290 {strides = array<i32>} : memref<512x20xi32, #tpu.memory_space<vmem>>, vector<512x1xi32>,
    %eq3A_1294 = vector.broadcast %broadcast_in_dim3A_1285 : vector<512x1xi32> to vector<512x128xi32>
    %eq3A_1295 = arith.cmpi eq, %iota3A, %eq3A_1294 : vector<512x128xi32>
    %jit3A_1296 = arith.constant 0xFF800000 : f32
    %broadcast_in_dim3A_1297 = vector.broadcast %jit3A_1296 : f32 to vector<512x128xf32>
    %select_n3A_1298 = arith.select %eq3A_1295, %broadcast_in_dim3A_1297, %select_n3A_1277 : vector<512x128xi1>, vector<512x128xf32>
    %reduce_max3A_1299 = arith.constant dense<0xFF800000> : vector<512xf32>
    %reduce_max3A_1300 = vector.multi_reduction <maximumf>, %select_n3A_1298, %reduce_max3A_1299 [1] : vector<512x128xf32> to vector<512xf32>
    %broadcast_in_dim3A_1301 = vector.shape_cast %reduce_max3A_1300 : vector<512xf32> to vector<512x1xf32>
    %eq3A_1302 = vector.broadcast %broadcast_in_dim3A_1142 : vector<512x1xi32> to vector<512x16xi32>
    %eq3A_1303 = arith.cmpi eq, %iota3A_19, %eq3A_1302 : vector<512x16xi32>
    %broadcast_in_dim3A_1304 = vector.shape_cast %broadcast_in_dim3A_1301 : vector<512x1xf32> to vector<512x1xf32>
    %broadcast_in_dim3A_1305 = vector.broadcast %broadcast_in_dim3A_1304 : vector<512x1xf32> to vector<512x16xf32>
    %select_n3A_1306 = arith.select %eq3A_1303, %broadcast_in_dim3A_1305, %select_n3A_1131 : vector<512x16xi1>, vector<512x16xf32>
    %reduce_max3A_1307 = arith.constant dense<0xFF800000> : vector<512xf32>
    %reduce_max3A_1308 = vector.multi_reduction <maximumf>, %select_n3A_1306, %reduce_max3A_1307 [1] : vector<512x16xf32> to vector<512xf32>
    %broadcast_in_dim3A_1309 = vector.shape_cast %reduce_max3A_1308 : vector<512xf32> to vector<512x1xf32>
    %eq3A_1310 = vector.broadcast %broadcast_in_dim3A_1309 : vector<512x1xf32> to vector<512x16xf32>
    %eq3A_1311 = arith.cmpf oeq, %select_n3A_1306, %eq3A_1310 : vector<512x16xf32>
    %jit3A_1312 = arith.constant 16 : i32
    %broadcast_in_dim3A_1313 = vector.broadcast %jit3A_1312 : i32 to vector<512x16xi32>
    %select_n3A_1314 = arith.select %eq3A_1311, %iota3A_19, %broadcast_in_dim3A_1313 : vector<512x16xi1>, vector<512x16xi32>
    %reduce_min3A_1315 = arith.constant dense<2147483647> : vector<512xi32>
    %reduce_min3A_1316 = vector.multi_reduction <minsi>, %select_n3A_1314, %reduce_min3A_1315 [1] : vector<512x16xi32> to vector<512xi32>
    %broadcast_in_dim3A_1317 = vector.shape_cast %reduce_min3A_1316 : vector<512xi32> to vector<512x1xi32>
    %eq3A_1318 = arith.constant 1 : i32
    %eq3A_1319 = vector.broadcast %eq3A_1318 : i32 to vector<512x1xi32>
    %eq3A_1320 = arith.cmpi eq, %broadcast_in_dim3A_1317, %eq3A_1319 : vector<512x1xi32>
    %broadcast_in_dim3A_1321 = vector.shape_cast %eq3A_1320 : vector<512x1xi1> to vector<512x1xi1>
    %broadcast_in_dim3A_1322 = vector.broadcast %broadcast_in_dim3A_1321 : vector<512x1xi1> to vector<512x128xi1>
    %select_n3A_1323 = arith.select %broadcast_in_dim3A_1322, %slice3A_20, %slice3A : vector<512x128xi1>, vector<512x128xf32>
    %eq3A_1324 = arith.constant 2 : i32
    %eq3A_1325 = vector.broadcast %eq3A_1324 : i32 to vector<512x1xi32>
    %eq3A_1326 = arith.cmpi eq, %broadcast_in_dim3A_1317, %eq3A_1325 : vector<512x1xi32>
    %broadcast_in_dim3A_1327 = vector.shape_cast %eq3A_1326 : vector<512x1xi1> to vector<512x1xi1>
    %broadcast_in_dim3A_1328 = vector.broadcast %broadcast_in_dim3A_1327 : vector<512x1xi1> to vector<512x128xi1>
    %select_n3A_1329 = arith.select %broadcast_in_dim3A_1328, %slice3A_21, %select_n3A_1323 : vector<512x128xi1>, vector<512x128xf32>
    %eq3A_1330 = arith.constant 3 : i32
    %eq3A_1331 = vector.broadcast %eq3A_1330 : i32 to vector<512x1xi32>
    %eq3A_1332 = arith.cmpi eq, %broadcast_in_dim3A_1317, %eq3A_1331 : vector<512x1xi32>
    %broadcast_in_dim3A_1333 = vector.shape_cast %eq3A_1332 : vector<512x1xi1> to vector<512x1xi1>
    %broadcast_in_dim3A_1334 = vector.broadcast %broadcast_in_dim3A_1333 : vector<512x1xi1> to vector<512x128xi1>
    %select_n3A_1335 = arith.select %broadcast_in_dim3A_1334, %slice3A_22, %select_n3A_1329 : vector<512x128xi1>, vector<512x128xf32>
    %eq3A_1336 = arith.constant 4 : i32
    %eq3A_1337 = vector.broadcast %eq3A_1336 : i32 to vector<512x1xi32>
    %eq3A_1338 = arith.cmpi eq, %broadcast_in_dim3A_1317, %eq3A_1337 : vector<512x1xi32>
    %broadcast_in_dim3A_1339 = vector.shape_cast %eq3A_1338 : vector<512x1xi1> to vector<512x1xi1>
    %broadcast_in_dim3A_1340 = vector.broadcast %broadcast_in_dim3A_1339 : vector<512x1xi1> to vector<512x128xi1>
    %select_n3A_1341 = arith.select %broadcast_in_dim3A_1340, %slice3A_23, %select_n3A_1335 : vector<512x128xi1>, vector<512x128xf32>
    %eq3A_1342 = arith.constant 5 : i32
    %eq3A_1343 = vector.broadcast %eq3A_1342 : i32 to vector<512x1xi32>
    %eq3A_1344 = arith.cmpi eq, %broadcast_in_dim3A_1317, %eq3A_1343 : vector<512x1xi32>
    %broadcast_in_dim3A_1345 = vector.shape_cast %eq3A_1344 : vector<512x1xi1> to vector<512x1xi1>
    %broadcast_in_dim3A_1346 = vector.broadcast %broadcast_in_dim3A_1345 : vector<512x1xi1> to vector<512x128xi1>
    %select_n3A_1347 = arith.select %broadcast_in_dim3A_1346, %slice3A_24, %select_n3A_1341 : vector<512x128xi1>, vector<512x128xf32>
    %eq3A_1348 = arith.constant 6 : i32
    %eq3A_1349 = vector.broadcast %eq3A_1348 : i32 to vector<512x1xi32>
    %eq3A_1350 = arith.cmpi eq, %broadcast_in_dim3A_1317, %eq3A_1349 : vector<512x1xi32>
    %broadcast_in_dim3A_1351 = vector.shape_cast %eq3A_1350 : vector<512x1xi1> to vector<512x1xi1>
    %broadcast_in_dim3A_1352 = vector.broadcast %broadcast_in_dim3A_1351 : vector<512x1xi1> to vector<512x128xi1>
    %select_n3A_1353 = arith.select %broadcast_in_dim3A_1352, %slice3A_25, %select_n3A_1347 : vector<512x128xi1>, vector<512x128xf32>
    %eq3A_1354 = arith.constant 7 : i32
    %eq3A_1355 = vector.broadcast %eq3A_1354 : i32 to vector<512x1xi32>
    %eq3A_1356 = arith.cmpi eq, %broadcast_in_dim3A_1317, %eq3A_1355 : vector<512x1xi32>
    %broadcast_in_dim3A_1357 = vector.shape_cast %eq3A_1356 : vector<512x1xi1> to vector<512x1xi1>
    %broadcast_in_dim3A_1358 = vector.broadcast %broadcast_in_dim3A_1357 : vector<512x1xi1> to vector<512x128xi1>
    %select_n3A_1359 = arith.select %broadcast_in_dim3A_1358, %slice3A_26, %select_n3A_1353 : vector<512x128xi1>, vector<512x128xf32>
    %eq3A_1360 = arith.constant 8 : i32
    %eq3A_1361 = vector.broadcast %eq3A_1360 : i32 to vector<512x1xi32>
    %eq3A_1362 = arith.cmpi eq, %broadcast_in_dim3A_1317, %eq3A_1361 : vector<512x1xi32>
    %broadcast_in_dim3A_1363 = vector.shape_cast %eq3A_1362 : vector<512x1xi1> to vector<512x1xi1>
    %broadcast_in_dim3A_1364 = vector.broadcast %broadcast_in_dim3A_1363 : vector<512x1xi1> to vector<512x128xi1>
    %select_n3A_1365 = arith.select %broadcast_in_dim3A_1364, %slice3A_27, %select_n3A_1359 : vector<512x128xi1>, vector<512x128xf32>
    %eq3A_1366 = arith.constant 9 : i32
    %eq3A_1367 = vector.broadcast %eq3A_1366 : i32 to vector<512x1xi32>
    %eq3A_1368 = arith.cmpi eq, %broadcast_in_dim3A_1317, %eq3A_1367 : vector<512x1xi32>
    %broadcast_in_dim3A_1369 = vector.shape_cast %eq3A_1368 : vector<512x1xi1> to vector<512x1xi1>
    %broadcast_in_dim3A_1370 = vector.broadcast %broadcast_in_dim3A_1369 : vector<512x1xi1> to vector<512x128xi1>
    %select_n3A_1371 = arith.select %broadcast_in_dim3A_1370, %slice3A_28, %select_n3A_1365 : vector<512x128xi1>, vector<512x128xf32>
    %eq3A_1372 = arith.constant 10 : i32
    %eq3A_1373 = vector.broadcast %eq3A_1372 : i32 to vector<512x1xi32>
    %eq3A_1374 = arith.cmpi eq, %broadcast_in_dim3A_1317, %eq3A_1373 : vector<512x1xi32>
    %broadcast_in_dim3A_1375 = vector.shape_cast %eq3A_1374 : vector<512x1xi1> to vector<512x1xi1>
    %broadcast_in_dim3A_1376 = vector.broadcast %broadcast_in_dim3A_1375 : vector<512x1xi1> to vector<512x128xi1>
    %select_n3A_1377 = arith.select %broadcast_in_dim3A_1376, %slice3A_29, %select_n3A_1371 : vector<512x128xi1>, vector<512x128xf32>
    %eq3A_1378 = arith.constant 11 : i32
    %eq3A_1379 = vector.broadcast %eq3A_1378 : i32 to vector<512x1xi32>
    %eq3A_1380 = arith.cmpi eq, %broadcast_in_dim3A_1317, %eq3A_1379 : vector<512x1xi32>
    %broadcast_in_dim3A_1381 = vector.shape_cast %eq3A_1380 : vector<512x1xi1> to vector<512x1xi1>
    %broadcast_in_dim3A_1382 = vector.broadcast %broadcast_in_dim3A_1381 : vector<512x1xi1> to vector<512x128xi1>
    %select_n3A_1383 = arith.select %broadcast_in_dim3A_1382, %slice3A_30, %select_n3A_1377 : vector<512x128xi1>, vector<512x128xf32>
    %eq3A_1384 = arith.constant 12 : i32
    %eq3A_1385 = vector.broadcast %eq3A_1384 : i32 to vector<512x1xi32>
    %eq3A_1386 = arith.cmpi eq, %broadcast_in_dim3A_1317, %eq3A_1385 : vector<512x1xi32>
    %broadcast_in_dim3A_1387 = vector.shape_cast %eq3A_1386 : vector<512x1xi1> to vector<512x1xi1>
    %broadcast_in_dim3A_1388 = vector.broadcast %broadcast_in_dim3A_1387 : vector<512x1xi1> to vector<512x128xi1>
    %select_n3A_1389 = arith.select %broadcast_in_dim3A_1388, %slice3A_31, %select_n3A_1383 : vector<512x128xi1>, vector<512x128xf32>
    %eq3A_1390 = arith.constant 13 : i32
    %eq3A_1391 = vector.broadcast %eq3A_1390 : i32 to vector<512x1xi32>
    %eq3A_1392 = arith.cmpi eq, %broadcast_in_dim3A_1317, %eq3A_1391 : vector<512x1xi32>
    %broadcast_in_dim3A_1393 = vector.shape_cast %eq3A_1392 : vector<512x1xi1> to vector<512x1xi1>
    %broadcast_in_dim3A_1394 = vector.broadcast %broadcast_in_dim3A_1393 : vector<512x1xi1> to vector<512x128xi1>
    %select_n3A_1395 = arith.select %broadcast_in_dim3A_1394, %slice3A_32, %select_n3A_1389 : vector<512x128xi1>, vector<512x128xf32>
    %eq3A_1396 = arith.constant 14 : i32
    %eq3A_1397 = vector.broadcast %eq3A_1396 : i32 to vector<512x1xi32>
    %eq3A_1398 = arith.cmpi eq, %broadcast_in_dim3A_1317, %eq3A_1397 : vector<512x1xi32>
    %broadcast_in_dim3A_1399 = vector.shape_cast %eq3A_1398 : vector<512x1xi1> to vector<512x1xi1>
    %broadcast_in_dim3A_1400 = vector.broadcast %broadcast_in_dim3A_1399 : vector<512x1xi1> to vector<512x128xi1>
    %select_n3A_1401 = arith.select %broadcast_in_dim3A_1400, %slice3A_33, %select_n3A_1395 : vector<512x128xi1>, vector<512x128xf32>
    %eq3A_1402 = arith.constant 15 : i32
    %eq3A_1403 = vector.broadcast %eq3A_1402 : i32 to vector<512x1xi32>
    %eq3A_1404 = arith.cmpi eq, %broadcast_in_dim3A_1317, %eq3A_1403 : vector<512x1xi32>
    %broadcast_in_dim3A_1405 = vector.shape_cast %eq3A_1404 : vector<512x1xi1> to vector<512x1xi1>
    %broadcast_in_dim3A_1406 = vector.broadcast %broadcast_in_dim3A_1405 : vector<512x1xi1> to vector<512x128xi1>
    %select_n3A_1407 = arith.select %broadcast_in_dim3A_1406, %slice3A_34, %select_n3A_1401 : vector<512x128xi1>, vector<512x128xf32>
    %mul3A_1408 = arith.constant 128 : i32
    %mul3A_1409 = vector.broadcast %mul3A_1408 : i32 to vector<512x1xi32>
    %mul3A_1410 = arith.muli %broadcast_in_dim3A_1317, %mul3A_1409 : vector<512x1xi32>
    %sub3A_1411 = arith.subi %add3A, %mul3A_1410 : vector<512x1xi32>
    %eq3A_1412 = vector.broadcast %sub3A_1411 : vector<512x1xi32> to vector<512x128xi32>
    %eq3A_1413 = arith.cmpi eq, %iota3A, %eq3A_1412 : vector<512x128xi32>
    %jit3A_1414 = arith.constant 0xFF800000 : f32
    %broadcast_in_dim3A_1415 = vector.broadcast %jit3A_1414 : f32 to vector<512x128xf32>
    %select_n3A_1416 = arith.select %eq3A_1413, %broadcast_in_dim3A_1415, %select_n3A_1407 : vector<512x128xi1>, vector<512x128xf32>
    %sub3A_1417 = arith.subi %add3A_326, %mul3A_1410 : vector<512x1xi32>
    %eq3A_1418 = vector.broadcast %sub3A_1417 : vector<512x1xi32> to vector<512x128xi32>
    %eq3A_1419 = arith.cmpi eq, %iota3A, %eq3A_1418 : vector<512x128xi32>
    %jit3A_1420 = arith.constant 0xFF800000 : f32
    %broadcast_in_dim3A_1421 = vector.broadcast %jit3A_1420 : f32 to vector<512x128xf32>
    %select_n3A_1422 = arith.select %eq3A_1419, %broadcast_in_dim3A_1421, %select_n3A_1416 : vector<512x128xi1>, vector<512x128xf32>
    %sub3A_1423 = arith.subi %add3A_471, %mul3A_1410 : vector<512x1xi32>
    %eq3A_1424 = vector.broadcast %sub3A_1423 : vector<512x1xi32> to vector<512x128xi32>
    %eq3A_1425 = arith.cmpi eq, %iota3A, %eq3A_1424 : vector<512x128xi32>
    %jit3A_1426 = arith.constant 0xFF800000 : f32
    %broadcast_in_dim3A_1427 = vector.broadcast %jit3A_1426 : f32 to vector<512x128xf32>
    %select_n3A_1428 = arith.select %eq3A_1425, %broadcast_in_dim3A_1427, %select_n3A_1422 : vector<512x128xi1>, vector<512x128xf32>
    %sub3A_1429 = arith.subi %add3A_622, %mul3A_1410 : vector<512x1xi32>
    %eq3A_1430 = vector.broadcast %sub3A_1429 : vector<512x1xi32> to vector<512x128xi32>
    %eq3A_1431 = arith.cmpi eq, %iota3A, %eq3A_1430 : vector<512x128xi32>
    %jit3A_1432 = arith.constant 0xFF800000 : f32
    %broadcast_in_dim3A_1433 = vector.broadcast %jit3A_1432 : f32 to vector<512x128xf32>
    %select_n3A_1434 = arith.select %eq3A_1431, %broadcast_in_dim3A_1433, %select_n3A_1428 : vector<512x128xi1>, vector<512x128xf32>
    %sub3A_1435 = arith.subi %add3A_779, %mul3A_1410 : vector<512x1xi32>
    %eq3A_1436 = vector.broadcast %sub3A_1435 : vector<512x1xi32> to vector<512x128xi32>
    %eq3A_1437 = arith.cmpi eq, %iota3A, %eq3A_1436 : vector<512x128xi32>
    %jit3A_1438 = arith.constant 0xFF800000 : f32
    %broadcast_in_dim3A_1439 = vector.broadcast %jit3A_1438 : f32 to vector<512x128xf32>
    %select_n3A_1440 = arith.select %eq3A_1437, %broadcast_in_dim3A_1439, %select_n3A_1434 : vector<512x128xi1>, vector<512x128xf32>
    %sub3A_1441 = arith.subi %add3A_942, %mul3A_1410 : vector<512x1xi32>
    %eq3A_1442 = vector.broadcast %sub3A_1441 : vector<512x1xi32> to vector<512x128xi32>
    %eq3A_1443 = arith.cmpi eq, %iota3A, %eq3A_1442 : vector<512x128xi32>
    %jit3A_1444 = arith.constant 0xFF800000 : f32
    %broadcast_in_dim3A_1445 = vector.broadcast %jit3A_1444 : f32 to vector<512x128xf32>
    %select_n3A_1446 = arith.select %eq3A_1443, %broadcast_in_dim3A_1445, %select_n3A_1440 : vector<512x128xi1>, vector<512x128xf32>
    %sub3A_1447 = arith.subi %add3A_1111, %mul3A_1410 : vector<512x1xi32>
    %eq3A_1448 = vector.broadcast %sub3A_1447 : vector<512x1xi32> to vector<512x128xi32>
    %eq3A_1449 = arith.cmpi eq, %iota3A, %eq3A_1448 : vector<512x128xi32>
    %jit3A_1450 = arith.constant 0xFF800000 : f32
    %broadcast_in_dim3A_1451 = vector.broadcast %jit3A_1450 : f32 to vector<512x128xf32>
    %select_n3A_1452 = arith.select %eq3A_1449, %broadcast_in_dim3A_1451, %select_n3A_1446 : vector<512x128xi1>, vector<512x128xf32>
    %sub3A_1453 = arith.subi %add3A_1286, %mul3A_1410 : vector<512x1xi32>
    %eq3A_1454 = vector.broadcast %sub3A_1453 : vector<512x1xi32> to vector<512x128xi32>
    %eq3A_1455 = arith.cmpi eq, %iota3A, %eq3A_1454 : vector<512x128xi32>
    %jit3A_1456 = arith.constant 0xFF800000 : f32
    %broadcast_in_dim3A_1457 = vector.broadcast %jit3A_1456 : f32 to vector<512x128xf32>
    %select_n3A_1458 = arith.select %eq3A_1455, %broadcast_in_dim3A_1457, %select_n3A_1452 : vector<512x128xi1>, vector<512x128xf32>
    %eq3A_1459 = vector.broadcast %broadcast_in_dim3A_1309 : vector<512x1xf32> to vector<512x128xf32>
    %eq3A_1460 = arith.cmpf oeq, %select_n3A_1458, %eq3A_1459 : vector<512x128xf32>
    %jit3A_1461 = arith.constant 128 : i32
    %broadcast_in_dim3A_1462 = vector.broadcast %jit3A_1461 : i32 to vector<512x128xi32>
    %select_n3A_1463 = arith.select %eq3A_1460, %iota3A, %broadcast_in_dim3A_1462 : vector<512x128xi1>, vector<512x128xi32>
    %reduce_min3A_1464 = arith.constant dense<2147483647> : vector<512xi32>
    %reduce_min3A_1465 = vector.multi_reduction <minsi>, %select_n3A_1463, %reduce_min3A_1464 [1] : vector<512x128xi32> to vector<512xi32>
    %broadcast_in_dim3A_1466 = vector.shape_cast %reduce_min3A_1465 : vector<512xi32> to vector<512x1xi32>
    %add3A_1467 = arith.addi %mul3A_1410, %broadcast_in_dim3A_1466 : vector<512x1xi32>
    %mul3A_1468 = arith.constant 2048 : i32
    %mul3A_1469 = arith.muli %arg0, %mul3A_1468 : i32
    %add3A_1470 = vector.broadcast %mul3A_1469 : i32 to vector<512x1xi32>
    %add3A_1471 = arith.addi %add3A_1467, %add3A_1470 : vector<512x1xi32>
    %swap3A_1472 = arith.constant 0 : index
    %swap3A_1473 = arith.constant 8 : index
    %swap3A_1474 = vector.load %arg6[%swap3A_1472, %swap3A_1473] : memref<512x20xi32, #tpu.memory_space<vmem>>, vector<512x1xi32>
    tpu.vector_store %arg6[%swap3A_1472, %swap3A_1473], %add3A_1471 {strides = array<i32>} : memref<512x20xi32, #tpu.memory_space<vmem>>, vector<512x1xi32>,
    %eq3A_1475 = vector.broadcast %broadcast_in_dim3A_1466 : vector<512x1xi32> to vector<512x128xi32>
    %eq3A_1476 = arith.cmpi eq, %iota3A, %eq3A_1475 : vector<512x128xi32>
    %jit3A_1477 = arith.constant 0xFF800000 : f32
    %broadcast_in_dim3A_1478 = vector.broadcast %jit3A_1477 : f32 to vector<512x128xf32>
    %select_n3A_1479 = arith.select %eq3A_1476, %broadcast_in_dim3A_1478, %select_n3A_1458 : vector<512x128xi1>, vector<512x128xf32>
    %reduce_max3A_1480 = arith.constant dense<0xFF800000> : vector<512xf32>
    %reduce_max3A_1481 = vector.multi_reduction <maximumf>, %select_n3A_1479, %reduce_max3A_1480 [1] : vector<512x128xf32> to vector<512xf32>
    %broadcast_in_dim3A_1482 = vector.shape_cast %reduce_max3A_1481 : vector<512xf32> to vector<512x1xf32>
    %eq3A_1483 = vector.broadcast %broadcast_in_dim3A_1317 : vector<512x1xi32> to vector<512x16xi32>
    %eq3A_1484 = arith.cmpi eq, %iota3A_19, %eq3A_1483 : vector<512x16xi32>
    %broadcast_in_dim3A_1485 = vector.shape_cast %broadcast_in_dim3A_1482 : vector<512x1xf32> to vector<512x1xf32>
    %broadcast_in_dim3A_1486 = vector.broadcast %broadcast_in_dim3A_1485 : vector<512x1xf32> to vector<512x16xf32>
    %select_n3A_1487 = arith.select %eq3A_1484, %broadcast_in_dim3A_1486, %select_n3A_1306 : vector<512x16xi1>, vector<512x16xf32>
    %reduce_max3A_1488 = arith.constant dense<0xFF800000> : vector<512xf32>
    %reduce_max3A_1489 = vector.multi_reduction <maximumf>, %select_n3A_1487, %reduce_max3A_1488 [1] : vector<512x16xf32> to vector<512xf32>
    %broadcast_in_dim3A_1490 = vector.shape_cast %reduce_max3A_1489 : vector<512xf32> to vector<512x1xf32>
    %eq3A_1491 = vector.broadcast %broadcast_in_dim3A_1490 : vector<512x1xf32> to vector<512x16xf32>
    %eq3A_1492 = arith.cmpf oeq, %select_n3A_1487, %eq3A_1491 : vector<512x16xf32>
    %jit3A_1493 = arith.constant 16 : i32
    %broadcast_in_dim3A_1494 = vector.broadcast %jit3A_1493 : i32 to vector<512x16xi32>
    %select_n3A_1495 = arith.select %eq3A_1492, %iota3A_19, %broadcast_in_dim3A_1494 : vector<512x16xi1>, vector<512x16xi32>
    %reduce_min3A_1496 = arith.constant dense<2147483647> : vector<512xi32>
    %reduce_min3A_1497 = vector.multi_reduction <minsi>, %select_n3A_1495, %reduce_min3A_1496 [1] : vector<512x16xi32> to vector<512xi32>
    %broadcast_in_dim3A_1498 = vector.shape_cast %reduce_min3A_1497 : vector<512xi32> to vector<512x1xi32>
    %eq3A_1499 = arith.constant 1 : i32
    %eq3A_1500 = vector.broadcast %eq3A_1499 : i32 to vector<512x1xi32>
    %eq3A_1501 = arith.cmpi eq, %broadcast_in_dim3A_1498, %eq3A_1500 : vector<512x1xi32>
    %broadcast_in_dim3A_1502 = vector.shape_cast %eq3A_1501 : vector<512x1xi1> to vector<512x1xi1>
    %broadcast_in_dim3A_1503 = vector.broadcast %broadcast_in_dim3A_1502 : vector<512x1xi1> to vector<512x128xi1>
    %select_n3A_1504 = arith.select %broadcast_in_dim3A_1503, %slice3A_20, %slice3A : vector<512x128xi1>, vector<512x128xf32>
    %eq3A_1505 = arith.constant 2 : i32
    %eq3A_1506 = vector.broadcast %eq3A_1505 : i32 to vector<512x1xi32>
    %eq3A_1507 = arith.cmpi eq, %broadcast_in_dim3A_1498, %eq3A_1506 : vector<512x1xi32>
    %broadcast_in_dim3A_1508 = vector.shape_cast %eq3A_1507 : vector<512x1xi1> to vector<512x1xi1>
    %broadcast_in_dim3A_1509 = vector.broadcast %broadcast_in_dim3A_1508 : vector<512x1xi1> to vector<512x128xi1>
    %select_n3A_1510 = arith.select %broadcast_in_dim3A_1509, %slice3A_21, %select_n3A_1504 : vector<512x128xi1>, vector<512x128xf32>
    %eq3A_1511 = arith.constant 3 : i32
    %eq3A_1512 = vector.broadcast %eq3A_1511 : i32 to vector<512x1xi32>
    %eq3A_1513 = arith.cmpi eq, %broadcast_in_dim3A_1498, %eq3A_1512 : vector<512x1xi32>
    %broadcast_in_dim3A_1514 = vector.shape_cast %eq3A_1513 : vector<512x1xi1> to vector<512x1xi1>
    %broadcast_in_dim3A_1515 = vector.broadcast %broadcast_in_dim3A_1514 : vector<512x1xi1> to vector<512x128xi1>
    %select_n3A_1516 = arith.select %broadcast_in_dim3A_1515, %slice3A_22, %select_n3A_1510 : vector<512x128xi1>, vector<512x128xf32>
    %eq3A_1517 = arith.constant 4 : i32
    %eq3A_1518 = vector.broadcast %eq3A_1517 : i32 to vector<512x1xi32>
    %eq3A_1519 = arith.cmpi eq, %broadcast_in_dim3A_1498, %eq3A_1518 : vector<512x1xi32>
    %broadcast_in_dim3A_1520 = vector.shape_cast %eq3A_1519 : vector<512x1xi1> to vector<512x1xi1>
    %broadcast_in_dim3A_1521 = vector.broadcast %broadcast_in_dim3A_1520 : vector<512x1xi1> to vector<512x128xi1>
    %select_n3A_1522 = arith.select %broadcast_in_dim3A_1521, %slice3A_23, %select_n3A_1516 : vector<512x128xi1>, vector<512x128xf32>
    %eq3A_1523 = arith.constant 5 : i32
    %eq3A_1524 = vector.broadcast %eq3A_1523 : i32 to vector<512x1xi32>
    %eq3A_1525 = arith.cmpi eq, %broadcast_in_dim3A_1498, %eq3A_1524 : vector<512x1xi32>
    %broadcast_in_dim3A_1526 = vector.shape_cast %eq3A_1525 : vector<512x1xi1> to vector<512x1xi1>
    %broadcast_in_dim3A_1527 = vector.broadcast %broadcast_in_dim3A_1526 : vector<512x1xi1> to vector<512x128xi1>
    %select_n3A_1528 = arith.select %broadcast_in_dim3A_1527, %slice3A_24, %select_n3A_1522 : vector<512x128xi1>, vector<512x128xf32>
    %eq3A_1529 = arith.constant 6 : i32
    %eq3A_1530 = vector.broadcast %eq3A_1529 : i32 to vector<512x1xi32>
    %eq3A_1531 = arith.cmpi eq, %broadcast_in_dim3A_1498, %eq3A_1530 : vector<512x1xi32>
    %broadcast_in_dim3A_1532 = vector.shape_cast %eq3A_1531 : vector<512x1xi1> to vector<512x1xi1>
    %broadcast_in_dim3A_1533 = vector.broadcast %broadcast_in_dim3A_1532 : vector<512x1xi1> to vector<512x128xi1>
    %select_n3A_1534 = arith.select %broadcast_in_dim3A_1533, %slice3A_25, %select_n3A_1528 : vector<512x128xi1>, vector<512x128xf32>
    %eq3A_1535 = arith.constant 7 : i32
    %eq3A_1536 = vector.broadcast %eq3A_1535 : i32 to vector<512x1xi32>
    %eq3A_1537 = arith.cmpi eq, %broadcast_in_dim3A_1498, %eq3A_1536 : vector<512x1xi32>
    %broadcast_in_dim3A_1538 = vector.shape_cast %eq3A_1537 : vector<512x1xi1> to vector<512x1xi1>
    %broadcast_in_dim3A_1539 = vector.broadcast %broadcast_in_dim3A_1538 : vector<512x1xi1> to vector<512x128xi1>
    %select_n3A_1540 = arith.select %broadcast_in_dim3A_1539, %slice3A_26, %select_n3A_1534 : vector<512x128xi1>, vector<512x128xf32>
    %eq3A_1541 = arith.constant 8 : i32
    %eq3A_1542 = vector.broadcast %eq3A_1541 : i32 to vector<512x1xi32>
    %eq3A_1543 = arith.cmpi eq, %broadcast_in_dim3A_1498, %eq3A_1542 : vector<512x1xi32>
    %broadcast_in_dim3A_1544 = vector.shape_cast %eq3A_1543 : vector<512x1xi1> to vector<512x1xi1>
    %broadcast_in_dim3A_1545 = vector.broadcast %broadcast_in_dim3A_1544 : vector<512x1xi1> to vector<512x128xi1>
    %select_n3A_1546 = arith.select %broadcast_in_dim3A_1545, %slice3A_27, %select_n3A_1540 : vector<512x128xi1>, vector<512x128xf32>
    %eq3A_1547 = arith.constant 9 : i32
    %eq3A_1548 = vector.broadcast %eq3A_1547 : i32 to vector<512x1xi32>
    %eq3A_1549 = arith.cmpi eq, %broadcast_in_dim3A_1498, %eq3A_1548 : vector<512x1xi32>
    %broadcast_in_dim3A_1550 = vector.shape_cast %eq3A_1549 : vector<512x1xi1> to vector<512x1xi1>
    %broadcast_in_dim3A_1551 = vector.broadcast %broadcast_in_dim3A_1550 : vector<512x1xi1> to vector<512x128xi1>
    %select_n3A_1552 = arith.select %broadcast_in_dim3A_1551, %slice3A_28, %select_n3A_1546 : vector<512x128xi1>, vector<512x128xf32>
    %eq3A_1553 = arith.constant 10 : i32
    %eq3A_1554 = vector.broadcast %eq3A_1553 : i32 to vector<512x1xi32>
    %eq3A_1555 = arith.cmpi eq, %broadcast_in_dim3A_1498, %eq3A_1554 : vector<512x1xi32>
    %broadcast_in_dim3A_1556 = vector.shape_cast %eq3A_1555 : vector<512x1xi1> to vector<512x1xi1>
    %broadcast_in_dim3A_1557 = vector.broadcast %broadcast_in_dim3A_1556 : vector<512x1xi1> to vector<512x128xi1>
    %select_n3A_1558 = arith.select %broadcast_in_dim3A_1557, %slice3A_29, %select_n3A_1552 : vector<512x128xi1>, vector<512x128xf32>
    %eq3A_1559 = arith.constant 11 : i32
    %eq3A_1560 = vector.broadcast %eq3A_1559 : i32 to vector<512x1xi32>
    %eq3A_1561 = arith.cmpi eq, %broadcast_in_dim3A_1498, %eq3A_1560 : vector<512x1xi32>
    %broadcast_in_dim3A_1562 = vector.shape_cast %eq3A_1561 : vector<512x1xi1> to vector<512x1xi1>
    %broadcast_in_dim3A_1563 = vector.broadcast %broadcast_in_dim3A_1562 : vector<512x1xi1> to vector<512x128xi1>
    %select_n3A_1564 = arith.select %broadcast_in_dim3A_1563, %slice3A_30, %select_n3A_1558 : vector<512x128xi1>, vector<512x128xf32>
    %eq3A_1565 = arith.constant 12 : i32
    %eq3A_1566 = vector.broadcast %eq3A_1565 : i32 to vector<512x1xi32>
    %eq3A_1567 = arith.cmpi eq, %broadcast_in_dim3A_1498, %eq3A_1566 : vector<512x1xi32>
    %broadcast_in_dim3A_1568 = vector.shape_cast %eq3A_1567 : vector<512x1xi1> to vector<512x1xi1>
    %broadcast_in_dim3A_1569 = vector.broadcast %broadcast_in_dim3A_1568 : vector<512x1xi1> to vector<512x128xi1>
    %select_n3A_1570 = arith.select %broadcast_in_dim3A_1569, %slice3A_31, %select_n3A_1564 : vector<512x128xi1>, vector<512x128xf32>
    %eq3A_1571 = arith.constant 13 : i32
    %eq3A_1572 = vector.broadcast %eq3A_1571 : i32 to vector<512x1xi32>
    %eq3A_1573 = arith.cmpi eq, %broadcast_in_dim3A_1498, %eq3A_1572 : vector<512x1xi32>
    %broadcast_in_dim3A_1574 = vector.shape_cast %eq3A_1573 : vector<512x1xi1> to vector<512x1xi1>
    %broadcast_in_dim3A_1575 = vector.broadcast %broadcast_in_dim3A_1574 : vector<512x1xi1> to vector<512x128xi1>
    %select_n3A_1576 = arith.select %broadcast_in_dim3A_1575, %slice3A_32, %select_n3A_1570 : vector<512x128xi1>, vector<512x128xf32>
    %eq3A_1577 = arith.constant 14 : i32
    %eq3A_1578 = vector.broadcast %eq3A_1577 : i32 to vector<512x1xi32>
    %eq3A_1579 = arith.cmpi eq, %broadcast_in_dim3A_1498, %eq3A_1578 : vector<512x1xi32>
    %broadcast_in_dim3A_1580 = vector.shape_cast %eq3A_1579 : vector<512x1xi1> to vector<512x1xi1>
    %broadcast_in_dim3A_1581 = vector.broadcast %broadcast_in_dim3A_1580 : vector<512x1xi1> to vector<512x128xi1>
    %select_n3A_1582 = arith.select %broadcast_in_dim3A_1581, %slice3A_33, %select_n3A_1576 : vector<512x128xi1>, vector<512x128xf32>
    %eq3A_1583 = arith.constant 15 : i32
    %eq3A_1584 = vector.broadcast %eq3A_1583 : i32 to vector<512x1xi32>
    %eq3A_1585 = arith.cmpi eq, %broadcast_in_dim3A_1498, %eq3A_1584 : vector<512x1xi32>
    %broadcast_in_dim3A_1586 = vector.shape_cast %eq3A_1585 : vector<512x1xi1> to vector<512x1xi1>
    %broadcast_in_dim3A_1587 = vector.broadcast %broadcast_in_dim3A_1586 : vector<512x1xi1> to vector<512x128xi1>
    %select_n3A_1588 = arith.select %broadcast_in_dim3A_1587, %slice3A_34, %select_n3A_1582 : vector<512x128xi1>, vector<512x128xf32>
    %mul3A_1589 = arith.constant 128 : i32
    %mul3A_1590 = vector.broadcast %mul3A_1589 : i32 to vector<512x1xi32>
    %mul3A_1591 = arith.muli %broadcast_in_dim3A_1498, %mul3A_1590 : vector<512x1xi32>
    %sub3A_1592 = arith.subi %add3A, %mul3A_1591 : vector<512x1xi32>
    %eq3A_1593 = vector.broadcast %sub3A_1592 : vector<512x1xi32> to vector<512x128xi32>
    %eq3A_1594 = arith.cmpi eq, %iota3A, %eq3A_1593 : vector<512x128xi32>
    %jit3A_1595 = arith.constant 0xFF800000 : f32
    %broadcast_in_dim3A_1596 = vector.broadcast %jit3A_1595 : f32 to vector<512x128xf32>
    %select_n3A_1597 = arith.select %eq3A_1594, %broadcast_in_dim3A_1596, %select_n3A_1588 : vector<512x128xi1>, vector<512x128xf32>
    %sub3A_1598 = arith.subi %add3A_326, %mul3A_1591 : vector<512x1xi32>
    %eq3A_1599 = vector.broadcast %sub3A_1598 : vector<512x1xi32> to vector<512x128xi32>
    %eq3A_1600 = arith.cmpi eq, %iota3A, %eq3A_1599 : vector<512x128xi32>
    %jit3A_1601 = arith.constant 0xFF800000 : f32
    %broadcast_in_dim3A_1602 = vector.broadcast %jit3A_1601 : f32 to vector<512x128xf32>
    %select_n3A_1603 = arith.select %eq3A_1600, %broadcast_in_dim3A_1602, %select_n3A_1597 : vector<512x128xi1>, vector<512x128xf32>
    %sub3A_1604 = arith.subi %add3A_471, %mul3A_1591 : vector<512x1xi32>
    %eq3A_1605 = vector.broadcast %sub3A_1604 : vector<512x1xi32> to vector<512x128xi32>
    %eq3A_1606 = arith.cmpi eq, %iota3A, %eq3A_1605 : vector<512x128xi32>
    %jit3A_1607 = arith.constant 0xFF800000 : f32
    %broadcast_in_dim3A_1608 = vector.broadcast %jit3A_1607 : f32 to vector<512x128xf32>
    %select_n3A_1609 = arith.select %eq3A_1606, %broadcast_in_dim3A_1608, %select_n3A_1603 : vector<512x128xi1>, vector<512x128xf32>
    %sub3A_1610 = arith.subi %add3A_622, %mul3A_1591 : vector<512x1xi32>
    %eq3A_1611 = vector.broadcast %sub3A_1610 : vector<512x1xi32> to vector<512x128xi32>
    %eq3A_1612 = arith.cmpi eq, %iota3A, %eq3A_1611 : vector<512x128xi32>
    %jit3A_1613 = arith.constant 0xFF800000 : f32
    %broadcast_in_dim3A_1614 = vector.broadcast %jit3A_1613 : f32 to vector<512x128xf32>
    %select_n3A_1615 = arith.select %eq3A_1612, %broadcast_in_dim3A_1614, %select_n3A_1609 : vector<512x128xi1>, vector<512x128xf32>
    %sub3A_1616 = arith.subi %add3A_779, %mul3A_1591 : vector<512x1xi32>
    %eq3A_1617 = vector.broadcast %sub3A_1616 : vector<512x1xi32> to vector<512x128xi32>
    %eq3A_1618 = arith.cmpi eq, %iota3A, %eq3A_1617 : vector<512x128xi32>
    %jit3A_1619 = arith.constant 0xFF800000 : f32
    %broadcast_in_dim3A_1620 = vector.broadcast %jit3A_1619 : f32 to vector<512x128xf32>
    %select_n3A_1621 = arith.select %eq3A_1618, %broadcast_in_dim3A_1620, %select_n3A_1615 : vector<512x128xi1>, vector<512x128xf32>
    %sub3A_1622 = arith.subi %add3A_942, %mul3A_1591 : vector<512x1xi32>
    %eq3A_1623 = vector.broadcast %sub3A_1622 : vector<512x1xi32> to vector<512x128xi32>
    %eq3A_1624 = arith.cmpi eq, %iota3A, %eq3A_1623 : vector<512x128xi32>
    %jit3A_1625 = arith.constant 0xFF800000 : f32
    %broadcast_in_dim3A_1626 = vector.broadcast %jit3A_1625 : f32 to vector<512x128xf32>
    %select_n3A_1627 = arith.select %eq3A_1624, %broadcast_in_dim3A_1626, %select_n3A_1621 : vector<512x128xi1>, vector<512x128xf32>
    %sub3A_1628 = arith.subi %add3A_1111, %mul3A_1591 : vector<512x1xi32>
    %eq3A_1629 = vector.broadcast %sub3A_1628 : vector<512x1xi32> to vector<512x128xi32>
    %eq3A_1630 = arith.cmpi eq, %iota3A, %eq3A_1629 : vector<512x128xi32>
    %jit3A_1631 = arith.constant 0xFF800000 : f32
    %broadcast_in_dim3A_1632 = vector.broadcast %jit3A_1631 : f32 to vector<512x128xf32>
    %select_n3A_1633 = arith.select %eq3A_1630, %broadcast_in_dim3A_1632, %select_n3A_1627 : vector<512x128xi1>, vector<512x128xf32>
    %sub3A_1634 = arith.subi %add3A_1286, %mul3A_1591 : vector<512x1xi32>
    %eq3A_1635 = vector.broadcast %sub3A_1634 : vector<512x1xi32> to vector<512x128xi32>
    %eq3A_1636 = arith.cmpi eq, %iota3A, %eq3A_1635 : vector<512x128xi32>
    %jit3A_1637 = arith.constant 0xFF800000 : f32
    %broadcast_in_dim3A_1638 = vector.broadcast %jit3A_1637 : f32 to vector<512x128xf32>
    %select_n3A_1639 = arith.select %eq3A_1636, %broadcast_in_dim3A_1638, %select_n3A_1633 : vector<512x128xi1>, vector<512x128xf32>
    %sub3A_1640 = arith.subi %add3A_1467, %mul3A_1591 : vector<512x1xi32>
    %eq3A_1641 = vector.broadcast %sub3A_1640 : vector<512x1xi32> to vector<512x128xi32>
    %eq3A_1642 = arith.cmpi eq, %iota3A, %eq3A_1641 : vector<512x128xi32>
    %jit3A_1643 = arith.constant 0xFF800000 : f32
    %broadcast_in_dim3A_1644 = vector.broadcast %jit3A_1643 : f32 to vector<512x128xf32>
    %select_n3A_1645 = arith.select %eq3A_1642, %broadcast_in_dim3A_1644, %select_n3A_1639 : vector<512x128xi1>, vector<512x128xf32>
    %eq3A_1646 = vector.broadcast %broadcast_in_dim3A_1490 : vector<512x1xf32> to vector<512x128xf32>
    %eq3A_1647 = arith.cmpf oeq, %select_n3A_1645, %eq3A_1646 : vector<512x128xf32>
    %jit3A_1648 = arith.constant 128 : i32
    %broadcast_in_dim3A_1649 = vector.broadcast %jit3A_1648 : i32 to vector<512x128xi32>
    %select_n3A_1650 = arith.select %eq3A_1647, %iota3A, %broadcast_in_dim3A_1649 : vector<512x128xi1>, vector<512x128xi32>
    %reduce_min3A_1651 = arith.constant dense<2147483647> : vector<512xi32>
    %reduce_min3A_1652 = vector.multi_reduction <minsi>, %select_n3A_1650, %reduce_min3A_1651 [1] : vector<512x128xi32> to vector<512xi32>
    %broadcast_in_dim3A_1653 = vector.shape_cast %reduce_min3A_1652 : vector<512xi32> to vector<512x1xi32>
    %add3A_1654 = arith.addi %mul3A_1591, %broadcast_in_dim3A_1653 : vector<512x1xi32>
    %mul3A_1655 = arith.constant 2048 : i32
    %mul3A_1656 = arith.muli %arg0, %mul3A_1655 : i32
    %add3A_1657 = vector.broadcast %mul3A_1656 : i32 to vector<512x1xi32>
    %add3A_1658 = arith.addi %add3A_1654, %add3A_1657 : vector<512x1xi32>
    %swap3A_1659 = arith.constant 0 : index
    %swap3A_1660 = arith.constant 9 : index
    %swap3A_1661 = vector.load %arg6[%swap3A_1659, %swap3A_1660] : memref<512x20xi32, #tpu.memory_space<vmem>>, vector<512x1xi32>
    tpu.vector_store %arg6[%swap3A_1659, %swap3A_1660], %add3A_1658 {strides = array<i32>} : memref<512x20xi32, #tpu.memory_space<vmem>>, vector<512x1xi32>,
    %eq3A_1662 = vector.broadcast %broadcast_in_dim3A_1653 : vector<512x1xi32> to vector<512x128xi32>
    %eq3A_1663 = arith.cmpi eq, %iota3A, %eq3A_1662 : vector<512x128xi32>
    %jit3A_1664 = arith.constant 0xFF800000 : f32
    %broadcast_in_dim3A_1665 = vector.broadcast %jit3A_1664 : f32 to vector<512x128xf32>
    %select_n3A_1666 = arith.select %eq3A_1663, %broadcast_in_dim3A_1665, %select_n3A_1645 : vector<512x128xi1>, vector<512x128xf32>
    %reduce_max3A_1667 = arith.constant dense<0xFF800000> : vector<512xf32>
    %reduce_max3A_1668 = vector.multi_reduction <maximumf>, %select_n3A_1666, %reduce_max3A_1667 [1] : vector<512x128xf32> to vector<512xf32>
    %broadcast_in_dim3A_1669 = vector.shape_cast %reduce_max3A_1668 : vector<512xf32> to vector<512x1xf32>
    %eq3A_1670 = vector.broadcast %broadcast_in_dim3A_1498 : vector<512x1xi32> to vector<512x16xi32>
    %eq3A_1671 = arith.cmpi eq, %iota3A_19, %eq3A_1670 : vector<512x16xi32>
    %broadcast_in_dim3A_1672 = vector.shape_cast %broadcast_in_dim3A_1669 : vector<512x1xf32> to vector<512x1xf32>
    %broadcast_in_dim3A_1673 = vector.broadcast %broadcast_in_dim3A_1672 : vector<512x1xf32> to vector<512x16xf32>
    %select_n3A_1674 = arith.select %eq3A_1671, %broadcast_in_dim3A_1673, %select_n3A_1487 : vector<512x16xi1>, vector<512x16xf32>
    %reduce_max3A_1675 = arith.constant dense<0xFF800000> : vector<512xf32>
    %reduce_max3A_1676 = vector.multi_reduction <maximumf>, %select_n3A_1674, %reduce_max3A_1675 [1] : vector<512x16xf32> to vector<512xf32>
    %broadcast_in_dim3A_1677 = vector.shape_cast %reduce_max3A_1676 : vector<512xf32> to vector<512x1xf32>
    %eq3A_1678 = vector.broadcast %broadcast_in_dim3A_1677 : vector<512x1xf32> to vector<512x16xf32>
    %eq3A_1679 = arith.cmpf oeq, %select_n3A_1674, %eq3A_1678 : vector<512x16xf32>
    %jit3A_1680 = arith.constant 16 : i32
    %broadcast_in_dim3A_1681 = vector.broadcast %jit3A_1680 : i32 to vector<512x16xi32>
    %select_n3A_1682 = arith.select %eq3A_1679, %iota3A_19, %broadcast_in_dim3A_1681 : vector<512x16xi1>, vector<512x16xi32>
    %reduce_min3A_1683 = arith.constant dense<2147483647> : vector<512xi32>
    %reduce_min3A_1684 = vector.multi_reduction <minsi>, %select_n3A_1682, %reduce_min3A_1683 [1] : vector<512x16xi32> to vector<512xi32>
    %broadcast_in_dim3A_1685 = vector.shape_cast %reduce_min3A_1684 : vector<512xi32> to vector<512x1xi32>
    %eq3A_1686 = arith.constant 1 : i32
    %eq3A_1687 = vector.broadcast %eq3A_1686 : i32 to vector<512x1xi32>
    %eq3A_1688 = arith.cmpi eq, %broadcast_in_dim3A_1685, %eq3A_1687 : vector<512x1xi32>
    %broadcast_in_dim3A_1689 = vector.shape_cast %eq3A_1688 : vector<512x1xi1> to vector<512x1xi1>
    %broadcast_in_dim3A_1690 = vector.broadcast %broadcast_in_dim3A_1689 : vector<512x1xi1> to vector<512x128xi1>
    %select_n3A_1691 = arith.select %broadcast_in_dim3A_1690, %slice3A_20, %slice3A : vector<512x128xi1>, vector<512x128xf32>
    %eq3A_1692 = arith.constant 2 : i32
    %eq3A_1693 = vector.broadcast %eq3A_1692 : i32 to vector<512x1xi32>
    %eq3A_1694 = arith.cmpi eq, %broadcast_in_dim3A_1685, %eq3A_1693 : vector<512x1xi32>
    %broadcast_in_dim3A_1695 = vector.shape_cast %eq3A_1694 : vector<512x1xi1> to vector<512x1xi1>
    %broadcast_in_dim3A_1696 = vector.broadcast %broadcast_in_dim3A_1695 : vector<512x1xi1> to vector<512x128xi1>
    %select_n3A_1697 = arith.select %broadcast_in_dim3A_1696, %slice3A_21, %select_n3A_1691 : vector<512x128xi1>, vector<512x128xf32>
    %eq3A_1698 = arith.constant 3 : i32
    %eq3A_1699 = vector.broadcast %eq3A_1698 : i32 to vector<512x1xi32>
    %eq3A_1700 = arith.cmpi eq, %broadcast_in_dim3A_1685, %eq3A_1699 : vector<512x1xi32>
    %broadcast_in_dim3A_1701 = vector.shape_cast %eq3A_1700 : vector<512x1xi1> to vector<512x1xi1>
    %broadcast_in_dim3A_1702 = vector.broadcast %broadcast_in_dim3A_1701 : vector<512x1xi1> to vector<512x128xi1>
    %select_n3A_1703 = arith.select %broadcast_in_dim3A_1702, %slice3A_22, %select_n3A_1697 : vector<512x128xi1>, vector<512x128xf32>
    %eq3A_1704 = arith.constant 4 : i32
    %eq3A_1705 = vector.broadcast %eq3A_1704 : i32 to vector<512x1xi32>
    %eq3A_1706 = arith.cmpi eq, %broadcast_in_dim3A_1685, %eq3A_1705 : vector<512x1xi32>
    %broadcast_in_dim3A_1707 = vector.shape_cast %eq3A_1706 : vector<512x1xi1> to vector<512x1xi1>
    %broadcast_in_dim3A_1708 = vector.broadcast %broadcast_in_dim3A_1707 : vector<512x1xi1> to vector<512x128xi1>
    %select_n3A_1709 = arith.select %broadcast_in_dim3A_1708, %slice3A_23, %select_n3A_1703 : vector<512x128xi1>, vector<512x128xf32>
    %eq3A_1710 = arith.constant 5 : i32
    %eq3A_1711 = vector.broadcast %eq3A_1710 : i32 to vector<512x1xi32>
    %eq3A_1712 = arith.cmpi eq, %broadcast_in_dim3A_1685, %eq3A_1711 : vector<512x1xi32>
    %broadcast_in_dim3A_1713 = vector.shape_cast %eq3A_1712 : vector<512x1xi1> to vector<512x1xi1>
    %broadcast_in_dim3A_1714 = vector.broadcast %broadcast_in_dim3A_1713 : vector<512x1xi1> to vector<512x128xi1>
    %select_n3A_1715 = arith.select %broadcast_in_dim3A_1714, %slice3A_24, %select_n3A_1709 : vector<512x128xi1>, vector<512x128xf32>
    %eq3A_1716 = arith.constant 6 : i32
    %eq3A_1717 = vector.broadcast %eq3A_1716 : i32 to vector<512x1xi32>
    %eq3A_1718 = arith.cmpi eq, %broadcast_in_dim3A_1685, %eq3A_1717 : vector<512x1xi32>
    %broadcast_in_dim3A_1719 = vector.shape_cast %eq3A_1718 : vector<512x1xi1> to vector<512x1xi1>
    %broadcast_in_dim3A_1720 = vector.broadcast %broadcast_in_dim3A_1719 : vector<512x1xi1> to vector<512x128xi1>
    %select_n3A_1721 = arith.select %broadcast_in_dim3A_1720, %slice3A_25, %select_n3A_1715 : vector<512x128xi1>, vector<512x128xf32>
    %eq3A_1722 = arith.constant 7 : i32
    %eq3A_1723 = vector.broadcast %eq3A_1722 : i32 to vector<512x1xi32>
    %eq3A_1724 = arith.cmpi eq, %broadcast_in_dim3A_1685, %eq3A_1723 : vector<512x1xi32>
    %broadcast_in_dim3A_1725 = vector.shape_cast %eq3A_1724 : vector<512x1xi1> to vector<512x1xi1>
    %broadcast_in_dim3A_1726 = vector.broadcast %broadcast_in_dim3A_1725 : vector<512x1xi1> to vector<512x128xi1>
    %select_n3A_1727 = arith.select %broadcast_in_dim3A_1726, %slice3A_26, %select_n3A_1721 : vector<512x128xi1>, vector<512x128xf32>
    %eq3A_1728 = arith.constant 8 : i32
    %eq3A_1729 = vector.broadcast %eq3A_1728 : i32 to vector<512x1xi32>
    %eq3A_1730 = arith.cmpi eq, %broadcast_in_dim3A_1685, %eq3A_1729 : vector<512x1xi32>
    %broadcast_in_dim3A_1731 = vector.shape_cast %eq3A_1730 : vector<512x1xi1> to vector<512x1xi1>
    %broadcast_in_dim3A_1732 = vector.broadcast %broadcast_in_dim3A_1731 : vector<512x1xi1> to vector<512x128xi1>
    %select_n3A_1733 = arith.select %broadcast_in_dim3A_1732, %slice3A_27, %select_n3A_1727 : vector<512x128xi1>, vector<512x128xf32>
    %eq3A_1734 = arith.constant 9 : i32
    %eq3A_1735 = vector.broadcast %eq3A_1734 : i32 to vector<512x1xi32>
    %eq3A_1736 = arith.cmpi eq, %broadcast_in_dim3A_1685, %eq3A_1735 : vector<512x1xi32>
    %broadcast_in_dim3A_1737 = vector.shape_cast %eq3A_1736 : vector<512x1xi1> to vector<512x1xi1>
    %broadcast_in_dim3A_1738 = vector.broadcast %broadcast_in_dim3A_1737 : vector<512x1xi1> to vector<512x128xi1>
    %select_n3A_1739 = arith.select %broadcast_in_dim3A_1738, %slice3A_28, %select_n3A_1733 : vector<512x128xi1>, vector<512x128xf32>
    %eq3A_1740 = arith.constant 10 : i32
    %eq3A_1741 = vector.broadcast %eq3A_1740 : i32 to vector<512x1xi32>
    %eq3A_1742 = arith.cmpi eq, %broadcast_in_dim3A_1685, %eq3A_1741 : vector<512x1xi32>
    %broadcast_in_dim3A_1743 = vector.shape_cast %eq3A_1742 : vector<512x1xi1> to vector<512x1xi1>
    %broadcast_in_dim3A_1744 = vector.broadcast %broadcast_in_dim3A_1743 : vector<512x1xi1> to vector<512x128xi1>
    %select_n3A_1745 = arith.select %broadcast_in_dim3A_1744, %slice3A_29, %select_n3A_1739 : vector<512x128xi1>, vector<512x128xf32>
    %eq3A_1746 = arith.constant 11 : i32
    %eq3A_1747 = vector.broadcast %eq3A_1746 : i32 to vector<512x1xi32>
    %eq3A_1748 = arith.cmpi eq, %broadcast_in_dim3A_1685, %eq3A_1747 : vector<512x1xi32>
    %broadcast_in_dim3A_1749 = vector.shape_cast %eq3A_1748 : vector<512x1xi1> to vector<512x1xi1>
    %broadcast_in_dim3A_1750 = vector.broadcast %broadcast_in_dim3A_1749 : vector<512x1xi1> to vector<512x128xi1>
    %select_n3A_1751 = arith.select %broadcast_in_dim3A_1750, %slice3A_30, %select_n3A_1745 : vector<512x128xi1>, vector<512x128xf32>
    %eq3A_1752 = arith.constant 12 : i32
    %eq3A_1753 = vector.broadcast %eq3A_1752 : i32 to vector<512x1xi32>
    %eq3A_1754 = arith.cmpi eq, %broadcast_in_dim3A_1685, %eq3A_1753 : vector<512x1xi32>
    %broadcast_in_dim3A_1755 = vector.shape_cast %eq3A_1754 : vector<512x1xi1> to vector<512x1xi1>
    %broadcast_in_dim3A_1756 = vector.broadcast %broadcast_in_dim3A_1755 : vector<512x1xi1> to vector<512x128xi1>
    %select_n3A_1757 = arith.select %broadcast_in_dim3A_1756, %slice3A_31, %select_n3A_1751 : vector<512x128xi1>, vector<512x128xf32>
    %eq3A_1758 = arith.constant 13 : i32
    %eq3A_1759 = vector.broadcast %eq3A_1758 : i32 to vector<512x1xi32>
    %eq3A_1760 = arith.cmpi eq, %broadcast_in_dim3A_1685, %eq3A_1759 : vector<512x1xi32>
    %broadcast_in_dim3A_1761 = vector.shape_cast %eq3A_1760 : vector<512x1xi1> to vector<512x1xi1>
    %broadcast_in_dim3A_1762 = vector.broadcast %broadcast_in_dim3A_1761 : vector<512x1xi1> to vector<512x128xi1>
    %select_n3A_1763 = arith.select %broadcast_in_dim3A_1762, %slice3A_32, %select_n3A_1757 : vector<512x128xi1>, vector<512x128xf32>
    %eq3A_1764 = arith.constant 14 : i32
    %eq3A_1765 = vector.broadcast %eq3A_1764 : i32 to vector<512x1xi32>
    %eq3A_1766 = arith.cmpi eq, %broadcast_in_dim3A_1685, %eq3A_1765 : vector<512x1xi32>
    %broadcast_in_dim3A_1767 = vector.shape_cast %eq3A_1766 : vector<512x1xi1> to vector<512x1xi1>
    %broadcast_in_dim3A_1768 = vector.broadcast %broadcast_in_dim3A_1767 : vector<512x1xi1> to vector<512x128xi1>
    %select_n3A_1769 = arith.select %broadcast_in_dim3A_1768, %slice3A_33, %select_n3A_1763 : vector<512x128xi1>, vector<512x128xf32>
    %eq3A_1770 = arith.constant 15 : i32
    %eq3A_1771 = vector.broadcast %eq3A_1770 : i32 to vector<512x1xi32>
    %eq3A_1772 = arith.cmpi eq, %broadcast_in_dim3A_1685, %eq3A_1771 : vector<512x1xi32>
    %broadcast_in_dim3A_1773 = vector.shape_cast %eq3A_1772 : vector<512x1xi1> to vector<512x1xi1>
    %broadcast_in_dim3A_1774 = vector.broadcast %broadcast_in_dim3A_1773 : vector<512x1xi1> to vector<512x128xi1>
    %select_n3A_1775 = arith.select %broadcast_in_dim3A_1774, %slice3A_34, %select_n3A_1769 : vector<512x128xi1>, vector<512x128xf32>
    %mul3A_1776 = arith.constant 128 : i32
    %mul3A_1777 = vector.broadcast %mul3A_1776 : i32 to vector<512x1xi32>
    %mul3A_1778 = arith.muli %broadcast_in_dim3A_1685, %mul3A_1777 : vector<512x1xi32>
    %sub3A_1779 = arith.subi %add3A, %mul3A_1778 : vector<512x1xi32>
    %eq3A_1780 = vector.broadcast %sub3A_1779 : vector<512x1xi32> to vector<512x128xi32>
    %eq3A_1781 = arith.cmpi eq, %iota3A, %eq3A_1780 : vector<512x128xi32>
    %jit3A_1782 = arith.constant 0xFF800000 : f32
    %broadcast_in_dim3A_1783 = vector.broadcast %jit3A_1782 : f32 to vector<512x128xf32>
    %select_n3A_1784 = arith.select %eq3A_1781, %broadcast_in_dim3A_1783, %select_n3A_1775 : vector<512x128xi1>, vector<512x128xf32>
    %sub3A_1785 = arith.subi %add3A_326, %mul3A_1778 : vector<512x1xi32>
    %eq3A_1786 = vector.broadcast %sub3A_1785 : vector<512x1xi32> to vector<512x128xi32>
    %eq3A_1787 = arith.cmpi eq, %iota3A, %eq3A_1786 : vector<512x128xi32>
    %jit3A_1788 = arith.constant 0xFF800000 : f32
    %broadcast_in_dim3A_1789 = vector.broadcast %jit3A_1788 : f32 to vector<512x128xf32>
    %select_n3A_1790 = arith.select %eq3A_1787, %broadcast_in_dim3A_1789, %select_n3A_1784 : vector<512x128xi1>, vector<512x128xf32>
    %sub3A_1791 = arith.subi %add3A_471, %mul3A_1778 : vector<512x1xi32>
    %eq3A_1792 = vector.broadcast %sub3A_1791 : vector<512x1xi32> to vector<512x128xi32>
    %eq3A_1793 = arith.cmpi eq, %iota3A, %eq3A_1792 : vector<512x128xi32>
    %jit3A_1794 = arith.constant 0xFF800000 : f32
    %broadcast_in_dim3A_1795 = vector.broadcast %jit3A_1794 : f32 to vector<512x128xf32>
    %select_n3A_1796 = arith.select %eq3A_1793, %broadcast_in_dim3A_1795, %select_n3A_1790 : vector<512x128xi1>, vector<512x128xf32>
    %sub3A_1797 = arith.subi %add3A_622, %mul3A_1778 : vector<512x1xi32>
    %eq3A_1798 = vector.broadcast %sub3A_1797 : vector<512x1xi32> to vector<512x128xi32>
    %eq3A_1799 = arith.cmpi eq, %iota3A, %eq3A_1798 : vector<512x128xi32>
    %jit3A_1800 = arith.constant 0xFF800000 : f32
    %broadcast_in_dim3A_1801 = vector.broadcast %jit3A_1800 : f32 to vector<512x128xf32>
    %select_n3A_1802 = arith.select %eq3A_1799, %broadcast_in_dim3A_1801, %select_n3A_1796 : vector<512x128xi1>, vector<512x128xf32>
    %sub3A_1803 = arith.subi %add3A_779, %mul3A_1778 : vector<512x1xi32>
    %eq3A_1804 = vector.broadcast %sub3A_1803 : vector<512x1xi32> to vector<512x128xi32>
    %eq3A_1805 = arith.cmpi eq, %iota3A, %eq3A_1804 : vector<512x128xi32>
    %jit3A_1806 = arith.constant 0xFF800000 : f32
    %broadcast_in_dim3A_1807 = vector.broadcast %jit3A_1806 : f32 to vector<512x128xf32>
    %select_n3A_1808 = arith.select %eq3A_1805, %broadcast_in_dim3A_1807, %select_n3A_1802 : vector<512x128xi1>, vector<512x128xf32>
    %sub3A_1809 = arith.subi %add3A_942, %mul3A_1778 : vector<512x1xi32>
    %eq3A_1810 = vector.broadcast %sub3A_1809 : vector<512x1xi32> to vector<512x128xi32>
    %eq3A_1811 = arith.cmpi eq, %iota3A, %eq3A_1810 : vector<512x128xi32>
    %jit3A_1812 = arith.constant 0xFF800000 : f32
    %broadcast_in_dim3A_1813 = vector.broadcast %jit3A_1812 : f32 to vector<512x128xf32>
    %select_n3A_1814 = arith.select %eq3A_1811, %broadcast_in_dim3A_1813, %select_n3A_1808 : vector<512x128xi1>, vector<512x128xf32>
    %sub3A_1815 = arith.subi %add3A_1111, %mul3A_1778 : vector<512x1xi32>
    %eq3A_1816 = vector.broadcast %sub3A_1815 : vector<512x1xi32> to vector<512x128xi32>
    %eq3A_1817 = arith.cmpi eq, %iota3A, %eq3A_1816 : vector<512x128xi32>
    %jit3A_1818 = arith.constant 0xFF800000 : f32
    %broadcast_in_dim3A_1819 = vector.broadcast %jit3A_1818 : f32 to vector<512x128xf32>
    %select_n3A_1820 = arith.select %eq3A_1817, %broadcast_in_dim3A_1819, %select_n3A_1814 : vector<512x128xi1>, vector<512x128xf32>
    %sub3A_1821 = arith.subi %add3A_1286, %mul3A_1778 : vector<512x1xi32>
    %eq3A_1822 = vector.broadcast %sub3A_1821 : vector<512x1xi32> to vector<512x128xi32>
    %eq3A_1823 = arith.cmpi eq, %iota3A, %eq3A_1822 : vector<512x128xi32>
    %jit3A_1824 = arith.constant 0xFF800000 : f32
    %broadcast_in_dim3A_1825 = vector.broadcast %jit3A_1824 : f32 to vector<512x128xf32>
    %select_n3A_1826 = arith.select %eq3A_1823, %broadcast_in_dim3A_1825, %select_n3A_1820 : vector<512x128xi1>, vector<512x128xf32>
    %sub3A_1827 = arith.subi %add3A_1467, %mul3A_1778 : vector<512x1xi32>
    %eq3A_1828 = vector.broadcast %sub3A_1827 : vector<512x1xi32> to vector<512x128xi32>
    %eq3A_1829 = arith.cmpi eq, %iota3A, %eq3A_1828 : vector<512x128xi32>
    %jit3A_1830 = arith.constant 0xFF800000 : f32
    %broadcast_in_dim3A_1831 = vector.broadcast %jit3A_1830 : f32 to vector<512x128xf32>
    %select_n3A_1832 = arith.select %eq3A_1829, %broadcast_in_dim3A_1831, %select_n3A_1826 : vector<512x128xi1>, vector<512x128xf32>
    %sub3A_1833 = arith.subi %add3A_1654, %mul3A_1778 : vector<512x1xi32>
    %eq3A_1834 = vector.broadcast %sub3A_1833 : vector<512x1xi32> to vector<512x128xi32>
    %eq3A_1835 = arith.cmpi eq, %iota3A, %eq3A_1834 : vector<512x128xi32>
    %jit3A_1836 = arith.constant 0xFF800000 : f32
    %broadcast_in_dim3A_1837 = vector.broadcast %jit3A_1836 : f32 to vector<512x128xf32>
    %select_n3A_1838 = arith.select %eq3A_1835, %broadcast_in_dim3A_1837, %select_n3A_1832 : vector<512x128xi1>, vector<512x128xf32>
    %eq3A_1839 = vector.broadcast %broadcast_in_dim3A_1677 : vector<512x1xf32> to vector<512x128xf32>
    %eq3A_1840 = arith.cmpf oeq, %select_n3A_1838, %eq3A_1839 : vector<512x128xf32>
    %jit3A_1841 = arith.constant 128 : i32
    %broadcast_in_dim3A_1842 = vector.broadcast %jit3A_1841 : i32 to vector<512x128xi32>
    %select_n3A_1843 = arith.select %eq3A_1840, %iota3A, %broadcast_in_dim3A_1842 : vector<512x128xi1>, vector<512x128xi32>
    %reduce_min3A_1844 = arith.constant dense<2147483647> : vector<512xi32>
    %reduce_min3A_1845 = vector.multi_reduction <minsi>, %select_n3A_1843, %reduce_min3A_1844 [1] : vector<512x128xi32> to vector<512xi32>
    %broadcast_in_dim3A_1846 = vector.shape_cast %reduce_min3A_1845 : vector<512xi32> to vector<512x1xi32>
    %add3A_1847 = arith.addi %mul3A_1778, %broadcast_in_dim3A_1846 : vector<512x1xi32>
    %mul3A_1848 = arith.constant 2048 : i32
    %mul3A_1849 = arith.muli %arg0, %mul3A_1848 : i32
    %add3A_1850 = vector.broadcast %mul3A_1849 : i32 to vector<512x1xi32>
    %add3A_1851 = arith.addi %add3A_1847, %add3A_1850 : vector<512x1xi32>
    %swap3A_1852 = arith.constant 0 : index
    %swap3A_1853 = arith.constant 10 : index
    %swap3A_1854 = vector.load %arg6[%swap3A_1852, %swap3A_1853] : memref<512x20xi32, #tpu.memory_space<vmem>>, vector<512x1xi32>
    tpu.vector_store %arg6[%swap3A_1852, %swap3A_1853], %add3A_1851 {strides = array<i32>} : memref<512x20xi32, #tpu.memory_space<vmem>>, vector<512x1xi32>,
    %eq3A_1855 = vector.broadcast %broadcast_in_dim3A_1846 : vector<512x1xi32> to vector<512x128xi32>
    %eq3A_1856 = arith.cmpi eq, %iota3A, %eq3A_1855 : vector<512x128xi32>
    %jit3A_1857 = arith.constant 0xFF800000 : f32
    %broadcast_in_dim3A_1858 = vector.broadcast %jit3A_1857 : f32 to vector<512x128xf32>
    %select_n3A_1859 = arith.select %eq3A_1856, %broadcast_in_dim3A_1858, %select_n3A_1838 : vector<512x128xi1>, vector<512x128xf32>
    %reduce_max3A_1860 = arith.constant dense<0xFF800000> : vector<512xf32>
    %reduce_max3A_1861 = vector.multi_reduction <maximumf>, %select_n3A_1859, %reduce_max3A_1860 [1] : vector<512x128xf32> to vector<512xf32>
    %broadcast_in_dim3A_1862 = vector.shape_cast %reduce_max3A_1861 : vector<512xf32> to vector<512x1xf32>
    %eq3A_1863 = vector.broadcast %broadcast_in_dim3A_1685 : vector<512x1xi32> to vector<512x16xi32>
    %eq3A_1864 = arith.cmpi eq, %iota3A_19, %eq3A_1863 : vector<512x16xi32>
    %broadcast_in_dim3A_1865 = vector.shape_cast %broadcast_in_dim3A_1862 : vector<512x1xf32> to vector<512x1xf32>
    %broadcast_in_dim3A_1866 = vector.broadcast %broadcast_in_dim3A_1865 : vector<512x1xf32> to vector<512x16xf32>
    %select_n3A_1867 = arith.select %eq3A_1864, %broadcast_in_dim3A_1866, %select_n3A_1674 : vector<512x16xi1>, vector<512x16xf32>
    %reduce_max3A_1868 = arith.constant dense<0xFF800000> : vector<512xf32>
    %reduce_max3A_1869 = vector.multi_reduction <maximumf>, %select_n3A_1867, %reduce_max3A_1868 [1] : vector<512x16xf32> to vector<512xf32>
    %broadcast_in_dim3A_1870 = vector.shape_cast %reduce_max3A_1869 : vector<512xf32> to vector<512x1xf32>
    %eq3A_1871 = vector.broadcast %broadcast_in_dim3A_1870 : vector<512x1xf32> to vector<512x16xf32>
    %eq3A_1872 = arith.cmpf oeq, %select_n3A_1867, %eq3A_1871 : vector<512x16xf32>
    %jit3A_1873 = arith.constant 16 : i32
    %broadcast_in_dim3A_1874 = vector.broadcast %jit3A_1873 : i32 to vector<512x16xi32>
    %select_n3A_1875 = arith.select %eq3A_1872, %iota3A_19, %broadcast_in_dim3A_1874 : vector<512x16xi1>, vector<512x16xi32>
    %reduce_min3A_1876 = arith.constant dense<2147483647> : vector<512xi32>
    %reduce_min3A_1877 = vector.multi_reduction <minsi>, %select_n3A_1875, %reduce_min3A_1876 [1] : vector<512x16xi32> to vector<512xi32>
    %broadcast_in_dim3A_1878 = vector.shape_cast %reduce_min3A_1877 : vector<512xi32> to vector<512x1xi32>
    %eq3A_1879 = arith.constant 1 : i32
    %eq3A_1880 = vector.broadcast %eq3A_1879 : i32 to vector<512x1xi32>
    %eq3A_1881 = arith.cmpi eq, %broadcast_in_dim3A_1878, %eq3A_1880 : vector<512x1xi32>
    %broadcast_in_dim3A_1882 = vector.shape_cast %eq3A_1881 : vector<512x1xi1> to vector<512x1xi1>
    %broadcast_in_dim3A_1883 = vector.broadcast %broadcast_in_dim3A_1882 : vector<512x1xi1> to vector<512x128xi1>
    %select_n3A_1884 = arith.select %broadcast_in_dim3A_1883, %slice3A_20, %slice3A : vector<512x128xi1>, vector<512x128xf32>
    %eq3A_1885 = arith.constant 2 : i32
    %eq3A_1886 = vector.broadcast %eq3A_1885 : i32 to vector<512x1xi32>
    %eq3A_1887 = arith.cmpi eq, %broadcast_in_dim3A_1878, %eq3A_1886 : vector<512x1xi32>
    %broadcast_in_dim3A_1888 = vector.shape_cast %eq3A_1887 : vector<512x1xi1> to vector<512x1xi1>
    %broadcast_in_dim3A_1889 = vector.broadcast %broadcast_in_dim3A_1888 : vector<512x1xi1> to vector<512x128xi1>
    %select_n3A_1890 = arith.select %broadcast_in_dim3A_1889, %slice3A_21, %select_n3A_1884 : vector<512x128xi1>, vector<512x128xf32>
    %eq3A_1891 = arith.constant 3 : i32
    %eq3A_1892 = vector.broadcast %eq3A_1891 : i32 to vector<512x1xi32>
    %eq3A_1893 = arith.cmpi eq, %broadcast_in_dim3A_1878, %eq3A_1892 : vector<512x1xi32>
    %broadcast_in_dim3A_1894 = vector.shape_cast %eq3A_1893 : vector<512x1xi1> to vector<512x1xi1>
    %broadcast_in_dim3A_1895 = vector.broadcast %broadcast_in_dim3A_1894 : vector<512x1xi1> to vector<512x128xi1>
    %select_n3A_1896 = arith.select %broadcast_in_dim3A_1895, %slice3A_22, %select_n3A_1890 : vector<512x128xi1>, vector<512x128xf32>
    %eq3A_1897 = arith.constant 4 : i32
    %eq3A_1898 = vector.broadcast %eq3A_1897 : i32 to vector<512x1xi32>
    %eq3A_1899 = arith.cmpi eq, %broadcast_in_dim3A_1878, %eq3A_1898 : vector<512x1xi32>
    %broadcast_in_dim3A_1900 = vector.shape_cast %eq3A_1899 : vector<512x1xi1> to vector<512x1xi1>
    %broadcast_in_dim3A_1901 = vector.broadcast %broadcast_in_dim3A_1900 : vector<512x1xi1> to vector<512x128xi1>
    %select_n3A_1902 = arith.select %broadcast_in_dim3A_1901, %slice3A_23, %select_n3A_1896 : vector<512x128xi1>, vector<512x128xf32>
    %eq3A_1903 = arith.constant 5 : i32
    %eq3A_1904 = vector.broadcast %eq3A_1903 : i32 to vector<512x1xi32>
    %eq3A_1905 = arith.cmpi eq, %broadcast_in_dim3A_1878, %eq3A_1904 : vector<512x1xi32>
    %broadcast_in_dim3A_1906 = vector.shape_cast %eq3A_1905 : vector<512x1xi1> to vector<512x1xi1>
    %broadcast_in_dim3A_1907 = vector.broadcast %broadcast_in_dim3A_1906 : vector<512x1xi1> to vector<512x128xi1>
    %select_n3A_1908 = arith.select %broadcast_in_dim3A_1907, %slice3A_24, %select_n3A_1902 : vector<512x128xi1>, vector<512x128xf32>
    %eq3A_1909 = arith.constant 6 : i32
    %eq3A_1910 = vector.broadcast %eq3A_1909 : i32 to vector<512x1xi32>
    %eq3A_1911 = arith.cmpi eq, %broadcast_in_dim3A_1878, %eq3A_1910 : vector<512x1xi32>
    %broadcast_in_dim3A_1912 = vector.shape_cast %eq3A_1911 : vector<512x1xi1> to vector<512x1xi1>
    %broadcast_in_dim3A_1913 = vector.broadcast %broadcast_in_dim3A_1912 : vector<512x1xi1> to vector<512x128xi1>
    %select_n3A_1914 = arith.select %broadcast_in_dim3A_1913, %slice3A_25, %select_n3A_1908 : vector<512x128xi1>, vector<512x128xf32>
    %eq3A_1915 = arith.constant 7 : i32
    %eq3A_1916 = vector.broadcast %eq3A_1915 : i32 to vector<512x1xi32>
    %eq3A_1917 = arith.cmpi eq, %broadcast_in_dim3A_1878, %eq3A_1916 : vector<512x1xi32>
    %broadcast_in_dim3A_1918 = vector.shape_cast %eq3A_1917 : vector<512x1xi1> to vector<512x1xi1>
    %broadcast_in_dim3A_1919 = vector.broadcast %broadcast_in_dim3A_1918 : vector<512x1xi1> to vector<512x128xi1>
    %select_n3A_1920 = arith.select %broadcast_in_dim3A_1919, %slice3A_26, %select_n3A_1914 : vector<512x128xi1>, vector<512x128xf32>
    %eq3A_1921 = arith.constant 8 : i32
    %eq3A_1922 = vector.broadcast %eq3A_1921 : i32 to vector<512x1xi32>
    %eq3A_1923 = arith.cmpi eq, %broadcast_in_dim3A_1878, %eq3A_1922 : vector<512x1xi32>
    %broadcast_in_dim3A_1924 = vector.shape_cast %eq3A_1923 : vector<512x1xi1> to vector<512x1xi1>
    %broadcast_in_dim3A_1925 = vector.broadcast %broadcast_in_dim3A_1924 : vector<512x1xi1> to vector<512x128xi1>
    %select_n3A_1926 = arith.select %broadcast_in_dim3A_1925, %slice3A_27, %select_n3A_1920 : vector<512x128xi1>, vector<512x128xf32>
    %eq3A_1927 = arith.constant 9 : i32
    %eq3A_1928 = vector.broadcast %eq3A_1927 : i32 to vector<512x1xi32>
    %eq3A_1929 = arith.cmpi eq, %broadcast_in_dim3A_1878, %eq3A_1928 : vector<512x1xi32>
    %broadcast_in_dim3A_1930 = vector.shape_cast %eq3A_1929 : vector<512x1xi1> to vector<512x1xi1>
    %broadcast_in_dim3A_1931 = vector.broadcast %broadcast_in_dim3A_1930 : vector<512x1xi1> to vector<512x128xi1>
    %select_n3A_1932 = arith.select %broadcast_in_dim3A_1931, %slice3A_28, %select_n3A_1926 : vector<512x128xi1>, vector<512x128xf32>
    %eq3A_1933 = arith.constant 10 : i32
    %eq3A_1934 = vector.broadcast %eq3A_1933 : i32 to vector<512x1xi32>
    %eq3A_1935 = arith.cmpi eq, %broadcast_in_dim3A_1878, %eq3A_1934 : vector<512x1xi32>
    %broadcast_in_dim3A_1936 = vector.shape_cast %eq3A_1935 : vector<512x1xi1> to vector<512x1xi1>
    %broadcast_in_dim3A_1937 = vector.broadcast %broadcast_in_dim3A_1936 : vector<512x1xi1> to vector<512x128xi1>
    %select_n3A_1938 = arith.select %broadcast_in_dim3A_1937, %slice3A_29, %select_n3A_1932 : vector<512x128xi1>, vector<512x128xf32>
    %eq3A_1939 = arith.constant 11 : i32
    %eq3A_1940 = vector.broadcast %eq3A_1939 : i32 to vector<512x1xi32>
    %eq3A_1941 = arith.cmpi eq, %broadcast_in_dim3A_1878, %eq3A_1940 : vector<512x1xi32>
    %broadcast_in_dim3A_1942 = vector.shape_cast %eq3A_1941 : vector<512x1xi1> to vector<512x1xi1>
    %broadcast_in_dim3A_1943 = vector.broadcast %broadcast_in_dim3A_1942 : vector<512x1xi1> to vector<512x128xi1>
    %select_n3A_1944 = arith.select %broadcast_in_dim3A_1943, %slice3A_30, %select_n3A_1938 : vector<512x128xi1>, vector<512x128xf32>
    %eq3A_1945 = arith.constant 12 : i32
    %eq3A_1946 = vector.broadcast %eq3A_1945 : i32 to vector<512x1xi32>
    %eq3A_1947 = arith.cmpi eq, %broadcast_in_dim3A_1878, %eq3A_1946 : vector<512x1xi32>
    %broadcast_in_dim3A_1948 = vector.shape_cast %eq3A_1947 : vector<512x1xi1> to vector<512x1xi1>
    %broadcast_in_dim3A_1949 = vector.broadcast %broadcast_in_dim3A_1948 : vector<512x1xi1> to vector<512x128xi1>
    %select_n3A_1950 = arith.select %broadcast_in_dim3A_1949, %slice3A_31, %select_n3A_1944 : vector<512x128xi1>, vector<512x128xf32>
    %eq3A_1951 = arith.constant 13 : i32
    %eq3A_1952 = vector.broadcast %eq3A_1951 : i32 to vector<512x1xi32>
    %eq3A_1953 = arith.cmpi eq, %broadcast_in_dim3A_1878, %eq3A_1952 : vector<512x1xi32>
    %broadcast_in_dim3A_1954 = vector.shape_cast %eq3A_1953 : vector<512x1xi1> to vector<512x1xi1>
    %broadcast_in_dim3A_1955 = vector.broadcast %broadcast_in_dim3A_1954 : vector<512x1xi1> to vector<512x128xi1>
    %select_n3A_1956 = arith.select %broadcast_in_dim3A_1955, %slice3A_32, %select_n3A_1950 : vector<512x128xi1>, vector<512x128xf32>
    %eq3A_1957 = arith.constant 14 : i32
    %eq3A_1958 = vector.broadcast %eq3A_1957 : i32 to vector<512x1xi32>
    %eq3A_1959 = arith.cmpi eq, %broadcast_in_dim3A_1878, %eq3A_1958 : vector<512x1xi32>
    %broadcast_in_dim3A_1960 = vector.shape_cast %eq3A_1959 : vector<512x1xi1> to vector<512x1xi1>
    %broadcast_in_dim3A_1961 = vector.broadcast %broadcast_in_dim3A_1960 : vector<512x1xi1> to vector<512x128xi1>
    %select_n3A_1962 = arith.select %broadcast_in_dim3A_1961, %slice3A_33, %select_n3A_1956 : vector<512x128xi1>, vector<512x128xf32>
    %eq3A_1963 = arith.constant 15 : i32
    %eq3A_1964 = vector.broadcast %eq3A_1963 : i32 to vector<512x1xi32>
    %eq3A_1965 = arith.cmpi eq, %broadcast_in_dim3A_1878, %eq3A_1964 : vector<512x1xi32>
    %broadcast_in_dim3A_1966 = vector.shape_cast %eq3A_1965 : vector<512x1xi1> to vector<512x1xi1>
    %broadcast_in_dim3A_1967 = vector.broadcast %broadcast_in_dim3A_1966 : vector<512x1xi1> to vector<512x128xi1>
    %select_n3A_1968 = arith.select %broadcast_in_dim3A_1967, %slice3A_34, %select_n3A_1962 : vector<512x128xi1>, vector<512x128xf32>
    %mul3A_1969 = arith.constant 128 : i32
    %mul3A_1970 = vector.broadcast %mul3A_1969 : i32 to vector<512x1xi32>
    %mul3A_1971 = arith.muli %broadcast_in_dim3A_1878, %mul3A_1970 : vector<512x1xi32>
    %sub3A_1972 = arith.subi %add3A, %mul3A_1971 : vector<512x1xi32>
    %eq3A_1973 = vector.broadcast %sub3A_1972 : vector<512x1xi32> to vector<512x128xi32>
    %eq3A_1974 = arith.cmpi eq, %iota3A, %eq3A_1973 : vector<512x128xi32>
    %jit3A_1975 = arith.constant 0xFF800000 : f32
    %broadcast_in_dim3A_1976 = vector.broadcast %jit3A_1975 : f32 to vector<512x128xf32>
    %select_n3A_1977 = arith.select %eq3A_1974, %broadcast_in_dim3A_1976, %select_n3A_1968 : vector<512x128xi1>, vector<512x128xf32>
    %sub3A_1978 = arith.subi %add3A_326, %mul3A_1971 : vector<512x1xi32>
    %eq3A_1979 = vector.broadcast %sub3A_1978 : vector<512x1xi32> to vector<512x128xi32>
    %eq3A_1980 = arith.cmpi eq, %iota3A, %eq3A_1979 : vector<512x128xi32>
    %jit3A_1981 = arith.constant 0xFF800000 : f32
    %broadcast_in_dim3A_1982 = vector.broadcast %jit3A_1981 : f32 to vector<512x128xf32>
    %select_n3A_1983 = arith.select %eq3A_1980, %broadcast_in_dim3A_1982, %select_n3A_1977 : vector<512x128xi1>, vector<512x128xf32>
    %sub3A_1984 = arith.subi %add3A_471, %mul3A_1971 : vector<512x1xi32>
    %eq3A_1985 = vector.broadcast %sub3A_1984 : vector<512x1xi32> to vector<512x128xi32>
    %eq3A_1986 = arith.cmpi eq, %iota3A, %eq3A_1985 : vector<512x128xi32>
    %jit3A_1987 = arith.constant 0xFF800000 : f32
    %broadcast_in_dim3A_1988 = vector.broadcast %jit3A_1987 : f32 to vector<512x128xf32>
    %select_n3A_1989 = arith.select %eq3A_1986, %broadcast_in_dim3A_1988, %select_n3A_1983 : vector<512x128xi1>, vector<512x128xf32>
    %sub3A_1990 = arith.subi %add3A_622, %mul3A_1971 : vector<512x1xi32>
    %eq3A_1991 = vector.broadcast %sub3A_1990 : vector<512x1xi32> to vector<512x128xi32>
    %eq3A_1992 = arith.cmpi eq, %iota3A, %eq3A_1991 : vector<512x128xi32>
    %jit3A_1993 = arith.constant 0xFF800000 : f32
    %broadcast_in_dim3A_1994 = vector.broadcast %jit3A_1993 : f32 to vector<512x128xf32>
    %select_n3A_1995 = arith.select %eq3A_1992, %broadcast_in_dim3A_1994, %select_n3A_1989 : vector<512x128xi1>, vector<512x128xf32>
    %sub3A_1996 = arith.subi %add3A_779, %mul3A_1971 : vector<512x1xi32>
    %eq3A_1997 = vector.broadcast %sub3A_1996 : vector<512x1xi32> to vector<512x128xi32>
    %eq3A_1998 = arith.cmpi eq, %iota3A, %eq3A_1997 : vector<512x128xi32>
    %jit3A_1999 = arith.constant 0xFF800000 : f32
    %broadcast_in_dim3A_2000 = vector.broadcast %jit3A_1999 : f32 to vector<512x128xf32>
    %select_n3A_2001 = arith.select %eq3A_1998, %broadcast_in_dim3A_2000, %select_n3A_1995 : vector<512x128xi1>, vector<512x128xf32>
    %sub3A_2002 = arith.subi %add3A_942, %mul3A_1971 : vector<512x1xi32>
    %eq3A_2003 = vector.broadcast %sub3A_2002 : vector<512x1xi32> to vector<512x128xi32>
    %eq3A_2004 = arith.cmpi eq, %iota3A, %eq3A_2003 : vector<512x128xi32>
    %jit3A_2005 = arith.constant 0xFF800000 : f32
    %broadcast_in_dim3A_2006 = vector.broadcast %jit3A_2005 : f32 to vector<512x128xf32>
    %select_n3A_2007 = arith.select %eq3A_2004, %broadcast_in_dim3A_2006, %select_n3A_2001 : vector<512x128xi1>, vector<512x128xf32>
    %sub3A_2008 = arith.subi %add3A_1111, %mul3A_1971 : vector<512x1xi32>
    %eq3A_2009 = vector.broadcast %sub3A_2008 : vector<512x1xi32> to vector<512x128xi32>
    %eq3A_2010 = arith.cmpi eq, %iota3A, %eq3A_2009 : vector<512x128xi32>
    %jit3A_2011 = arith.constant 0xFF800000 : f32
    %broadcast_in_dim3A_2012 = vector.broadcast %jit3A_2011 : f32 to vector<512x128xf32>
    %select_n3A_2013 = arith.select %eq3A_2010, %broadcast_in_dim3A_2012, %select_n3A_2007 : vector<512x128xi1>, vector<512x128xf32>
    %sub3A_2014 = arith.subi %add3A_1286, %mul3A_1971 : vector<512x1xi32>
    %eq3A_2015 = vector.broadcast %sub3A_2014 : vector<512x1xi32> to vector<512x128xi32>
    %eq3A_2016 = arith.cmpi eq, %iota3A, %eq3A_2015 : vector<512x128xi32>
    %jit3A_2017 = arith.constant 0xFF800000 : f32
    %broadcast_in_dim3A_2018 = vector.broadcast %jit3A_2017 : f32 to vector<512x128xf32>
    %select_n3A_2019 = arith.select %eq3A_2016, %broadcast_in_dim3A_2018, %select_n3A_2013 : vector<512x128xi1>, vector<512x128xf32>
    %sub3A_2020 = arith.subi %add3A_1467, %mul3A_1971 : vector<512x1xi32>
    %eq3A_2021 = vector.broadcast %sub3A_2020 : vector<512x1xi32> to vector<512x128xi32>
    %eq3A_2022 = arith.cmpi eq, %iota3A, %eq3A_2021 : vector<512x128xi32>
    %jit3A_2023 = arith.constant 0xFF800000 : f32
    %broadcast_in_dim3A_2024 = vector.broadcast %jit3A_2023 : f32 to vector<512x128xf32>
    %select_n3A_2025 = arith.select %eq3A_2022, %broadcast_in_dim3A_2024, %select_n3A_2019 : vector<512x128xi1>, vector<512x128xf32>
    %sub3A_2026 = arith.subi %add3A_1654, %mul3A_1971 : vector<512x1xi32>
    %eq3A_2027 = vector.broadcast %sub3A_2026 : vector<512x1xi32> to vector<512x128xi32>
    %eq3A_2028 = arith.cmpi eq, %iota3A, %eq3A_2027 : vector<512x128xi32>
    %jit3A_2029 = arith.constant 0xFF800000 : f32
    %broadcast_in_dim3A_2030 = vector.broadcast %jit3A_2029 : f32 to vector<512x128xf32>
    %select_n3A_2031 = arith.select %eq3A_2028, %broadcast_in_dim3A_2030, %select_n3A_2025 : vector<512x128xi1>, vector<512x128xf32>
    %sub3A_2032 = arith.subi %add3A_1847, %mul3A_1971 : vector<512x1xi32>
    %eq3A_2033 = vector.broadcast %sub3A_2032 : vector<512x1xi32> to vector<512x128xi32>
    %eq3A_2034 = arith.cmpi eq, %iota3A, %eq3A_2033 : vector<512x128xi32>
    %jit3A_2035 = arith.constant 0xFF800000 : f32
    %broadcast_in_dim3A_2036 = vector.broadcast %jit3A_2035 : f32 to vector<512x128xf32>
    %select_n3A_2037 = arith.select %eq3A_2034, %broadcast_in_dim3A_2036, %select_n3A_2031 : vector<512x128xi1>, vector<512x128xf32>
    %eq3A_2038 = vector.broadcast %broadcast_in_dim3A_1870 : vector<512x1xf32> to vector<512x128xf32>
    %eq3A_2039 = arith.cmpf oeq, %select_n3A_2037, %eq3A_2038 : vector<512x128xf32>
    %jit3A_2040 = arith.constant 128 : i32
    %broadcast_in_dim3A_2041 = vector.broadcast %jit3A_2040 : i32 to vector<512x128xi32>
    %select_n3A_2042 = arith.select %eq3A_2039, %iota3A, %broadcast_in_dim3A_2041 : vector<512x128xi1>, vector<512x128xi32>
    %reduce_min3A_2043 = arith.constant dense<2147483647> : vector<512xi32>
    %reduce_min3A_2044 = vector.multi_reduction <minsi>, %select_n3A_2042, %reduce_min3A_2043 [1] : vector<512x128xi32> to vector<512xi32>
    %broadcast_in_dim3A_2045 = vector.shape_cast %reduce_min3A_2044 : vector<512xi32> to vector<512x1xi32>
    %add3A_2046 = arith.addi %mul3A_1971, %broadcast_in_dim3A_2045 : vector<512x1xi32>
    %mul3A_2047 = arith.constant 2048 : i32
    %mul3A_2048 = arith.muli %arg0, %mul3A_2047 : i32
    %add3A_2049 = vector.broadcast %mul3A_2048 : i32 to vector<512x1xi32>
    %add3A_2050 = arith.addi %add3A_2046, %add3A_2049 : vector<512x1xi32>
    %swap3A_2051 = arith.constant 0 : index
    %swap3A_2052 = arith.constant 11 : index
    %swap3A_2053 = vector.load %arg6[%swap3A_2051, %swap3A_2052] : memref<512x20xi32, #tpu.memory_space<vmem>>, vector<512x1xi32>
    tpu.vector_store %arg6[%swap3A_2051, %swap3A_2052], %add3A_2050 {strides = array<i32>} : memref<512x20xi32, #tpu.memory_space<vmem>>, vector<512x1xi32>,
    %eq3A_2054 = vector.broadcast %broadcast_in_dim3A_2045 : vector<512x1xi32> to vector<512x128xi32>
    %eq3A_2055 = arith.cmpi eq, %iota3A, %eq3A_2054 : vector<512x128xi32>
    %jit3A_2056 = arith.constant 0xFF800000 : f32
    %broadcast_in_dim3A_2057 = vector.broadcast %jit3A_2056 : f32 to vector<512x128xf32>
    %select_n3A_2058 = arith.select %eq3A_2055, %broadcast_in_dim3A_2057, %select_n3A_2037 : vector<512x128xi1>, vector<512x128xf32>
    %reduce_max3A_2059 = arith.constant dense<0xFF800000> : vector<512xf32>
    %reduce_max3A_2060 = vector.multi_reduction <maximumf>, %select_n3A_2058, %reduce_max3A_2059 [1] : vector<512x128xf32> to vector<512xf32>
    %broadcast_in_dim3A_2061 = vector.shape_cast %reduce_max3A_2060 : vector<512xf32> to vector<512x1xf32>
    %eq3A_2062 = vector.broadcast %broadcast_in_dim3A_1878 : vector<512x1xi32> to vector<512x16xi32>
    %eq3A_2063 = arith.cmpi eq, %iota3A_19, %eq3A_2062 : vector<512x16xi32>
    %broadcast_in_dim3A_2064 = vector.shape_cast %broadcast_in_dim3A_2061 : vector<512x1xf32> to vector<512x1xf32>
    %broadcast_in_dim3A_2065 = vector.broadcast %broadcast_in_dim3A_2064 : vector<512x1xf32> to vector<512x16xf32>
    %select_n3A_2066 = arith.select %eq3A_2063, %broadcast_in_dim3A_2065, %select_n3A_1867 : vector<512x16xi1>, vector<512x16xf32>
    %reduce_max3A_2067 = arith.constant dense<0xFF800000> : vector<512xf32>
    %reduce_max3A_2068 = vector.multi_reduction <maximumf>, %select_n3A_2066, %reduce_max3A_2067 [1] : vector<512x16xf32> to vector<512xf32>
    %broadcast_in_dim3A_2069 = vector.shape_cast %reduce_max3A_2068 : vector<512xf32> to vector<512x1xf32>
    %eq3A_2070 = vector.broadcast %broadcast_in_dim3A_2069 : vector<512x1xf32> to vector<512x16xf32>
    %eq3A_2071 = arith.cmpf oeq, %select_n3A_2066, %eq3A_2070 : vector<512x16xf32>
    %jit3A_2072 = arith.constant 16 : i32
    %broadcast_in_dim3A_2073 = vector.broadcast %jit3A_2072 : i32 to vector<512x16xi32>
    %select_n3A_2074 = arith.select %eq3A_2071, %iota3A_19, %broadcast_in_dim3A_2073 : vector<512x16xi1>, vector<512x16xi32>
    %reduce_min3A_2075 = arith.constant dense<2147483647> : vector<512xi32>
    %reduce_min3A_2076 = vector.multi_reduction <minsi>, %select_n3A_2074, %reduce_min3A_2075 [1] : vector<512x16xi32> to vector<512xi32>
    %broadcast_in_dim3A_2077 = vector.shape_cast %reduce_min3A_2076 : vector<512xi32> to vector<512x1xi32>
    %eq3A_2078 = arith.constant 1 : i32
    %eq3A_2079 = vector.broadcast %eq3A_2078 : i32 to vector<512x1xi32>
    %eq3A_2080 = arith.cmpi eq, %broadcast_in_dim3A_2077, %eq3A_2079 : vector<512x1xi32>
    %broadcast_in_dim3A_2081 = vector.shape_cast %eq3A_2080 : vector<512x1xi1> to vector<512x1xi1>
    %broadcast_in_dim3A_2082 = vector.broadcast %broadcast_in_dim3A_2081 : vector<512x1xi1> to vector<512x128xi1>
    %select_n3A_2083 = arith.select %broadcast_in_dim3A_2082, %slice3A_20, %slice3A : vector<512x128xi1>, vector<512x128xf32>
    %eq3A_2084 = arith.constant 2 : i32
    %eq3A_2085 = vector.broadcast %eq3A_2084 : i32 to vector<512x1xi32>
    %eq3A_2086 = arith.cmpi eq, %broadcast_in_dim3A_2077, %eq3A_2085 : vector<512x1xi32>
    %broadcast_in_dim3A_2087 = vector.shape_cast %eq3A_2086 : vector<512x1xi1> to vector<512x1xi1>
    %broadcast_in_dim3A_2088 = vector.broadcast %broadcast_in_dim3A_2087 : vector<512x1xi1> to vector<512x128xi1>
    %select_n3A_2089 = arith.select %broadcast_in_dim3A_2088, %slice3A_21, %select_n3A_2083 : vector<512x128xi1>, vector<512x128xf32>
    %eq3A_2090 = arith.constant 3 : i32
    %eq3A_2091 = vector.broadcast %eq3A_2090 : i32 to vector<512x1xi32>
    %eq3A_2092 = arith.cmpi eq, %broadcast_in_dim3A_2077, %eq3A_2091 : vector<512x1xi32>
    %broadcast_in_dim3A_2093 = vector.shape_cast %eq3A_2092 : vector<512x1xi1> to vector<512x1xi1>
    %broadcast_in_dim3A_2094 = vector.broadcast %broadcast_in_dim3A_2093 : vector<512x1xi1> to vector<512x128xi1>
    %select_n3A_2095 = arith.select %broadcast_in_dim3A_2094, %slice3A_22, %select_n3A_2089 : vector<512x128xi1>, vector<512x128xf32>
    %eq3A_2096 = arith.constant 4 : i32
    %eq3A_2097 = vector.broadcast %eq3A_2096 : i32 to vector<512x1xi32>
    %eq3A_2098 = arith.cmpi eq, %broadcast_in_dim3A_2077, %eq3A_2097 : vector<512x1xi32>
    %broadcast_in_dim3A_2099 = vector.shape_cast %eq3A_2098 : vector<512x1xi1> to vector<512x1xi1>
    %broadcast_in_dim3A_2100 = vector.broadcast %broadcast_in_dim3A_2099 : vector<512x1xi1> to vector<512x128xi1>
    %select_n3A_2101 = arith.select %broadcast_in_dim3A_2100, %slice3A_23, %select_n3A_2095 : vector<512x128xi1>, vector<512x128xf32>
    %eq3A_2102 = arith.constant 5 : i32
    %eq3A_2103 = vector.broadcast %eq3A_2102 : i32 to vector<512x1xi32>
    %eq3A_2104 = arith.cmpi eq, %broadcast_in_dim3A_2077, %eq3A_2103 : vector<512x1xi32>
    %broadcast_in_dim3A_2105 = vector.shape_cast %eq3A_2104 : vector<512x1xi1> to vector<512x1xi1>
    %broadcast_in_dim3A_2106 = vector.broadcast %broadcast_in_dim3A_2105 : vector<512x1xi1> to vector<512x128xi1>
    %select_n3A_2107 = arith.select %broadcast_in_dim3A_2106, %slice3A_24, %select_n3A_2101 : vector<512x128xi1>, vector<512x128xf32>
    %eq3A_2108 = arith.constant 6 : i32
    %eq3A_2109 = vector.broadcast %eq3A_2108 : i32 to vector<512x1xi32>
    %eq3A_2110 = arith.cmpi eq, %broadcast_in_dim3A_2077, %eq3A_2109 : vector<512x1xi32>
    %broadcast_in_dim3A_2111 = vector.shape_cast %eq3A_2110 : vector<512x1xi1> to vector<512x1xi1>
    %broadcast_in_dim3A_2112 = vector.broadcast %broadcast_in_dim3A_2111 : vector<512x1xi1> to vector<512x128xi1>
    %select_n3A_2113 = arith.select %broadcast_in_dim3A_2112, %slice3A_25, %select_n3A_2107 : vector<512x128xi1>, vector<512x128xf32>
    %eq3A_2114 = arith.constant 7 : i32
    %eq3A_2115 = vector.broadcast %eq3A_2114 : i32 to vector<512x1xi32>
    %eq3A_2116 = arith.cmpi eq, %broadcast_in_dim3A_2077, %eq3A_2115 : vector<512x1xi32>
    %broadcast_in_dim3A_2117 = vector.shape_cast %eq3A_2116 : vector<512x1xi1> to vector<512x1xi1>
    %broadcast_in_dim3A_2118 = vector.broadcast %broadcast_in_dim3A_2117 : vector<512x1xi1> to vector<512x128xi1>
    %select_n3A_2119 = arith.select %broadcast_in_dim3A_2118, %slice3A_26, %select_n3A_2113 : vector<512x128xi1>, vector<512x128xf32>
    %eq3A_2120 = arith.constant 8 : i32
    %eq3A_2121 = vector.broadcast %eq3A_2120 : i32 to vector<512x1xi32>
    %eq3A_2122 = arith.cmpi eq, %broadcast_in_dim3A_2077, %eq3A_2121 : vector<512x1xi32>
    %broadcast_in_dim3A_2123 = vector.shape_cast %eq3A_2122 : vector<512x1xi1> to vector<512x1xi1>
    %broadcast_in_dim3A_2124 = vector.broadcast %broadcast_in_dim3A_2123 : vector<512x1xi1> to vector<512x128xi1>
    %select_n3A_2125 = arith.select %broadcast_in_dim3A_2124, %slice3A_27, %select_n3A_2119 : vector<512x128xi1>, vector<512x128xf32>
    %eq3A_2126 = arith.constant 9 : i32
    %eq3A_2127 = vector.broadcast %eq3A_2126 : i32 to vector<512x1xi32>
    %eq3A_2128 = arith.cmpi eq, %broadcast_in_dim3A_2077, %eq3A_2127 : vector<512x1xi32>
    %broadcast_in_dim3A_2129 = vector.shape_cast %eq3A_2128 : vector<512x1xi1> to vector<512x1xi1>
    %broadcast_in_dim3A_2130 = vector.broadcast %broadcast_in_dim3A_2129 : vector<512x1xi1> to vector<512x128xi1>
    %select_n3A_2131 = arith.select %broadcast_in_dim3A_2130, %slice3A_28, %select_n3A_2125 : vector<512x128xi1>, vector<512x128xf32>
    %eq3A_2132 = arith.constant 10 : i32
    %eq3A_2133 = vector.broadcast %eq3A_2132 : i32 to vector<512x1xi32>
    %eq3A_2134 = arith.cmpi eq, %broadcast_in_dim3A_2077, %eq3A_2133 : vector<512x1xi32>
    %broadcast_in_dim3A_2135 = vector.shape_cast %eq3A_2134 : vector<512x1xi1> to vector<512x1xi1>
    %broadcast_in_dim3A_2136 = vector.broadcast %broadcast_in_dim3A_2135 : vector<512x1xi1> to vector<512x128xi1>
    %select_n3A_2137 = arith.select %broadcast_in_dim3A_2136, %slice3A_29, %select_n3A_2131 : vector<512x128xi1>, vector<512x128xf32>
    %eq3A_2138 = arith.constant 11 : i32
    %eq3A_2139 = vector.broadcast %eq3A_2138 : i32 to vector<512x1xi32>
    %eq3A_2140 = arith.cmpi eq, %broadcast_in_dim3A_2077, %eq3A_2139 : vector<512x1xi32>
    %broadcast_in_dim3A_2141 = vector.shape_cast %eq3A_2140 : vector<512x1xi1> to vector<512x1xi1>
    %broadcast_in_dim3A_2142 = vector.broadcast %broadcast_in_dim3A_2141 : vector<512x1xi1> to vector<512x128xi1>
    %select_n3A_2143 = arith.select %broadcast_in_dim3A_2142, %slice3A_30, %select_n3A_2137 : vector<512x128xi1>, vector<512x128xf32>
    %eq3A_2144 = arith.constant 12 : i32
    %eq3A_2145 = vector.broadcast %eq3A_2144 : i32 to vector<512x1xi32>
    %eq3A_2146 = arith.cmpi eq, %broadcast_in_dim3A_2077, %eq3A_2145 : vector<512x1xi32>
    %broadcast_in_dim3A_2147 = vector.shape_cast %eq3A_2146 : vector<512x1xi1> to vector<512x1xi1>
    %broadcast_in_dim3A_2148 = vector.broadcast %broadcast_in_dim3A_2147 : vector<512x1xi1> to vector<512x128xi1>
    %select_n3A_2149 = arith.select %broadcast_in_dim3A_2148, %slice3A_31, %select_n3A_2143 : vector<512x128xi1>, vector<512x128xf32>
    %eq3A_2150 = arith.constant 13 : i32
    %eq3A_2151 = vector.broadcast %eq3A_2150 : i32 to vector<512x1xi32>
    %eq3A_2152 = arith.cmpi eq, %broadcast_in_dim3A_2077, %eq3A_2151 : vector<512x1xi32>
    %broadcast_in_dim3A_2153 = vector.shape_cast %eq3A_2152 : vector<512x1xi1> to vector<512x1xi1>
    %broadcast_in_dim3A_2154 = vector.broadcast %broadcast_in_dim3A_2153 : vector<512x1xi1> to vector<512x128xi1>
    %select_n3A_2155 = arith.select %broadcast_in_dim3A_2154, %slice3A_32, %select_n3A_2149 : vector<512x128xi1>, vector<512x128xf32>
    %eq3A_2156 = arith.constant 14 : i32
    %eq3A_2157 = vector.broadcast %eq3A_2156 : i32 to vector<512x1xi32>
    %eq3A_2158 = arith.cmpi eq, %broadcast_in_dim3A_2077, %eq3A_2157 : vector<512x1xi32>
    %broadcast_in_dim3A_2159 = vector.shape_cast %eq3A_2158 : vector<512x1xi1> to vector<512x1xi1>
    %broadcast_in_dim3A_2160 = vector.broadcast %broadcast_in_dim3A_2159 : vector<512x1xi1> to vector<512x128xi1>
    %select_n3A_2161 = arith.select %broadcast_in_dim3A_2160, %slice3A_33, %select_n3A_2155 : vector<512x128xi1>, vector<512x128xf32>
    %eq3A_2162 = arith.constant 15 : i32
    %eq3A_2163 = vector.broadcast %eq3A_2162 : i32 to vector<512x1xi32>
    %eq3A_2164 = arith.cmpi eq, %broadcast_in_dim3A_2077, %eq3A_2163 : vector<512x1xi32>
    %broadcast_in_dim3A_2165 = vector.shape_cast %eq3A_2164 : vector<512x1xi1> to vector<512x1xi1>
    %broadcast_in_dim3A_2166 = vector.broadcast %broadcast_in_dim3A_2165 : vector<512x1xi1> to vector<512x128xi1>
    %select_n3A_2167 = arith.select %broadcast_in_dim3A_2166, %slice3A_34, %select_n3A_2161 : vector<512x128xi1>, vector<512x128xf32>
    %mul3A_2168 = arith.constant 128 : i32
    %mul3A_2169 = vector.broadcast %mul3A_2168 : i32 to vector<512x1xi32>
    %mul3A_2170 = arith.muli %broadcast_in_dim3A_2077, %mul3A_2169 : vector<512x1xi32>
    %sub3A_2171 = arith.subi %add3A, %mul3A_2170 : vector<512x1xi32>
    %eq3A_2172 = vector.broadcast %sub3A_2171 : vector<512x1xi32> to vector<512x128xi32>
    %eq3A_2173 = arith.cmpi eq, %iota3A, %eq3A_2172 : vector<512x128xi32>
    %jit3A_2174 = arith.constant 0xFF800000 : f32
    %broadcast_in_dim3A_2175 = vector.broadcast %jit3A_2174 : f32 to vector<512x128xf32>
    %select_n3A_2176 = arith.select %eq3A_2173, %broadcast_in_dim3A_2175, %select_n3A_2167 : vector<512x128xi1>, vector<512x128xf32>
    %sub3A_2177 = arith.subi %add3A_326, %mul3A_2170 : vector<512x1xi32>
    %eq3A_2178 = vector.broadcast %sub3A_2177 : vector<512x1xi32> to vector<512x128xi32>
    %eq3A_2179 = arith.cmpi eq, %iota3A, %eq3A_2178 : vector<512x128xi32>
    %jit3A_2180 = arith.constant 0xFF800000 : f32
    %broadcast_in_dim3A_2181 = vector.broadcast %jit3A_2180 : f32 to vector<512x128xf32>
    %select_n3A_2182 = arith.select %eq3A_2179, %broadcast_in_dim3A_2181, %select_n3A_2176 : vector<512x128xi1>, vector<512x128xf32>
    %sub3A_2183 = arith.subi %add3A_471, %mul3A_2170 : vector<512x1xi32>
    %eq3A_2184 = vector.broadcast %sub3A_2183 : vector<512x1xi32> to vector<512x128xi32>
    %eq3A_2185 = arith.cmpi eq, %iota3A, %eq3A_2184 : vector<512x128xi32>
    %jit3A_2186 = arith.constant 0xFF800000 : f32
    %broadcast_in_dim3A_2187 = vector.broadcast %jit3A_2186 : f32 to vector<512x128xf32>
    %select_n3A_2188 = arith.select %eq3A_2185, %broadcast_in_dim3A_2187, %select_n3A_2182 : vector<512x128xi1>, vector<512x128xf32>
    %sub3A_2189 = arith.subi %add3A_622, %mul3A_2170 : vector<512x1xi32>
    %eq3A_2190 = vector.broadcast %sub3A_2189 : vector<512x1xi32> to vector<512x128xi32>
    %eq3A_2191 = arith.cmpi eq, %iota3A, %eq3A_2190 : vector<512x128xi32>
    %jit3A_2192 = arith.constant 0xFF800000 : f32
    %broadcast_in_dim3A_2193 = vector.broadcast %jit3A_2192 : f32 to vector<512x128xf32>
    %select_n3A_2194 = arith.select %eq3A_2191, %broadcast_in_dim3A_2193, %select_n3A_2188 : vector<512x128xi1>, vector<512x128xf32>
    %sub3A_2195 = arith.subi %add3A_779, %mul3A_2170 : vector<512x1xi32>
    %eq3A_2196 = vector.broadcast %sub3A_2195 : vector<512x1xi32> to vector<512x128xi32>
    %eq3A_2197 = arith.cmpi eq, %iota3A, %eq3A_2196 : vector<512x128xi32>
    %jit3A_2198 = arith.constant 0xFF800000 : f32
    %broadcast_in_dim3A_2199 = vector.broadcast %jit3A_2198 : f32 to vector<512x128xf32>
    %select_n3A_2200 = arith.select %eq3A_2197, %broadcast_in_dim3A_2199, %select_n3A_2194 : vector<512x128xi1>, vector<512x128xf32>
    %sub3A_2201 = arith.subi %add3A_942, %mul3A_2170 : vector<512x1xi32>
    %eq3A_2202 = vector.broadcast %sub3A_2201 : vector<512x1xi32> to vector<512x128xi32>
    %eq3A_2203 = arith.cmpi eq, %iota3A, %eq3A_2202 : vector<512x128xi32>
    %jit3A_2204 = arith.constant 0xFF800000 : f32
    %broadcast_in_dim3A_2205 = vector.broadcast %jit3A_2204 : f32 to vector<512x128xf32>
    %select_n3A_2206 = arith.select %eq3A_2203, %broadcast_in_dim3A_2205, %select_n3A_2200 : vector<512x128xi1>, vector<512x128xf32>
    %sub3A_2207 = arith.subi %add3A_1111, %mul3A_2170 : vector<512x1xi32>
    %eq3A_2208 = vector.broadcast %sub3A_2207 : vector<512x1xi32> to vector<512x128xi32>
    %eq3A_2209 = arith.cmpi eq, %iota3A, %eq3A_2208 : vector<512x128xi32>
    %jit3A_2210 = arith.constant 0xFF800000 : f32
    %broadcast_in_dim3A_2211 = vector.broadcast %jit3A_2210 : f32 to vector<512x128xf32>
    %select_n3A_2212 = arith.select %eq3A_2209, %broadcast_in_dim3A_2211, %select_n3A_2206 : vector<512x128xi1>, vector<512x128xf32>
    %sub3A_2213 = arith.subi %add3A_1286, %mul3A_2170 : vector<512x1xi32>
    %eq3A_2214 = vector.broadcast %sub3A_2213 : vector<512x1xi32> to vector<512x128xi32>
    %eq3A_2215 = arith.cmpi eq, %iota3A, %eq3A_2214 : vector<512x128xi32>
    %jit3A_2216 = arith.constant 0xFF800000 : f32
    %broadcast_in_dim3A_2217 = vector.broadcast %jit3A_2216 : f32 to vector<512x128xf32>
    %select_n3A_2218 = arith.select %eq3A_2215, %broadcast_in_dim3A_2217, %select_n3A_2212 : vector<512x128xi1>, vector<512x128xf32>
    %sub3A_2219 = arith.subi %add3A_1467, %mul3A_2170 : vector<512x1xi32>
    %eq3A_2220 = vector.broadcast %sub3A_2219 : vector<512x1xi32> to vector<512x128xi32>
    %eq3A_2221 = arith.cmpi eq, %iota3A, %eq3A_2220 : vector<512x128xi32>
    %jit3A_2222 = arith.constant 0xFF800000 : f32
    %broadcast_in_dim3A_2223 = vector.broadcast %jit3A_2222 : f32 to vector<512x128xf32>
    %select_n3A_2224 = arith.select %eq3A_2221, %broadcast_in_dim3A_2223, %select_n3A_2218 : vector<512x128xi1>, vector<512x128xf32>
    %sub3A_2225 = arith.subi %add3A_1654, %mul3A_2170 : vector<512x1xi32>
    %eq3A_2226 = vector.broadcast %sub3A_2225 : vector<512x1xi32> to vector<512x128xi32>
    %eq3A_2227 = arith.cmpi eq, %iota3A, %eq3A_2226 : vector<512x128xi32>
    %jit3A_2228 = arith.constant 0xFF800000 : f32
    %broadcast_in_dim3A_2229 = vector.broadcast %jit3A_2228 : f32 to vector<512x128xf32>
    %select_n3A_2230 = arith.select %eq3A_2227, %broadcast_in_dim3A_2229, %select_n3A_2224 : vector<512x128xi1>, vector<512x128xf32>
    %sub3A_2231 = arith.subi %add3A_1847, %mul3A_2170 : vector<512x1xi32>
    %eq3A_2232 = vector.broadcast %sub3A_2231 : vector<512x1xi32> to vector<512x128xi32>
    %eq3A_2233 = arith.cmpi eq, %iota3A, %eq3A_2232 : vector<512x128xi32>
    %jit3A_2234 = arith.constant 0xFF800000 : f32
    %broadcast_in_dim3A_2235 = vector.broadcast %jit3A_2234 : f32 to vector<512x128xf32>
    %select_n3A_2236 = arith.select %eq3A_2233, %broadcast_in_dim3A_2235, %select_n3A_2230 : vector<512x128xi1>, vector<512x128xf32>
    %sub3A_2237 = arith.subi %add3A_2046, %mul3A_2170 : vector<512x1xi32>
    %eq3A_2238 = vector.broadcast %sub3A_2237 : vector<512x1xi32> to vector<512x128xi32>
    %eq3A_2239 = arith.cmpi eq, %iota3A, %eq3A_2238 : vector<512x128xi32>
    %jit3A_2240 = arith.constant 0xFF800000 : f32
    %broadcast_in_dim3A_2241 = vector.broadcast %jit3A_2240 : f32 to vector<512x128xf32>
    %select_n3A_2242 = arith.select %eq3A_2239, %broadcast_in_dim3A_2241, %select_n3A_2236 : vector<512x128xi1>, vector<512x128xf32>
    %eq3A_2243 = vector.broadcast %broadcast_in_dim3A_2069 : vector<512x1xf32> to vector<512x128xf32>
    %eq3A_2244 = arith.cmpf oeq, %select_n3A_2242, %eq3A_2243 : vector<512x128xf32>
    %jit3A_2245 = arith.constant 128 : i32
    %broadcast_in_dim3A_2246 = vector.broadcast %jit3A_2245 : i32 to vector<512x128xi32>
    %select_n3A_2247 = arith.select %eq3A_2244, %iota3A, %broadcast_in_dim3A_2246 : vector<512x128xi1>, vector<512x128xi32>
    %reduce_min3A_2248 = arith.constant dense<2147483647> : vector<512xi32>
    %reduce_min3A_2249 = vector.multi_reduction <minsi>, %select_n3A_2247, %reduce_min3A_2248 [1] : vector<512x128xi32> to vector<512xi32>
    %broadcast_in_dim3A_2250 = vector.shape_cast %reduce_min3A_2249 : vector<512xi32> to vector<512x1xi32>
    %add3A_2251 = arith.addi %mul3A_2170, %broadcast_in_dim3A_2250 : vector<512x1xi32>
    %mul3A_2252 = arith.constant 2048 : i32
    %mul3A_2253 = arith.muli %arg0, %mul3A_2252 : i32
    %add3A_2254 = vector.broadcast %mul3A_2253 : i32 to vector<512x1xi32>
    %add3A_2255 = arith.addi %add3A_2251, %add3A_2254 : vector<512x1xi32>
    %swap3A_2256 = arith.constant 0 : index
    %swap3A_2257 = arith.constant 12 : index
    %swap3A_2258 = vector.load %arg6[%swap3A_2256, %swap3A_2257] : memref<512x20xi32, #tpu.memory_space<vmem>>, vector<512x1xi32>
    tpu.vector_store %arg6[%swap3A_2256, %swap3A_2257], %add3A_2255 {strides = array<i32>} : memref<512x20xi32, #tpu.memory_space<vmem>>, vector<512x1xi32>,
    %eq3A_2259 = vector.broadcast %broadcast_in_dim3A_2250 : vector<512x1xi32> to vector<512x128xi32>
    %eq3A_2260 = arith.cmpi eq, %iota3A, %eq3A_2259 : vector<512x128xi32>
    %jit3A_2261 = arith.constant 0xFF800000 : f32
    %broadcast_in_dim3A_2262 = vector.broadcast %jit3A_2261 : f32 to vector<512x128xf32>
    %select_n3A_2263 = arith.select %eq3A_2260, %broadcast_in_dim3A_2262, %select_n3A_2242 : vector<512x128xi1>, vector<512x128xf32>
    %reduce_max3A_2264 = arith.constant dense<0xFF800000> : vector<512xf32>
    %reduce_max3A_2265 = vector.multi_reduction <maximumf>, %select_n3A_2263, %reduce_max3A_2264 [1] : vector<512x128xf32> to vector<512xf32>
    %broadcast_in_dim3A_2266 = vector.shape_cast %reduce_max3A_2265 : vector<512xf32> to vector<512x1xf32>
    %eq3A_2267 = vector.broadcast %broadcast_in_dim3A_2077 : vector<512x1xi32> to vector<512x16xi32>
    %eq3A_2268 = arith.cmpi eq, %iota3A_19, %eq3A_2267 : vector<512x16xi32>
    %broadcast_in_dim3A_2269 = vector.shape_cast %broadcast_in_dim3A_2266 : vector<512x1xf32> to vector<512x1xf32>
    %broadcast_in_dim3A_2270 = vector.broadcast %broadcast_in_dim3A_2269 : vector<512x1xf32> to vector<512x16xf32>
    %select_n3A_2271 = arith.select %eq3A_2268, %broadcast_in_dim3A_2270, %select_n3A_2066 : vector<512x16xi1>, vector<512x16xf32>
    %reduce_max3A_2272 = arith.constant dense<0xFF800000> : vector<512xf32>
    %reduce_max3A_2273 = vector.multi_reduction <maximumf>, %select_n3A_2271, %reduce_max3A_2272 [1] : vector<512x16xf32> to vector<512xf32>
    %broadcast_in_dim3A_2274 = vector.shape_cast %reduce_max3A_2273 : vector<512xf32> to vector<512x1xf32>
    %eq3A_2275 = vector.broadcast %broadcast_in_dim3A_2274 : vector<512x1xf32> to vector<512x16xf32>
    %eq3A_2276 = arith.cmpf oeq, %select_n3A_2271, %eq3A_2275 : vector<512x16xf32>
    %jit3A_2277 = arith.constant 16 : i32
    %broadcast_in_dim3A_2278 = vector.broadcast %jit3A_2277 : i32 to vector<512x16xi32>
    %select_n3A_2279 = arith.select %eq3A_2276, %iota3A_19, %broadcast_in_dim3A_2278 : vector<512x16xi1>, vector<512x16xi32>
    %reduce_min3A_2280 = arith.constant dense<2147483647> : vector<512xi32>
    %reduce_min3A_2281 = vector.multi_reduction <minsi>, %select_n3A_2279, %reduce_min3A_2280 [1] : vector<512x16xi32> to vector<512xi32>
    %broadcast_in_dim3A_2282 = vector.shape_cast %reduce_min3A_2281 : vector<512xi32> to vector<512x1xi32>
    %eq3A_2283 = arith.constant 1 : i32
    %eq3A_2284 = vector.broadcast %eq3A_2283 : i32 to vector<512x1xi32>
    %eq3A_2285 = arith.cmpi eq, %broadcast_in_dim3A_2282, %eq3A_2284 : vector<512x1xi32>
    %broadcast_in_dim3A_2286 = vector.shape_cast %eq3A_2285 : vector<512x1xi1> to vector<512x1xi1>
    %broadcast_in_dim3A_2287 = vector.broadcast %broadcast_in_dim3A_2286 : vector<512x1xi1> to vector<512x128xi1>
    %select_n3A_2288 = arith.select %broadcast_in_dim3A_2287, %slice3A_20, %slice3A : vector<512x128xi1>, vector<512x128xf32>
    %eq3A_2289 = arith.constant 2 : i32
    %eq3A_2290 = vector.broadcast %eq3A_2289 : i32 to vector<512x1xi32>
    %eq3A_2291 = arith.cmpi eq, %broadcast_in_dim3A_2282, %eq3A_2290 : vector<512x1xi32>
    %broadcast_in_dim3A_2292 = vector.shape_cast %eq3A_2291 : vector<512x1xi1> to vector<512x1xi1>
    %broadcast_in_dim3A_2293 = vector.broadcast %broadcast_in_dim3A_2292 : vector<512x1xi1> to vector<512x128xi1>
    %select_n3A_2294 = arith.select %broadcast_in_dim3A_2293, %slice3A_21, %select_n3A_2288 : vector<512x128xi1>, vector<512x128xf32>
    %eq3A_2295 = arith.constant 3 : i32
    %eq3A_2296 = vector.broadcast %eq3A_2295 : i32 to vector<512x1xi32>
    %eq3A_2297 = arith.cmpi eq, %broadcast_in_dim3A_2282, %eq3A_2296 : vector<512x1xi32>
    %broadcast_in_dim3A_2298 = vector.shape_cast %eq3A_2297 : vector<512x1xi1> to vector<512x1xi1>
    %broadcast_in_dim3A_2299 = vector.broadcast %broadcast_in_dim3A_2298 : vector<512x1xi1> to vector<512x128xi1>
    %select_n3A_2300 = arith.select %broadcast_in_dim3A_2299, %slice3A_22, %select_n3A_2294 : vector<512x128xi1>, vector<512x128xf32>
    %eq3A_2301 = arith.constant 4 : i32
    %eq3A_2302 = vector.broadcast %eq3A_2301 : i32 to vector<512x1xi32>
    %eq3A_2303 = arith.cmpi eq, %broadcast_in_dim3A_2282, %eq3A_2302 : vector<512x1xi32>
    %broadcast_in_dim3A_2304 = vector.shape_cast %eq3A_2303 : vector<512x1xi1> to vector<512x1xi1>
    %broadcast_in_dim3A_2305 = vector.broadcast %broadcast_in_dim3A_2304 : vector<512x1xi1> to vector<512x128xi1>
    %select_n3A_2306 = arith.select %broadcast_in_dim3A_2305, %slice3A_23, %select_n3A_2300 : vector<512x128xi1>, vector<512x128xf32>
    %eq3A_2307 = arith.constant 5 : i32
    %eq3A_2308 = vector.broadcast %eq3A_2307 : i32 to vector<512x1xi32>
    %eq3A_2309 = arith.cmpi eq, %broadcast_in_dim3A_2282, %eq3A_2308 : vector<512x1xi32>
    %broadcast_in_dim3A_2310 = vector.shape_cast %eq3A_2309 : vector<512x1xi1> to vector<512x1xi1>
    %broadcast_in_dim3A_2311 = vector.broadcast %broadcast_in_dim3A_2310 : vector<512x1xi1> to vector<512x128xi1>
    %select_n3A_2312 = arith.select %broadcast_in_dim3A_2311, %slice3A_24, %select_n3A_2306 : vector<512x128xi1>, vector<512x128xf32>
    %eq3A_2313 = arith.constant 6 : i32
    %eq3A_2314 = vector.broadcast %eq3A_2313 : i32 to vector<512x1xi32>
    %eq3A_2315 = arith.cmpi eq, %broadcast_in_dim3A_2282, %eq3A_2314 : vector<512x1xi32>
    %broadcast_in_dim3A_2316 = vector.shape_cast %eq3A_2315 : vector<512x1xi1> to vector<512x1xi1>
    %broadcast_in_dim3A_2317 = vector.broadcast %broadcast_in_dim3A_2316 : vector<512x1xi1> to vector<512x128xi1>
    %select_n3A_2318 = arith.select %broadcast_in_dim3A_2317, %slice3A_25, %select_n3A_2312 : vector<512x128xi1>, vector<512x128xf32>
    %eq3A_2319 = arith.constant 7 : i32
    %eq3A_2320 = vector.broadcast %eq3A_2319 : i32 to vector<512x1xi32>
    %eq3A_2321 = arith.cmpi eq, %broadcast_in_dim3A_2282, %eq3A_2320 : vector<512x1xi32>
    %broadcast_in_dim3A_2322 = vector.shape_cast %eq3A_2321 : vector<512x1xi1> to vector<512x1xi1>
    %broadcast_in_dim3A_2323 = vector.broadcast %broadcast_in_dim3A_2322 : vector<512x1xi1> to vector<512x128xi1>
    %select_n3A_2324 = arith.select %broadcast_in_dim3A_2323, %slice3A_26, %select_n3A_2318 : vector<512x128xi1>, vector<512x128xf32>
    %eq3A_2325 = arith.constant 8 : i32
    %eq3A_2326 = vector.broadcast %eq3A_2325 : i32 to vector<512x1xi32>
    %eq3A_2327 = arith.cmpi eq, %broadcast_in_dim3A_2282, %eq3A_2326 : vector<512x1xi32>
    %broadcast_in_dim3A_2328 = vector.shape_cast %eq3A_2327 : vector<512x1xi1> to vector<512x1xi1>
    %broadcast_in_dim3A_2329 = vector.broadcast %broadcast_in_dim3A_2328 : vector<512x1xi1> to vector<512x128xi1>
    %select_n3A_2330 = arith.select %broadcast_in_dim3A_2329, %slice3A_27, %select_n3A_2324 : vector<512x128xi1>, vector<512x128xf32>
    %eq3A_2331 = arith.constant 9 : i32
    %eq3A_2332 = vector.broadcast %eq3A_2331 : i32 to vector<512x1xi32>
    %eq3A_2333 = arith.cmpi eq, %broadcast_in_dim3A_2282, %eq3A_2332 : vector<512x1xi32>
    %broadcast_in_dim3A_2334 = vector.shape_cast %eq3A_2333 : vector<512x1xi1> to vector<512x1xi1>
    %broadcast_in_dim3A_2335 = vector.broadcast %broadcast_in_dim3A_2334 : vector<512x1xi1> to vector<512x128xi1>
    %select_n3A_2336 = arith.select %broadcast_in_dim3A_2335, %slice3A_28, %select_n3A_2330 : vector<512x128xi1>, vector<512x128xf32>
    %eq3A_2337 = arith.constant 10 : i32
    %eq3A_2338 = vector.broadcast %eq3A_2337 : i32 to vector<512x1xi32>
    %eq3A_2339 = arith.cmpi eq, %broadcast_in_dim3A_2282, %eq3A_2338 : vector<512x1xi32>
    %broadcast_in_dim3A_2340 = vector.shape_cast %eq3A_2339 : vector<512x1xi1> to vector<512x1xi1>
    %broadcast_in_dim3A_2341 = vector.broadcast %broadcast_in_dim3A_2340 : vector<512x1xi1> to vector<512x128xi1>
    %select_n3A_2342 = arith.select %broadcast_in_dim3A_2341, %slice3A_29, %select_n3A_2336 : vector<512x128xi1>, vector<512x128xf32>
    %eq3A_2343 = arith.constant 11 : i32
    %eq3A_2344 = vector.broadcast %eq3A_2343 : i32 to vector<512x1xi32>
    %eq3A_2345 = arith.cmpi eq, %broadcast_in_dim3A_2282, %eq3A_2344 : vector<512x1xi32>
    %broadcast_in_dim3A_2346 = vector.shape_cast %eq3A_2345 : vector<512x1xi1> to vector<512x1xi1>
    %broadcast_in_dim3A_2347 = vector.broadcast %broadcast_in_dim3A_2346 : vector<512x1xi1> to vector<512x128xi1>
    %select_n3A_2348 = arith.select %broadcast_in_dim3A_2347, %slice3A_30, %select_n3A_2342 : vector<512x128xi1>, vector<512x128xf32>
    %eq3A_2349 = arith.constant 12 : i32
    %eq3A_2350 = vector.broadcast %eq3A_2349 : i32 to vector<512x1xi32>
    %eq3A_2351 = arith.cmpi eq, %broadcast_in_dim3A_2282, %eq3A_2350 : vector<512x1xi32>
    %broadcast_in_dim3A_2352 = vector.shape_cast %eq3A_2351 : vector<512x1xi1> to vector<512x1xi1>
    %broadcast_in_dim3A_2353 = vector.broadcast %broadcast_in_dim3A_2352 : vector<512x1xi1> to vector<512x128xi1>
    %select_n3A_2354 = arith.select %broadcast_in_dim3A_2353, %slice3A_31, %select_n3A_2348 : vector<512x128xi1>, vector<512x128xf32>
    %eq3A_2355 = arith.constant 13 : i32
    %eq3A_2356 = vector.broadcast %eq3A_2355 : i32 to vector<512x1xi32>
    %eq3A_2357 = arith.cmpi eq, %broadcast_in_dim3A_2282, %eq3A_2356 : vector<512x1xi32>
    %broadcast_in_dim3A_2358 = vector.shape_cast %eq3A_2357 : vector<512x1xi1> to vector<512x1xi1>
    %broadcast_in_dim3A_2359 = vector.broadcast %broadcast_in_dim3A_2358 : vector<512x1xi1> to vector<512x128xi1>
    %select_n3A_2360 = arith.select %broadcast_in_dim3A_2359, %slice3A_32, %select_n3A_2354 : vector<512x128xi1>, vector<512x128xf32>
    %eq3A_2361 = arith.constant 14 : i32
    %eq3A_2362 = vector.broadcast %eq3A_2361 : i32 to vector<512x1xi32>
    %eq3A_2363 = arith.cmpi eq, %broadcast_in_dim3A_2282, %eq3A_2362 : vector<512x1xi32>
    %broadcast_in_dim3A_2364 = vector.shape_cast %eq3A_2363 : vector<512x1xi1> to vector<512x1xi1>
    %broadcast_in_dim3A_2365 = vector.broadcast %broadcast_in_dim3A_2364 : vector<512x1xi1> to vector<512x128xi1>
    %select_n3A_2366 = arith.select %broadcast_in_dim3A_2365, %slice3A_33, %select_n3A_2360 : vector<512x128xi1>, vector<512x128xf32>
    %eq3A_2367 = arith.constant 15 : i32
    %eq3A_2368 = vector.broadcast %eq3A_2367 : i32 to vector<512x1xi32>
    %eq3A_2369 = arith.cmpi eq, %broadcast_in_dim3A_2282, %eq3A_2368 : vector<512x1xi32>
    %broadcast_in_dim3A_2370 = vector.shape_cast %eq3A_2369 : vector<512x1xi1> to vector<512x1xi1>
    %broadcast_in_dim3A_2371 = vector.broadcast %broadcast_in_dim3A_2370 : vector<512x1xi1> to vector<512x128xi1>
    %select_n3A_2372 = arith.select %broadcast_in_dim3A_2371, %slice3A_34, %select_n3A_2366 : vector<512x128xi1>, vector<512x128xf32>
    %mul3A_2373 = arith.constant 128 : i32
    %mul3A_2374 = vector.broadcast %mul3A_2373 : i32 to vector<512x1xi32>
    %mul3A_2375 = arith.muli %broadcast_in_dim3A_2282, %mul3A_2374 : vector<512x1xi32>
    %sub3A_2376 = arith.subi %add3A, %mul3A_2375 : vector<512x1xi32>
    %eq3A_2377 = vector.broadcast %sub3A_2376 : vector<512x1xi32> to vector<512x128xi32>
    %eq3A_2378 = arith.cmpi eq, %iota3A, %eq3A_2377 : vector<512x128xi32>
    %jit3A_2379 = arith.constant 0xFF800000 : f32
    %broadcast_in_dim3A_2380 = vector.broadcast %jit3A_2379 : f32 to vector<512x128xf32>
    %select_n3A_2381 = arith.select %eq3A_2378, %broadcast_in_dim3A_2380, %select_n3A_2372 : vector<512x128xi1>, vector<512x128xf32>
    %sub3A_2382 = arith.subi %add3A_326, %mul3A_2375 : vector<512x1xi32>
    %eq3A_2383 = vector.broadcast %sub3A_2382 : vector<512x1xi32> to vector<512x128xi32>
    %eq3A_2384 = arith.cmpi eq, %iota3A, %eq3A_2383 : vector<512x128xi32>
    %jit3A_2385 = arith.constant 0xFF800000 : f32
    %broadcast_in_dim3A_2386 = vector.broadcast %jit3A_2385 : f32 to vector<512x128xf32>
    %select_n3A_2387 = arith.select %eq3A_2384, %broadcast_in_dim3A_2386, %select_n3A_2381 : vector<512x128xi1>, vector<512x128xf32>
    %sub3A_2388 = arith.subi %add3A_471, %mul3A_2375 : vector<512x1xi32>
    %eq3A_2389 = vector.broadcast %sub3A_2388 : vector<512x1xi32> to vector<512x128xi32>
    %eq3A_2390 = arith.cmpi eq, %iota3A, %eq3A_2389 : vector<512x128xi32>
    %jit3A_2391 = arith.constant 0xFF800000 : f32
    %broadcast_in_dim3A_2392 = vector.broadcast %jit3A_2391 : f32 to vector<512x128xf32>
    %select_n3A_2393 = arith.select %eq3A_2390, %broadcast_in_dim3A_2392, %select_n3A_2387 : vector<512x128xi1>, vector<512x128xf32>
    %sub3A_2394 = arith.subi %add3A_622, %mul3A_2375 : vector<512x1xi32>
    %eq3A_2395 = vector.broadcast %sub3A_2394 : vector<512x1xi32> to vector<512x128xi32>
    %eq3A_2396 = arith.cmpi eq, %iota3A, %eq3A_2395 : vector<512x128xi32>
    %jit3A_2397 = arith.constant 0xFF800000 : f32
    %broadcast_in_dim3A_2398 = vector.broadcast %jit3A_2397 : f32 to vector<512x128xf32>
    %select_n3A_2399 = arith.select %eq3A_2396, %broadcast_in_dim3A_2398, %select_n3A_2393 : vector<512x128xi1>, vector<512x128xf32>
    %sub3A_2400 = arith.subi %add3A_779, %mul3A_2375 : vector<512x1xi32>
    %eq3A_2401 = vector.broadcast %sub3A_2400 : vector<512x1xi32> to vector<512x128xi32>
    %eq3A_2402 = arith.cmpi eq, %iota3A, %eq3A_2401 : vector<512x128xi32>
    %jit3A_2403 = arith.constant 0xFF800000 : f32
    %broadcast_in_dim3A_2404 = vector.broadcast %jit3A_2403 : f32 to vector<512x128xf32>
    %select_n3A_2405 = arith.select %eq3A_2402, %broadcast_in_dim3A_2404, %select_n3A_2399 : vector<512x128xi1>, vector<512x128xf32>
    %sub3A_2406 = arith.subi %add3A_942, %mul3A_2375 : vector<512x1xi32>
    %eq3A_2407 = vector.broadcast %sub3A_2406 : vector<512x1xi32> to vector<512x128xi32>
    %eq3A_2408 = arith.cmpi eq, %iota3A, %eq3A_2407 : vector<512x128xi32>
    %jit3A_2409 = arith.constant 0xFF800000 : f32
    %broadcast_in_dim3A_2410 = vector.broadcast %jit3A_2409 : f32 to vector<512x128xf32>
    %select_n3A_2411 = arith.select %eq3A_2408, %broadcast_in_dim3A_2410, %select_n3A_2405 : vector<512x128xi1>, vector<512x128xf32>
    %sub3A_2412 = arith.subi %add3A_1111, %mul3A_2375 : vector<512x1xi32>
    %eq3A_2413 = vector.broadcast %sub3A_2412 : vector<512x1xi32> to vector<512x128xi32>
    %eq3A_2414 = arith.cmpi eq, %iota3A, %eq3A_2413 : vector<512x128xi32>
    %jit3A_2415 = arith.constant 0xFF800000 : f32
    %broadcast_in_dim3A_2416 = vector.broadcast %jit3A_2415 : f32 to vector<512x128xf32>
    %select_n3A_2417 = arith.select %eq3A_2414, %broadcast_in_dim3A_2416, %select_n3A_2411 : vector<512x128xi1>, vector<512x128xf32>
    %sub3A_2418 = arith.subi %add3A_1286, %mul3A_2375 : vector<512x1xi32>
    %eq3A_2419 = vector.broadcast %sub3A_2418 : vector<512x1xi32> to vector<512x128xi32>
    %eq3A_2420 = arith.cmpi eq, %iota3A, %eq3A_2419 : vector<512x128xi32>
    %jit3A_2421 = arith.constant 0xFF800000 : f32
    %broadcast_in_dim3A_2422 = vector.broadcast %jit3A_2421 : f32 to vector<512x128xf32>
    %select_n3A_2423 = arith.select %eq3A_2420, %broadcast_in_dim3A_2422, %select_n3A_2417 : vector<512x128xi1>, vector<512x128xf32>
    %sub3A_2424 = arith.subi %add3A_1467, %mul3A_2375 : vector<512x1xi32>
    %eq3A_2425 = vector.broadcast %sub3A_2424 : vector<512x1xi32> to vector<512x128xi32>
    %eq3A_2426 = arith.cmpi eq, %iota3A, %eq3A_2425 : vector<512x128xi32>
    %jit3A_2427 = arith.constant 0xFF800000 : f32
    %broadcast_in_dim3A_2428 = vector.broadcast %jit3A_2427 : f32 to vector<512x128xf32>
    %select_n3A_2429 = arith.select %eq3A_2426, %broadcast_in_dim3A_2428, %select_n3A_2423 : vector<512x128xi1>, vector<512x128xf32>
    %sub3A_2430 = arith.subi %add3A_1654, %mul3A_2375 : vector<512x1xi32>
    %eq3A_2431 = vector.broadcast %sub3A_2430 : vector<512x1xi32> to vector<512x128xi32>
    %eq3A_2432 = arith.cmpi eq, %iota3A, %eq3A_2431 : vector<512x128xi32>
    %jit3A_2433 = arith.constant 0xFF800000 : f32
    %broadcast_in_dim3A_2434 = vector.broadcast %jit3A_2433 : f32 to vector<512x128xf32>
    %select_n3A_2435 = arith.select %eq3A_2432, %broadcast_in_dim3A_2434, %select_n3A_2429 : vector<512x128xi1>, vector<512x128xf32>
    %sub3A_2436 = arith.subi %add3A_1847, %mul3A_2375 : vector<512x1xi32>
    %eq3A_2437 = vector.broadcast %sub3A_2436 : vector<512x1xi32> to vector<512x128xi32>
    %eq3A_2438 = arith.cmpi eq, %iota3A, %eq3A_2437 : vector<512x128xi32>
    %jit3A_2439 = arith.constant 0xFF800000 : f32
    %broadcast_in_dim3A_2440 = vector.broadcast %jit3A_2439 : f32 to vector<512x128xf32>
    %select_n3A_2441 = arith.select %eq3A_2438, %broadcast_in_dim3A_2440, %select_n3A_2435 : vector<512x128xi1>, vector<512x128xf32>
    %sub3A_2442 = arith.subi %add3A_2046, %mul3A_2375 : vector<512x1xi32>
    %eq3A_2443 = vector.broadcast %sub3A_2442 : vector<512x1xi32> to vector<512x128xi32>
    %eq3A_2444 = arith.cmpi eq, %iota3A, %eq3A_2443 : vector<512x128xi32>
    %jit3A_2445 = arith.constant 0xFF800000 : f32
    %broadcast_in_dim3A_2446 = vector.broadcast %jit3A_2445 : f32 to vector<512x128xf32>
    %select_n3A_2447 = arith.select %eq3A_2444, %broadcast_in_dim3A_2446, %select_n3A_2441 : vector<512x128xi1>, vector<512x128xf32>
    %sub3A_2448 = arith.subi %add3A_2251, %mul3A_2375 : vector<512x1xi32>
    %eq3A_2449 = vector.broadcast %sub3A_2448 : vector<512x1xi32> to vector<512x128xi32>
    %eq3A_2450 = arith.cmpi eq, %iota3A, %eq3A_2449 : vector<512x128xi32>
    %jit3A_2451 = arith.constant 0xFF800000 : f32
    %broadcast_in_dim3A_2452 = vector.broadcast %jit3A_2451 : f32 to vector<512x128xf32>
    %select_n3A_2453 = arith.select %eq3A_2450, %broadcast_in_dim3A_2452, %select_n3A_2447 : vector<512x128xi1>, vector<512x128xf32>
    %eq3A_2454 = vector.broadcast %broadcast_in_dim3A_2274 : vector<512x1xf32> to vector<512x128xf32>
    %eq3A_2455 = arith.cmpf oeq, %select_n3A_2453, %eq3A_2454 : vector<512x128xf32>
    %jit3A_2456 = arith.constant 128 : i32
    %broadcast_in_dim3A_2457 = vector.broadcast %jit3A_2456 : i32 to vector<512x128xi32>
    %select_n3A_2458 = arith.select %eq3A_2455, %iota3A, %broadcast_in_dim3A_2457 : vector<512x128xi1>, vector<512x128xi32>
    %reduce_min3A_2459 = arith.constant dense<2147483647> : vector<512xi32>
    %reduce_min3A_2460 = vector.multi_reduction <minsi>, %select_n3A_2458, %reduce_min3A_2459 [1] : vector<512x128xi32> to vector<512xi32>
    %broadcast_in_dim3A_2461 = vector.shape_cast %reduce_min3A_2460 : vector<512xi32> to vector<512x1xi32>
    %add3A_2462 = arith.addi %mul3A_2375, %broadcast_in_dim3A_2461 : vector<512x1xi32>
    %mul3A_2463 = arith.constant 2048 : i32
    %mul3A_2464 = arith.muli %arg0, %mul3A_2463 : i32
    %add3A_2465 = vector.broadcast %mul3A_2464 : i32 to vector<512x1xi32>
    %add3A_2466 = arith.addi %add3A_2462, %add3A_2465 : vector<512x1xi32>
    %swap3A_2467 = arith.constant 0 : index
    %swap3A_2468 = arith.constant 13 : index
    %swap3A_2469 = vector.load %arg6[%swap3A_2467, %swap3A_2468] : memref<512x20xi32, #tpu.memory_space<vmem>>, vector<512x1xi32>
    tpu.vector_store %arg6[%swap3A_2467, %swap3A_2468], %add3A_2466 {strides = array<i32>} : memref<512x20xi32, #tpu.memory_space<vmem>>, vector<512x1xi32>,
    %eq3A_2470 = vector.broadcast %broadcast_in_dim3A_2461 : vector<512x1xi32> to vector<512x128xi32>
    %eq3A_2471 = arith.cmpi eq, %iota3A, %eq3A_2470 : vector<512x128xi32>
    %jit3A_2472 = arith.constant 0xFF800000 : f32
    %broadcast_in_dim3A_2473 = vector.broadcast %jit3A_2472 : f32 to vector<512x128xf32>
    %select_n3A_2474 = arith.select %eq3A_2471, %broadcast_in_dim3A_2473, %select_n3A_2453 : vector<512x128xi1>, vector<512x128xf32>
    %reduce_max3A_2475 = arith.constant dense<0xFF800000> : vector<512xf32>
    %reduce_max3A_2476 = vector.multi_reduction <maximumf>, %select_n3A_2474, %reduce_max3A_2475 [1] : vector<512x128xf32> to vector<512xf32>
    %broadcast_in_dim3A_2477 = vector.shape_cast %reduce_max3A_2476 : vector<512xf32> to vector<512x1xf32>
    %eq3A_2478 = vector.broadcast %broadcast_in_dim3A_2282 : vector<512x1xi32> to vector<512x16xi32>
    %eq3A_2479 = arith.cmpi eq, %iota3A_19, %eq3A_2478 : vector<512x16xi32>
    %broadcast_in_dim3A_2480 = vector.shape_cast %broadcast_in_dim3A_2477 : vector<512x1xf32> to vector<512x1xf32>
    %broadcast_in_dim3A_2481 = vector.broadcast %broadcast_in_dim3A_2480 : vector<512x1xf32> to vector<512x16xf32>
    %select_n3A_2482 = arith.select %eq3A_2479, %broadcast_in_dim3A_2481, %select_n3A_2271 : vector<512x16xi1>, vector<512x16xf32>
    %reduce_max3A_2483 = arith.constant dense<0xFF800000> : vector<512xf32>
    %reduce_max3A_2484 = vector.multi_reduction <maximumf>, %select_n3A_2482, %reduce_max3A_2483 [1] : vector<512x16xf32> to vector<512xf32>
    %broadcast_in_dim3A_2485 = vector.shape_cast %reduce_max3A_2484 : vector<512xf32> to vector<512x1xf32>
    %eq3A_2486 = vector.broadcast %broadcast_in_dim3A_2485 : vector<512x1xf32> to vector<512x16xf32>
    %eq3A_2487 = arith.cmpf oeq, %select_n3A_2482, %eq3A_2486 : vector<512x16xf32>
    %jit3A_2488 = arith.constant 16 : i32
    %broadcast_in_dim3A_2489 = vector.broadcast %jit3A_2488 : i32 to vector<512x16xi32>
    %select_n3A_2490 = arith.select %eq3A_2487, %iota3A_19, %broadcast_in_dim3A_2489 : vector<512x16xi1>, vector<512x16xi32>
    %reduce_min3A_2491 = arith.constant dense<2147483647> : vector<512xi32>
    %reduce_min3A_2492 = vector.multi_reduction <minsi>, %select_n3A_2490, %reduce_min3A_2491 [1] : vector<512x16xi32> to vector<512xi32>
    %broadcast_in_dim3A_2493 = vector.shape_cast %reduce_min3A_2492 : vector<512xi32> to vector<512x1xi32>
    %eq3A_2494 = arith.constant 1 : i32
    %eq3A_2495 = vector.broadcast %eq3A_2494 : i32 to vector<512x1xi32>
    %eq3A_2496 = arith.cmpi eq, %broadcast_in_dim3A_2493, %eq3A_2495 : vector<512x1xi32>
    %broadcast_in_dim3A_2497 = vector.shape_cast %eq3A_2496 : vector<512x1xi1> to vector<512x1xi1>
    %broadcast_in_dim3A_2498 = vector.broadcast %broadcast_in_dim3A_2497 : vector<512x1xi1> to vector<512x128xi1>
    %select_n3A_2499 = arith.select %broadcast_in_dim3A_2498, %slice3A_20, %slice3A : vector<512x128xi1>, vector<512x128xf32>
    %eq3A_2500 = arith.constant 2 : i32
    %eq3A_2501 = vector.broadcast %eq3A_2500 : i32 to vector<512x1xi32>
    %eq3A_2502 = arith.cmpi eq, %broadcast_in_dim3A_2493, %eq3A_2501 : vector<512x1xi32>
    %broadcast_in_dim3A_2503 = vector.shape_cast %eq3A_2502 : vector<512x1xi1> to vector<512x1xi1>
    %broadcast_in_dim3A_2504 = vector.broadcast %broadcast_in_dim3A_2503 : vector<512x1xi1> to vector<512x128xi1>
    %select_n3A_2505 = arith.select %broadcast_in_dim3A_2504, %slice3A_21, %select_n3A_2499 : vector<512x128xi1>, vector<512x128xf32>
    %eq3A_2506 = arith.constant 3 : i32
    %eq3A_2507 = vector.broadcast %eq3A_2506 : i32 to vector<512x1xi32>
    %eq3A_2508 = arith.cmpi eq, %broadcast_in_dim3A_2493, %eq3A_2507 : vector<512x1xi32>
    %broadcast_in_dim3A_2509 = vector.shape_cast %eq3A_2508 : vector<512x1xi1> to vector<512x1xi1>
    %broadcast_in_dim3A_2510 = vector.broadcast %broadcast_in_dim3A_2509 : vector<512x1xi1> to vector<512x128xi1>
    %select_n3A_2511 = arith.select %broadcast_in_dim3A_2510, %slice3A_22, %select_n3A_2505 : vector<512x128xi1>, vector<512x128xf32>
    %eq3A_2512 = arith.constant 4 : i32
    %eq3A_2513 = vector.broadcast %eq3A_2512 : i32 to vector<512x1xi32>
    %eq3A_2514 = arith.cmpi eq, %broadcast_in_dim3A_2493, %eq3A_2513 : vector<512x1xi32>
    %broadcast_in_dim3A_2515 = vector.shape_cast %eq3A_2514 : vector<512x1xi1> to vector<512x1xi1>
    %broadcast_in_dim3A_2516 = vector.broadcast %broadcast_in_dim3A_2515 : vector<512x1xi1> to vector<512x128xi1>
    %select_n3A_2517 = arith.select %broadcast_in_dim3A_2516, %slice3A_23, %select_n3A_2511 : vector<512x128xi1>, vector<512x128xf32>
    %eq3A_2518 = arith.constant 5 : i32
    %eq3A_2519 = vector.broadcast %eq3A_2518 : i32 to vector<512x1xi32>
    %eq3A_2520 = arith.cmpi eq, %broadcast_in_dim3A_2493, %eq3A_2519 : vector<512x1xi32>
    %broadcast_in_dim3A_2521 = vector.shape_cast %eq3A_2520 : vector<512x1xi1> to vector<512x1xi1>
    %broadcast_in_dim3A_2522 = vector.broadcast %broadcast_in_dim3A_2521 : vector<512x1xi1> to vector<512x128xi1>
    %select_n3A_2523 = arith.select %broadcast_in_dim3A_2522, %slice3A_24, %select_n3A_2517 : vector<512x128xi1>, vector<512x128xf32>
    %eq3A_2524 = arith.constant 6 : i32
    %eq3A_2525 = vector.broadcast %eq3A_2524 : i32 to vector<512x1xi32>
    %eq3A_2526 = arith.cmpi eq, %broadcast_in_dim3A_2493, %eq3A_2525 : vector<512x1xi32>
    %broadcast_in_dim3A_2527 = vector.shape_cast %eq3A_2526 : vector<512x1xi1> to vector<512x1xi1>
    %broadcast_in_dim3A_2528 = vector.broadcast %broadcast_in_dim3A_2527 : vector<512x1xi1> to vector<512x128xi1>
    %select_n3A_2529 = arith.select %broadcast_in_dim3A_2528, %slice3A_25, %select_n3A_2523 : vector<512x128xi1>, vector<512x128xf32>
    %eq3A_2530 = arith.constant 7 : i32
    %eq3A_2531 = vector.broadcast %eq3A_2530 : i32 to vector<512x1xi32>
    %eq3A_2532 = arith.cmpi eq, %broadcast_in_dim3A_2493, %eq3A_2531 : vector<512x1xi32>
    %broadcast_in_dim3A_2533 = vector.shape_cast %eq3A_2532 : vector<512x1xi1> to vector<512x1xi1>
    %broadcast_in_dim3A_2534 = vector.broadcast %broadcast_in_dim3A_2533 : vector<512x1xi1> to vector<512x128xi1>
    %select_n3A_2535 = arith.select %broadcast_in_dim3A_2534, %slice3A_26, %select_n3A_2529 : vector<512x128xi1>, vector<512x128xf32>
    %eq3A_2536 = arith.constant 8 : i32
    %eq3A_2537 = vector.broadcast %eq3A_2536 : i32 to vector<512x1xi32>
    %eq3A_2538 = arith.cmpi eq, %broadcast_in_dim3A_2493, %eq3A_2537 : vector<512x1xi32>
    %broadcast_in_dim3A_2539 = vector.shape_cast %eq3A_2538 : vector<512x1xi1> to vector<512x1xi1>
    %broadcast_in_dim3A_2540 = vector.broadcast %broadcast_in_dim3A_2539 : vector<512x1xi1> to vector<512x128xi1>
    %select_n3A_2541 = arith.select %broadcast_in_dim3A_2540, %slice3A_27, %select_n3A_2535 : vector<512x128xi1>, vector<512x128xf32>
    %eq3A_2542 = arith.constant 9 : i32
    %eq3A_2543 = vector.broadcast %eq3A_2542 : i32 to vector<512x1xi32>
    %eq3A_2544 = arith.cmpi eq, %broadcast_in_dim3A_2493, %eq3A_2543 : vector<512x1xi32>
    %broadcast_in_dim3A_2545 = vector.shape_cast %eq3A_2544 : vector<512x1xi1> to vector<512x1xi1>
    %broadcast_in_dim3A_2546 = vector.broadcast %broadcast_in_dim3A_2545 : vector<512x1xi1> to vector<512x128xi1>
    %select_n3A_2547 = arith.select %broadcast_in_dim3A_2546, %slice3A_28, %select_n3A_2541 : vector<512x128xi1>, vector<512x128xf32>
    %eq3A_2548 = arith.constant 10 : i32
    %eq3A_2549 = vector.broadcast %eq3A_2548 : i32 to vector<512x1xi32>
    %eq3A_2550 = arith.cmpi eq, %broadcast_in_dim3A_2493, %eq3A_2549 : vector<512x1xi32>
    %broadcast_in_dim3A_2551 = vector.shape_cast %eq3A_2550 : vector<512x1xi1> to vector<512x1xi1>
    %broadcast_in_dim3A_2552 = vector.broadcast %broadcast_in_dim3A_2551 : vector<512x1xi1> to vector<512x128xi1>
    %select_n3A_2553 = arith.select %broadcast_in_dim3A_2552, %slice3A_29, %select_n3A_2547 : vector<512x128xi1>, vector<512x128xf32>
    %eq3A_2554 = arith.constant 11 : i32
    %eq3A_2555 = vector.broadcast %eq3A_2554 : i32 to vector<512x1xi32>
    %eq3A_2556 = arith.cmpi eq, %broadcast_in_dim3A_2493, %eq3A_2555 : vector<512x1xi32>
    %broadcast_in_dim3A_2557 = vector.shape_cast %eq3A_2556 : vector<512x1xi1> to vector<512x1xi1>
    %broadcast_in_dim3A_2558 = vector.broadcast %broadcast_in_dim3A_2557 : vector<512x1xi1> to vector<512x128xi1>
    %select_n3A_2559 = arith.select %broadcast_in_dim3A_2558, %slice3A_30, %select_n3A_2553 : vector<512x128xi1>, vector<512x128xf32>
    %eq3A_2560 = arith.constant 12 : i32
    %eq3A_2561 = vector.broadcast %eq3A_2560 : i32 to vector<512x1xi32>
    %eq3A_2562 = arith.cmpi eq, %broadcast_in_dim3A_2493, %eq3A_2561 : vector<512x1xi32>
    %broadcast_in_dim3A_2563 = vector.shape_cast %eq3A_2562 : vector<512x1xi1> to vector<512x1xi1>
    %broadcast_in_dim3A_2564 = vector.broadcast %broadcast_in_dim3A_2563 : vector<512x1xi1> to vector<512x128xi1>
    %select_n3A_2565 = arith.select %broadcast_in_dim3A_2564, %slice3A_31, %select_n3A_2559 : vector<512x128xi1>, vector<512x128xf32>
    %eq3A_2566 = arith.constant 13 : i32
    %eq3A_2567 = vector.broadcast %eq3A_2566 : i32 to vector<512x1xi32>
    %eq3A_2568 = arith.cmpi eq, %broadcast_in_dim3A_2493, %eq3A_2567 : vector<512x1xi32>
    %broadcast_in_dim3A_2569 = vector.shape_cast %eq3A_2568 : vector<512x1xi1> to vector<512x1xi1>
    %broadcast_in_dim3A_2570 = vector.broadcast %broadcast_in_dim3A_2569 : vector<512x1xi1> to vector<512x128xi1>
    %select_n3A_2571 = arith.select %broadcast_in_dim3A_2570, %slice3A_32, %select_n3A_2565 : vector<512x128xi1>, vector<512x128xf32>
    %eq3A_2572 = arith.constant 14 : i32
    %eq3A_2573 = vector.broadcast %eq3A_2572 : i32 to vector<512x1xi32>
    %eq3A_2574 = arith.cmpi eq, %broadcast_in_dim3A_2493, %eq3A_2573 : vector<512x1xi32>
    %broadcast_in_dim3A_2575 = vector.shape_cast %eq3A_2574 : vector<512x1xi1> to vector<512x1xi1>
    %broadcast_in_dim3A_2576 = vector.broadcast %broadcast_in_dim3A_2575 : vector<512x1xi1> to vector<512x128xi1>
    %select_n3A_2577 = arith.select %broadcast_in_dim3A_2576, %slice3A_33, %select_n3A_2571 : vector<512x128xi1>, vector<512x128xf32>
    %eq3A_2578 = arith.constant 15 : i32
    %eq3A_2579 = vector.broadcast %eq3A_2578 : i32 to vector<512x1xi32>
    %eq3A_2580 = arith.cmpi eq, %broadcast_in_dim3A_2493, %eq3A_2579 : vector<512x1xi32>
    %broadcast_in_dim3A_2581 = vector.shape_cast %eq3A_2580 : vector<512x1xi1> to vector<512x1xi1>
    %broadcast_in_dim3A_2582 = vector.broadcast %broadcast_in_dim3A_2581 : vector<512x1xi1> to vector<512x128xi1>
    %select_n3A_2583 = arith.select %broadcast_in_dim3A_2582, %slice3A_34, %select_n3A_2577 : vector<512x128xi1>, vector<512x128xf32>
    %mul3A_2584 = arith.constant 128 : i32
    %mul3A_2585 = vector.broadcast %mul3A_2584 : i32 to vector<512x1xi32>
    %mul3A_2586 = arith.muli %broadcast_in_dim3A_2493, %mul3A_2585 : vector<512x1xi32>
    %sub3A_2587 = arith.subi %add3A, %mul3A_2586 : vector<512x1xi32>
    %eq3A_2588 = vector.broadcast %sub3A_2587 : vector<512x1xi32> to vector<512x128xi32>
    %eq3A_2589 = arith.cmpi eq, %iota3A, %eq3A_2588 : vector<512x128xi32>
    %jit3A_2590 = arith.constant 0xFF800000 : f32
    %broadcast_in_dim3A_2591 = vector.broadcast %jit3A_2590 : f32 to vector<512x128xf32>
    %select_n3A_2592 = arith.select %eq3A_2589, %broadcast_in_dim3A_2591, %select_n3A_2583 : vector<512x128xi1>, vector<512x128xf32>
    %sub3A_2593 = arith.subi %add3A_326, %mul3A_2586 : vector<512x1xi32>
    %eq3A_2594 = vector.broadcast %sub3A_2593 : vector<512x1xi32> to vector<512x128xi32>
    %eq3A_2595 = arith.cmpi eq, %iota3A, %eq3A_2594 : vector<512x128xi32>
    %jit3A_2596 = arith.constant 0xFF800000 : f32
    %broadcast_in_dim3A_2597 = vector.broadcast %jit3A_2596 : f32 to vector<512x128xf32>
    %select_n3A_2598 = arith.select %eq3A_2595, %broadcast_in_dim3A_2597, %select_n3A_2592 : vector<512x128xi1>, vector<512x128xf32>
    %sub3A_2599 = arith.subi %add3A_471, %mul3A_2586 : vector<512x1xi32>
    %eq3A_2600 = vector.broadcast %sub3A_2599 : vector<512x1xi32> to vector<512x128xi32>
    %eq3A_2601 = arith.cmpi eq, %iota3A, %eq3A_2600 : vector<512x128xi32>
    %jit3A_2602 = arith.constant 0xFF800000 : f32
    %broadcast_in_dim3A_2603 = vector.broadcast %jit3A_2602 : f32 to vector<512x128xf32>
    %select_n3A_2604 = arith.select %eq3A_2601, %broadcast_in_dim3A_2603, %select_n3A_2598 : vector<512x128xi1>, vector<512x128xf32>
    %sub3A_2605 = arith.subi %add3A_622, %mul3A_2586 : vector<512x1xi32>
    %eq3A_2606 = vector.broadcast %sub3A_2605 : vector<512x1xi32> to vector<512x128xi32>
    %eq3A_2607 = arith.cmpi eq, %iota3A, %eq3A_2606 : vector<512x128xi32>
    %jit3A_2608 = arith.constant 0xFF800000 : f32
    %broadcast_in_dim3A_2609 = vector.broadcast %jit3A_2608 : f32 to vector<512x128xf32>
    %select_n3A_2610 = arith.select %eq3A_2607, %broadcast_in_dim3A_2609, %select_n3A_2604 : vector<512x128xi1>, vector<512x128xf32>
    %sub3A_2611 = arith.subi %add3A_779, %mul3A_2586 : vector<512x1xi32>
    %eq3A_2612 = vector.broadcast %sub3A_2611 : vector<512x1xi32> to vector<512x128xi32>
    %eq3A_2613 = arith.cmpi eq, %iota3A, %eq3A_2612 : vector<512x128xi32>
    %jit3A_2614 = arith.constant 0xFF800000 : f32
    %broadcast_in_dim3A_2615 = vector.broadcast %jit3A_2614 : f32 to vector<512x128xf32>
    %select_n3A_2616 = arith.select %eq3A_2613, %broadcast_in_dim3A_2615, %select_n3A_2610 : vector<512x128xi1>, vector<512x128xf32>
    %sub3A_2617 = arith.subi %add3A_942, %mul3A_2586 : vector<512x1xi32>
    %eq3A_2618 = vector.broadcast %sub3A_2617 : vector<512x1xi32> to vector<512x128xi32>
    %eq3A_2619 = arith.cmpi eq, %iota3A, %eq3A_2618 : vector<512x128xi32>
    %jit3A_2620 = arith.constant 0xFF800000 : f32
    %broadcast_in_dim3A_2621 = vector.broadcast %jit3A_2620 : f32 to vector<512x128xf32>
    %select_n3A_2622 = arith.select %eq3A_2619, %broadcast_in_dim3A_2621, %select_n3A_2616 : vector<512x128xi1>, vector<512x128xf32>
    %sub3A_2623 = arith.subi %add3A_1111, %mul3A_2586 : vector<512x1xi32>
    %eq3A_2624 = vector.broadcast %sub3A_2623 : vector<512x1xi32> to vector<512x128xi32>
    %eq3A_2625 = arith.cmpi eq, %iota3A, %eq3A_2624 : vector<512x128xi32>
    %jit3A_2626 = arith.constant 0xFF800000 : f32
    %broadcast_in_dim3A_2627 = vector.broadcast %jit3A_2626 : f32 to vector<512x128xf32>
    %select_n3A_2628 = arith.select %eq3A_2625, %broadcast_in_dim3A_2627, %select_n3A_2622 : vector<512x128xi1>, vector<512x128xf32>
    %sub3A_2629 = arith.subi %add3A_1286, %mul3A_2586 : vector<512x1xi32>
    %eq3A_2630 = vector.broadcast %sub3A_2629 : vector<512x1xi32> to vector<512x128xi32>
    %eq3A_2631 = arith.cmpi eq, %iota3A, %eq3A_2630 : vector<512x128xi32>
    %jit3A_2632 = arith.constant 0xFF800000 : f32
    %broadcast_in_dim3A_2633 = vector.broadcast %jit3A_2632 : f32 to vector<512x128xf32>
    %select_n3A_2634 = arith.select %eq3A_2631, %broadcast_in_dim3A_2633, %select_n3A_2628 : vector<512x128xi1>, vector<512x128xf32>
    %sub3A_2635 = arith.subi %add3A_1467, %mul3A_2586 : vector<512x1xi32>
    %eq3A_2636 = vector.broadcast %sub3A_2635 : vector<512x1xi32> to vector<512x128xi32>
    %eq3A_2637 = arith.cmpi eq, %iota3A, %eq3A_2636 : vector<512x128xi32>
    %jit3A_2638 = arith.constant 0xFF800000 : f32
    %broadcast_in_dim3A_2639 = vector.broadcast %jit3A_2638 : f32 to vector<512x128xf32>
    %select_n3A_2640 = arith.select %eq3A_2637, %broadcast_in_dim3A_2639, %select_n3A_2634 : vector<512x128xi1>, vector<512x128xf32>
    %sub3A_2641 = arith.subi %add3A_1654, %mul3A_2586 : vector<512x1xi32>
    %eq3A_2642 = vector.broadcast %sub3A_2641 : vector<512x1xi32> to vector<512x128xi32>
    %eq3A_2643 = arith.cmpi eq, %iota3A, %eq3A_2642 : vector<512x128xi32>
    %jit3A_2644 = arith.constant 0xFF800000 : f32
    %broadcast_in_dim3A_2645 = vector.broadcast %jit3A_2644 : f32 to vector<512x128xf32>
    %select_n3A_2646 = arith.select %eq3A_2643, %broadcast_in_dim3A_2645, %select_n3A_2640 : vector<512x128xi1>, vector<512x128xf32>
    %sub3A_2647 = arith.subi %add3A_1847, %mul3A_2586 : vector<512x1xi32>
    %eq3A_2648 = vector.broadcast %sub3A_2647 : vector<512x1xi32> to vector<512x128xi32>
    %eq3A_2649 = arith.cmpi eq, %iota3A, %eq3A_2648 : vector<512x128xi32>
    %jit3A_2650 = arith.constant 0xFF800000 : f32
    %broadcast_in_dim3A_2651 = vector.broadcast %jit3A_2650 : f32 to vector<512x128xf32>
    %select_n3A_2652 = arith.select %eq3A_2649, %broadcast_in_dim3A_2651, %select_n3A_2646 : vector<512x128xi1>, vector<512x128xf32>
    %sub3A_2653 = arith.subi %add3A_2046, %mul3A_2586 : vector<512x1xi32>
    %eq3A_2654 = vector.broadcast %sub3A_2653 : vector<512x1xi32> to vector<512x128xi32>
    %eq3A_2655 = arith.cmpi eq, %iota3A, %eq3A_2654 : vector<512x128xi32>
    %jit3A_2656 = arith.constant 0xFF800000 : f32
    %broadcast_in_dim3A_2657 = vector.broadcast %jit3A_2656 : f32 to vector<512x128xf32>
    %select_n3A_2658 = arith.select %eq3A_2655, %broadcast_in_dim3A_2657, %select_n3A_2652 : vector<512x128xi1>, vector<512x128xf32>
    %sub3A_2659 = arith.subi %add3A_2251, %mul3A_2586 : vector<512x1xi32>
    %eq3A_2660 = vector.broadcast %sub3A_2659 : vector<512x1xi32> to vector<512x128xi32>
    %eq3A_2661 = arith.cmpi eq, %iota3A, %eq3A_2660 : vector<512x128xi32>
    %jit3A_2662 = arith.constant 0xFF800000 : f32
    %broadcast_in_dim3A_2663 = vector.broadcast %jit3A_2662 : f32 to vector<512x128xf32>
    %select_n3A_2664 = arith.select %eq3A_2661, %broadcast_in_dim3A_2663, %select_n3A_2658 : vector<512x128xi1>, vector<512x128xf32>
    %sub3A_2665 = arith.subi %add3A_2462, %mul3A_2586 : vector<512x1xi32>
    %eq3A_2666 = vector.broadcast %sub3A_2665 : vector<512x1xi32> to vector<512x128xi32>
    %eq3A_2667 = arith.cmpi eq, %iota3A, %eq3A_2666 : vector<512x128xi32>
    %jit3A_2668 = arith.constant 0xFF800000 : f32
    %broadcast_in_dim3A_2669 = vector.broadcast %jit3A_2668 : f32 to vector<512x128xf32>
    %select_n3A_2670 = arith.select %eq3A_2667, %broadcast_in_dim3A_2669, %select_n3A_2664 : vector<512x128xi1>, vector<512x128xf32>
    %eq3A_2671 = vector.broadcast %broadcast_in_dim3A_2485 : vector<512x1xf32> to vector<512x128xf32>
    %eq3A_2672 = arith.cmpf oeq, %select_n3A_2670, %eq3A_2671 : vector<512x128xf32>
    %jit3A_2673 = arith.constant 128 : i32
    %broadcast_in_dim3A_2674 = vector.broadcast %jit3A_2673 : i32 to vector<512x128xi32>
    %select_n3A_2675 = arith.select %eq3A_2672, %iota3A, %broadcast_in_dim3A_2674 : vector<512x128xi1>, vector<512x128xi32>
    %reduce_min3A_2676 = arith.constant dense<2147483647> : vector<512xi32>
    %reduce_min3A_2677 = vector.multi_reduction <minsi>, %select_n3A_2675, %reduce_min3A_2676 [1] : vector<512x128xi32> to vector<512xi32>
    %broadcast_in_dim3A_2678 = vector.shape_cast %reduce_min3A_2677 : vector<512xi32> to vector<512x1xi32>
    %add3A_2679 = arith.addi %mul3A_2586, %broadcast_in_dim3A_2678 : vector<512x1xi32>
    %mul3A_2680 = arith.constant 2048 : i32
    %mul3A_2681 = arith.muli %arg0, %mul3A_2680 : i32
    %add3A_2682 = vector.broadcast %mul3A_2681 : i32 to vector<512x1xi32>
    %add3A_2683 = arith.addi %add3A_2679, %add3A_2682 : vector<512x1xi32>
    %swap3A_2684 = arith.constant 0 : index
    %swap3A_2685 = arith.constant 14 : index
    %swap3A_2686 = vector.load %arg6[%swap3A_2684, %swap3A_2685] : memref<512x20xi32, #tpu.memory_space<vmem>>, vector<512x1xi32>
    tpu.vector_store %arg6[%swap3A_2684, %swap3A_2685], %add3A_2683 {strides = array<i32>} : memref<512x20xi32, #tpu.memory_space<vmem>>, vector<512x1xi32>,
    %eq3A_2687 = vector.broadcast %broadcast_in_dim3A_2678 : vector<512x1xi32> to vector<512x128xi32>
    %eq3A_2688 = arith.cmpi eq, %iota3A, %eq3A_2687 : vector<512x128xi32>
    %jit3A_2689 = arith.constant 0xFF800000 : f32
    %broadcast_in_dim3A_2690 = vector.broadcast %jit3A_2689 : f32 to vector<512x128xf32>
    %select_n3A_2691 = arith.select %eq3A_2688, %broadcast_in_dim3A_2690, %select_n3A_2670 : vector<512x128xi1>, vector<512x128xf32>
    %reduce_max3A_2692 = arith.constant dense<0xFF800000> : vector<512xf32>
    %reduce_max3A_2693 = vector.multi_reduction <maximumf>, %select_n3A_2691, %reduce_max3A_2692 [1] : vector<512x128xf32> to vector<512xf32>
    %broadcast_in_dim3A_2694 = vector.shape_cast %reduce_max3A_2693 : vector<512xf32> to vector<512x1xf32>
    %eq3A_2695 = vector.broadcast %broadcast_in_dim3A_2493 : vector<512x1xi32> to vector<512x16xi32>
    %eq3A_2696 = arith.cmpi eq, %iota3A_19, %eq3A_2695 : vector<512x16xi32>
    %broadcast_in_dim3A_2697 = vector.shape_cast %broadcast_in_dim3A_2694 : vector<512x1xf32> to vector<512x1xf32>
    %broadcast_in_dim3A_2698 = vector.broadcast %broadcast_in_dim3A_2697 : vector<512x1xf32> to vector<512x16xf32>
    %select_n3A_2699 = arith.select %eq3A_2696, %broadcast_in_dim3A_2698, %select_n3A_2482 : vector<512x16xi1>, vector<512x16xf32>
    %reduce_max3A_2700 = arith.constant dense<0xFF800000> : vector<512xf32>
    %reduce_max3A_2701 = vector.multi_reduction <maximumf>, %select_n3A_2699, %reduce_max3A_2700 [1] : vector<512x16xf32> to vector<512xf32>
    %broadcast_in_dim3A_2702 = vector.shape_cast %reduce_max3A_2701 : vector<512xf32> to vector<512x1xf32>
    %eq3A_2703 = vector.broadcast %broadcast_in_dim3A_2702 : vector<512x1xf32> to vector<512x16xf32>
    %eq3A_2704 = arith.cmpf oeq, %select_n3A_2699, %eq3A_2703 : vector<512x16xf32>
    %jit3A_2705 = arith.constant 16 : i32
    %broadcast_in_dim3A_2706 = vector.broadcast %jit3A_2705 : i32 to vector<512x16xi32>
    %select_n3A_2707 = arith.select %eq3A_2704, %iota3A_19, %broadcast_in_dim3A_2706 : vector<512x16xi1>, vector<512x16xi32>
    %reduce_min3A_2708 = arith.constant dense<2147483647> : vector<512xi32>
    %reduce_min3A_2709 = vector.multi_reduction <minsi>, %select_n3A_2707, %reduce_min3A_2708 [1] : vector<512x16xi32> to vector<512xi32>
    %broadcast_in_dim3A_2710 = vector.shape_cast %reduce_min3A_2709 : vector<512xi32> to vector<512x1xi32>
    %eq3A_2711 = arith.constant 1 : i32
    %eq3A_2712 = vector.broadcast %eq3A_2711 : i32 to vector<512x1xi32>
    %eq3A_2713 = arith.cmpi eq, %broadcast_in_dim3A_2710, %eq3A_2712 : vector<512x1xi32>
    %broadcast_in_dim3A_2714 = vector.shape_cast %eq3A_2713 : vector<512x1xi1> to vector<512x1xi1>
    %broadcast_in_dim3A_2715 = vector.broadcast %broadcast_in_dim3A_2714 : vector<512x1xi1> to vector<512x128xi1>
    %select_n3A_2716 = arith.select %broadcast_in_dim3A_2715, %slice3A_20, %slice3A : vector<512x128xi1>, vector<512x128xf32>
    %eq3A_2717 = arith.constant 2 : i32
    %eq3A_2718 = vector.broadcast %eq3A_2717 : i32 to vector<512x1xi32>
    %eq3A_2719 = arith.cmpi eq, %broadcast_in_dim3A_2710, %eq3A_2718 : vector<512x1xi32>
    %broadcast_in_dim3A_2720 = vector.shape_cast %eq3A_2719 : vector<512x1xi1> to vector<512x1xi1>
    %broadcast_in_dim3A_2721 = vector.broadcast %broadcast_in_dim3A_2720 : vector<512x1xi1> to vector<512x128xi1>
    %select_n3A_2722 = arith.select %broadcast_in_dim3A_2721, %slice3A_21, %select_n3A_2716 : vector<512x128xi1>, vector<512x128xf32>
    %eq3A_2723 = arith.constant 3 : i32
    %eq3A_2724 = vector.broadcast %eq3A_2723 : i32 to vector<512x1xi32>
    %eq3A_2725 = arith.cmpi eq, %broadcast_in_dim3A_2710, %eq3A_2724 : vector<512x1xi32>
    %broadcast_in_dim3A_2726 = vector.shape_cast %eq3A_2725 : vector<512x1xi1> to vector<512x1xi1>
    %broadcast_in_dim3A_2727 = vector.broadcast %broadcast_in_dim3A_2726 : vector<512x1xi1> to vector<512x128xi1>
    %select_n3A_2728 = arith.select %broadcast_in_dim3A_2727, %slice3A_22, %select_n3A_2722 : vector<512x128xi1>, vector<512x128xf32>
    %eq3A_2729 = arith.constant 4 : i32
    %eq3A_2730 = vector.broadcast %eq3A_2729 : i32 to vector<512x1xi32>
    %eq3A_2731 = arith.cmpi eq, %broadcast_in_dim3A_2710, %eq3A_2730 : vector<512x1xi32>
    %broadcast_in_dim3A_2732 = vector.shape_cast %eq3A_2731 : vector<512x1xi1> to vector<512x1xi1>
    %broadcast_in_dim3A_2733 = vector.broadcast %broadcast_in_dim3A_2732 : vector<512x1xi1> to vector<512x128xi1>
    %select_n3A_2734 = arith.select %broadcast_in_dim3A_2733, %slice3A_23, %select_n3A_2728 : vector<512x128xi1>, vector<512x128xf32>
    %eq3A_2735 = arith.constant 5 : i32
    %eq3A_2736 = vector.broadcast %eq3A_2735 : i32 to vector<512x1xi32>
    %eq3A_2737 = arith.cmpi eq, %broadcast_in_dim3A_2710, %eq3A_2736 : vector<512x1xi32>
    %broadcast_in_dim3A_2738 = vector.shape_cast %eq3A_2737 : vector<512x1xi1> to vector<512x1xi1>
    %broadcast_in_dim3A_2739 = vector.broadcast %broadcast_in_dim3A_2738 : vector<512x1xi1> to vector<512x128xi1>
    %select_n3A_2740 = arith.select %broadcast_in_dim3A_2739, %slice3A_24, %select_n3A_2734 : vector<512x128xi1>, vector<512x128xf32>
    %eq3A_2741 = arith.constant 6 : i32
    %eq3A_2742 = vector.broadcast %eq3A_2741 : i32 to vector<512x1xi32>
    %eq3A_2743 = arith.cmpi eq, %broadcast_in_dim3A_2710, %eq3A_2742 : vector<512x1xi32>
    %broadcast_in_dim3A_2744 = vector.shape_cast %eq3A_2743 : vector<512x1xi1> to vector<512x1xi1>
    %broadcast_in_dim3A_2745 = vector.broadcast %broadcast_in_dim3A_2744 : vector<512x1xi1> to vector<512x128xi1>
    %select_n3A_2746 = arith.select %broadcast_in_dim3A_2745, %slice3A_25, %select_n3A_2740 : vector<512x128xi1>, vector<512x128xf32>
    %eq3A_2747 = arith.constant 7 : i32
    %eq3A_2748 = vector.broadcast %eq3A_2747 : i32 to vector<512x1xi32>
    %eq3A_2749 = arith.cmpi eq, %broadcast_in_dim3A_2710, %eq3A_2748 : vector<512x1xi32>
    %broadcast_in_dim3A_2750 = vector.shape_cast %eq3A_2749 : vector<512x1xi1> to vector<512x1xi1>
    %broadcast_in_dim3A_2751 = vector.broadcast %broadcast_in_dim3A_2750 : vector<512x1xi1> to vector<512x128xi1>
    %select_n3A_2752 = arith.select %broadcast_in_dim3A_2751, %slice3A_26, %select_n3A_2746 : vector<512x128xi1>, vector<512x128xf32>
    %eq3A_2753 = arith.constant 8 : i32
    %eq3A_2754 = vector.broadcast %eq3A_2753 : i32 to vector<512x1xi32>
    %eq3A_2755 = arith.cmpi eq, %broadcast_in_dim3A_2710, %eq3A_2754 : vector<512x1xi32>
    %broadcast_in_dim3A_2756 = vector.shape_cast %eq3A_2755 : vector<512x1xi1> to vector<512x1xi1>
    %broadcast_in_dim3A_2757 = vector.broadcast %broadcast_in_dim3A_2756 : vector<512x1xi1> to vector<512x128xi1>
    %select_n3A_2758 = arith.select %broadcast_in_dim3A_2757, %slice3A_27, %select_n3A_2752 : vector<512x128xi1>, vector<512x128xf32>
    %eq3A_2759 = arith.constant 9 : i32
    %eq3A_2760 = vector.broadcast %eq3A_2759 : i32 to vector<512x1xi32>
    %eq3A_2761 = arith.cmpi eq, %broadcast_in_dim3A_2710, %eq3A_2760 : vector<512x1xi32>
    %broadcast_in_dim3A_2762 = vector.shape_cast %eq3A_2761 : vector<512x1xi1> to vector<512x1xi1>
    %broadcast_in_dim3A_2763 = vector.broadcast %broadcast_in_dim3A_2762 : vector<512x1xi1> to vector<512x128xi1>
    %select_n3A_2764 = arith.select %broadcast_in_dim3A_2763, %slice3A_28, %select_n3A_2758 : vector<512x128xi1>, vector<512x128xf32>
    %eq3A_2765 = arith.constant 10 : i32
    %eq3A_2766 = vector.broadcast %eq3A_2765 : i32 to vector<512x1xi32>
    %eq3A_2767 = arith.cmpi eq, %broadcast_in_dim3A_2710, %eq3A_2766 : vector<512x1xi32>
    %broadcast_in_dim3A_2768 = vector.shape_cast %eq3A_2767 : vector<512x1xi1> to vector<512x1xi1>
    %broadcast_in_dim3A_2769 = vector.broadcast %broadcast_in_dim3A_2768 : vector<512x1xi1> to vector<512x128xi1>
    %select_n3A_2770 = arith.select %broadcast_in_dim3A_2769, %slice3A_29, %select_n3A_2764 : vector<512x128xi1>, vector<512x128xf32>
    %eq3A_2771 = arith.constant 11 : i32
    %eq3A_2772 = vector.broadcast %eq3A_2771 : i32 to vector<512x1xi32>
    %eq3A_2773 = arith.cmpi eq, %broadcast_in_dim3A_2710, %eq3A_2772 : vector<512x1xi32>
    %broadcast_in_dim3A_2774 = vector.shape_cast %eq3A_2773 : vector<512x1xi1> to vector<512x1xi1>
    %broadcast_in_dim3A_2775 = vector.broadcast %broadcast_in_dim3A_2774 : vector<512x1xi1> to vector<512x128xi1>
    %select_n3A_2776 = arith.select %broadcast_in_dim3A_2775, %slice3A_30, %select_n3A_2770 : vector<512x128xi1>, vector<512x128xf32>
    %eq3A_2777 = arith.constant 12 : i32
    %eq3A_2778 = vector.broadcast %eq3A_2777 : i32 to vector<512x1xi32>
    %eq3A_2779 = arith.cmpi eq, %broadcast_in_dim3A_2710, %eq3A_2778 : vector<512x1xi32>
    %broadcast_in_dim3A_2780 = vector.shape_cast %eq3A_2779 : vector<512x1xi1> to vector<512x1xi1>
    %broadcast_in_dim3A_2781 = vector.broadcast %broadcast_in_dim3A_2780 : vector<512x1xi1> to vector<512x128xi1>
    %select_n3A_2782 = arith.select %broadcast_in_dim3A_2781, %slice3A_31, %select_n3A_2776 : vector<512x128xi1>, vector<512x128xf32>
    %eq3A_2783 = arith.constant 13 : i32
    %eq3A_2784 = vector.broadcast %eq3A_2783 : i32 to vector<512x1xi32>
    %eq3A_2785 = arith.cmpi eq, %broadcast_in_dim3A_2710, %eq3A_2784 : vector<512x1xi32>
    %broadcast_in_dim3A_2786 = vector.shape_cast %eq3A_2785 : vector<512x1xi1> to vector<512x1xi1>
    %broadcast_in_dim3A_2787 = vector.broadcast %broadcast_in_dim3A_2786 : vector<512x1xi1> to vector<512x128xi1>
    %select_n3A_2788 = arith.select %broadcast_in_dim3A_2787, %slice3A_32, %select_n3A_2782 : vector<512x128xi1>, vector<512x128xf32>
    %eq3A_2789 = arith.constant 14 : i32
    %eq3A_2790 = vector.broadcast %eq3A_2789 : i32 to vector<512x1xi32>
    %eq3A_2791 = arith.cmpi eq, %broadcast_in_dim3A_2710, %eq3A_2790 : vector<512x1xi32>
    %broadcast_in_dim3A_2792 = vector.shape_cast %eq3A_2791 : vector<512x1xi1> to vector<512x1xi1>
    %broadcast_in_dim3A_2793 = vector.broadcast %broadcast_in_dim3A_2792 : vector<512x1xi1> to vector<512x128xi1>
    %select_n3A_2794 = arith.select %broadcast_in_dim3A_2793, %slice3A_33, %select_n3A_2788 : vector<512x128xi1>, vector<512x128xf32>
    %eq3A_2795 = arith.constant 15 : i32
    %eq3A_2796 = vector.broadcast %eq3A_2795 : i32 to vector<512x1xi32>
    %eq3A_2797 = arith.cmpi eq, %broadcast_in_dim3A_2710, %eq3A_2796 : vector<512x1xi32>
    %broadcast_in_dim3A_2798 = vector.shape_cast %eq3A_2797 : vector<512x1xi1> to vector<512x1xi1>
    %broadcast_in_dim3A_2799 = vector.broadcast %broadcast_in_dim3A_2798 : vector<512x1xi1> to vector<512x128xi1>
    %select_n3A_2800 = arith.select %broadcast_in_dim3A_2799, %slice3A_34, %select_n3A_2794 : vector<512x128xi1>, vector<512x128xf32>
    %mul3A_2801 = arith.constant 128 : i32
    %mul3A_2802 = vector.broadcast %mul3A_2801 : i32 to vector<512x1xi32>
    %mul3A_2803 = arith.muli %broadcast_in_dim3A_2710, %mul3A_2802 : vector<512x1xi32>
    %sub3A_2804 = arith.subi %add3A, %mul3A_2803 : vector<512x1xi32>
    %eq3A_2805 = vector.broadcast %sub3A_2804 : vector<512x1xi32> to vector<512x128xi32>
    %eq3A_2806 = arith.cmpi eq, %iota3A, %eq3A_2805 : vector<512x128xi32>
    %jit3A_2807 = arith.constant 0xFF800000 : f32
    %broadcast_in_dim3A_2808 = vector.broadcast %jit3A_2807 : f32 to vector<512x128xf32>
    %select_n3A_2809 = arith.select %eq3A_2806, %broadcast_in_dim3A_2808, %select_n3A_2800 : vector<512x128xi1>, vector<512x128xf32>
    %sub3A_2810 = arith.subi %add3A_326, %mul3A_2803 : vector<512x1xi32>
    %eq3A_2811 = vector.broadcast %sub3A_2810 : vector<512x1xi32> to vector<512x128xi32>
    %eq3A_2812 = arith.cmpi eq, %iota3A, %eq3A_2811 : vector<512x128xi32>
    %jit3A_2813 = arith.constant 0xFF800000 : f32
    %broadcast_in_dim3A_2814 = vector.broadcast %jit3A_2813 : f32 to vector<512x128xf32>
    %select_n3A_2815 = arith.select %eq3A_2812, %broadcast_in_dim3A_2814, %select_n3A_2809 : vector<512x128xi1>, vector<512x128xf32>
    %sub3A_2816 = arith.subi %add3A_471, %mul3A_2803 : vector<512x1xi32>
    %eq3A_2817 = vector.broadcast %sub3A_2816 : vector<512x1xi32> to vector<512x128xi32>
    %eq3A_2818 = arith.cmpi eq, %iota3A, %eq3A_2817 : vector<512x128xi32>
    %jit3A_2819 = arith.constant 0xFF800000 : f32
    %broadcast_in_dim3A_2820 = vector.broadcast %jit3A_2819 : f32 to vector<512x128xf32>
    %select_n3A_2821 = arith.select %eq3A_2818, %broadcast_in_dim3A_2820, %select_n3A_2815 : vector<512x128xi1>, vector<512x128xf32>
    %sub3A_2822 = arith.subi %add3A_622, %mul3A_2803 : vector<512x1xi32>
    %eq3A_2823 = vector.broadcast %sub3A_2822 : vector<512x1xi32> to vector<512x128xi32>
    %eq3A_2824 = arith.cmpi eq, %iota3A, %eq3A_2823 : vector<512x128xi32>
    %jit3A_2825 = arith.constant 0xFF800000 : f32
    %broadcast_in_dim3A_2826 = vector.broadcast %jit3A_2825 : f32 to vector<512x128xf32>
    %select_n3A_2827 = arith.select %eq3A_2824, %broadcast_in_dim3A_2826, %select_n3A_2821 : vector<512x128xi1>, vector<512x128xf32>
    %sub3A_2828 = arith.subi %add3A_779, %mul3A_2803 : vector<512x1xi32>
    %eq3A_2829 = vector.broadcast %sub3A_2828 : vector<512x1xi32> to vector<512x128xi32>
    %eq3A_2830 = arith.cmpi eq, %iota3A, %eq3A_2829 : vector<512x128xi32>
    %jit3A_2831 = arith.constant 0xFF800000 : f32
    %broadcast_in_dim3A_2832 = vector.broadcast %jit3A_2831 : f32 to vector<512x128xf32>
    %select_n3A_2833 = arith.select %eq3A_2830, %broadcast_in_dim3A_2832, %select_n3A_2827 : vector<512x128xi1>, vector<512x128xf32>
    %sub3A_2834 = arith.subi %add3A_942, %mul3A_2803 : vector<512x1xi32>
    %eq3A_2835 = vector.broadcast %sub3A_2834 : vector<512x1xi32> to vector<512x128xi32>
    %eq3A_2836 = arith.cmpi eq, %iota3A, %eq3A_2835 : vector<512x128xi32>
    %jit3A_2837 = arith.constant 0xFF800000 : f32
    %broadcast_in_dim3A_2838 = vector.broadcast %jit3A_2837 : f32 to vector<512x128xf32>
    %select_n3A_2839 = arith.select %eq3A_2836, %broadcast_in_dim3A_2838, %select_n3A_2833 : vector<512x128xi1>, vector<512x128xf32>
    %sub3A_2840 = arith.subi %add3A_1111, %mul3A_2803 : vector<512x1xi32>
    %eq3A_2841 = vector.broadcast %sub3A_2840 : vector<512x1xi32> to vector<512x128xi32>
    %eq3A_2842 = arith.cmpi eq, %iota3A, %eq3A_2841 : vector<512x128xi32>
    %jit3A_2843 = arith.constant 0xFF800000 : f32
    %broadcast_in_dim3A_2844 = vector.broadcast %jit3A_2843 : f32 to vector<512x128xf32>
    %select_n3A_2845 = arith.select %eq3A_2842, %broadcast_in_dim3A_2844, %select_n3A_2839 : vector<512x128xi1>, vector<512x128xf32>
    %sub3A_2846 = arith.subi %add3A_1286, %mul3A_2803 : vector<512x1xi32>
    %eq3A_2847 = vector.broadcast %sub3A_2846 : vector<512x1xi32> to vector<512x128xi32>
    %eq3A_2848 = arith.cmpi eq, %iota3A, %eq3A_2847 : vector<512x128xi32>
    %jit3A_2849 = arith.constant 0xFF800000 : f32
    %broadcast_in_dim3A_2850 = vector.broadcast %jit3A_2849 : f32 to vector<512x128xf32>
    %select_n3A_2851 = arith.select %eq3A_2848, %broadcast_in_dim3A_2850, %select_n3A_2845 : vector<512x128xi1>, vector<512x128xf32>
    %sub3A_2852 = arith.subi %add3A_1467, %mul3A_2803 : vector<512x1xi32>
    %eq3A_2853 = vector.broadcast %sub3A_2852 : vector<512x1xi32> to vector<512x128xi32>
    %eq3A_2854 = arith.cmpi eq, %iota3A, %eq3A_2853 : vector<512x128xi32>
    %jit3A_2855 = arith.constant 0xFF800000 : f32
    %broadcast_in_dim3A_2856 = vector.broadcast %jit3A_2855 : f32 to vector<512x128xf32>
    %select_n3A_2857 = arith.select %eq3A_2854, %broadcast_in_dim3A_2856, %select_n3A_2851 : vector<512x128xi1>, vector<512x128xf32>
    %sub3A_2858 = arith.subi %add3A_1654, %mul3A_2803 : vector<512x1xi32>
    %eq3A_2859 = vector.broadcast %sub3A_2858 : vector<512x1xi32> to vector<512x128xi32>
    %eq3A_2860 = arith.cmpi eq, %iota3A, %eq3A_2859 : vector<512x128xi32>
    %jit3A_2861 = arith.constant 0xFF800000 : f32
    %broadcast_in_dim3A_2862 = vector.broadcast %jit3A_2861 : f32 to vector<512x128xf32>
    %select_n3A_2863 = arith.select %eq3A_2860, %broadcast_in_dim3A_2862, %select_n3A_2857 : vector<512x128xi1>, vector<512x128xf32>
    %sub3A_2864 = arith.subi %add3A_1847, %mul3A_2803 : vector<512x1xi32>
    %eq3A_2865 = vector.broadcast %sub3A_2864 : vector<512x1xi32> to vector<512x128xi32>
    %eq3A_2866 = arith.cmpi eq, %iota3A, %eq3A_2865 : vector<512x128xi32>
    %jit3A_2867 = arith.constant 0xFF800000 : f32
    %broadcast_in_dim3A_2868 = vector.broadcast %jit3A_2867 : f32 to vector<512x128xf32>
    %select_n3A_2869 = arith.select %eq3A_2866, %broadcast_in_dim3A_2868, %select_n3A_2863 : vector<512x128xi1>, vector<512x128xf32>
    %sub3A_2870 = arith.subi %add3A_2046, %mul3A_2803 : vector<512x1xi32>
    %eq3A_2871 = vector.broadcast %sub3A_2870 : vector<512x1xi32> to vector<512x128xi32>
    %eq3A_2872 = arith.cmpi eq, %iota3A, %eq3A_2871 : vector<512x128xi32>
    %jit3A_2873 = arith.constant 0xFF800000 : f32
    %broadcast_in_dim3A_2874 = vector.broadcast %jit3A_2873 : f32 to vector<512x128xf32>
    %select_n3A_2875 = arith.select %eq3A_2872, %broadcast_in_dim3A_2874, %select_n3A_2869 : vector<512x128xi1>, vector<512x128xf32>
    %sub3A_2876 = arith.subi %add3A_2251, %mul3A_2803 : vector<512x1xi32>
    %eq3A_2877 = vector.broadcast %sub3A_2876 : vector<512x1xi32> to vector<512x128xi32>
    %eq3A_2878 = arith.cmpi eq, %iota3A, %eq3A_2877 : vector<512x128xi32>
    %jit3A_2879 = arith.constant 0xFF800000 : f32
    %broadcast_in_dim3A_2880 = vector.broadcast %jit3A_2879 : f32 to vector<512x128xf32>
    %select_n3A_2881 = arith.select %eq3A_2878, %broadcast_in_dim3A_2880, %select_n3A_2875 : vector<512x128xi1>, vector<512x128xf32>
    %sub3A_2882 = arith.subi %add3A_2462, %mul3A_2803 : vector<512x1xi32>
    %eq3A_2883 = vector.broadcast %sub3A_2882 : vector<512x1xi32> to vector<512x128xi32>
    %eq3A_2884 = arith.cmpi eq, %iota3A, %eq3A_2883 : vector<512x128xi32>
    %jit3A_2885 = arith.constant 0xFF800000 : f32
    %broadcast_in_dim3A_2886 = vector.broadcast %jit3A_2885 : f32 to vector<512x128xf32>
    %select_n3A_2887 = arith.select %eq3A_2884, %broadcast_in_dim3A_2886, %select_n3A_2881 : vector<512x128xi1>, vector<512x128xf32>
    %sub3A_2888 = arith.subi %add3A_2679, %mul3A_2803 : vector<512x1xi32>
    %eq3A_2889 = vector.broadcast %sub3A_2888 : vector<512x1xi32> to vector<512x128xi32>
    %eq3A_2890 = arith.cmpi eq, %iota3A, %eq3A_2889 : vector<512x128xi32>
    %jit3A_2891 = arith.constant 0xFF800000 : f32
    %broadcast_in_dim3A_2892 = vector.broadcast %jit3A_2891 : f32 to vector<512x128xf32>
    %select_n3A_2893 = arith.select %eq3A_2890, %broadcast_in_dim3A_2892, %select_n3A_2887 : vector<512x128xi1>, vector<512x128xf32>
    %eq3A_2894 = vector.broadcast %broadcast_in_dim3A_2702 : vector<512x1xf32> to vector<512x128xf32>
    %eq3A_2895 = arith.cmpf oeq, %select_n3A_2893, %eq3A_2894 : vector<512x128xf32>
    %jit3A_2896 = arith.constant 128 : i32
    %broadcast_in_dim3A_2897 = vector.broadcast %jit3A_2896 : i32 to vector<512x128xi32>
    %select_n3A_2898 = arith.select %eq3A_2895, %iota3A, %broadcast_in_dim3A_2897 : vector<512x128xi1>, vector<512x128xi32>
    %reduce_min3A_2899 = arith.constant dense<2147483647> : vector<512xi32>
    %reduce_min3A_2900 = vector.multi_reduction <minsi>, %select_n3A_2898, %reduce_min3A_2899 [1] : vector<512x128xi32> to vector<512xi32>
    %broadcast_in_dim3A_2901 = vector.shape_cast %reduce_min3A_2900 : vector<512xi32> to vector<512x1xi32>
    %add3A_2902 = arith.addi %mul3A_2803, %broadcast_in_dim3A_2901 : vector<512x1xi32>
    %mul3A_2903 = arith.constant 2048 : i32
    %mul3A_2904 = arith.muli %arg0, %mul3A_2903 : i32
    %add3A_2905 = vector.broadcast %mul3A_2904 : i32 to vector<512x1xi32>
    %add3A_2906 = arith.addi %add3A_2902, %add3A_2905 : vector<512x1xi32>
    %swap3A_2907 = arith.constant 0 : index
    %swap3A_2908 = arith.constant 15 : index
    %swap3A_2909 = vector.load %arg6[%swap3A_2907, %swap3A_2908] : memref<512x20xi32, #tpu.memory_space<vmem>>, vector<512x1xi32>
    tpu.vector_store %arg6[%swap3A_2907, %swap3A_2908], %add3A_2906 {strides = array<i32>} : memref<512x20xi32, #tpu.memory_space<vmem>>, vector<512x1xi32>,
    %eq3A_2910 = vector.broadcast %broadcast_in_dim3A_2901 : vector<512x1xi32> to vector<512x128xi32>
    %eq3A_2911 = arith.cmpi eq, %iota3A, %eq3A_2910 : vector<512x128xi32>
    %jit3A_2912 = arith.constant 0xFF800000 : f32
    %broadcast_in_dim3A_2913 = vector.broadcast %jit3A_2912 : f32 to vector<512x128xf32>
    %select_n3A_2914 = arith.select %eq3A_2911, %broadcast_in_dim3A_2913, %select_n3A_2893 : vector<512x128xi1>, vector<512x128xf32>
    %reduce_max3A_2915 = arith.constant dense<0xFF800000> : vector<512xf32>
    %reduce_max3A_2916 = vector.multi_reduction <maximumf>, %select_n3A_2914, %reduce_max3A_2915 [1] : vector<512x128xf32> to vector<512xf32>
    %broadcast_in_dim3A_2917 = vector.shape_cast %reduce_max3A_2916 : vector<512xf32> to vector<512x1xf32>
    %eq3A_2918 = vector.broadcast %broadcast_in_dim3A_2710 : vector<512x1xi32> to vector<512x16xi32>
    %eq3A_2919 = arith.cmpi eq, %iota3A_19, %eq3A_2918 : vector<512x16xi32>
    %broadcast_in_dim3A_2920 = vector.shape_cast %broadcast_in_dim3A_2917 : vector<512x1xf32> to vector<512x1xf32>
    %broadcast_in_dim3A_2921 = vector.broadcast %broadcast_in_dim3A_2920 : vector<512x1xf32> to vector<512x16xf32>
    %select_n3A_2922 = arith.select %eq3A_2919, %broadcast_in_dim3A_2921, %select_n3A_2699 : vector<512x16xi1>, vector<512x16xf32>
    %reduce_max3A_2923 = arith.constant dense<0xFF800000> : vector<512xf32>
    %reduce_max3A_2924 = vector.multi_reduction <maximumf>, %select_n3A_2922, %reduce_max3A_2923 [1] : vector<512x16xf32> to vector<512xf32>
    %broadcast_in_dim3A_2925 = vector.shape_cast %reduce_max3A_2924 : vector<512xf32> to vector<512x1xf32>
    %eq3A_2926 = vector.broadcast %broadcast_in_dim3A_2925 : vector<512x1xf32> to vector<512x16xf32>
    %eq3A_2927 = arith.cmpf oeq, %select_n3A_2922, %eq3A_2926 : vector<512x16xf32>
    %jit3A_2928 = arith.constant 16 : i32
    %broadcast_in_dim3A_2929 = vector.broadcast %jit3A_2928 : i32 to vector<512x16xi32>
    %select_n3A_2930 = arith.select %eq3A_2927, %iota3A_19, %broadcast_in_dim3A_2929 : vector<512x16xi1>, vector<512x16xi32>
    %reduce_min3A_2931 = arith.constant dense<2147483647> : vector<512xi32>
    %reduce_min3A_2932 = vector.multi_reduction <minsi>, %select_n3A_2930, %reduce_min3A_2931 [1] : vector<512x16xi32> to vector<512xi32>
    %broadcast_in_dim3A_2933 = vector.shape_cast %reduce_min3A_2932 : vector<512xi32> to vector<512x1xi32>
    %eq3A_2934 = arith.constant 1 : i32
    %eq3A_2935 = vector.broadcast %eq3A_2934 : i32 to vector<512x1xi32>
    %eq3A_2936 = arith.cmpi eq, %broadcast_in_dim3A_2933, %eq3A_2935 : vector<512x1xi32>
    %broadcast_in_dim3A_2937 = vector.shape_cast %eq3A_2936 : vector<512x1xi1> to vector<512x1xi1>
    %broadcast_in_dim3A_2938 = vector.broadcast %broadcast_in_dim3A_2937 : vector<512x1xi1> to vector<512x128xi1>
    %select_n3A_2939 = arith.select %broadcast_in_dim3A_2938, %slice3A_20, %slice3A : vector<512x128xi1>, vector<512x128xf32>
    %eq3A_2940 = arith.constant 2 : i32
    %eq3A_2941 = vector.broadcast %eq3A_2940 : i32 to vector<512x1xi32>
    %eq3A_2942 = arith.cmpi eq, %broadcast_in_dim3A_2933, %eq3A_2941 : vector<512x1xi32>
    %broadcast_in_dim3A_2943 = vector.shape_cast %eq3A_2942 : vector<512x1xi1> to vector<512x1xi1>
    %broadcast_in_dim3A_2944 = vector.broadcast %broadcast_in_dim3A_2943 : vector<512x1xi1> to vector<512x128xi1>
    %select_n3A_2945 = arith.select %broadcast_in_dim3A_2944, %slice3A_21, %select_n3A_2939 : vector<512x128xi1>, vector<512x128xf32>
    %eq3A_2946 = arith.constant 3 : i32
    %eq3A_2947 = vector.broadcast %eq3A_2946 : i32 to vector<512x1xi32>
    %eq3A_2948 = arith.cmpi eq, %broadcast_in_dim3A_2933, %eq3A_2947 : vector<512x1xi32>
    %broadcast_in_dim3A_2949 = vector.shape_cast %eq3A_2948 : vector<512x1xi1> to vector<512x1xi1>
    %broadcast_in_dim3A_2950 = vector.broadcast %broadcast_in_dim3A_2949 : vector<512x1xi1> to vector<512x128xi1>
    %select_n3A_2951 = arith.select %broadcast_in_dim3A_2950, %slice3A_22, %select_n3A_2945 : vector<512x128xi1>, vector<512x128xf32>
    %eq3A_2952 = arith.constant 4 : i32
    %eq3A_2953 = vector.broadcast %eq3A_2952 : i32 to vector<512x1xi32>
    %eq3A_2954 = arith.cmpi eq, %broadcast_in_dim3A_2933, %eq3A_2953 : vector<512x1xi32>
    %broadcast_in_dim3A_2955 = vector.shape_cast %eq3A_2954 : vector<512x1xi1> to vector<512x1xi1>
    %broadcast_in_dim3A_2956 = vector.broadcast %broadcast_in_dim3A_2955 : vector<512x1xi1> to vector<512x128xi1>
    %select_n3A_2957 = arith.select %broadcast_in_dim3A_2956, %slice3A_23, %select_n3A_2951 : vector<512x128xi1>, vector<512x128xf32>
    %eq3A_2958 = arith.constant 5 : i32
    %eq3A_2959 = vector.broadcast %eq3A_2958 : i32 to vector<512x1xi32>
    %eq3A_2960 = arith.cmpi eq, %broadcast_in_dim3A_2933, %eq3A_2959 : vector<512x1xi32>
    %broadcast_in_dim3A_2961 = vector.shape_cast %eq3A_2960 : vector<512x1xi1> to vector<512x1xi1>
    %broadcast_in_dim3A_2962 = vector.broadcast %broadcast_in_dim3A_2961 : vector<512x1xi1> to vector<512x128xi1>
    %select_n3A_2963 = arith.select %broadcast_in_dim3A_2962, %slice3A_24, %select_n3A_2957 : vector<512x128xi1>, vector<512x128xf32>
    %eq3A_2964 = arith.constant 6 : i32
    %eq3A_2965 = vector.broadcast %eq3A_2964 : i32 to vector<512x1xi32>
    %eq3A_2966 = arith.cmpi eq, %broadcast_in_dim3A_2933, %eq3A_2965 : vector<512x1xi32>
    %broadcast_in_dim3A_2967 = vector.shape_cast %eq3A_2966 : vector<512x1xi1> to vector<512x1xi1>
    %broadcast_in_dim3A_2968 = vector.broadcast %broadcast_in_dim3A_2967 : vector<512x1xi1> to vector<512x128xi1>
    %select_n3A_2969 = arith.select %broadcast_in_dim3A_2968, %slice3A_25, %select_n3A_2963 : vector<512x128xi1>, vector<512x128xf32>
    %eq3A_2970 = arith.constant 7 : i32
    %eq3A_2971 = vector.broadcast %eq3A_2970 : i32 to vector<512x1xi32>
    %eq3A_2972 = arith.cmpi eq, %broadcast_in_dim3A_2933, %eq3A_2971 : vector<512x1xi32>
    %broadcast_in_dim3A_2973 = vector.shape_cast %eq3A_2972 : vector<512x1xi1> to vector<512x1xi1>
    %broadcast_in_dim3A_2974 = vector.broadcast %broadcast_in_dim3A_2973 : vector<512x1xi1> to vector<512x128xi1>
    %select_n3A_2975 = arith.select %broadcast_in_dim3A_2974, %slice3A_26, %select_n3A_2969 : vector<512x128xi1>, vector<512x128xf32>
    %eq3A_2976 = arith.constant 8 : i32
    %eq3A_2977 = vector.broadcast %eq3A_2976 : i32 to vector<512x1xi32>
    %eq3A_2978 = arith.cmpi eq, %broadcast_in_dim3A_2933, %eq3A_2977 : vector<512x1xi32>
    %broadcast_in_dim3A_2979 = vector.shape_cast %eq3A_2978 : vector<512x1xi1> to vector<512x1xi1>
    %broadcast_in_dim3A_2980 = vector.broadcast %broadcast_in_dim3A_2979 : vector<512x1xi1> to vector<512x128xi1>
    %select_n3A_2981 = arith.select %broadcast_in_dim3A_2980, %slice3A_27, %select_n3A_2975 : vector<512x128xi1>, vector<512x128xf32>
    %eq3A_2982 = arith.constant 9 : i32
    %eq3A_2983 = vector.broadcast %eq3A_2982 : i32 to vector<512x1xi32>
    %eq3A_2984 = arith.cmpi eq, %broadcast_in_dim3A_2933, %eq3A_2983 : vector<512x1xi32>
    %broadcast_in_dim3A_2985 = vector.shape_cast %eq3A_2984 : vector<512x1xi1> to vector<512x1xi1>
    %broadcast_in_dim3A_2986 = vector.broadcast %broadcast_in_dim3A_2985 : vector<512x1xi1> to vector<512x128xi1>
    %select_n3A_2987 = arith.select %broadcast_in_dim3A_2986, %slice3A_28, %select_n3A_2981 : vector<512x128xi1>, vector<512x128xf32>
    %eq3A_2988 = arith.constant 10 : i32
    %eq3A_2989 = vector.broadcast %eq3A_2988 : i32 to vector<512x1xi32>
    %eq3A_2990 = arith.cmpi eq, %broadcast_in_dim3A_2933, %eq3A_2989 : vector<512x1xi32>
    %broadcast_in_dim3A_2991 = vector.shape_cast %eq3A_2990 : vector<512x1xi1> to vector<512x1xi1>
    %broadcast_in_dim3A_2992 = vector.broadcast %broadcast_in_dim3A_2991 : vector<512x1xi1> to vector<512x128xi1>
    %select_n3A_2993 = arith.select %broadcast_in_dim3A_2992, %slice3A_29, %select_n3A_2987 : vector<512x128xi1>, vector<512x128xf32>
    %eq3A_2994 = arith.constant 11 : i32
    %eq3A_2995 = vector.broadcast %eq3A_2994 : i32 to vector<512x1xi32>
    %eq3A_2996 = arith.cmpi eq, %broadcast_in_dim3A_2933, %eq3A_2995 : vector<512x1xi32>
    %broadcast_in_dim3A_2997 = vector.shape_cast %eq3A_2996 : vector<512x1xi1> to vector<512x1xi1>
    %broadcast_in_dim3A_2998 = vector.broadcast %broadcast_in_dim3A_2997 : vector<512x1xi1> to vector<512x128xi1>
    %select_n3A_2999 = arith.select %broadcast_in_dim3A_2998, %slice3A_30, %select_n3A_2993 : vector<512x128xi1>, vector<512x128xf32>
    %eq3A_3000 = arith.constant 12 : i32
    %eq3A_3001 = vector.broadcast %eq3A_3000 : i32 to vector<512x1xi32>
    %eq3A_3002 = arith.cmpi eq, %broadcast_in_dim3A_2933, %eq3A_3001 : vector<512x1xi32>
    %broadcast_in_dim3A_3003 = vector.shape_cast %eq3A_3002 : vector<512x1xi1> to vector<512x1xi1>
    %broadcast_in_dim3A_3004 = vector.broadcast %broadcast_in_dim3A_3003 : vector<512x1xi1> to vector<512x128xi1>
    %select_n3A_3005 = arith.select %broadcast_in_dim3A_3004, %slice3A_31, %select_n3A_2999 : vector<512x128xi1>, vector<512x128xf32>
    %eq3A_3006 = arith.constant 13 : i32
    %eq3A_3007 = vector.broadcast %eq3A_3006 : i32 to vector<512x1xi32>
    %eq3A_3008 = arith.cmpi eq, %broadcast_in_dim3A_2933, %eq3A_3007 : vector<512x1xi32>
    %broadcast_in_dim3A_3009 = vector.shape_cast %eq3A_3008 : vector<512x1xi1> to vector<512x1xi1>
    %broadcast_in_dim3A_3010 = vector.broadcast %broadcast_in_dim3A_3009 : vector<512x1xi1> to vector<512x128xi1>
    %select_n3A_3011 = arith.select %broadcast_in_dim3A_3010, %slice3A_32, %select_n3A_3005 : vector<512x128xi1>, vector<512x128xf32>
    %eq3A_3012 = arith.constant 14 : i32
    %eq3A_3013 = vector.broadcast %eq3A_3012 : i32 to vector<512x1xi32>
    %eq3A_3014 = arith.cmpi eq, %broadcast_in_dim3A_2933, %eq3A_3013 : vector<512x1xi32>
    %broadcast_in_dim3A_3015 = vector.shape_cast %eq3A_3014 : vector<512x1xi1> to vector<512x1xi1>
    %broadcast_in_dim3A_3016 = vector.broadcast %broadcast_in_dim3A_3015 : vector<512x1xi1> to vector<512x128xi1>
    %select_n3A_3017 = arith.select %broadcast_in_dim3A_3016, %slice3A_33, %select_n3A_3011 : vector<512x128xi1>, vector<512x128xf32>
    %eq3A_3018 = arith.constant 15 : i32
    %eq3A_3019 = vector.broadcast %eq3A_3018 : i32 to vector<512x1xi32>
    %eq3A_3020 = arith.cmpi eq, %broadcast_in_dim3A_2933, %eq3A_3019 : vector<512x1xi32>
    %broadcast_in_dim3A_3021 = vector.shape_cast %eq3A_3020 : vector<512x1xi1> to vector<512x1xi1>
    %broadcast_in_dim3A_3022 = vector.broadcast %broadcast_in_dim3A_3021 : vector<512x1xi1> to vector<512x128xi1>
    %select_n3A_3023 = arith.select %broadcast_in_dim3A_3022, %slice3A_34, %select_n3A_3017 : vector<512x128xi1>, vector<512x128xf32>
    %mul3A_3024 = arith.constant 128 : i32
    %mul3A_3025 = vector.broadcast %mul3A_3024 : i32 to vector<512x1xi32>
    %mul3A_3026 = arith.muli %broadcast_in_dim3A_2933, %mul3A_3025 : vector<512x1xi32>
    %sub3A_3027 = arith.subi %add3A, %mul3A_3026 : vector<512x1xi32>
    %eq3A_3028 = vector.broadcast %sub3A_3027 : vector<512x1xi32> to vector<512x128xi32>
    %eq3A_3029 = arith.cmpi eq, %iota3A, %eq3A_3028 : vector<512x128xi32>
    %jit3A_3030 = arith.constant 0xFF800000 : f32
    %broadcast_in_dim3A_3031 = vector.broadcast %jit3A_3030 : f32 to vector<512x128xf32>
    %select_n3A_3032 = arith.select %eq3A_3029, %broadcast_in_dim3A_3031, %select_n3A_3023 : vector<512x128xi1>, vector<512x128xf32>
    %sub3A_3033 = arith.subi %add3A_326, %mul3A_3026 : vector<512x1xi32>
    %eq3A_3034 = vector.broadcast %sub3A_3033 : vector<512x1xi32> to vector<512x128xi32>
    %eq3A_3035 = arith.cmpi eq, %iota3A, %eq3A_3034 : vector<512x128xi32>
    %jit3A_3036 = arith.constant 0xFF800000 : f32
    %broadcast_in_dim3A_3037 = vector.broadcast %jit3A_3036 : f32 to vector<512x128xf32>
    %select_n3A_3038 = arith.select %eq3A_3035, %broadcast_in_dim3A_3037, %select_n3A_3032 : vector<512x128xi1>, vector<512x128xf32>
    %sub3A_3039 = arith.subi %add3A_471, %mul3A_3026 : vector<512x1xi32>
    %eq3A_3040 = vector.broadcast %sub3A_3039 : vector<512x1xi32> to vector<512x128xi32>
    %eq3A_3041 = arith.cmpi eq, %iota3A, %eq3A_3040 : vector<512x128xi32>
    %jit3A_3042 = arith.constant 0xFF800000 : f32
    %broadcast_in_dim3A_3043 = vector.broadcast %jit3A_3042 : f32 to vector<512x128xf32>
    %select_n3A_3044 = arith.select %eq3A_3041, %broadcast_in_dim3A_3043, %select_n3A_3038 : vector<512x128xi1>, vector<512x128xf32>
    %sub3A_3045 = arith.subi %add3A_622, %mul3A_3026 : vector<512x1xi32>
    %eq3A_3046 = vector.broadcast %sub3A_3045 : vector<512x1xi32> to vector<512x128xi32>
    %eq3A_3047 = arith.cmpi eq, %iota3A, %eq3A_3046 : vector<512x128xi32>
    %jit3A_3048 = arith.constant 0xFF800000 : f32
    %broadcast_in_dim3A_3049 = vector.broadcast %jit3A_3048 : f32 to vector<512x128xf32>
    %select_n3A_3050 = arith.select %eq3A_3047, %broadcast_in_dim3A_3049, %select_n3A_3044 : vector<512x128xi1>, vector<512x128xf32>
    %sub3A_3051 = arith.subi %add3A_779, %mul3A_3026 : vector<512x1xi32>
    %eq3A_3052 = vector.broadcast %sub3A_3051 : vector<512x1xi32> to vector<512x128xi32>
    %eq3A_3053 = arith.cmpi eq, %iota3A, %eq3A_3052 : vector<512x128xi32>
    %jit3A_3054 = arith.constant 0xFF800000 : f32
    %broadcast_in_dim3A_3055 = vector.broadcast %jit3A_3054 : f32 to vector<512x128xf32>
    %select_n3A_3056 = arith.select %eq3A_3053, %broadcast_in_dim3A_3055, %select_n3A_3050 : vector<512x128xi1>, vector<512x128xf32>
    %sub3A_3057 = arith.subi %add3A_942, %mul3A_3026 : vector<512x1xi32>
    %eq3A_3058 = vector.broadcast %sub3A_3057 : vector<512x1xi32> to vector<512x128xi32>
    %eq3A_3059 = arith.cmpi eq, %iota3A, %eq3A_3058 : vector<512x128xi32>
    %jit3A_3060 = arith.constant 0xFF800000 : f32
    %broadcast_in_dim3A_3061 = vector.broadcast %jit3A_3060 : f32 to vector<512x128xf32>
    %select_n3A_3062 = arith.select %eq3A_3059, %broadcast_in_dim3A_3061, %select_n3A_3056 : vector<512x128xi1>, vector<512x128xf32>
    %sub3A_3063 = arith.subi %add3A_1111, %mul3A_3026 : vector<512x1xi32>
    %eq3A_3064 = vector.broadcast %sub3A_3063 : vector<512x1xi32> to vector<512x128xi32>
    %eq3A_3065 = arith.cmpi eq, %iota3A, %eq3A_3064 : vector<512x128xi32>
    %jit3A_3066 = arith.constant 0xFF800000 : f32
    %broadcast_in_dim3A_3067 = vector.broadcast %jit3A_3066 : f32 to vector<512x128xf32>
    %select_n3A_3068 = arith.select %eq3A_3065, %broadcast_in_dim3A_3067, %select_n3A_3062 : vector<512x128xi1>, vector<512x128xf32>
    %sub3A_3069 = arith.subi %add3A_1286, %mul3A_3026 : vector<512x1xi32>
    %eq3A_3070 = vector.broadcast %sub3A_3069 : vector<512x1xi32> to vector<512x128xi32>
    %eq3A_3071 = arith.cmpi eq, %iota3A, %eq3A_3070 : vector<512x128xi32>
    %jit3A_3072 = arith.constant 0xFF800000 : f32
    %broadcast_in_dim3A_3073 = vector.broadcast %jit3A_3072 : f32 to vector<512x128xf32>
    %select_n3A_3074 = arith.select %eq3A_3071, %broadcast_in_dim3A_3073, %select_n3A_3068 : vector<512x128xi1>, vector<512x128xf32>
    %sub3A_3075 = arith.subi %add3A_1467, %mul3A_3026 : vector<512x1xi32>
    %eq3A_3076 = vector.broadcast %sub3A_3075 : vector<512x1xi32> to vector<512x128xi32>
    %eq3A_3077 = arith.cmpi eq, %iota3A, %eq3A_3076 : vector<512x128xi32>
    %jit3A_3078 = arith.constant 0xFF800000 : f32
    %broadcast_in_dim3A_3079 = vector.broadcast %jit3A_3078 : f32 to vector<512x128xf32>
    %select_n3A_3080 = arith.select %eq3A_3077, %broadcast_in_dim3A_3079, %select_n3A_3074 : vector<512x128xi1>, vector<512x128xf32>
    %sub3A_3081 = arith.subi %add3A_1654, %mul3A_3026 : vector<512x1xi32>
    %eq3A_3082 = vector.broadcast %sub3A_3081 : vector<512x1xi32> to vector<512x128xi32>
    %eq3A_3083 = arith.cmpi eq, %iota3A, %eq3A_3082 : vector<512x128xi32>
    %jit3A_3084 = arith.constant 0xFF800000 : f32
    %broadcast_in_dim3A_3085 = vector.broadcast %jit3A_3084 : f32 to vector<512x128xf32>
    %select_n3A_3086 = arith.select %eq3A_3083, %broadcast_in_dim3A_3085, %select_n3A_3080 : vector<512x128xi1>, vector<512x128xf32>
    %sub3A_3087 = arith.subi %add3A_1847, %mul3A_3026 : vector<512x1xi32>
    %eq3A_3088 = vector.broadcast %sub3A_3087 : vector<512x1xi32> to vector<512x128xi32>
    %eq3A_3089 = arith.cmpi eq, %iota3A, %eq3A_3088 : vector<512x128xi32>
    %jit3A_3090 = arith.constant 0xFF800000 : f32
    %broadcast_in_dim3A_3091 = vector.broadcast %jit3A_3090 : f32 to vector<512x128xf32>
    %select_n3A_3092 = arith.select %eq3A_3089, %broadcast_in_dim3A_3091, %select_n3A_3086 : vector<512x128xi1>, vector<512x128xf32>
    %sub3A_3093 = arith.subi %add3A_2046, %mul3A_3026 : vector<512x1xi32>
    %eq3A_3094 = vector.broadcast %sub3A_3093 : vector<512x1xi32> to vector<512x128xi32>
    %eq3A_3095 = arith.cmpi eq, %iota3A, %eq3A_3094 : vector<512x128xi32>
    %jit3A_3096 = arith.constant 0xFF800000 : f32
    %broadcast_in_dim3A_3097 = vector.broadcast %jit3A_3096 : f32 to vector<512x128xf32>
    %select_n3A_3098 = arith.select %eq3A_3095, %broadcast_in_dim3A_3097, %select_n3A_3092 : vector<512x128xi1>, vector<512x128xf32>
    %sub3A_3099 = arith.subi %add3A_2251, %mul3A_3026 : vector<512x1xi32>
    %eq3A_3100 = vector.broadcast %sub3A_3099 : vector<512x1xi32> to vector<512x128xi32>
    %eq3A_3101 = arith.cmpi eq, %iota3A, %eq3A_3100 : vector<512x128xi32>
    %jit3A_3102 = arith.constant 0xFF800000 : f32
    %broadcast_in_dim3A_3103 = vector.broadcast %jit3A_3102 : f32 to vector<512x128xf32>
    %select_n3A_3104 = arith.select %eq3A_3101, %broadcast_in_dim3A_3103, %select_n3A_3098 : vector<512x128xi1>, vector<512x128xf32>
    %sub3A_3105 = arith.subi %add3A_2462, %mul3A_3026 : vector<512x1xi32>
    %eq3A_3106 = vector.broadcast %sub3A_3105 : vector<512x1xi32> to vector<512x128xi32>
    %eq3A_3107 = arith.cmpi eq, %iota3A, %eq3A_3106 : vector<512x128xi32>
    %jit3A_3108 = arith.constant 0xFF800000 : f32
    %broadcast_in_dim3A_3109 = vector.broadcast %jit3A_3108 : f32 to vector<512x128xf32>
    %select_n3A_3110 = arith.select %eq3A_3107, %broadcast_in_dim3A_3109, %select_n3A_3104 : vector<512x128xi1>, vector<512x128xf32>
    %sub3A_3111 = arith.subi %add3A_2679, %mul3A_3026 : vector<512x1xi32>
    %eq3A_3112 = vector.broadcast %sub3A_3111 : vector<512x1xi32> to vector<512x128xi32>
    %eq3A_3113 = arith.cmpi eq, %iota3A, %eq3A_3112 : vector<512x128xi32>
    %jit3A_3114 = arith.constant 0xFF800000 : f32
    %broadcast_in_dim3A_3115 = vector.broadcast %jit3A_3114 : f32 to vector<512x128xf32>
    %select_n3A_3116 = arith.select %eq3A_3113, %broadcast_in_dim3A_3115, %select_n3A_3110 : vector<512x128xi1>, vector<512x128xf32>
    %sub3A_3117 = arith.subi %add3A_2902, %mul3A_3026 : vector<512x1xi32>
    %eq3A_3118 = vector.broadcast %sub3A_3117 : vector<512x1xi32> to vector<512x128xi32>
    %eq3A_3119 = arith.cmpi eq, %iota3A, %eq3A_3118 : vector<512x128xi32>
    %jit3A_3120 = arith.constant 0xFF800000 : f32
    %broadcast_in_dim3A_3121 = vector.broadcast %jit3A_3120 : f32 to vector<512x128xf32>
    %select_n3A_3122 = arith.select %eq3A_3119, %broadcast_in_dim3A_3121, %select_n3A_3116 : vector<512x128xi1>, vector<512x128xf32>
    %eq3A_3123 = vector.broadcast %broadcast_in_dim3A_2925 : vector<512x1xf32> to vector<512x128xf32>
    %eq3A_3124 = arith.cmpf oeq, %select_n3A_3122, %eq3A_3123 : vector<512x128xf32>
    %jit3A_3125 = arith.constant 128 : i32
    %broadcast_in_dim3A_3126 = vector.broadcast %jit3A_3125 : i32 to vector<512x128xi32>
    %select_n3A_3127 = arith.select %eq3A_3124, %iota3A, %broadcast_in_dim3A_3126 : vector<512x128xi1>, vector<512x128xi32>
    %reduce_min3A_3128 = arith.constant dense<2147483647> : vector<512xi32>
    %reduce_min3A_3129 = vector.multi_reduction <minsi>, %select_n3A_3127, %reduce_min3A_3128 [1] : vector<512x128xi32> to vector<512xi32>
    %broadcast_in_dim3A_3130 = vector.shape_cast %reduce_min3A_3129 : vector<512xi32> to vector<512x1xi32>
    %add3A_3131 = arith.addi %mul3A_3026, %broadcast_in_dim3A_3130 : vector<512x1xi32>
    %mul3A_3132 = arith.constant 2048 : i32
    %mul3A_3133 = arith.muli %arg0, %mul3A_3132 : i32
    %add3A_3134 = vector.broadcast %mul3A_3133 : i32 to vector<512x1xi32>
    %add3A_3135 = arith.addi %add3A_3131, %add3A_3134 : vector<512x1xi32>
    %swap3A_3136 = arith.constant 0 : index
    %swap3A_3137 = arith.constant 16 : index
    %swap3A_3138 = vector.load %arg6[%swap3A_3136, %swap3A_3137] : memref<512x20xi32, #tpu.memory_space<vmem>>, vector<512x1xi32>
    tpu.vector_store %arg6[%swap3A_3136, %swap3A_3137], %add3A_3135 {strides = array<i32>} : memref<512x20xi32, #tpu.memory_space<vmem>>, vector<512x1xi32>,
    %eq3A_3139 = vector.broadcast %broadcast_in_dim3A_3130 : vector<512x1xi32> to vector<512x128xi32>
    %eq3A_3140 = arith.cmpi eq, %iota3A, %eq3A_3139 : vector<512x128xi32>
    %jit3A_3141 = arith.constant 0xFF800000 : f32
    %broadcast_in_dim3A_3142 = vector.broadcast %jit3A_3141 : f32 to vector<512x128xf32>
    %select_n3A_3143 = arith.select %eq3A_3140, %broadcast_in_dim3A_3142, %select_n3A_3122 : vector<512x128xi1>, vector<512x128xf32>
    %reduce_max3A_3144 = arith.constant dense<0xFF800000> : vector<512xf32>
    %reduce_max3A_3145 = vector.multi_reduction <maximumf>, %select_n3A_3143, %reduce_max3A_3144 [1] : vector<512x128xf32> to vector<512xf32>
    %broadcast_in_dim3A_3146 = vector.shape_cast %reduce_max3A_3145 : vector<512xf32> to vector<512x1xf32>
    %eq3A_3147 = vector.broadcast %broadcast_in_dim3A_2933 : vector<512x1xi32> to vector<512x16xi32>
    %eq3A_3148 = arith.cmpi eq, %iota3A_19, %eq3A_3147 : vector<512x16xi32>
    %broadcast_in_dim3A_3149 = vector.shape_cast %broadcast_in_dim3A_3146 : vector<512x1xf32> to vector<512x1xf32>
    %broadcast_in_dim3A_3150 = vector.broadcast %broadcast_in_dim3A_3149 : vector<512x1xf32> to vector<512x16xf32>
    %select_n3A_3151 = arith.select %eq3A_3148, %broadcast_in_dim3A_3150, %select_n3A_2922 : vector<512x16xi1>, vector<512x16xf32>
    %reduce_max3A_3152 = arith.constant dense<0xFF800000> : vector<512xf32>
    %reduce_max3A_3153 = vector.multi_reduction <maximumf>, %select_n3A_3151, %reduce_max3A_3152 [1] : vector<512x16xf32> to vector<512xf32>
    %broadcast_in_dim3A_3154 = vector.shape_cast %reduce_max3A_3153 : vector<512xf32> to vector<512x1xf32>
    %eq3A_3155 = vector.broadcast %broadcast_in_dim3A_3154 : vector<512x1xf32> to vector<512x16xf32>
    %eq3A_3156 = arith.cmpf oeq, %select_n3A_3151, %eq3A_3155 : vector<512x16xf32>
    %jit3A_3157 = arith.constant 16 : i32
    %broadcast_in_dim3A_3158 = vector.broadcast %jit3A_3157 : i32 to vector<512x16xi32>
    %select_n3A_3159 = arith.select %eq3A_3156, %iota3A_19, %broadcast_in_dim3A_3158 : vector<512x16xi1>, vector<512x16xi32>
    %reduce_min3A_3160 = arith.constant dense<2147483647> : vector<512xi32>
    %reduce_min3A_3161 = vector.multi_reduction <minsi>, %select_n3A_3159, %reduce_min3A_3160 [1] : vector<512x16xi32> to vector<512xi32>
    %broadcast_in_dim3A_3162 = vector.shape_cast %reduce_min3A_3161 : vector<512xi32> to vector<512x1xi32>
    %eq3A_3163 = arith.constant 1 : i32
    %eq3A_3164 = vector.broadcast %eq3A_3163 : i32 to vector<512x1xi32>
    %eq3A_3165 = arith.cmpi eq, %broadcast_in_dim3A_3162, %eq3A_3164 : vector<512x1xi32>
    %broadcast_in_dim3A_3166 = vector.shape_cast %eq3A_3165 : vector<512x1xi1> to vector<512x1xi1>
    %broadcast_in_dim3A_3167 = vector.broadcast %broadcast_in_dim3A_3166 : vector<512x1xi1> to vector<512x128xi1>
    %select_n3A_3168 = arith.select %broadcast_in_dim3A_3167, %slice3A_20, %slice3A : vector<512x128xi1>, vector<512x128xf32>
    %eq3A_3169 = arith.constant 2 : i32
    %eq3A_3170 = vector.broadcast %eq3A_3169 : i32 to vector<512x1xi32>
    %eq3A_3171 = arith.cmpi eq, %broadcast_in_dim3A_3162, %eq3A_3170 : vector<512x1xi32>
    %broadcast_in_dim3A_3172 = vector.shape_cast %eq3A_3171 : vector<512x1xi1> to vector<512x1xi1>
    %broadcast_in_dim3A_3173 = vector.broadcast %broadcast_in_dim3A_3172 : vector<512x1xi1> to vector<512x128xi1>
    %select_n3A_3174 = arith.select %broadcast_in_dim3A_3173, %slice3A_21, %select_n3A_3168 : vector<512x128xi1>, vector<512x128xf32>
    %eq3A_3175 = arith.constant 3 : i32
    %eq3A_3176 = vector.broadcast %eq3A_3175 : i32 to vector<512x1xi32>
    %eq3A_3177 = arith.cmpi eq, %broadcast_in_dim3A_3162, %eq3A_3176 : vector<512x1xi32>
    %broadcast_in_dim3A_3178 = vector.shape_cast %eq3A_3177 : vector<512x1xi1> to vector<512x1xi1>
    %broadcast_in_dim3A_3179 = vector.broadcast %broadcast_in_dim3A_3178 : vector<512x1xi1> to vector<512x128xi1>
    %select_n3A_3180 = arith.select %broadcast_in_dim3A_3179, %slice3A_22, %select_n3A_3174 : vector<512x128xi1>, vector<512x128xf32>
    %eq3A_3181 = arith.constant 4 : i32
    %eq3A_3182 = vector.broadcast %eq3A_3181 : i32 to vector<512x1xi32>
    %eq3A_3183 = arith.cmpi eq, %broadcast_in_dim3A_3162, %eq3A_3182 : vector<512x1xi32>
    %broadcast_in_dim3A_3184 = vector.shape_cast %eq3A_3183 : vector<512x1xi1> to vector<512x1xi1>
    %broadcast_in_dim3A_3185 = vector.broadcast %broadcast_in_dim3A_3184 : vector<512x1xi1> to vector<512x128xi1>
    %select_n3A_3186 = arith.select %broadcast_in_dim3A_3185, %slice3A_23, %select_n3A_3180 : vector<512x128xi1>, vector<512x128xf32>
    %eq3A_3187 = arith.constant 5 : i32
    %eq3A_3188 = vector.broadcast %eq3A_3187 : i32 to vector<512x1xi32>
    %eq3A_3189 = arith.cmpi eq, %broadcast_in_dim3A_3162, %eq3A_3188 : vector<512x1xi32>
    %broadcast_in_dim3A_3190 = vector.shape_cast %eq3A_3189 : vector<512x1xi1> to vector<512x1xi1>
    %broadcast_in_dim3A_3191 = vector.broadcast %broadcast_in_dim3A_3190 : vector<512x1xi1> to vector<512x128xi1>
    %select_n3A_3192 = arith.select %broadcast_in_dim3A_3191, %slice3A_24, %select_n3A_3186 : vector<512x128xi1>, vector<512x128xf32>
    %eq3A_3193 = arith.constant 6 : i32
    %eq3A_3194 = vector.broadcast %eq3A_3193 : i32 to vector<512x1xi32>
    %eq3A_3195 = arith.cmpi eq, %broadcast_in_dim3A_3162, %eq3A_3194 : vector<512x1xi32>
    %broadcast_in_dim3A_3196 = vector.shape_cast %eq3A_3195 : vector<512x1xi1> to vector<512x1xi1>
    %broadcast_in_dim3A_3197 = vector.broadcast %broadcast_in_dim3A_3196 : vector<512x1xi1> to vector<512x128xi1>
    %select_n3A_3198 = arith.select %broadcast_in_dim3A_3197, %slice3A_25, %select_n3A_3192 : vector<512x128xi1>, vector<512x128xf32>
    %eq3A_3199 = arith.constant 7 : i32
    %eq3A_3200 = vector.broadcast %eq3A_3199 : i32 to vector<512x1xi32>
    %eq3A_3201 = arith.cmpi eq, %broadcast_in_dim3A_3162, %eq3A_3200 : vector<512x1xi32>
    %broadcast_in_dim3A_3202 = vector.shape_cast %eq3A_3201 : vector<512x1xi1> to vector<512x1xi1>
    %broadcast_in_dim3A_3203 = vector.broadcast %broadcast_in_dim3A_3202 : vector<512x1xi1> to vector<512x128xi1>
    %select_n3A_3204 = arith.select %broadcast_in_dim3A_3203, %slice3A_26, %select_n3A_3198 : vector<512x128xi1>, vector<512x128xf32>
    %eq3A_3205 = arith.constant 8 : i32
    %eq3A_3206 = vector.broadcast %eq3A_3205 : i32 to vector<512x1xi32>
    %eq3A_3207 = arith.cmpi eq, %broadcast_in_dim3A_3162, %eq3A_3206 : vector<512x1xi32>
    %broadcast_in_dim3A_3208 = vector.shape_cast %eq3A_3207 : vector<512x1xi1> to vector<512x1xi1>
    %broadcast_in_dim3A_3209 = vector.broadcast %broadcast_in_dim3A_3208 : vector<512x1xi1> to vector<512x128xi1>
    %select_n3A_3210 = arith.select %broadcast_in_dim3A_3209, %slice3A_27, %select_n3A_3204 : vector<512x128xi1>, vector<512x128xf32>
    %eq3A_3211 = arith.constant 9 : i32
    %eq3A_3212 = vector.broadcast %eq3A_3211 : i32 to vector<512x1xi32>
    %eq3A_3213 = arith.cmpi eq, %broadcast_in_dim3A_3162, %eq3A_3212 : vector<512x1xi32>
    %broadcast_in_dim3A_3214 = vector.shape_cast %eq3A_3213 : vector<512x1xi1> to vector<512x1xi1>
    %broadcast_in_dim3A_3215 = vector.broadcast %broadcast_in_dim3A_3214 : vector<512x1xi1> to vector<512x128xi1>
    %select_n3A_3216 = arith.select %broadcast_in_dim3A_3215, %slice3A_28, %select_n3A_3210 : vector<512x128xi1>, vector<512x128xf32>
    %eq3A_3217 = arith.constant 10 : i32
    %eq3A_3218 = vector.broadcast %eq3A_3217 : i32 to vector<512x1xi32>
    %eq3A_3219 = arith.cmpi eq, %broadcast_in_dim3A_3162, %eq3A_3218 : vector<512x1xi32>
    %broadcast_in_dim3A_3220 = vector.shape_cast %eq3A_3219 : vector<512x1xi1> to vector<512x1xi1>
    %broadcast_in_dim3A_3221 = vector.broadcast %broadcast_in_dim3A_3220 : vector<512x1xi1> to vector<512x128xi1>
    %select_n3A_3222 = arith.select %broadcast_in_dim3A_3221, %slice3A_29, %select_n3A_3216 : vector<512x128xi1>, vector<512x128xf32>
    %eq3A_3223 = arith.constant 11 : i32
    %eq3A_3224 = vector.broadcast %eq3A_3223 : i32 to vector<512x1xi32>
    %eq3A_3225 = arith.cmpi eq, %broadcast_in_dim3A_3162, %eq3A_3224 : vector<512x1xi32>
    %broadcast_in_dim3A_3226 = vector.shape_cast %eq3A_3225 : vector<512x1xi1> to vector<512x1xi1>
    %broadcast_in_dim3A_3227 = vector.broadcast %broadcast_in_dim3A_3226 : vector<512x1xi1> to vector<512x128xi1>
    %select_n3A_3228 = arith.select %broadcast_in_dim3A_3227, %slice3A_30, %select_n3A_3222 : vector<512x128xi1>, vector<512x128xf32>
    %eq3A_3229 = arith.constant 12 : i32
    %eq3A_3230 = vector.broadcast %eq3A_3229 : i32 to vector<512x1xi32>
    %eq3A_3231 = arith.cmpi eq, %broadcast_in_dim3A_3162, %eq3A_3230 : vector<512x1xi32>
    %broadcast_in_dim3A_3232 = vector.shape_cast %eq3A_3231 : vector<512x1xi1> to vector<512x1xi1>
    %broadcast_in_dim3A_3233 = vector.broadcast %broadcast_in_dim3A_3232 : vector<512x1xi1> to vector<512x128xi1>
    %select_n3A_3234 = arith.select %broadcast_in_dim3A_3233, %slice3A_31, %select_n3A_3228 : vector<512x128xi1>, vector<512x128xf32>
    %eq3A_3235 = arith.constant 13 : i32
    %eq3A_3236 = vector.broadcast %eq3A_3235 : i32 to vector<512x1xi32>
    %eq3A_3237 = arith.cmpi eq, %broadcast_in_dim3A_3162, %eq3A_3236 : vector<512x1xi32>
    %broadcast_in_dim3A_3238 = vector.shape_cast %eq3A_3237 : vector<512x1xi1> to vector<512x1xi1>
    %broadcast_in_dim3A_3239 = vector.broadcast %broadcast_in_dim3A_3238 : vector<512x1xi1> to vector<512x128xi1>
    %select_n3A_3240 = arith.select %broadcast_in_dim3A_3239, %slice3A_32, %select_n3A_3234 : vector<512x128xi1>, vector<512x128xf32>
    %eq3A_3241 = arith.constant 14 : i32
    %eq3A_3242 = vector.broadcast %eq3A_3241 : i32 to vector<512x1xi32>
    %eq3A_3243 = arith.cmpi eq, %broadcast_in_dim3A_3162, %eq3A_3242 : vector<512x1xi32>
    %broadcast_in_dim3A_3244 = vector.shape_cast %eq3A_3243 : vector<512x1xi1> to vector<512x1xi1>
    %broadcast_in_dim3A_3245 = vector.broadcast %broadcast_in_dim3A_3244 : vector<512x1xi1> to vector<512x128xi1>
    %select_n3A_3246 = arith.select %broadcast_in_dim3A_3245, %slice3A_33, %select_n3A_3240 : vector<512x128xi1>, vector<512x128xf32>
    %eq3A_3247 = arith.constant 15 : i32
    %eq3A_3248 = vector.broadcast %eq3A_3247 : i32 to vector<512x1xi32>
    %eq3A_3249 = arith.cmpi eq, %broadcast_in_dim3A_3162, %eq3A_3248 : vector<512x1xi32>
    %broadcast_in_dim3A_3250 = vector.shape_cast %eq3A_3249 : vector<512x1xi1> to vector<512x1xi1>
    %broadcast_in_dim3A_3251 = vector.broadcast %broadcast_in_dim3A_3250 : vector<512x1xi1> to vector<512x128xi1>
    %select_n3A_3252 = arith.select %broadcast_in_dim3A_3251, %slice3A_34, %select_n3A_3246 : vector<512x128xi1>, vector<512x128xf32>
    %mul3A_3253 = arith.constant 128 : i32
    %mul3A_3254 = vector.broadcast %mul3A_3253 : i32 to vector<512x1xi32>
    %mul3A_3255 = arith.muli %broadcast_in_dim3A_3162, %mul3A_3254 : vector<512x1xi32>
    %sub3A_3256 = arith.subi %add3A, %mul3A_3255 : vector<512x1xi32>
    %eq3A_3257 = vector.broadcast %sub3A_3256 : vector<512x1xi32> to vector<512x128xi32>
    %eq3A_3258 = arith.cmpi eq, %iota3A, %eq3A_3257 : vector<512x128xi32>
    %jit3A_3259 = arith.constant 0xFF800000 : f32
    %broadcast_in_dim3A_3260 = vector.broadcast %jit3A_3259 : f32 to vector<512x128xf32>
    %select_n3A_3261 = arith.select %eq3A_3258, %broadcast_in_dim3A_3260, %select_n3A_3252 : vector<512x128xi1>, vector<512x128xf32>
    %sub3A_3262 = arith.subi %add3A_326, %mul3A_3255 : vector<512x1xi32>
    %eq3A_3263 = vector.broadcast %sub3A_3262 : vector<512x1xi32> to vector<512x128xi32>
    %eq3A_3264 = arith.cmpi eq, %iota3A, %eq3A_3263 : vector<512x128xi32>
    %jit3A_3265 = arith.constant 0xFF800000 : f32
    %broadcast_in_dim3A_3266 = vector.broadcast %jit3A_3265 : f32 to vector<512x128xf32>
    %select_n3A_3267 = arith.select %eq3A_3264, %broadcast_in_dim3A_3266, %select_n3A_3261 : vector<512x128xi1>, vector<512x128xf32>
    %sub3A_3268 = arith.subi %add3A_471, %mul3A_3255 : vector<512x1xi32>
    %eq3A_3269 = vector.broadcast %sub3A_3268 : vector<512x1xi32> to vector<512x128xi32>
    %eq3A_3270 = arith.cmpi eq, %iota3A, %eq3A_3269 : vector<512x128xi32>
    %jit3A_3271 = arith.constant 0xFF800000 : f32
    %broadcast_in_dim3A_3272 = vector.broadcast %jit3A_3271 : f32 to vector<512x128xf32>
    %select_n3A_3273 = arith.select %eq3A_3270, %broadcast_in_dim3A_3272, %select_n3A_3267 : vector<512x128xi1>, vector<512x128xf32>
    %sub3A_3274 = arith.subi %add3A_622, %mul3A_3255 : vector<512x1xi32>
    %eq3A_3275 = vector.broadcast %sub3A_3274 : vector<512x1xi32> to vector<512x128xi32>
    %eq3A_3276 = arith.cmpi eq, %iota3A, %eq3A_3275 : vector<512x128xi32>
    %jit3A_3277 = arith.constant 0xFF800000 : f32
    %broadcast_in_dim3A_3278 = vector.broadcast %jit3A_3277 : f32 to vector<512x128xf32>
    %select_n3A_3279 = arith.select %eq3A_3276, %broadcast_in_dim3A_3278, %select_n3A_3273 : vector<512x128xi1>, vector<512x128xf32>
    %sub3A_3280 = arith.subi %add3A_779, %mul3A_3255 : vector<512x1xi32>
    %eq3A_3281 = vector.broadcast %sub3A_3280 : vector<512x1xi32> to vector<512x128xi32>
    %eq3A_3282 = arith.cmpi eq, %iota3A, %eq3A_3281 : vector<512x128xi32>
    %jit3A_3283 = arith.constant 0xFF800000 : f32
    %broadcast_in_dim3A_3284 = vector.broadcast %jit3A_3283 : f32 to vector<512x128xf32>
    %select_n3A_3285 = arith.select %eq3A_3282, %broadcast_in_dim3A_3284, %select_n3A_3279 : vector<512x128xi1>, vector<512x128xf32>
    %sub3A_3286 = arith.subi %add3A_942, %mul3A_3255 : vector<512x1xi32>
    %eq3A_3287 = vector.broadcast %sub3A_3286 : vector<512x1xi32> to vector<512x128xi32>
    %eq3A_3288 = arith.cmpi eq, %iota3A, %eq3A_3287 : vector<512x128xi32>
    %jit3A_3289 = arith.constant 0xFF800000 : f32
    %broadcast_in_dim3A_3290 = vector.broadcast %jit3A_3289 : f32 to vector<512x128xf32>
    %select_n3A_3291 = arith.select %eq3A_3288, %broadcast_in_dim3A_3290, %select_n3A_3285 : vector<512x128xi1>, vector<512x128xf32>
    %sub3A_3292 = arith.subi %add3A_1111, %mul3A_3255 : vector<512x1xi32>
    %eq3A_3293 = vector.broadcast %sub3A_3292 : vector<512x1xi32> to vector<512x128xi32>
    %eq3A_3294 = arith.cmpi eq, %iota3A, %eq3A_3293 : vector<512x128xi32>
    %jit3A_3295 = arith.constant 0xFF800000 : f32
    %broadcast_in_dim3A_3296 = vector.broadcast %jit3A_3295 : f32 to vector<512x128xf32>
    %select_n3A_3297 = arith.select %eq3A_3294, %broadcast_in_dim3A_3296, %select_n3A_3291 : vector<512x128xi1>, vector<512x128xf32>
    %sub3A_3298 = arith.subi %add3A_1286, %mul3A_3255 : vector<512x1xi32>
    %eq3A_3299 = vector.broadcast %sub3A_3298 : vector<512x1xi32> to vector<512x128xi32>
    %eq3A_3300 = arith.cmpi eq, %iota3A, %eq3A_3299 : vector<512x128xi32>
    %jit3A_3301 = arith.constant 0xFF800000 : f32
    %broadcast_in_dim3A_3302 = vector.broadcast %jit3A_3301 : f32 to vector<512x128xf32>
    %select_n3A_3303 = arith.select %eq3A_3300, %broadcast_in_dim3A_3302, %select_n3A_3297 : vector<512x128xi1>, vector<512x128xf32>
    %sub3A_3304 = arith.subi %add3A_1467, %mul3A_3255 : vector<512x1xi32>
    %eq3A_3305 = vector.broadcast %sub3A_3304 : vector<512x1xi32> to vector<512x128xi32>
    %eq3A_3306 = arith.cmpi eq, %iota3A, %eq3A_3305 : vector<512x128xi32>
    %jit3A_3307 = arith.constant 0xFF800000 : f32
    %broadcast_in_dim3A_3308 = vector.broadcast %jit3A_3307 : f32 to vector<512x128xf32>
    %select_n3A_3309 = arith.select %eq3A_3306, %broadcast_in_dim3A_3308, %select_n3A_3303 : vector<512x128xi1>, vector<512x128xf32>
    %sub3A_3310 = arith.subi %add3A_1654, %mul3A_3255 : vector<512x1xi32>
    %eq3A_3311 = vector.broadcast %sub3A_3310 : vector<512x1xi32> to vector<512x128xi32>
    %eq3A_3312 = arith.cmpi eq, %iota3A, %eq3A_3311 : vector<512x128xi32>
    %jit3A_3313 = arith.constant 0xFF800000 : f32
    %broadcast_in_dim3A_3314 = vector.broadcast %jit3A_3313 : f32 to vector<512x128xf32>
    %select_n3A_3315 = arith.select %eq3A_3312, %broadcast_in_dim3A_3314, %select_n3A_3309 : vector<512x128xi1>, vector<512x128xf32>
    %sub3A_3316 = arith.subi %add3A_1847, %mul3A_3255 : vector<512x1xi32>
    %eq3A_3317 = vector.broadcast %sub3A_3316 : vector<512x1xi32> to vector<512x128xi32>
    %eq3A_3318 = arith.cmpi eq, %iota3A, %eq3A_3317 : vector<512x128xi32>
    %jit3A_3319 = arith.constant 0xFF800000 : f32
    %broadcast_in_dim3A_3320 = vector.broadcast %jit3A_3319 : f32 to vector<512x128xf32>
    %select_n3A_3321 = arith.select %eq3A_3318, %broadcast_in_dim3A_3320, %select_n3A_3315 : vector<512x128xi1>, vector<512x128xf32>
    %sub3A_3322 = arith.subi %add3A_2046, %mul3A_3255 : vector<512x1xi32>
    %eq3A_3323 = vector.broadcast %sub3A_3322 : vector<512x1xi32> to vector<512x128xi32>
    %eq3A_3324 = arith.cmpi eq, %iota3A, %eq3A_3323 : vector<512x128xi32>
    %jit3A_3325 = arith.constant 0xFF800000 : f32
    %broadcast_in_dim3A_3326 = vector.broadcast %jit3A_3325 : f32 to vector<512x128xf32>
    %select_n3A_3327 = arith.select %eq3A_3324, %broadcast_in_dim3A_3326, %select_n3A_3321 : vector<512x128xi1>, vector<512x128xf32>
    %sub3A_3328 = arith.subi %add3A_2251, %mul3A_3255 : vector<512x1xi32>
    %eq3A_3329 = vector.broadcast %sub3A_3328 : vector<512x1xi32> to vector<512x128xi32>
    %eq3A_3330 = arith.cmpi eq, %iota3A, %eq3A_3329 : vector<512x128xi32>
    %jit3A_3331 = arith.constant 0xFF800000 : f32
    %broadcast_in_dim3A_3332 = vector.broadcast %jit3A_3331 : f32 to vector<512x128xf32>
    %select_n3A_3333 = arith.select %eq3A_3330, %broadcast_in_dim3A_3332, %select_n3A_3327 : vector<512x128xi1>, vector<512x128xf32>
    %sub3A_3334 = arith.subi %add3A_2462, %mul3A_3255 : vector<512x1xi32>
    %eq3A_3335 = vector.broadcast %sub3A_3334 : vector<512x1xi32> to vector<512x128xi32>
    %eq3A_3336 = arith.cmpi eq, %iota3A, %eq3A_3335 : vector<512x128xi32>
    %jit3A_3337 = arith.constant 0xFF800000 : f32
    %broadcast_in_dim3A_3338 = vector.broadcast %jit3A_3337 : f32 to vector<512x128xf32>
    %select_n3A_3339 = arith.select %eq3A_3336, %broadcast_in_dim3A_3338, %select_n3A_3333 : vector<512x128xi1>, vector<512x128xf32>
    %sub3A_3340 = arith.subi %add3A_2679, %mul3A_3255 : vector<512x1xi32>
    %eq3A_3341 = vector.broadcast %sub3A_3340 : vector<512x1xi32> to vector<512x128xi32>
    %eq3A_3342 = arith.cmpi eq, %iota3A, %eq3A_3341 : vector<512x128xi32>
    %jit3A_3343 = arith.constant 0xFF800000 : f32
    %broadcast_in_dim3A_3344 = vector.broadcast %jit3A_3343 : f32 to vector<512x128xf32>
    %select_n3A_3345 = arith.select %eq3A_3342, %broadcast_in_dim3A_3344, %select_n3A_3339 : vector<512x128xi1>, vector<512x128xf32>
    %sub3A_3346 = arith.subi %add3A_2902, %mul3A_3255 : vector<512x1xi32>
    %eq3A_3347 = vector.broadcast %sub3A_3346 : vector<512x1xi32> to vector<512x128xi32>
    %eq3A_3348 = arith.cmpi eq, %iota3A, %eq3A_3347 : vector<512x128xi32>
    %jit3A_3349 = arith.constant 0xFF800000 : f32
    %broadcast_in_dim3A_3350 = vector.broadcast %jit3A_3349 : f32 to vector<512x128xf32>
    %select_n3A_3351 = arith.select %eq3A_3348, %broadcast_in_dim3A_3350, %select_n3A_3345 : vector<512x128xi1>, vector<512x128xf32>
    %sub3A_3352 = arith.subi %add3A_3131, %mul3A_3255 : vector<512x1xi32>
    %eq3A_3353 = vector.broadcast %sub3A_3352 : vector<512x1xi32> to vector<512x128xi32>
    %eq3A_3354 = arith.cmpi eq, %iota3A, %eq3A_3353 : vector<512x128xi32>
    %jit3A_3355 = arith.constant 0xFF800000 : f32
    %broadcast_in_dim3A_3356 = vector.broadcast %jit3A_3355 : f32 to vector<512x128xf32>
    %select_n3A_3357 = arith.select %eq3A_3354, %broadcast_in_dim3A_3356, %select_n3A_3351 : vector<512x128xi1>, vector<512x128xf32>
    %eq3A_3358 = vector.broadcast %broadcast_in_dim3A_3154 : vector<512x1xf32> to vector<512x128xf32>
    %eq3A_3359 = arith.cmpf oeq, %select_n3A_3357, %eq3A_3358 : vector<512x128xf32>
    %jit3A_3360 = arith.constant 128 : i32
    %broadcast_in_dim3A_3361 = vector.broadcast %jit3A_3360 : i32 to vector<512x128xi32>
    %select_n3A_3362 = arith.select %eq3A_3359, %iota3A, %broadcast_in_dim3A_3361 : vector<512x128xi1>, vector<512x128xi32>
    %reduce_min3A_3363 = arith.constant dense<2147483647> : vector<512xi32>
    %reduce_min3A_3364 = vector.multi_reduction <minsi>, %select_n3A_3362, %reduce_min3A_3363 [1] : vector<512x128xi32> to vector<512xi32>
    %broadcast_in_dim3A_3365 = vector.shape_cast %reduce_min3A_3364 : vector<512xi32> to vector<512x1xi32>
    %add3A_3366 = arith.addi %mul3A_3255, %broadcast_in_dim3A_3365 : vector<512x1xi32>
    %mul3A_3367 = arith.constant 2048 : i32
    %mul3A_3368 = arith.muli %arg0, %mul3A_3367 : i32
    %add3A_3369 = vector.broadcast %mul3A_3368 : i32 to vector<512x1xi32>
    %add3A_3370 = arith.addi %add3A_3366, %add3A_3369 : vector<512x1xi32>
    %swap3A_3371 = arith.constant 0 : index
    %swap3A_3372 = arith.constant 17 : index
    %swap3A_3373 = vector.load %arg6[%swap3A_3371, %swap3A_3372] : memref<512x20xi32, #tpu.memory_space<vmem>>, vector<512x1xi32>
    tpu.vector_store %arg6[%swap3A_3371, %swap3A_3372], %add3A_3370 {strides = array<i32>} : memref<512x20xi32, #tpu.memory_space<vmem>>, vector<512x1xi32>,
    %eq3A_3374 = vector.broadcast %broadcast_in_dim3A_3365 : vector<512x1xi32> to vector<512x128xi32>
    %eq3A_3375 = arith.cmpi eq, %iota3A, %eq3A_3374 : vector<512x128xi32>
    %jit3A_3376 = arith.constant 0xFF800000 : f32
    %broadcast_in_dim3A_3377 = vector.broadcast %jit3A_3376 : f32 to vector<512x128xf32>
    %select_n3A_3378 = arith.select %eq3A_3375, %broadcast_in_dim3A_3377, %select_n3A_3357 : vector<512x128xi1>, vector<512x128xf32>
    %reduce_max3A_3379 = arith.constant dense<0xFF800000> : vector<512xf32>
    %reduce_max3A_3380 = vector.multi_reduction <maximumf>, %select_n3A_3378, %reduce_max3A_3379 [1] : vector<512x128xf32> to vector<512xf32>
    %broadcast_in_dim3A_3381 = vector.shape_cast %reduce_max3A_3380 : vector<512xf32> to vector<512x1xf32>
    %eq3A_3382 = vector.broadcast %broadcast_in_dim3A_3162 : vector<512x1xi32> to vector<512x16xi32>
    %eq3A_3383 = arith.cmpi eq, %iota3A_19, %eq3A_3382 : vector<512x16xi32>
    %broadcast_in_dim3A_3384 = vector.shape_cast %broadcast_in_dim3A_3381 : vector<512x1xf32> to vector<512x1xf32>
    %broadcast_in_dim3A_3385 = vector.broadcast %broadcast_in_dim3A_3384 : vector<512x1xf32> to vector<512x16xf32>
    %select_n3A_3386 = arith.select %eq3A_3383, %broadcast_in_dim3A_3385, %select_n3A_3151 : vector<512x16xi1>, vector<512x16xf32>
    %reduce_max3A_3387 = arith.constant dense<0xFF800000> : vector<512xf32>
    %reduce_max3A_3388 = vector.multi_reduction <maximumf>, %select_n3A_3386, %reduce_max3A_3387 [1] : vector<512x16xf32> to vector<512xf32>
    %broadcast_in_dim3A_3389 = vector.shape_cast %reduce_max3A_3388 : vector<512xf32> to vector<512x1xf32>
    %eq3A_3390 = vector.broadcast %broadcast_in_dim3A_3389 : vector<512x1xf32> to vector<512x16xf32>
    %eq3A_3391 = arith.cmpf oeq, %select_n3A_3386, %eq3A_3390 : vector<512x16xf32>
    %jit3A_3392 = arith.constant 16 : i32
    %broadcast_in_dim3A_3393 = vector.broadcast %jit3A_3392 : i32 to vector<512x16xi32>
    %select_n3A_3394 = arith.select %eq3A_3391, %iota3A_19, %broadcast_in_dim3A_3393 : vector<512x16xi1>, vector<512x16xi32>
    %reduce_min3A_3395 = arith.constant dense<2147483647> : vector<512xi32>
    %reduce_min3A_3396 = vector.multi_reduction <minsi>, %select_n3A_3394, %reduce_min3A_3395 [1] : vector<512x16xi32> to vector<512xi32>
    %broadcast_in_dim3A_3397 = vector.shape_cast %reduce_min3A_3396 : vector<512xi32> to vector<512x1xi32>
    %eq3A_3398 = arith.constant 1 : i32
    %eq3A_3399 = vector.broadcast %eq3A_3398 : i32 to vector<512x1xi32>
    %eq3A_3400 = arith.cmpi eq, %broadcast_in_dim3A_3397, %eq3A_3399 : vector<512x1xi32>
    %broadcast_in_dim3A_3401 = vector.shape_cast %eq3A_3400 : vector<512x1xi1> to vector<512x1xi1>
    %broadcast_in_dim3A_3402 = vector.broadcast %broadcast_in_dim3A_3401 : vector<512x1xi1> to vector<512x128xi1>
    %select_n3A_3403 = arith.select %broadcast_in_dim3A_3402, %slice3A_20, %slice3A : vector<512x128xi1>, vector<512x128xf32>
    %eq3A_3404 = arith.constant 2 : i32
    %eq3A_3405 = vector.broadcast %eq3A_3404 : i32 to vector<512x1xi32>
    %eq3A_3406 = arith.cmpi eq, %broadcast_in_dim3A_3397, %eq3A_3405 : vector<512x1xi32>
    %broadcast_in_dim3A_3407 = vector.shape_cast %eq3A_3406 : vector<512x1xi1> to vector<512x1xi1>
    %broadcast_in_dim3A_3408 = vector.broadcast %broadcast_in_dim3A_3407 : vector<512x1xi1> to vector<512x128xi1>
    %select_n3A_3409 = arith.select %broadcast_in_dim3A_3408, %slice3A_21, %select_n3A_3403 : vector<512x128xi1>, vector<512x128xf32>
    %eq3A_3410 = arith.constant 3 : i32
    %eq3A_3411 = vector.broadcast %eq3A_3410 : i32 to vector<512x1xi32>
    %eq3A_3412 = arith.cmpi eq, %broadcast_in_dim3A_3397, %eq3A_3411 : vector<512x1xi32>
    %broadcast_in_dim3A_3413 = vector.shape_cast %eq3A_3412 : vector<512x1xi1> to vector<512x1xi1>
    %broadcast_in_dim3A_3414 = vector.broadcast %broadcast_in_dim3A_3413 : vector<512x1xi1> to vector<512x128xi1>
    %select_n3A_3415 = arith.select %broadcast_in_dim3A_3414, %slice3A_22, %select_n3A_3409 : vector<512x128xi1>, vector<512x128xf32>
    %eq3A_3416 = arith.constant 4 : i32
    %eq3A_3417 = vector.broadcast %eq3A_3416 : i32 to vector<512x1xi32>
    %eq3A_3418 = arith.cmpi eq, %broadcast_in_dim3A_3397, %eq3A_3417 : vector<512x1xi32>
    %broadcast_in_dim3A_3419 = vector.shape_cast %eq3A_3418 : vector<512x1xi1> to vector<512x1xi1>
    %broadcast_in_dim3A_3420 = vector.broadcast %broadcast_in_dim3A_3419 : vector<512x1xi1> to vector<512x128xi1>
    %select_n3A_3421 = arith.select %broadcast_in_dim3A_3420, %slice3A_23, %select_n3A_3415 : vector<512x128xi1>, vector<512x128xf32>
    %eq3A_3422 = arith.constant 5 : i32
    %eq3A_3423 = vector.broadcast %eq3A_3422 : i32 to vector<512x1xi32>
    %eq3A_3424 = arith.cmpi eq, %broadcast_in_dim3A_3397, %eq3A_3423 : vector<512x1xi32>
    %broadcast_in_dim3A_3425 = vector.shape_cast %eq3A_3424 : vector<512x1xi1> to vector<512x1xi1>
    %broadcast_in_dim3A_3426 = vector.broadcast %broadcast_in_dim3A_3425 : vector<512x1xi1> to vector<512x128xi1>
    %select_n3A_3427 = arith.select %broadcast_in_dim3A_3426, %slice3A_24, %select_n3A_3421 : vector<512x128xi1>, vector<512x128xf32>
    %eq3A_3428 = arith.constant 6 : i32
    %eq3A_3429 = vector.broadcast %eq3A_3428 : i32 to vector<512x1xi32>
    %eq3A_3430 = arith.cmpi eq, %broadcast_in_dim3A_3397, %eq3A_3429 : vector<512x1xi32>
    %broadcast_in_dim3A_3431 = vector.shape_cast %eq3A_3430 : vector<512x1xi1> to vector<512x1xi1>
    %broadcast_in_dim3A_3432 = vector.broadcast %broadcast_in_dim3A_3431 : vector<512x1xi1> to vector<512x128xi1>
    %select_n3A_3433 = arith.select %broadcast_in_dim3A_3432, %slice3A_25, %select_n3A_3427 : vector<512x128xi1>, vector<512x128xf32>
    %eq3A_3434 = arith.constant 7 : i32
    %eq3A_3435 = vector.broadcast %eq3A_3434 : i32 to vector<512x1xi32>
    %eq3A_3436 = arith.cmpi eq, %broadcast_in_dim3A_3397, %eq3A_3435 : vector<512x1xi32>
    %broadcast_in_dim3A_3437 = vector.shape_cast %eq3A_3436 : vector<512x1xi1> to vector<512x1xi1>
    %broadcast_in_dim3A_3438 = vector.broadcast %broadcast_in_dim3A_3437 : vector<512x1xi1> to vector<512x128xi1>
    %select_n3A_3439 = arith.select %broadcast_in_dim3A_3438, %slice3A_26, %select_n3A_3433 : vector<512x128xi1>, vector<512x128xf32>
    %eq3A_3440 = arith.constant 8 : i32
    %eq3A_3441 = vector.broadcast %eq3A_3440 : i32 to vector<512x1xi32>
    %eq3A_3442 = arith.cmpi eq, %broadcast_in_dim3A_3397, %eq3A_3441 : vector<512x1xi32>
    %broadcast_in_dim3A_3443 = vector.shape_cast %eq3A_3442 : vector<512x1xi1> to vector<512x1xi1>
    %broadcast_in_dim3A_3444 = vector.broadcast %broadcast_in_dim3A_3443 : vector<512x1xi1> to vector<512x128xi1>
    %select_n3A_3445 = arith.select %broadcast_in_dim3A_3444, %slice3A_27, %select_n3A_3439 : vector<512x128xi1>, vector<512x128xf32>
    %eq3A_3446 = arith.constant 9 : i32
    %eq3A_3447 = vector.broadcast %eq3A_3446 : i32 to vector<512x1xi32>
    %eq3A_3448 = arith.cmpi eq, %broadcast_in_dim3A_3397, %eq3A_3447 : vector<512x1xi32>
    %broadcast_in_dim3A_3449 = vector.shape_cast %eq3A_3448 : vector<512x1xi1> to vector<512x1xi1>
    %broadcast_in_dim3A_3450 = vector.broadcast %broadcast_in_dim3A_3449 : vector<512x1xi1> to vector<512x128xi1>
    %select_n3A_3451 = arith.select %broadcast_in_dim3A_3450, %slice3A_28, %select_n3A_3445 : vector<512x128xi1>, vector<512x128xf32>
    %eq3A_3452 = arith.constant 10 : i32
    %eq3A_3453 = vector.broadcast %eq3A_3452 : i32 to vector<512x1xi32>
    %eq3A_3454 = arith.cmpi eq, %broadcast_in_dim3A_3397, %eq3A_3453 : vector<512x1xi32>
    %broadcast_in_dim3A_3455 = vector.shape_cast %eq3A_3454 : vector<512x1xi1> to vector<512x1xi1>
    %broadcast_in_dim3A_3456 = vector.broadcast %broadcast_in_dim3A_3455 : vector<512x1xi1> to vector<512x128xi1>
    %select_n3A_3457 = arith.select %broadcast_in_dim3A_3456, %slice3A_29, %select_n3A_3451 : vector<512x128xi1>, vector<512x128xf32>
    %eq3A_3458 = arith.constant 11 : i32
    %eq3A_3459 = vector.broadcast %eq3A_3458 : i32 to vector<512x1xi32>
    %eq3A_3460 = arith.cmpi eq, %broadcast_in_dim3A_3397, %eq3A_3459 : vector<512x1xi32>
    %broadcast_in_dim3A_3461 = vector.shape_cast %eq3A_3460 : vector<512x1xi1> to vector<512x1xi1>
    %broadcast_in_dim3A_3462 = vector.broadcast %broadcast_in_dim3A_3461 : vector<512x1xi1> to vector<512x128xi1>
    %select_n3A_3463 = arith.select %broadcast_in_dim3A_3462, %slice3A_30, %select_n3A_3457 : vector<512x128xi1>, vector<512x128xf32>
    %eq3A_3464 = arith.constant 12 : i32
    %eq3A_3465 = vector.broadcast %eq3A_3464 : i32 to vector<512x1xi32>
    %eq3A_3466 = arith.cmpi eq, %broadcast_in_dim3A_3397, %eq3A_3465 : vector<512x1xi32>
    %broadcast_in_dim3A_3467 = vector.shape_cast %eq3A_3466 : vector<512x1xi1> to vector<512x1xi1>
    %broadcast_in_dim3A_3468 = vector.broadcast %broadcast_in_dim3A_3467 : vector<512x1xi1> to vector<512x128xi1>
    %select_n3A_3469 = arith.select %broadcast_in_dim3A_3468, %slice3A_31, %select_n3A_3463 : vector<512x128xi1>, vector<512x128xf32>
    %eq3A_3470 = arith.constant 13 : i32
    %eq3A_3471 = vector.broadcast %eq3A_3470 : i32 to vector<512x1xi32>
    %eq3A_3472 = arith.cmpi eq, %broadcast_in_dim3A_3397, %eq3A_3471 : vector<512x1xi32>
    %broadcast_in_dim3A_3473 = vector.shape_cast %eq3A_3472 : vector<512x1xi1> to vector<512x1xi1>
    %broadcast_in_dim3A_3474 = vector.broadcast %broadcast_in_dim3A_3473 : vector<512x1xi1> to vector<512x128xi1>
    %select_n3A_3475 = arith.select %broadcast_in_dim3A_3474, %slice3A_32, %select_n3A_3469 : vector<512x128xi1>, vector<512x128xf32>
    %eq3A_3476 = arith.constant 14 : i32
    %eq3A_3477 = vector.broadcast %eq3A_3476 : i32 to vector<512x1xi32>
    %eq3A_3478 = arith.cmpi eq, %broadcast_in_dim3A_3397, %eq3A_3477 : vector<512x1xi32>
    %broadcast_in_dim3A_3479 = vector.shape_cast %eq3A_3478 : vector<512x1xi1> to vector<512x1xi1>
    %broadcast_in_dim3A_3480 = vector.broadcast %broadcast_in_dim3A_3479 : vector<512x1xi1> to vector<512x128xi1>
    %select_n3A_3481 = arith.select %broadcast_in_dim3A_3480, %slice3A_33, %select_n3A_3475 : vector<512x128xi1>, vector<512x128xf32>
    %eq3A_3482 = arith.constant 15 : i32
    %eq3A_3483 = vector.broadcast %eq3A_3482 : i32 to vector<512x1xi32>
    %eq3A_3484 = arith.cmpi eq, %broadcast_in_dim3A_3397, %eq3A_3483 : vector<512x1xi32>
    %broadcast_in_dim3A_3485 = vector.shape_cast %eq3A_3484 : vector<512x1xi1> to vector<512x1xi1>
    %broadcast_in_dim3A_3486 = vector.broadcast %broadcast_in_dim3A_3485 : vector<512x1xi1> to vector<512x128xi1>
    %select_n3A_3487 = arith.select %broadcast_in_dim3A_3486, %slice3A_34, %select_n3A_3481 : vector<512x128xi1>, vector<512x128xf32>
    %mul3A_3488 = arith.constant 128 : i32
    %mul3A_3489 = vector.broadcast %mul3A_3488 : i32 to vector<512x1xi32>
    %mul3A_3490 = arith.muli %broadcast_in_dim3A_3397, %mul3A_3489 : vector<512x1xi32>
    %sub3A_3491 = arith.subi %add3A, %mul3A_3490 : vector<512x1xi32>
    %eq3A_3492 = vector.broadcast %sub3A_3491 : vector<512x1xi32> to vector<512x128xi32>
    %eq3A_3493 = arith.cmpi eq, %iota3A, %eq3A_3492 : vector<512x128xi32>
    %jit3A_3494 = arith.constant 0xFF800000 : f32
    %broadcast_in_dim3A_3495 = vector.broadcast %jit3A_3494 : f32 to vector<512x128xf32>
    %select_n3A_3496 = arith.select %eq3A_3493, %broadcast_in_dim3A_3495, %select_n3A_3487 : vector<512x128xi1>, vector<512x128xf32>
    %sub3A_3497 = arith.subi %add3A_326, %mul3A_3490 : vector<512x1xi32>
    %eq3A_3498 = vector.broadcast %sub3A_3497 : vector<512x1xi32> to vector<512x128xi32>
    %eq3A_3499 = arith.cmpi eq, %iota3A, %eq3A_3498 : vector<512x128xi32>
    %jit3A_3500 = arith.constant 0xFF800000 : f32
    %broadcast_in_dim3A_3501 = vector.broadcast %jit3A_3500 : f32 to vector<512x128xf32>
    %select_n3A_3502 = arith.select %eq3A_3499, %broadcast_in_dim3A_3501, %select_n3A_3496 : vector<512x128xi1>, vector<512x128xf32>
    %sub3A_3503 = arith.subi %add3A_471, %mul3A_3490 : vector<512x1xi32>
    %eq3A_3504 = vector.broadcast %sub3A_3503 : vector<512x1xi32> to vector<512x128xi32>
    %eq3A_3505 = arith.cmpi eq, %iota3A, %eq3A_3504 : vector<512x128xi32>
    %jit3A_3506 = arith.constant 0xFF800000 : f32
    %broadcast_in_dim3A_3507 = vector.broadcast %jit3A_3506 : f32 to vector<512x128xf32>
    %select_n3A_3508 = arith.select %eq3A_3505, %broadcast_in_dim3A_3507, %select_n3A_3502 : vector<512x128xi1>, vector<512x128xf32>
    %sub3A_3509 = arith.subi %add3A_622, %mul3A_3490 : vector<512x1xi32>
    %eq3A_3510 = vector.broadcast %sub3A_3509 : vector<512x1xi32> to vector<512x128xi32>
    %eq3A_3511 = arith.cmpi eq, %iota3A, %eq3A_3510 : vector<512x128xi32>
    %jit3A_3512 = arith.constant 0xFF800000 : f32
    %broadcast_in_dim3A_3513 = vector.broadcast %jit3A_3512 : f32 to vector<512x128xf32>
    %select_n3A_3514 = arith.select %eq3A_3511, %broadcast_in_dim3A_3513, %select_n3A_3508 : vector<512x128xi1>, vector<512x128xf32>
    %sub3A_3515 = arith.subi %add3A_779, %mul3A_3490 : vector<512x1xi32>
    %eq3A_3516 = vector.broadcast %sub3A_3515 : vector<512x1xi32> to vector<512x128xi32>
    %eq3A_3517 = arith.cmpi eq, %iota3A, %eq3A_3516 : vector<512x128xi32>
    %jit3A_3518 = arith.constant 0xFF800000 : f32
    %broadcast_in_dim3A_3519 = vector.broadcast %jit3A_3518 : f32 to vector<512x128xf32>
    %select_n3A_3520 = arith.select %eq3A_3517, %broadcast_in_dim3A_3519, %select_n3A_3514 : vector<512x128xi1>, vector<512x128xf32>
    %sub3A_3521 = arith.subi %add3A_942, %mul3A_3490 : vector<512x1xi32>
    %eq3A_3522 = vector.broadcast %sub3A_3521 : vector<512x1xi32> to vector<512x128xi32>
    %eq3A_3523 = arith.cmpi eq, %iota3A, %eq3A_3522 : vector<512x128xi32>
    %jit3A_3524 = arith.constant 0xFF800000 : f32
    %broadcast_in_dim3A_3525 = vector.broadcast %jit3A_3524 : f32 to vector<512x128xf32>
    %select_n3A_3526 = arith.select %eq3A_3523, %broadcast_in_dim3A_3525, %select_n3A_3520 : vector<512x128xi1>, vector<512x128xf32>
    %sub3A_3527 = arith.subi %add3A_1111, %mul3A_3490 : vector<512x1xi32>
    %eq3A_3528 = vector.broadcast %sub3A_3527 : vector<512x1xi32> to vector<512x128xi32>
    %eq3A_3529 = arith.cmpi eq, %iota3A, %eq3A_3528 : vector<512x128xi32>
    %jit3A_3530 = arith.constant 0xFF800000 : f32
    %broadcast_in_dim3A_3531 = vector.broadcast %jit3A_3530 : f32 to vector<512x128xf32>
    %select_n3A_3532 = arith.select %eq3A_3529, %broadcast_in_dim3A_3531, %select_n3A_3526 : vector<512x128xi1>, vector<512x128xf32>
    %sub3A_3533 = arith.subi %add3A_1286, %mul3A_3490 : vector<512x1xi32>
    %eq3A_3534 = vector.broadcast %sub3A_3533 : vector<512x1xi32> to vector<512x128xi32>
    %eq3A_3535 = arith.cmpi eq, %iota3A, %eq3A_3534 : vector<512x128xi32>
    %jit3A_3536 = arith.constant 0xFF800000 : f32
    %broadcast_in_dim3A_3537 = vector.broadcast %jit3A_3536 : f32 to vector<512x128xf32>
    %select_n3A_3538 = arith.select %eq3A_3535, %broadcast_in_dim3A_3537, %select_n3A_3532 : vector<512x128xi1>, vector<512x128xf32>
    %sub3A_3539 = arith.subi %add3A_1467, %mul3A_3490 : vector<512x1xi32>
    %eq3A_3540 = vector.broadcast %sub3A_3539 : vector<512x1xi32> to vector<512x128xi32>
    %eq3A_3541 = arith.cmpi eq, %iota3A, %eq3A_3540 : vector<512x128xi32>
    %jit3A_3542 = arith.constant 0xFF800000 : f32
    %broadcast_in_dim3A_3543 = vector.broadcast %jit3A_3542 : f32 to vector<512x128xf32>
    %select_n3A_3544 = arith.select %eq3A_3541, %broadcast_in_dim3A_3543, %select_n3A_3538 : vector<512x128xi1>, vector<512x128xf32>
    %sub3A_3545 = arith.subi %add3A_1654, %mul3A_3490 : vector<512x1xi32>
    %eq3A_3546 = vector.broadcast %sub3A_3545 : vector<512x1xi32> to vector<512x128xi32>
    %eq3A_3547 = arith.cmpi eq, %iota3A, %eq3A_3546 : vector<512x128xi32>
    %jit3A_3548 = arith.constant 0xFF800000 : f32
    %broadcast_in_dim3A_3549 = vector.broadcast %jit3A_3548 : f32 to vector<512x128xf32>
    %select_n3A_3550 = arith.select %eq3A_3547, %broadcast_in_dim3A_3549, %select_n3A_3544 : vector<512x128xi1>, vector<512x128xf32>
    %sub3A_3551 = arith.subi %add3A_1847, %mul3A_3490 : vector<512x1xi32>
    %eq3A_3552 = vector.broadcast %sub3A_3551 : vector<512x1xi32> to vector<512x128xi32>
    %eq3A_3553 = arith.cmpi eq, %iota3A, %eq3A_3552 : vector<512x128xi32>
    %jit3A_3554 = arith.constant 0xFF800000 : f32
    %broadcast_in_dim3A_3555 = vector.broadcast %jit3A_3554 : f32 to vector<512x128xf32>
    %select_n3A_3556 = arith.select %eq3A_3553, %broadcast_in_dim3A_3555, %select_n3A_3550 : vector<512x128xi1>, vector<512x128xf32>
    %sub3A_3557 = arith.subi %add3A_2046, %mul3A_3490 : vector<512x1xi32>
    %eq3A_3558 = vector.broadcast %sub3A_3557 : vector<512x1xi32> to vector<512x128xi32>
    %eq3A_3559 = arith.cmpi eq, %iota3A, %eq3A_3558 : vector<512x128xi32>
    %jit3A_3560 = arith.constant 0xFF800000 : f32
    %broadcast_in_dim3A_3561 = vector.broadcast %jit3A_3560 : f32 to vector<512x128xf32>
    %select_n3A_3562 = arith.select %eq3A_3559, %broadcast_in_dim3A_3561, %select_n3A_3556 : vector<512x128xi1>, vector<512x128xf32>
    %sub3A_3563 = arith.subi %add3A_2251, %mul3A_3490 : vector<512x1xi32>
    %eq3A_3564 = vector.broadcast %sub3A_3563 : vector<512x1xi32> to vector<512x128xi32>
    %eq3A_3565 = arith.cmpi eq, %iota3A, %eq3A_3564 : vector<512x128xi32>
    %jit3A_3566 = arith.constant 0xFF800000 : f32
    %broadcast_in_dim3A_3567 = vector.broadcast %jit3A_3566 : f32 to vector<512x128xf32>
    %select_n3A_3568 = arith.select %eq3A_3565, %broadcast_in_dim3A_3567, %select_n3A_3562 : vector<512x128xi1>, vector<512x128xf32>
    %sub3A_3569 = arith.subi %add3A_2462, %mul3A_3490 : vector<512x1xi32>
    %eq3A_3570 = vector.broadcast %sub3A_3569 : vector<512x1xi32> to vector<512x128xi32>
    %eq3A_3571 = arith.cmpi eq, %iota3A, %eq3A_3570 : vector<512x128xi32>
    %jit3A_3572 = arith.constant 0xFF800000 : f32
    %broadcast_in_dim3A_3573 = vector.broadcast %jit3A_3572 : f32 to vector<512x128xf32>
    %select_n3A_3574 = arith.select %eq3A_3571, %broadcast_in_dim3A_3573, %select_n3A_3568 : vector<512x128xi1>, vector<512x128xf32>
    %sub3A_3575 = arith.subi %add3A_2679, %mul3A_3490 : vector<512x1xi32>
    %eq3A_3576 = vector.broadcast %sub3A_3575 : vector<512x1xi32> to vector<512x128xi32>
    %eq3A_3577 = arith.cmpi eq, %iota3A, %eq3A_3576 : vector<512x128xi32>
    %jit3A_3578 = arith.constant 0xFF800000 : f32
    %broadcast_in_dim3A_3579 = vector.broadcast %jit3A_3578 : f32 to vector<512x128xf32>
    %select_n3A_3580 = arith.select %eq3A_3577, %broadcast_in_dim3A_3579, %select_n3A_3574 : vector<512x128xi1>, vector<512x128xf32>
    %sub3A_3581 = arith.subi %add3A_2902, %mul3A_3490 : vector<512x1xi32>
    %eq3A_3582 = vector.broadcast %sub3A_3581 : vector<512x1xi32> to vector<512x128xi32>
    %eq3A_3583 = arith.cmpi eq, %iota3A, %eq3A_3582 : vector<512x128xi32>
    %jit3A_3584 = arith.constant 0xFF800000 : f32
    %broadcast_in_dim3A_3585 = vector.broadcast %jit3A_3584 : f32 to vector<512x128xf32>
    %select_n3A_3586 = arith.select %eq3A_3583, %broadcast_in_dim3A_3585, %select_n3A_3580 : vector<512x128xi1>, vector<512x128xf32>
    %sub3A_3587 = arith.subi %add3A_3131, %mul3A_3490 : vector<512x1xi32>
    %eq3A_3588 = vector.broadcast %sub3A_3587 : vector<512x1xi32> to vector<512x128xi32>
    %eq3A_3589 = arith.cmpi eq, %iota3A, %eq3A_3588 : vector<512x128xi32>
    %jit3A_3590 = arith.constant 0xFF800000 : f32
    %broadcast_in_dim3A_3591 = vector.broadcast %jit3A_3590 : f32 to vector<512x128xf32>
    %select_n3A_3592 = arith.select %eq3A_3589, %broadcast_in_dim3A_3591, %select_n3A_3586 : vector<512x128xi1>, vector<512x128xf32>
    %sub3A_3593 = arith.subi %add3A_3366, %mul3A_3490 : vector<512x1xi32>
    %eq3A_3594 = vector.broadcast %sub3A_3593 : vector<512x1xi32> to vector<512x128xi32>
    %eq3A_3595 = arith.cmpi eq, %iota3A, %eq3A_3594 : vector<512x128xi32>
    %jit3A_3596 = arith.constant 0xFF800000 : f32
    %broadcast_in_dim3A_3597 = vector.broadcast %jit3A_3596 : f32 to vector<512x128xf32>
    %select_n3A_3598 = arith.select %eq3A_3595, %broadcast_in_dim3A_3597, %select_n3A_3592 : vector<512x128xi1>, vector<512x128xf32>
    %eq3A_3599 = vector.broadcast %broadcast_in_dim3A_3389 : vector<512x1xf32> to vector<512x128xf32>
    %eq3A_3600 = arith.cmpf oeq, %select_n3A_3598, %eq3A_3599 : vector<512x128xf32>
    %jit3A_3601 = arith.constant 128 : i32
    %broadcast_in_dim3A_3602 = vector.broadcast %jit3A_3601 : i32 to vector<512x128xi32>
    %select_n3A_3603 = arith.select %eq3A_3600, %iota3A, %broadcast_in_dim3A_3602 : vector<512x128xi1>, vector<512x128xi32>
    %reduce_min3A_3604 = arith.constant dense<2147483647> : vector<512xi32>
    %reduce_min3A_3605 = vector.multi_reduction <minsi>, %select_n3A_3603, %reduce_min3A_3604 [1] : vector<512x128xi32> to vector<512xi32>
    %broadcast_in_dim3A_3606 = vector.shape_cast %reduce_min3A_3605 : vector<512xi32> to vector<512x1xi32>
    %add3A_3607 = arith.addi %mul3A_3490, %broadcast_in_dim3A_3606 : vector<512x1xi32>
    %mul3A_3608 = arith.constant 2048 : i32
    %mul3A_3609 = arith.muli %arg0, %mul3A_3608 : i32
    %add3A_3610 = vector.broadcast %mul3A_3609 : i32 to vector<512x1xi32>
    %add3A_3611 = arith.addi %add3A_3607, %add3A_3610 : vector<512x1xi32>
    %swap3A_3612 = arith.constant 0 : index
    %swap3A_3613 = arith.constant 18 : index
    %swap3A_3614 = vector.load %arg6[%swap3A_3612, %swap3A_3613] : memref<512x20xi32, #tpu.memory_space<vmem>>, vector<512x1xi32>
    tpu.vector_store %arg6[%swap3A_3612, %swap3A_3613], %add3A_3611 {strides = array<i32>} : memref<512x20xi32, #tpu.memory_space<vmem>>, vector<512x1xi32>,
    %eq3A_3615 = vector.broadcast %broadcast_in_dim3A_3606 : vector<512x1xi32> to vector<512x128xi32>
    %eq3A_3616 = arith.cmpi eq, %iota3A, %eq3A_3615 : vector<512x128xi32>
    %jit3A_3617 = arith.constant 0xFF800000 : f32
    %broadcast_in_dim3A_3618 = vector.broadcast %jit3A_3617 : f32 to vector<512x128xf32>
    %select_n3A_3619 = arith.select %eq3A_3616, %broadcast_in_dim3A_3618, %select_n3A_3598 : vector<512x128xi1>, vector<512x128xf32>
    %reduce_max3A_3620 = arith.constant dense<0xFF800000> : vector<512xf32>
    %reduce_max3A_3621 = vector.multi_reduction <maximumf>, %select_n3A_3619, %reduce_max3A_3620 [1] : vector<512x128xf32> to vector<512xf32>
    %broadcast_in_dim3A_3622 = vector.shape_cast %reduce_max3A_3621 : vector<512xf32> to vector<512x1xf32>
    %eq3A_3623 = vector.broadcast %broadcast_in_dim3A_3397 : vector<512x1xi32> to vector<512x16xi32>
    %eq3A_3624 = arith.cmpi eq, %iota3A_19, %eq3A_3623 : vector<512x16xi32>
    %broadcast_in_dim3A_3625 = vector.shape_cast %broadcast_in_dim3A_3622 : vector<512x1xf32> to vector<512x1xf32>
    %broadcast_in_dim3A_3626 = vector.broadcast %broadcast_in_dim3A_3625 : vector<512x1xf32> to vector<512x16xf32>
    %select_n3A_3627 = arith.select %eq3A_3624, %broadcast_in_dim3A_3626, %select_n3A_3386 : vector<512x16xi1>, vector<512x16xf32>
    %reduce_max3A_3628 = arith.constant dense<0xFF800000> : vector<512xf32>
    %reduce_max3A_3629 = vector.multi_reduction <maximumf>, %select_n3A_3627, %reduce_max3A_3628 [1] : vector<512x16xf32> to vector<512xf32>
    %broadcast_in_dim3A_3630 = vector.shape_cast %reduce_max3A_3629 : vector<512xf32> to vector<512x1xf32>
    %eq3A_3631 = vector.broadcast %broadcast_in_dim3A_3630 : vector<512x1xf32> to vector<512x16xf32>
    %eq3A_3632 = arith.cmpf oeq, %select_n3A_3627, %eq3A_3631 : vector<512x16xf32>
    %jit3A_3633 = arith.constant 16 : i32
    %broadcast_in_dim3A_3634 = vector.broadcast %jit3A_3633 : i32 to vector<512x16xi32>
    %select_n3A_3635 = arith.select %eq3A_3632, %iota3A_19, %broadcast_in_dim3A_3634 : vector<512x16xi1>, vector<512x16xi32>
    %reduce_min3A_3636 = arith.constant dense<2147483647> : vector<512xi32>
    %reduce_min3A_3637 = vector.multi_reduction <minsi>, %select_n3A_3635, %reduce_min3A_3636 [1] : vector<512x16xi32> to vector<512xi32>
    %broadcast_in_dim3A_3638 = vector.shape_cast %reduce_min3A_3637 : vector<512xi32> to vector<512x1xi32>
    %eq3A_3639 = arith.constant 1 : i32
    %eq3A_3640 = vector.broadcast %eq3A_3639 : i32 to vector<512x1xi32>
    %eq3A_3641 = arith.cmpi eq, %broadcast_in_dim3A_3638, %eq3A_3640 : vector<512x1xi32>
    %broadcast_in_dim3A_3642 = vector.shape_cast %eq3A_3641 : vector<512x1xi1> to vector<512x1xi1>
    %broadcast_in_dim3A_3643 = vector.broadcast %broadcast_in_dim3A_3642 : vector<512x1xi1> to vector<512x128xi1>
    %select_n3A_3644 = arith.select %broadcast_in_dim3A_3643, %slice3A_20, %slice3A : vector<512x128xi1>, vector<512x128xf32>
    %eq3A_3645 = arith.constant 2 : i32
    %eq3A_3646 = vector.broadcast %eq3A_3645 : i32 to vector<512x1xi32>
    %eq3A_3647 = arith.cmpi eq, %broadcast_in_dim3A_3638, %eq3A_3646 : vector<512x1xi32>
    %broadcast_in_dim3A_3648 = vector.shape_cast %eq3A_3647 : vector<512x1xi1> to vector<512x1xi1>
    %broadcast_in_dim3A_3649 = vector.broadcast %broadcast_in_dim3A_3648 : vector<512x1xi1> to vector<512x128xi1>
    %select_n3A_3650 = arith.select %broadcast_in_dim3A_3649, %slice3A_21, %select_n3A_3644 : vector<512x128xi1>, vector<512x128xf32>
    %eq3A_3651 = arith.constant 3 : i32
    %eq3A_3652 = vector.broadcast %eq3A_3651 : i32 to vector<512x1xi32>
    %eq3A_3653 = arith.cmpi eq, %broadcast_in_dim3A_3638, %eq3A_3652 : vector<512x1xi32>
    %broadcast_in_dim3A_3654 = vector.shape_cast %eq3A_3653 : vector<512x1xi1> to vector<512x1xi1>
    %broadcast_in_dim3A_3655 = vector.broadcast %broadcast_in_dim3A_3654 : vector<512x1xi1> to vector<512x128xi1>
    %select_n3A_3656 = arith.select %broadcast_in_dim3A_3655, %slice3A_22, %select_n3A_3650 : vector<512x128xi1>, vector<512x128xf32>
    %eq3A_3657 = arith.constant 4 : i32
    %eq3A_3658 = vector.broadcast %eq3A_3657 : i32 to vector<512x1xi32>
    %eq3A_3659 = arith.cmpi eq, %broadcast_in_dim3A_3638, %eq3A_3658 : vector<512x1xi32>
    %broadcast_in_dim3A_3660 = vector.shape_cast %eq3A_3659 : vector<512x1xi1> to vector<512x1xi1>
    %broadcast_in_dim3A_3661 = vector.broadcast %broadcast_in_dim3A_3660 : vector<512x1xi1> to vector<512x128xi1>
    %select_n3A_3662 = arith.select %broadcast_in_dim3A_3661, %slice3A_23, %select_n3A_3656 : vector<512x128xi1>, vector<512x128xf32>
    %eq3A_3663 = arith.constant 5 : i32
    %eq3A_3664 = vector.broadcast %eq3A_3663 : i32 to vector<512x1xi32>
    %eq3A_3665 = arith.cmpi eq, %broadcast_in_dim3A_3638, %eq3A_3664 : vector<512x1xi32>
    %broadcast_in_dim3A_3666 = vector.shape_cast %eq3A_3665 : vector<512x1xi1> to vector<512x1xi1>
    %broadcast_in_dim3A_3667 = vector.broadcast %broadcast_in_dim3A_3666 : vector<512x1xi1> to vector<512x128xi1>
    %select_n3A_3668 = arith.select %broadcast_in_dim3A_3667, %slice3A_24, %select_n3A_3662 : vector<512x128xi1>, vector<512x128xf32>
    %eq3A_3669 = arith.constant 6 : i32
    %eq3A_3670 = vector.broadcast %eq3A_3669 : i32 to vector<512x1xi32>
    %eq3A_3671 = arith.cmpi eq, %broadcast_in_dim3A_3638, %eq3A_3670 : vector<512x1xi32>
    %broadcast_in_dim3A_3672 = vector.shape_cast %eq3A_3671 : vector<512x1xi1> to vector<512x1xi1>
    %broadcast_in_dim3A_3673 = vector.broadcast %broadcast_in_dim3A_3672 : vector<512x1xi1> to vector<512x128xi1>
    %select_n3A_3674 = arith.select %broadcast_in_dim3A_3673, %slice3A_25, %select_n3A_3668 : vector<512x128xi1>, vector<512x128xf32>
    %eq3A_3675 = arith.constant 7 : i32
    %eq3A_3676 = vector.broadcast %eq3A_3675 : i32 to vector<512x1xi32>
    %eq3A_3677 = arith.cmpi eq, %broadcast_in_dim3A_3638, %eq3A_3676 : vector<512x1xi32>
    %broadcast_in_dim3A_3678 = vector.shape_cast %eq3A_3677 : vector<512x1xi1> to vector<512x1xi1>
    %broadcast_in_dim3A_3679 = vector.broadcast %broadcast_in_dim3A_3678 : vector<512x1xi1> to vector<512x128xi1>
    %select_n3A_3680 = arith.select %broadcast_in_dim3A_3679, %slice3A_26, %select_n3A_3674 : vector<512x128xi1>, vector<512x128xf32>
    %eq3A_3681 = arith.constant 8 : i32
    %eq3A_3682 = vector.broadcast %eq3A_3681 : i32 to vector<512x1xi32>
    %eq3A_3683 = arith.cmpi eq, %broadcast_in_dim3A_3638, %eq3A_3682 : vector<512x1xi32>
    %broadcast_in_dim3A_3684 = vector.shape_cast %eq3A_3683 : vector<512x1xi1> to vector<512x1xi1>
    %broadcast_in_dim3A_3685 = vector.broadcast %broadcast_in_dim3A_3684 : vector<512x1xi1> to vector<512x128xi1>
    %select_n3A_3686 = arith.select %broadcast_in_dim3A_3685, %slice3A_27, %select_n3A_3680 : vector<512x128xi1>, vector<512x128xf32>
    %eq3A_3687 = arith.constant 9 : i32
    %eq3A_3688 = vector.broadcast %eq3A_3687 : i32 to vector<512x1xi32>
    %eq3A_3689 = arith.cmpi eq, %broadcast_in_dim3A_3638, %eq3A_3688 : vector<512x1xi32>
    %broadcast_in_dim3A_3690 = vector.shape_cast %eq3A_3689 : vector<512x1xi1> to vector<512x1xi1>
    %broadcast_in_dim3A_3691 = vector.broadcast %broadcast_in_dim3A_3690 : vector<512x1xi1> to vector<512x128xi1>
    %select_n3A_3692 = arith.select %broadcast_in_dim3A_3691, %slice3A_28, %select_n3A_3686 : vector<512x128xi1>, vector<512x128xf32>
    %eq3A_3693 = arith.constant 10 : i32
    %eq3A_3694 = vector.broadcast %eq3A_3693 : i32 to vector<512x1xi32>
    %eq3A_3695 = arith.cmpi eq, %broadcast_in_dim3A_3638, %eq3A_3694 : vector<512x1xi32>
    %broadcast_in_dim3A_3696 = vector.shape_cast %eq3A_3695 : vector<512x1xi1> to vector<512x1xi1>
    %broadcast_in_dim3A_3697 = vector.broadcast %broadcast_in_dim3A_3696 : vector<512x1xi1> to vector<512x128xi1>
    %select_n3A_3698 = arith.select %broadcast_in_dim3A_3697, %slice3A_29, %select_n3A_3692 : vector<512x128xi1>, vector<512x128xf32>
    %eq3A_3699 = arith.constant 11 : i32
    %eq3A_3700 = vector.broadcast %eq3A_3699 : i32 to vector<512x1xi32>
    %eq3A_3701 = arith.cmpi eq, %broadcast_in_dim3A_3638, %eq3A_3700 : vector<512x1xi32>
    %broadcast_in_dim3A_3702 = vector.shape_cast %eq3A_3701 : vector<512x1xi1> to vector<512x1xi1>
    %broadcast_in_dim3A_3703 = vector.broadcast %broadcast_in_dim3A_3702 : vector<512x1xi1> to vector<512x128xi1>
    %select_n3A_3704 = arith.select %broadcast_in_dim3A_3703, %slice3A_30, %select_n3A_3698 : vector<512x128xi1>, vector<512x128xf32>
    %eq3A_3705 = arith.constant 12 : i32
    %eq3A_3706 = vector.broadcast %eq3A_3705 : i32 to vector<512x1xi32>
    %eq3A_3707 = arith.cmpi eq, %broadcast_in_dim3A_3638, %eq3A_3706 : vector<512x1xi32>
    %broadcast_in_dim3A_3708 = vector.shape_cast %eq3A_3707 : vector<512x1xi1> to vector<512x1xi1>
    %broadcast_in_dim3A_3709 = vector.broadcast %broadcast_in_dim3A_3708 : vector<512x1xi1> to vector<512x128xi1>
    %select_n3A_3710 = arith.select %broadcast_in_dim3A_3709, %slice3A_31, %select_n3A_3704 : vector<512x128xi1>, vector<512x128xf32>
    %eq3A_3711 = arith.constant 13 : i32
    %eq3A_3712 = vector.broadcast %eq3A_3711 : i32 to vector<512x1xi32>
    %eq3A_3713 = arith.cmpi eq, %broadcast_in_dim3A_3638, %eq3A_3712 : vector<512x1xi32>
    %broadcast_in_dim3A_3714 = vector.shape_cast %eq3A_3713 : vector<512x1xi1> to vector<512x1xi1>
    %broadcast_in_dim3A_3715 = vector.broadcast %broadcast_in_dim3A_3714 : vector<512x1xi1> to vector<512x128xi1>
    %select_n3A_3716 = arith.select %broadcast_in_dim3A_3715, %slice3A_32, %select_n3A_3710 : vector<512x128xi1>, vector<512x128xf32>
    %eq3A_3717 = arith.constant 14 : i32
    %eq3A_3718 = vector.broadcast %eq3A_3717 : i32 to vector<512x1xi32>
    %eq3A_3719 = arith.cmpi eq, %broadcast_in_dim3A_3638, %eq3A_3718 : vector<512x1xi32>
    %broadcast_in_dim3A_3720 = vector.shape_cast %eq3A_3719 : vector<512x1xi1> to vector<512x1xi1>
    %broadcast_in_dim3A_3721 = vector.broadcast %broadcast_in_dim3A_3720 : vector<512x1xi1> to vector<512x128xi1>
    %select_n3A_3722 = arith.select %broadcast_in_dim3A_3721, %slice3A_33, %select_n3A_3716 : vector<512x128xi1>, vector<512x128xf32>
    %eq3A_3723 = arith.constant 15 : i32
    %eq3A_3724 = vector.broadcast %eq3A_3723 : i32 to vector<512x1xi32>
    %eq3A_3725 = arith.cmpi eq, %broadcast_in_dim3A_3638, %eq3A_3724 : vector<512x1xi32>
    %broadcast_in_dim3A_3726 = vector.shape_cast %eq3A_3725 : vector<512x1xi1> to vector<512x1xi1>
    %broadcast_in_dim3A_3727 = vector.broadcast %broadcast_in_dim3A_3726 : vector<512x1xi1> to vector<512x128xi1>
    %select_n3A_3728 = arith.select %broadcast_in_dim3A_3727, %slice3A_34, %select_n3A_3722 : vector<512x128xi1>, vector<512x128xf32>
    %mul3A_3729 = arith.constant 128 : i32
    %mul3A_3730 = vector.broadcast %mul3A_3729 : i32 to vector<512x1xi32>
    %mul3A_3731 = arith.muli %broadcast_in_dim3A_3638, %mul3A_3730 : vector<512x1xi32>
    %sub3A_3732 = arith.subi %add3A, %mul3A_3731 : vector<512x1xi32>
    %eq3A_3733 = vector.broadcast %sub3A_3732 : vector<512x1xi32> to vector<512x128xi32>
    %eq3A_3734 = arith.cmpi eq, %iota3A, %eq3A_3733 : vector<512x128xi32>
    %jit3A_3735 = arith.constant 0xFF800000 : f32
    %broadcast_in_dim3A_3736 = vector.broadcast %jit3A_3735 : f32 to vector<512x128xf32>
    %select_n3A_3737 = arith.select %eq3A_3734, %broadcast_in_dim3A_3736, %select_n3A_3728 : vector<512x128xi1>, vector<512x128xf32>
    %sub3A_3738 = arith.subi %add3A_326, %mul3A_3731 : vector<512x1xi32>
    %eq3A_3739 = vector.broadcast %sub3A_3738 : vector<512x1xi32> to vector<512x128xi32>
    %eq3A_3740 = arith.cmpi eq, %iota3A, %eq3A_3739 : vector<512x128xi32>
    %jit3A_3741 = arith.constant 0xFF800000 : f32
    %broadcast_in_dim3A_3742 = vector.broadcast %jit3A_3741 : f32 to vector<512x128xf32>
    %select_n3A_3743 = arith.select %eq3A_3740, %broadcast_in_dim3A_3742, %select_n3A_3737 : vector<512x128xi1>, vector<512x128xf32>
    %sub3A_3744 = arith.subi %add3A_471, %mul3A_3731 : vector<512x1xi32>
    %eq3A_3745 = vector.broadcast %sub3A_3744 : vector<512x1xi32> to vector<512x128xi32>
    %eq3A_3746 = arith.cmpi eq, %iota3A, %eq3A_3745 : vector<512x128xi32>
    %jit3A_3747 = arith.constant 0xFF800000 : f32
    %broadcast_in_dim3A_3748 = vector.broadcast %jit3A_3747 : f32 to vector<512x128xf32>
    %select_n3A_3749 = arith.select %eq3A_3746, %broadcast_in_dim3A_3748, %select_n3A_3743 : vector<512x128xi1>, vector<512x128xf32>
    %sub3A_3750 = arith.subi %add3A_622, %mul3A_3731 : vector<512x1xi32>
    %eq3A_3751 = vector.broadcast %sub3A_3750 : vector<512x1xi32> to vector<512x128xi32>
    %eq3A_3752 = arith.cmpi eq, %iota3A, %eq3A_3751 : vector<512x128xi32>
    %jit3A_3753 = arith.constant 0xFF800000 : f32
    %broadcast_in_dim3A_3754 = vector.broadcast %jit3A_3753 : f32 to vector<512x128xf32>
    %select_n3A_3755 = arith.select %eq3A_3752, %broadcast_in_dim3A_3754, %select_n3A_3749 : vector<512x128xi1>, vector<512x128xf32>
    %sub3A_3756 = arith.subi %add3A_779, %mul3A_3731 : vector<512x1xi32>
    %eq3A_3757 = vector.broadcast %sub3A_3756 : vector<512x1xi32> to vector<512x128xi32>
    %eq3A_3758 = arith.cmpi eq, %iota3A, %eq3A_3757 : vector<512x128xi32>
    %jit3A_3759 = arith.constant 0xFF800000 : f32
    %broadcast_in_dim3A_3760 = vector.broadcast %jit3A_3759 : f32 to vector<512x128xf32>
    %select_n3A_3761 = arith.select %eq3A_3758, %broadcast_in_dim3A_3760, %select_n3A_3755 : vector<512x128xi1>, vector<512x128xf32>
    %sub3A_3762 = arith.subi %add3A_942, %mul3A_3731 : vector<512x1xi32>
    %eq3A_3763 = vector.broadcast %sub3A_3762 : vector<512x1xi32> to vector<512x128xi32>
    %eq3A_3764 = arith.cmpi eq, %iota3A, %eq3A_3763 : vector<512x128xi32>
    %jit3A_3765 = arith.constant 0xFF800000 : f32
    %broadcast_in_dim3A_3766 = vector.broadcast %jit3A_3765 : f32 to vector<512x128xf32>
    %select_n3A_3767 = arith.select %eq3A_3764, %broadcast_in_dim3A_3766, %select_n3A_3761 : vector<512x128xi1>, vector<512x128xf32>
    %sub3A_3768 = arith.subi %add3A_1111, %mul3A_3731 : vector<512x1xi32>
    %eq3A_3769 = vector.broadcast %sub3A_3768 : vector<512x1xi32> to vector<512x128xi32>
    %eq3A_3770 = arith.cmpi eq, %iota3A, %eq3A_3769 : vector<512x128xi32>
    %jit3A_3771 = arith.constant 0xFF800000 : f32
    %broadcast_in_dim3A_3772 = vector.broadcast %jit3A_3771 : f32 to vector<512x128xf32>
    %select_n3A_3773 = arith.select %eq3A_3770, %broadcast_in_dim3A_3772, %select_n3A_3767 : vector<512x128xi1>, vector<512x128xf32>
    %sub3A_3774 = arith.subi %add3A_1286, %mul3A_3731 : vector<512x1xi32>
    %eq3A_3775 = vector.broadcast %sub3A_3774 : vector<512x1xi32> to vector<512x128xi32>
    %eq3A_3776 = arith.cmpi eq, %iota3A, %eq3A_3775 : vector<512x128xi32>
    %jit3A_3777 = arith.constant 0xFF800000 : f32
    %broadcast_in_dim3A_3778 = vector.broadcast %jit3A_3777 : f32 to vector<512x128xf32>
    %select_n3A_3779 = arith.select %eq3A_3776, %broadcast_in_dim3A_3778, %select_n3A_3773 : vector<512x128xi1>, vector<512x128xf32>
    %sub3A_3780 = arith.subi %add3A_1467, %mul3A_3731 : vector<512x1xi32>
    %eq3A_3781 = vector.broadcast %sub3A_3780 : vector<512x1xi32> to vector<512x128xi32>
    %eq3A_3782 = arith.cmpi eq, %iota3A, %eq3A_3781 : vector<512x128xi32>
    %jit3A_3783 = arith.constant 0xFF800000 : f32
    %broadcast_in_dim3A_3784 = vector.broadcast %jit3A_3783 : f32 to vector<512x128xf32>
    %select_n3A_3785 = arith.select %eq3A_3782, %broadcast_in_dim3A_3784, %select_n3A_3779 : vector<512x128xi1>, vector<512x128xf32>
    %sub3A_3786 = arith.subi %add3A_1654, %mul3A_3731 : vector<512x1xi32>
    %eq3A_3787 = vector.broadcast %sub3A_3786 : vector<512x1xi32> to vector<512x128xi32>
    %eq3A_3788 = arith.cmpi eq, %iota3A, %eq3A_3787 : vector<512x128xi32>
    %jit3A_3789 = arith.constant 0xFF800000 : f32
    %broadcast_in_dim3A_3790 = vector.broadcast %jit3A_3789 : f32 to vector<512x128xf32>
    %select_n3A_3791 = arith.select %eq3A_3788, %broadcast_in_dim3A_3790, %select_n3A_3785 : vector<512x128xi1>, vector<512x128xf32>
    %sub3A_3792 = arith.subi %add3A_1847, %mul3A_3731 : vector<512x1xi32>
    %eq3A_3793 = vector.broadcast %sub3A_3792 : vector<512x1xi32> to vector<512x128xi32>
    %eq3A_3794 = arith.cmpi eq, %iota3A, %eq3A_3793 : vector<512x128xi32>
    %jit3A_3795 = arith.constant 0xFF800000 : f32
    %broadcast_in_dim3A_3796 = vector.broadcast %jit3A_3795 : f32 to vector<512x128xf32>
    %select_n3A_3797 = arith.select %eq3A_3794, %broadcast_in_dim3A_3796, %select_n3A_3791 : vector<512x128xi1>, vector<512x128xf32>
    %sub3A_3798 = arith.subi %add3A_2046, %mul3A_3731 : vector<512x1xi32>
    %eq3A_3799 = vector.broadcast %sub3A_3798 : vector<512x1xi32> to vector<512x128xi32>
    %eq3A_3800 = arith.cmpi eq, %iota3A, %eq3A_3799 : vector<512x128xi32>
    %jit3A_3801 = arith.constant 0xFF800000 : f32
    %broadcast_in_dim3A_3802 = vector.broadcast %jit3A_3801 : f32 to vector<512x128xf32>
    %select_n3A_3803 = arith.select %eq3A_3800, %broadcast_in_dim3A_3802, %select_n3A_3797 : vector<512x128xi1>, vector<512x128xf32>
    %sub3A_3804 = arith.subi %add3A_2251, %mul3A_3731 : vector<512x1xi32>
    %eq3A_3805 = vector.broadcast %sub3A_3804 : vector<512x1xi32> to vector<512x128xi32>
    %eq3A_3806 = arith.cmpi eq, %iota3A, %eq3A_3805 : vector<512x128xi32>
    %jit3A_3807 = arith.constant 0xFF800000 : f32
    %broadcast_in_dim3A_3808 = vector.broadcast %jit3A_3807 : f32 to vector<512x128xf32>
    %select_n3A_3809 = arith.select %eq3A_3806, %broadcast_in_dim3A_3808, %select_n3A_3803 : vector<512x128xi1>, vector<512x128xf32>
    %sub3A_3810 = arith.subi %add3A_2462, %mul3A_3731 : vector<512x1xi32>
    %eq3A_3811 = vector.broadcast %sub3A_3810 : vector<512x1xi32> to vector<512x128xi32>
    %eq3A_3812 = arith.cmpi eq, %iota3A, %eq3A_3811 : vector<512x128xi32>
    %jit3A_3813 = arith.constant 0xFF800000 : f32
    %broadcast_in_dim3A_3814 = vector.broadcast %jit3A_3813 : f32 to vector<512x128xf32>
    %select_n3A_3815 = arith.select %eq3A_3812, %broadcast_in_dim3A_3814, %select_n3A_3809 : vector<512x128xi1>, vector<512x128xf32>
    %sub3A_3816 = arith.subi %add3A_2679, %mul3A_3731 : vector<512x1xi32>
    %eq3A_3817 = vector.broadcast %sub3A_3816 : vector<512x1xi32> to vector<512x128xi32>
    %eq3A_3818 = arith.cmpi eq, %iota3A, %eq3A_3817 : vector<512x128xi32>
    %jit3A_3819 = arith.constant 0xFF800000 : f32
    %broadcast_in_dim3A_3820 = vector.broadcast %jit3A_3819 : f32 to vector<512x128xf32>
    %select_n3A_3821 = arith.select %eq3A_3818, %broadcast_in_dim3A_3820, %select_n3A_3815 : vector<512x128xi1>, vector<512x128xf32>
    %sub3A_3822 = arith.subi %add3A_2902, %mul3A_3731 : vector<512x1xi32>
    %eq3A_3823 = vector.broadcast %sub3A_3822 : vector<512x1xi32> to vector<512x128xi32>
    %eq3A_3824 = arith.cmpi eq, %iota3A, %eq3A_3823 : vector<512x128xi32>
    %jit3A_3825 = arith.constant 0xFF800000 : f32
    %broadcast_in_dim3A_3826 = vector.broadcast %jit3A_3825 : f32 to vector<512x128xf32>
    %select_n3A_3827 = arith.select %eq3A_3824, %broadcast_in_dim3A_3826, %select_n3A_3821 : vector<512x128xi1>, vector<512x128xf32>
    %sub3A_3828 = arith.subi %add3A_3131, %mul3A_3731 : vector<512x1xi32>
    %eq3A_3829 = vector.broadcast %sub3A_3828 : vector<512x1xi32> to vector<512x128xi32>
    %eq3A_3830 = arith.cmpi eq, %iota3A, %eq3A_3829 : vector<512x128xi32>
    %jit3A_3831 = arith.constant 0xFF800000 : f32
    %broadcast_in_dim3A_3832 = vector.broadcast %jit3A_3831 : f32 to vector<512x128xf32>
    %select_n3A_3833 = arith.select %eq3A_3830, %broadcast_in_dim3A_3832, %select_n3A_3827 : vector<512x128xi1>, vector<512x128xf32>
    %sub3A_3834 = arith.subi %add3A_3366, %mul3A_3731 : vector<512x1xi32>
    %eq3A_3835 = vector.broadcast %sub3A_3834 : vector<512x1xi32> to vector<512x128xi32>
    %eq3A_3836 = arith.cmpi eq, %iota3A, %eq3A_3835 : vector<512x128xi32>
    %jit3A_3837 = arith.constant 0xFF800000 : f32
    %broadcast_in_dim3A_3838 = vector.broadcast %jit3A_3837 : f32 to vector<512x128xf32>
    %select_n3A_3839 = arith.select %eq3A_3836, %broadcast_in_dim3A_3838, %select_n3A_3833 : vector<512x128xi1>, vector<512x128xf32>
    %sub3A_3840 = arith.subi %add3A_3607, %mul3A_3731 : vector<512x1xi32>
    %eq3A_3841 = vector.broadcast %sub3A_3840 : vector<512x1xi32> to vector<512x128xi32>
    %eq3A_3842 = arith.cmpi eq, %iota3A, %eq3A_3841 : vector<512x128xi32>
    %jit3A_3843 = arith.constant 0xFF800000 : f32
    %broadcast_in_dim3A_3844 = vector.broadcast %jit3A_3843 : f32 to vector<512x128xf32>
    %select_n3A_3845 = arith.select %eq3A_3842, %broadcast_in_dim3A_3844, %select_n3A_3839 : vector<512x128xi1>, vector<512x128xf32>
    %eq3A_3846 = vector.broadcast %broadcast_in_dim3A_3630 : vector<512x1xf32> to vector<512x128xf32>
    %eq3A_3847 = arith.cmpf oeq, %select_n3A_3845, %eq3A_3846 : vector<512x128xf32>
    %jit3A_3848 = arith.constant 128 : i32
    %broadcast_in_dim3A_3849 = vector.broadcast %jit3A_3848 : i32 to vector<512x128xi32>
    %select_n3A_3850 = arith.select %eq3A_3847, %iota3A, %broadcast_in_dim3A_3849 : vector<512x128xi1>, vector<512x128xi32>
    %reduce_min3A_3851 = arith.constant dense<2147483647> : vector<512xi32>
    %reduce_min3A_3852 = vector.multi_reduction <minsi>, %select_n3A_3850, %reduce_min3A_3851 [1] : vector<512x128xi32> to vector<512xi32>
    %broadcast_in_dim3A_3853 = vector.shape_cast %reduce_min3A_3852 : vector<512xi32> to vector<512x1xi32>
    %add3A_3854 = arith.addi %mul3A_3731, %broadcast_in_dim3A_3853 : vector<512x1xi32>
    %mul3A_3855 = arith.constant 2048 : i32
    %mul3A_3856 = arith.muli %arg0, %mul3A_3855 : i32
    %add3A_3857 = vector.broadcast %mul3A_3856 : i32 to vector<512x1xi32>
    %add3A_3858 = arith.addi %add3A_3854, %add3A_3857 : vector<512x1xi32>
    %swap3A_3859 = arith.constant 0 : index
    %swap3A_3860 = arith.constant 19 : index
    %swap3A_3861 = vector.load %arg6[%swap3A_3859, %swap3A_3860] : memref<512x20xi32, #tpu.memory_space<vmem>>, vector<512x1xi32>
    tpu.vector_store %arg6[%swap3A_3859, %swap3A_3860], %add3A_3858 {strides = array<i32>} : memref<512x20xi32, #tpu.memory_space<vmem>>, vector<512x1xi32>,
    return
  }
  func.func @transform_0(%arg0: i32, %arg1: i32) -> (i32, i32) {
    %mul3A = arith.constant 4 : i32
    %mul3A_0 = arith.muli %arg0, %mul3A : i32
    %add3A = arith.addi %mul3A_0, %arg1 : i32
    %c0_i32 = arith.constant 0 : i32
    %c0_i32_1 = arith.constant 0 : i32
    return %add3A, %c0_i32 : i32, i32
  }
  func.func @transform_1(%arg0: i32, %arg1: i32) -> (i32, i32) {
    %c0_i32 = arith.constant 0 : i32
    %c0_i32_0 = arith.constant 0 : i32
    return %arg0, %c0_i32 : i32, i32
  }
  func.func @transform_2(%arg0: i32, %arg1: i32) -> (i32, i32) {
    %mul3A = arith.constant 4 : i32
    %mul3A_0 = arith.muli %arg0, %mul3A : i32
    %add3A = arith.addi %mul3A_0, %arg1 : i32
    %c0_i32 = arith.constant 0 : i32
    %c0_i32_1 = arith.constant 0 : i32
    return %add3A, %c0_i32 : i32, i32
  }
  func.func @transform_3(%arg0: i32, %arg1: i32) -> (i32, i32, i32) {
    %c0_i32 = arith.constant 0 : i32
    %c0_i32_0 = arith.constant 0 : i32
    %c0_i32_1 = arith.constant 0 : i32
    return %arg0, %c0_i32, %c0_i32_0 : i32, i32, i32
  }
  func.func @transform_4(%arg0: i32, %arg1: i32) -> (i32, i32) {
    %mul3A = arith.constant 4 : i32
    %mul3A_0 = arith.muli %arg0, %mul3A : i32
    %add3A = arith.addi %mul3A_0, %arg1 : i32
    %c0_i32 = arith.constant 0 : i32
    %c0_i32_1 = arith.constant 0 : i32
    return %add3A, %c0_i32 : i32, i32
  }
}

module attributes {stable_mosaic.version = 14 : i64} {
  func.func @_econv_body(%arg0: i32, %arg1: memref<2560x128xf32, #tpu.memory_space<vmem>>, %arg2: memref<128x128xf32, #tpu.memory_space<vmem>>, %arg3: memref<128x32xf32, #tpu.memory_space<vmem>>, %arg4: memref<128x128xf32, #tpu.memory_space<vmem>>, %arg5: memref<2x128xf32, #tpu.memory_space<vmem>>) attributes {dimension_semantics = [#tpu.dimension_semantics<arbitrary>], iteration_bounds = array<i64: 64>, scalar_prefetch = 0 : i64, scratch_operands = 0 : i64, tpu.core_type = #tpu.core_type<tc>, window_params = [{transform_indices = @transform_0, window_bounds = array<i64: 2560, 128>}, {transform_indices = @transform_1, window_bounds = array<i64: 128, 128>}, {pipeline_mode = #tpu.pipeline_mode<synchronous>, transform_indices = @transform_2, window_bounds = array<i64: 128, 32>}, {transform_indices = @transform_3, window_bounds = array<i64: 128, 128>}, {pipeline_mode = #tpu.pipeline_mode<synchronous>, transform_indices = @transform_4, window_bounds = array<i64: 2, 128>}]} {
    %get3A = arith.constant 0 : index
    %get3A_0 = arith.constant 0 : index
    %get3A_1 = vector.load %arg3[%get3A, %get3A_0] : memref<128x32xf32, #tpu.memory_space<vmem>>, vector<128x32xf32>
    %get3A_2 = arith.constant 0 : index
    %get3A_3 = arith.constant 0 : index
    %get3A_4 = vector.load %arg2[%get3A_2, %get3A_3] : memref<128x128xf32, #tpu.memory_space<vmem>>, vector<128x16xf32>
    %get3A_5 = arith.constant 0 : index
    %get3A_6 = arith.constant 0 : index
    %get3A_7 = vector.load %arg1[%get3A_5, %get3A_6] : memref<2560x128xf32, #tpu.memory_space<vmem>>, vector<128x16xf32>
    %sub3A = arith.subf %get3A_7, %get3A_4 : vector<128x16xf32>
    %concatenate3A = tpu.concatenate %sub3A, %get3A_4 in 1 : vector<128x16xf32>, vector<128x16xf32> -> vector<128x32xf32>
    %dot_general3A = arith.constant dense<0.000000e+00> : vector<128x128xf32>
    %dot_general3A_8 = tpu.matmul %concatenate3A, %get3A_1, %dot_general3A {dimension_numbers = #tpu.dot_dimension_numbers<[1], [1], [0], [0], [0, 0, 1, 0], [], []>, transpose_lhs_hint = false} : vector<128x32xf32>, vector<128x32xf32>, vector<128x128xf32> -> vector<128x128xf32>
    %mul3A = arith.mulf %dot_general3A_8, %dot_general3A_8 : vector<128x128xf32>
    %get3A_9 = arith.constant 128 : index
    %get3A_10 = arith.constant 0 : index
    %get3A_11 = vector.load %arg1[%get3A_9, %get3A_10] : memref<2560x128xf32, #tpu.memory_space<vmem>>, vector<128x16xf32>
    %sub3A_12 = arith.subf %get3A_11, %get3A_4 : vector<128x16xf32>
    %concatenate3A_13 = tpu.concatenate %sub3A_12, %get3A_4 in 1 : vector<128x16xf32>, vector<128x16xf32> -> vector<128x32xf32>
    %dot_general3A_14 = arith.constant dense<0.000000e+00> : vector<128x128xf32>
    %dot_general3A_15 = tpu.matmul %concatenate3A_13, %get3A_1, %dot_general3A_14 {dimension_numbers = #tpu.dot_dimension_numbers<[1], [1], [0], [0], [0, 0, 1, 0], [], []>, transpose_lhs_hint = false} : vector<128x32xf32>, vector<128x32xf32>, vector<128x128xf32> -> vector<128x128xf32>
    %max3A = arith.maximumf %dot_general3A_8, %dot_general3A_15 : vector<128x128xf32>
    %add3A = arith.addf %dot_general3A_8, %dot_general3A_15 : vector<128x128xf32>
    %mul3A_16 = arith.mulf %dot_general3A_15, %dot_general3A_15 : vector<128x128xf32>
    %add3A_17 = arith.addf %mul3A, %mul3A_16 : vector<128x128xf32>
    %get3A_18 = arith.constant 256 : index
    %get3A_19 = arith.constant 0 : index
    %get3A_20 = vector.load %arg1[%get3A_18, %get3A_19] : memref<2560x128xf32, #tpu.memory_space<vmem>>, vector<128x16xf32>
    %sub3A_21 = arith.subf %get3A_20, %get3A_4 : vector<128x16xf32>
    %concatenate3A_22 = tpu.concatenate %sub3A_21, %get3A_4 in 1 : vector<128x16xf32>, vector<128x16xf32> -> vector<128x32xf32>
    %dot_general3A_23 = arith.constant dense<0.000000e+00> : vector<128x128xf32>
    %dot_general3A_24 = tpu.matmul %concatenate3A_22, %get3A_1, %dot_general3A_23 {dimension_numbers = #tpu.dot_dimension_numbers<[1], [1], [0], [0], [0, 0, 1, 0], [], []>, transpose_lhs_hint = false} : vector<128x32xf32>, vector<128x32xf32>, vector<128x128xf32> -> vector<128x128xf32>
    %max3A_25 = arith.maximumf %max3A, %dot_general3A_24 : vector<128x128xf32>
    %add3A_26 = arith.addf %add3A, %dot_general3A_24 : vector<128x128xf32>
    %mul3A_27 = arith.mulf %dot_general3A_24, %dot_general3A_24 : vector<128x128xf32>
    %add3A_28 = arith.addf %add3A_17, %mul3A_27 : vector<128x128xf32>
    %get3A_29 = arith.constant 384 : index
    %get3A_30 = arith.constant 0 : index
    %get3A_31 = vector.load %arg1[%get3A_29, %get3A_30] : memref<2560x128xf32, #tpu.memory_space<vmem>>, vector<128x16xf32>
    %sub3A_32 = arith.subf %get3A_31, %get3A_4 : vector<128x16xf32>
    %concatenate3A_33 = tpu.concatenate %sub3A_32, %get3A_4 in 1 : vector<128x16xf32>, vector<128x16xf32> -> vector<128x32xf32>
    %dot_general3A_34 = arith.constant dense<0.000000e+00> : vector<128x128xf32>
    %dot_general3A_35 = tpu.matmul %concatenate3A_33, %get3A_1, %dot_general3A_34 {dimension_numbers = #tpu.dot_dimension_numbers<[1], [1], [0], [0], [0, 0, 1, 0], [], []>, transpose_lhs_hint = false} : vector<128x32xf32>, vector<128x32xf32>, vector<128x128xf32> -> vector<128x128xf32>
    %max3A_36 = arith.maximumf %max3A_25, %dot_general3A_35 : vector<128x128xf32>
    %add3A_37 = arith.addf %add3A_26, %dot_general3A_35 : vector<128x128xf32>
    %mul3A_38 = arith.mulf %dot_general3A_35, %dot_general3A_35 : vector<128x128xf32>
    %add3A_39 = arith.addf %add3A_28, %mul3A_38 : vector<128x128xf32>
    %get3A_40 = arith.constant 512 : index
    %get3A_41 = arith.constant 0 : index
    %get3A_42 = vector.load %arg1[%get3A_40, %get3A_41] : memref<2560x128xf32, #tpu.memory_space<vmem>>, vector<128x16xf32>
    %sub3A_43 = arith.subf %get3A_42, %get3A_4 : vector<128x16xf32>
    %concatenate3A_44 = tpu.concatenate %sub3A_43, %get3A_4 in 1 : vector<128x16xf32>, vector<128x16xf32> -> vector<128x32xf32>
    %dot_general3A_45 = arith.constant dense<0.000000e+00> : vector<128x128xf32>
    %dot_general3A_46 = tpu.matmul %concatenate3A_44, %get3A_1, %dot_general3A_45 {dimension_numbers = #tpu.dot_dimension_numbers<[1], [1], [0], [0], [0, 0, 1, 0], [], []>, transpose_lhs_hint = false} : vector<128x32xf32>, vector<128x32xf32>, vector<128x128xf32> -> vector<128x128xf32>
    %max3A_47 = arith.maximumf %max3A_36, %dot_general3A_46 : vector<128x128xf32>
    %add3A_48 = arith.addf %add3A_37, %dot_general3A_46 : vector<128x128xf32>
    %mul3A_49 = arith.mulf %dot_general3A_46, %dot_general3A_46 : vector<128x128xf32>
    %add3A_50 = arith.addf %add3A_39, %mul3A_49 : vector<128x128xf32>
    %get3A_51 = arith.constant 640 : index
    %get3A_52 = arith.constant 0 : index
    %get3A_53 = vector.load %arg1[%get3A_51, %get3A_52] : memref<2560x128xf32, #tpu.memory_space<vmem>>, vector<128x16xf32>
    %sub3A_54 = arith.subf %get3A_53, %get3A_4 : vector<128x16xf32>
    %concatenate3A_55 = tpu.concatenate %sub3A_54, %get3A_4 in 1 : vector<128x16xf32>, vector<128x16xf32> -> vector<128x32xf32>
    %dot_general3A_56 = arith.constant dense<0.000000e+00> : vector<128x128xf32>
    %dot_general3A_57 = tpu.matmul %concatenate3A_55, %get3A_1, %dot_general3A_56 {dimension_numbers = #tpu.dot_dimension_numbers<[1], [1], [0], [0], [0, 0, 1, 0], [], []>, transpose_lhs_hint = false} : vector<128x32xf32>, vector<128x32xf32>, vector<128x128xf32> -> vector<128x128xf32>
    %max3A_58 = arith.maximumf %max3A_47, %dot_general3A_57 : vector<128x128xf32>
    %add3A_59 = arith.addf %add3A_48, %dot_general3A_57 : vector<128x128xf32>
    %mul3A_60 = arith.mulf %dot_general3A_57, %dot_general3A_57 : vector<128x128xf32>
    %add3A_61 = arith.addf %add3A_50, %mul3A_60 : vector<128x128xf32>
    %get3A_62 = arith.constant 768 : index
    %get3A_63 = arith.constant 0 : index
    %get3A_64 = vector.load %arg1[%get3A_62, %get3A_63] : memref<2560x128xf32, #tpu.memory_space<vmem>>, vector<128x16xf32>
    %sub3A_65 = arith.subf %get3A_64, %get3A_4 : vector<128x16xf32>
    %concatenate3A_66 = tpu.concatenate %sub3A_65, %get3A_4 in 1 : vector<128x16xf32>, vector<128x16xf32> -> vector<128x32xf32>
    %dot_general3A_67 = arith.constant dense<0.000000e+00> : vector<128x128xf32>
    %dot_general3A_68 = tpu.matmul %concatenate3A_66, %get3A_1, %dot_general3A_67 {dimension_numbers = #tpu.dot_dimension_numbers<[1], [1], [0], [0], [0, 0, 1, 0], [], []>, transpose_lhs_hint = false} : vector<128x32xf32>, vector<128x32xf32>, vector<128x128xf32> -> vector<128x128xf32>
    %max3A_69 = arith.maximumf %max3A_58, %dot_general3A_68 : vector<128x128xf32>
    %add3A_70 = arith.addf %add3A_59, %dot_general3A_68 : vector<128x128xf32>
    %mul3A_71 = arith.mulf %dot_general3A_68, %dot_general3A_68 : vector<128x128xf32>
    %add3A_72 = arith.addf %add3A_61, %mul3A_71 : vector<128x128xf32>
    %get3A_73 = arith.constant 896 : index
    %get3A_74 = arith.constant 0 : index
    %get3A_75 = vector.load %arg1[%get3A_73, %get3A_74] : memref<2560x128xf32, #tpu.memory_space<vmem>>, vector<128x16xf32>
    %sub3A_76 = arith.subf %get3A_75, %get3A_4 : vector<128x16xf32>
    %concatenate3A_77 = tpu.concatenate %sub3A_76, %get3A_4 in 1 : vector<128x16xf32>, vector<128x16xf32> -> vector<128x32xf32>
    %dot_general3A_78 = arith.constant dense<0.000000e+00> : vector<128x128xf32>
    %dot_general3A_79 = tpu.matmul %concatenate3A_77, %get3A_1, %dot_general3A_78 {dimension_numbers = #tpu.dot_dimension_numbers<[1], [1], [0], [0], [0, 0, 1, 0], [], []>, transpose_lhs_hint = false} : vector<128x32xf32>, vector<128x32xf32>, vector<128x128xf32> -> vector<128x128xf32>
    %max3A_80 = arith.maximumf %max3A_69, %dot_general3A_79 : vector<128x128xf32>
    %add3A_81 = arith.addf %add3A_70, %dot_general3A_79 : vector<128x128xf32>
    %mul3A_82 = arith.mulf %dot_general3A_79, %dot_general3A_79 : vector<128x128xf32>
    %add3A_83 = arith.addf %add3A_72, %mul3A_82 : vector<128x128xf32>
    %get3A_84 = arith.constant 1024 : index
    %get3A_85 = arith.constant 0 : index
    %get3A_86 = vector.load %arg1[%get3A_84, %get3A_85] : memref<2560x128xf32, #tpu.memory_space<vmem>>, vector<128x16xf32>
    %sub3A_87 = arith.subf %get3A_86, %get3A_4 : vector<128x16xf32>
    %concatenate3A_88 = tpu.concatenate %sub3A_87, %get3A_4 in 1 : vector<128x16xf32>, vector<128x16xf32> -> vector<128x32xf32>
    %dot_general3A_89 = arith.constant dense<0.000000e+00> : vector<128x128xf32>
    %dot_general3A_90 = tpu.matmul %concatenate3A_88, %get3A_1, %dot_general3A_89 {dimension_numbers = #tpu.dot_dimension_numbers<[1], [1], [0], [0], [0, 0, 1, 0], [], []>, transpose_lhs_hint = false} : vector<128x32xf32>, vector<128x32xf32>, vector<128x128xf32> -> vector<128x128xf32>
    %max3A_91 = arith.maximumf %max3A_80, %dot_general3A_90 : vector<128x128xf32>
    %add3A_92 = arith.addf %add3A_81, %dot_general3A_90 : vector<128x128xf32>
    %mul3A_93 = arith.mulf %dot_general3A_90, %dot_general3A_90 : vector<128x128xf32>
    %add3A_94 = arith.addf %add3A_83, %mul3A_93 : vector<128x128xf32>
    %get3A_95 = arith.constant 1152 : index
    %get3A_96 = arith.constant 0 : index
    %get3A_97 = vector.load %arg1[%get3A_95, %get3A_96] : memref<2560x128xf32, #tpu.memory_space<vmem>>, vector<128x16xf32>
    %sub3A_98 = arith.subf %get3A_97, %get3A_4 : vector<128x16xf32>
    %concatenate3A_99 = tpu.concatenate %sub3A_98, %get3A_4 in 1 : vector<128x16xf32>, vector<128x16xf32> -> vector<128x32xf32>
    %dot_general3A_100 = arith.constant dense<0.000000e+00> : vector<128x128xf32>
    %dot_general3A_101 = tpu.matmul %concatenate3A_99, %get3A_1, %dot_general3A_100 {dimension_numbers = #tpu.dot_dimension_numbers<[1], [1], [0], [0], [0, 0, 1, 0], [], []>, transpose_lhs_hint = false} : vector<128x32xf32>, vector<128x32xf32>, vector<128x128xf32> -> vector<128x128xf32>
    %max3A_102 = arith.maximumf %max3A_91, %dot_general3A_101 : vector<128x128xf32>
    %add3A_103 = arith.addf %add3A_92, %dot_general3A_101 : vector<128x128xf32>
    %mul3A_104 = arith.mulf %dot_general3A_101, %dot_general3A_101 : vector<128x128xf32>
    %add3A_105 = arith.addf %add3A_94, %mul3A_104 : vector<128x128xf32>
    %get3A_106 = arith.constant 1280 : index
    %get3A_107 = arith.constant 0 : index
    %get3A_108 = vector.load %arg1[%get3A_106, %get3A_107] : memref<2560x128xf32, #tpu.memory_space<vmem>>, vector<128x16xf32>
    %sub3A_109 = arith.subf %get3A_108, %get3A_4 : vector<128x16xf32>
    %concatenate3A_110 = tpu.concatenate %sub3A_109, %get3A_4 in 1 : vector<128x16xf32>, vector<128x16xf32> -> vector<128x32xf32>
    %dot_general3A_111 = arith.constant dense<0.000000e+00> : vector<128x128xf32>
    %dot_general3A_112 = tpu.matmul %concatenate3A_110, %get3A_1, %dot_general3A_111 {dimension_numbers = #tpu.dot_dimension_numbers<[1], [1], [0], [0], [0, 0, 1, 0], [], []>, transpose_lhs_hint = false} : vector<128x32xf32>, vector<128x32xf32>, vector<128x128xf32> -> vector<128x128xf32>
    %max3A_113 = arith.maximumf %max3A_102, %dot_general3A_112 : vector<128x128xf32>
    %add3A_114 = arith.addf %add3A_103, %dot_general3A_112 : vector<128x128xf32>
    %mul3A_115 = arith.mulf %dot_general3A_112, %dot_general3A_112 : vector<128x128xf32>
    %add3A_116 = arith.addf %add3A_105, %mul3A_115 : vector<128x128xf32>
    %get3A_117 = arith.constant 1408 : index
    %get3A_118 = arith.constant 0 : index
    %get3A_119 = vector.load %arg1[%get3A_117, %get3A_118] : memref<2560x128xf32, #tpu.memory_space<vmem>>, vector<128x16xf32>
    %sub3A_120 = arith.subf %get3A_119, %get3A_4 : vector<128x16xf32>
    %concatenate3A_121 = tpu.concatenate %sub3A_120, %get3A_4 in 1 : vector<128x16xf32>, vector<128x16xf32> -> vector<128x32xf32>
    %dot_general3A_122 = arith.constant dense<0.000000e+00> : vector<128x128xf32>
    %dot_general3A_123 = tpu.matmul %concatenate3A_121, %get3A_1, %dot_general3A_122 {dimension_numbers = #tpu.dot_dimension_numbers<[1], [1], [0], [0], [0, 0, 1, 0], [], []>, transpose_lhs_hint = false} : vector<128x32xf32>, vector<128x32xf32>, vector<128x128xf32> -> vector<128x128xf32>
    %max3A_124 = arith.maximumf %max3A_113, %dot_general3A_123 : vector<128x128xf32>
    %add3A_125 = arith.addf %add3A_114, %dot_general3A_123 : vector<128x128xf32>
    %mul3A_126 = arith.mulf %dot_general3A_123, %dot_general3A_123 : vector<128x128xf32>
    %add3A_127 = arith.addf %add3A_116, %mul3A_126 : vector<128x128xf32>
    %get3A_128 = arith.constant 1536 : index
    %get3A_129 = arith.constant 0 : index
    %get3A_130 = vector.load %arg1[%get3A_128, %get3A_129] : memref<2560x128xf32, #tpu.memory_space<vmem>>, vector<128x16xf32>
    %sub3A_131 = arith.subf %get3A_130, %get3A_4 : vector<128x16xf32>
    %concatenate3A_132 = tpu.concatenate %sub3A_131, %get3A_4 in 1 : vector<128x16xf32>, vector<128x16xf32> -> vector<128x32xf32>
    %dot_general3A_133 = arith.constant dense<0.000000e+00> : vector<128x128xf32>
    %dot_general3A_134 = tpu.matmul %concatenate3A_132, %get3A_1, %dot_general3A_133 {dimension_numbers = #tpu.dot_dimension_numbers<[1], [1], [0], [0], [0, 0, 1, 0], [], []>, transpose_lhs_hint = false} : vector<128x32xf32>, vector<128x32xf32>, vector<128x128xf32> -> vector<128x128xf32>
    %max3A_135 = arith.maximumf %max3A_124, %dot_general3A_134 : vector<128x128xf32>
    %add3A_136 = arith.addf %add3A_125, %dot_general3A_134 : vector<128x128xf32>
    %mul3A_137 = arith.mulf %dot_general3A_134, %dot_general3A_134 : vector<128x128xf32>
    %add3A_138 = arith.addf %add3A_127, %mul3A_137 : vector<128x128xf32>
    %get3A_139 = arith.constant 1664 : index
    %get3A_140 = arith.constant 0 : index
    %get3A_141 = vector.load %arg1[%get3A_139, %get3A_140] : memref<2560x128xf32, #tpu.memory_space<vmem>>, vector<128x16xf32>
    %sub3A_142 = arith.subf %get3A_141, %get3A_4 : vector<128x16xf32>
    %concatenate3A_143 = tpu.concatenate %sub3A_142, %get3A_4 in 1 : vector<128x16xf32>, vector<128x16xf32> -> vector<128x32xf32>
    %dot_general3A_144 = arith.constant dense<0.000000e+00> : vector<128x128xf32>
    %dot_general3A_145 = tpu.matmul %concatenate3A_143, %get3A_1, %dot_general3A_144 {dimension_numbers = #tpu.dot_dimension_numbers<[1], [1], [0], [0], [0, 0, 1, 0], [], []>, transpose_lhs_hint = false} : vector<128x32xf32>, vector<128x32xf32>, vector<128x128xf32> -> vector<128x128xf32>
    %max3A_146 = arith.maximumf %max3A_135, %dot_general3A_145 : vector<128x128xf32>
    %add3A_147 = arith.addf %add3A_136, %dot_general3A_145 : vector<128x128xf32>
    %mul3A_148 = arith.mulf %dot_general3A_145, %dot_general3A_145 : vector<128x128xf32>
    %add3A_149 = arith.addf %add3A_138, %mul3A_148 : vector<128x128xf32>
    %get3A_150 = arith.constant 1792 : index
    %get3A_151 = arith.constant 0 : index
    %get3A_152 = vector.load %arg1[%get3A_150, %get3A_151] : memref<2560x128xf32, #tpu.memory_space<vmem>>, vector<128x16xf32>
    %sub3A_153 = arith.subf %get3A_152, %get3A_4 : vector<128x16xf32>
    %concatenate3A_154 = tpu.concatenate %sub3A_153, %get3A_4 in 1 : vector<128x16xf32>, vector<128x16xf32> -> vector<128x32xf32>
    %dot_general3A_155 = arith.constant dense<0.000000e+00> : vector<128x128xf32>
    %dot_general3A_156 = tpu.matmul %concatenate3A_154, %get3A_1, %dot_general3A_155 {dimension_numbers = #tpu.dot_dimension_numbers<[1], [1], [0], [0], [0, 0, 1, 0], [], []>, transpose_lhs_hint = false} : vector<128x32xf32>, vector<128x32xf32>, vector<128x128xf32> -> vector<128x128xf32>
    %max3A_157 = arith.maximumf %max3A_146, %dot_general3A_156 : vector<128x128xf32>
    %add3A_158 = arith.addf %add3A_147, %dot_general3A_156 : vector<128x128xf32>
    %mul3A_159 = arith.mulf %dot_general3A_156, %dot_general3A_156 : vector<128x128xf32>
    %add3A_160 = arith.addf %add3A_149, %mul3A_159 : vector<128x128xf32>
    %get3A_161 = arith.constant 1920 : index
    %get3A_162 = arith.constant 0 : index
    %get3A_163 = vector.load %arg1[%get3A_161, %get3A_162] : memref<2560x128xf32, #tpu.memory_space<vmem>>, vector<128x16xf32>
    %sub3A_164 = arith.subf %get3A_163, %get3A_4 : vector<128x16xf32>
    %concatenate3A_165 = tpu.concatenate %sub3A_164, %get3A_4 in 1 : vector<128x16xf32>, vector<128x16xf32> -> vector<128x32xf32>
    %dot_general3A_166 = arith.constant dense<0.000000e+00> : vector<128x128xf32>
    %dot_general3A_167 = tpu.matmul %concatenate3A_165, %get3A_1, %dot_general3A_166 {dimension_numbers = #tpu.dot_dimension_numbers<[1], [1], [0], [0], [0, 0, 1, 0], [], []>, transpose_lhs_hint = false} : vector<128x32xf32>, vector<128x32xf32>, vector<128x128xf32> -> vector<128x128xf32>
    %max3A_168 = arith.maximumf %max3A_157, %dot_general3A_167 : vector<128x128xf32>
    %add3A_169 = arith.addf %add3A_158, %dot_general3A_167 : vector<128x128xf32>
    %mul3A_170 = arith.mulf %dot_general3A_167, %dot_general3A_167 : vector<128x128xf32>
    %add3A_171 = arith.addf %add3A_160, %mul3A_170 : vector<128x128xf32>
    %get3A_172 = arith.constant 2048 : index
    %get3A_173 = arith.constant 0 : index
    %get3A_174 = vector.load %arg1[%get3A_172, %get3A_173] : memref<2560x128xf32, #tpu.memory_space<vmem>>, vector<128x16xf32>
    %sub3A_175 = arith.subf %get3A_174, %get3A_4 : vector<128x16xf32>
    %concatenate3A_176 = tpu.concatenate %sub3A_175, %get3A_4 in 1 : vector<128x16xf32>, vector<128x16xf32> -> vector<128x32xf32>
    %dot_general3A_177 = arith.constant dense<0.000000e+00> : vector<128x128xf32>
    %dot_general3A_178 = tpu.matmul %concatenate3A_176, %get3A_1, %dot_general3A_177 {dimension_numbers = #tpu.dot_dimension_numbers<[1], [1], [0], [0], [0, 0, 1, 0], [], []>, transpose_lhs_hint = false} : vector<128x32xf32>, vector<128x32xf32>, vector<128x128xf32> -> vector<128x128xf32>
    %max3A_179 = arith.maximumf %max3A_168, %dot_general3A_178 : vector<128x128xf32>
    %add3A_180 = arith.addf %add3A_169, %dot_general3A_178 : vector<128x128xf32>
    %mul3A_181 = arith.mulf %dot_general3A_178, %dot_general3A_178 : vector<128x128xf32>
    %add3A_182 = arith.addf %add3A_171, %mul3A_181 : vector<128x128xf32>
    %get3A_183 = arith.constant 2176 : index
    %get3A_184 = arith.constant 0 : index
    %get3A_185 = vector.load %arg1[%get3A_183, %get3A_184] : memref<2560x128xf32, #tpu.memory_space<vmem>>, vector<128x16xf32>
    %sub3A_186 = arith.subf %get3A_185, %get3A_4 : vector<128x16xf32>
    %concatenate3A_187 = tpu.concatenate %sub3A_186, %get3A_4 in 1 : vector<128x16xf32>, vector<128x16xf32> -> vector<128x32xf32>
    %dot_general3A_188 = arith.constant dense<0.000000e+00> : vector<128x128xf32>
    %dot_general3A_189 = tpu.matmul %concatenate3A_187, %get3A_1, %dot_general3A_188 {dimension_numbers = #tpu.dot_dimension_numbers<[1], [1], [0], [0], [0, 0, 1, 0], [], []>, transpose_lhs_hint = false} : vector<128x32xf32>, vector<128x32xf32>, vector<128x128xf32> -> vector<128x128xf32>
    %max3A_190 = arith.maximumf %max3A_179, %dot_general3A_189 : vector<128x128xf32>
    %add3A_191 = arith.addf %add3A_180, %dot_general3A_189 : vector<128x128xf32>
    %mul3A_192 = arith.mulf %dot_general3A_189, %dot_general3A_189 : vector<128x128xf32>
    %add3A_193 = arith.addf %add3A_182, %mul3A_192 : vector<128x128xf32>
    %get3A_194 = arith.constant 2304 : index
    %get3A_195 = arith.constant 0 : index
    %get3A_196 = vector.load %arg1[%get3A_194, %get3A_195] : memref<2560x128xf32, #tpu.memory_space<vmem>>, vector<128x16xf32>
    %sub3A_197 = arith.subf %get3A_196, %get3A_4 : vector<128x16xf32>
    %concatenate3A_198 = tpu.concatenate %sub3A_197, %get3A_4 in 1 : vector<128x16xf32>, vector<128x16xf32> -> vector<128x32xf32>
    %dot_general3A_199 = arith.constant dense<0.000000e+00> : vector<128x128xf32>
    %dot_general3A_200 = tpu.matmul %concatenate3A_198, %get3A_1, %dot_general3A_199 {dimension_numbers = #tpu.dot_dimension_numbers<[1], [1], [0], [0], [0, 0, 1, 0], [], []>, transpose_lhs_hint = false} : vector<128x32xf32>, vector<128x32xf32>, vector<128x128xf32> -> vector<128x128xf32>
    %max3A_201 = arith.maximumf %max3A_190, %dot_general3A_200 : vector<128x128xf32>
    %add3A_202 = arith.addf %add3A_191, %dot_general3A_200 : vector<128x128xf32>
    %mul3A_203 = arith.mulf %dot_general3A_200, %dot_general3A_200 : vector<128x128xf32>
    %add3A_204 = arith.addf %add3A_193, %mul3A_203 : vector<128x128xf32>
    %get3A_205 = arith.constant 2432 : index
    %get3A_206 = arith.constant 0 : index
    %get3A_207 = vector.load %arg1[%get3A_205, %get3A_206] : memref<2560x128xf32, #tpu.memory_space<vmem>>, vector<128x16xf32>
    %sub3A_208 = arith.subf %get3A_207, %get3A_4 : vector<128x16xf32>
    %concatenate3A_209 = tpu.concatenate %sub3A_208, %get3A_4 in 1 : vector<128x16xf32>, vector<128x16xf32> -> vector<128x32xf32>
    %dot_general3A_210 = arith.constant dense<0.000000e+00> : vector<128x128xf32>
    %dot_general3A_211 = tpu.matmul %concatenate3A_209, %get3A_1, %dot_general3A_210 {dimension_numbers = #tpu.dot_dimension_numbers<[1], [1], [0], [0], [0, 0, 1, 0], [], []>, transpose_lhs_hint = false} : vector<128x32xf32>, vector<128x32xf32>, vector<128x128xf32> -> vector<128x128xf32>
    %max3A_212 = arith.maximumf %max3A_201, %dot_general3A_211 : vector<128x128xf32>
    %add3A_213 = arith.addf %add3A_202, %dot_general3A_211 : vector<128x128xf32>
    %mul3A_214 = arith.mulf %dot_general3A_211, %dot_general3A_211 : vector<128x128xf32>
    %add3A_215 = arith.addf %add3A_204, %mul3A_214 : vector<128x128xf32>
    %swap3A = arith.constant 0 : index
    %swap3A_216 = arith.constant 0 : index
    %swap3A_217 = vector.load %arg4[%swap3A, %swap3A_216] : memref<128x128xf32, #tpu.memory_space<vmem>>, vector<128x128xf32>
    tpu.vector_store %arg4[%swap3A, %swap3A_216], %max3A_212 {strides = array<i32>} : memref<128x128xf32, #tpu.memory_space<vmem>>, vector<128x128xf32>,
    %reduce_sum3A = arith.constant dense<0.000000e+00> : vector<128xf32>
    %reduce_sum3A_218 = vector.multi_reduction <add>, %add3A_213, %reduce_sum3A [0] : vector<128x128xf32> to vector<128xf32>
    %broadcast_in_dim3A = vector.shape_cast %reduce_sum3A_218 : vector<128xf32> to vector<1x128xf32>
    %reduce_sum3A_219 = arith.constant dense<0.000000e+00> : vector<128xf32>
    %reduce_sum3A_220 = vector.multi_reduction <add>, %add3A_215, %reduce_sum3A_219 [0] : vector<128x128xf32> to vector<128xf32>
    %broadcast_in_dim3A_221 = vector.shape_cast %reduce_sum3A_220 : vector<128xf32> to vector<1x128xf32>
    %concatenate3A_222 = tpu.concatenate %broadcast_in_dim3A, %broadcast_in_dim3A_221 in 0 : vector<1x128xf32>, vector<1x128xf32> -> vector<2x128xf32>
    %eq3A = arith.constant 0 : i32
    %eq3A_223 = arith.cmpi eq, %arg0, %eq3A : i32
    %convert_element_type3A = arith.extui %eq3A_223 : i1 to i32
    %cond3A = arith.constant 0 : i32
    %cond3A_224 = arith.cmpi ne, %convert_element_type3A, %cond3A : i32
    scf.if %cond3A_224 {
      %swap3A_229 = arith.constant 0 : index
      %swap3A_230 = arith.constant 0 : index
      %swap3A_231 = vector.load %arg5[%swap3A_229, %swap3A_230] : memref<2x128xf32, #tpu.memory_space<vmem>>, vector<2x128xf32>
      tpu.vector_store %arg5[%swap3A_229, %swap3A_230], %concatenate3A_222 {strides = array<i32>} : memref<2x128xf32, #tpu.memory_space<vmem>>, vector<2x128xf32>,
    } else {
    }
    %gt3A = arith.constant 0 : i32
    %gt3A_225 = arith.cmpi sgt, %arg0, %gt3A : i32
    %convert_element_type3A_226 = arith.extui %gt3A_225 : i1 to i32
    %cond3A_227 = arith.constant 0 : i32
    %cond3A_228 = arith.cmpi ne, %convert_element_type3A_226, %cond3A_227 : i32
    scf.if %cond3A_228 {
      %get3A_229 = arith.constant 0 : index
      %get3A_230 = arith.constant 0 : index
      %get3A_231 = vector.load %arg5[%get3A_229, %get3A_230] : memref<2x128xf32, #tpu.memory_space<vmem>>, vector<2x128xf32>
      %add3A_232 = arith.addf %get3A_231, %concatenate3A_222 : vector<2x128xf32>
      %swap3A_233 = arith.constant 0 : index
      %swap3A_234 = arith.constant 0 : index
      %swap3A_235 = vector.load %arg5[%swap3A_233, %swap3A_234] : memref<2x128xf32, #tpu.memory_space<vmem>>, vector<2x128xf32>
      tpu.vector_store %arg5[%swap3A_233, %swap3A_234], %add3A_232 {strides = array<i32>} : memref<2x128xf32, #tpu.memory_space<vmem>>, vector<2x128xf32>,
    } else {
    }
    return
  }
  func.func @transform_0(%arg0: i32) -> (i32, i32) {
    %c0_i32 = arith.constant 0 : i32
    %c0_i32_0 = arith.constant 0 : i32
    return %arg0, %c0_i32 : i32, i32
  }
  func.func @transform_1(%arg0: i32) -> (i32, i32) {
    %c0_i32 = arith.constant 0 : i32
    %c0_i32_0 = arith.constant 0 : i32
    return %arg0, %c0_i32 : i32, i32
  }
  func.func @transform_2(%arg0: i32) -> (i32, i32) {
    %c0_i32 = arith.constant 0 : i32
    %c0_i32_0 = arith.constant 0 : i32
    %c0_i32_1 = arith.constant 0 : i32
    return %c0_i32, %c0_i32_0 : i32, i32
  }
  func.func @transform_3(%arg0: i32) -> (i32, i32) {
    %c0_i32 = arith.constant 0 : i32
    %c0_i32_0 = arith.constant 0 : i32
    return %arg0, %c0_i32 : i32, i32
  }
  func.func @transform_4(%arg0: i32) -> (i32, i32) {
    %c0_i32 = arith.constant 0 : i32
    %c0_i32_0 = arith.constant 0 : i32
    %c0_i32_1 = arith.constant 0 : i32
    return %c0_i32, %c0_i32_0 : i32, i32
  }
}

module attributes {stable_mosaic.version = 14 : i64} {
  func.func @_norm_body(%arg0: i32, %arg1: memref<1024x128xf32, #tpu.memory_space<vmem>>, %arg2: memref<2x128xf32, #tpu.memory_space<vmem>>, %arg3: memref<1x128xf32, #tpu.memory_space<vmem>>, %arg4: memref<1x128xf32, #tpu.memory_space<vmem>>, %arg5: memref<1024x128xf32, #tpu.memory_space<vmem>>) attributes {dimension_semantics = [#tpu.dimension_semantics<arbitrary>], iteration_bounds = array<i64: 8>, scalar_prefetch = 0 : i64, scratch_operands = 0 : i64, tpu.core_type = #tpu.core_type<tc>, window_params = [{transform_indices = @transform_0, window_bounds = array<i64: 1024, 128>}, {pipeline_mode = #tpu.pipeline_mode<synchronous>, transform_indices = @transform_1, window_bounds = array<i64: 2, 128>}, {pipeline_mode = #tpu.pipeline_mode<synchronous>, transform_indices = @transform_2, window_bounds = array<i64: 1, 128>}, {pipeline_mode = #tpu.pipeline_mode<synchronous>, transform_indices = @transform_3, window_bounds = array<i64: 1, 128>}, {transform_indices = @transform_4, window_bounds = array<i64: 1024, 128>}]} {
    %get3A = arith.constant 0 : index
    %get3A_0 = arith.constant 0 : index
    %get3A_1 = vector.load %arg2[%get3A, %get3A_0] : memref<2x128xf32, #tpu.memory_space<vmem>>, vector<1x128xf32>
    %mul3A = arith.constant 6.10351572E-6 : f32
    %mul3A_2 = vector.broadcast %mul3A : f32 to vector<1x128xf32>
    %mul3A_3 = arith.mulf %get3A_1, %mul3A_2 : vector<1x128xf32>
    %get3A_4 = arith.constant 1 : index
    %get3A_5 = arith.constant 0 : index
    %get3A_6 = vector.load %arg2[%get3A_4, %get3A_5] : memref<2x128xf32, #tpu.memory_space<vmem>>, vector<1x128xf32>
    %mul3A_7 = arith.constant 6.10351572E-6 : f32
    %mul3A_8 = vector.broadcast %mul3A_7 : f32 to vector<1x128xf32>
    %mul3A_9 = arith.mulf %get3A_6, %mul3A_8 : vector<1x128xf32>
    %mul3A_10 = arith.mulf %mul3A_3, %mul3A_3 : vector<1x128xf32>
    %sub3A = arith.subf %mul3A_9, %mul3A_10 : vector<1x128xf32>
    %add3A = arith.constant 9.99999974E-6 : f32
    %add3A_11 = vector.broadcast %add3A : f32 to vector<1x128xf32>
    %add3A_12 = arith.addf %sub3A, %add3A_11 : vector<1x128xf32>
    %rsqrt3A = math.rsqrt %add3A_12 : vector<1x128xf32>
    %get3A_13 = arith.constant 0 : index
    %get3A_14 = arith.constant 0 : index
    %get3A_15 = vector.load %arg1[%get3A_13, %get3A_14] : memref<1024x128xf32, #tpu.memory_space<vmem>>, vector<1024x128xf32>
    %sub3A_16 = vector.broadcast %mul3A_3 : vector<1x128xf32> to vector<1024x128xf32>
    %sub3A_17 = arith.subf %get3A_15, %sub3A_16 : vector<1024x128xf32>
    %get3A_18 = arith.constant 0 : index
    %get3A_19 = arith.constant 0 : index
    %get3A_20 = vector.load %arg3[%get3A_18, %get3A_19] : memref<1x128xf32, #tpu.memory_space<vmem>>, vector<1x128xf32>
    %mul3A_21 = arith.mulf %rsqrt3A, %get3A_20 : vector<1x128xf32>
    %mul3A_22 = vector.broadcast %mul3A_21 : vector<1x128xf32> to vector<1024x128xf32>
    %mul3A_23 = arith.mulf %sub3A_17, %mul3A_22 : vector<1024x128xf32>
    %get3A_24 = arith.constant 0 : index
    %get3A_25 = arith.constant 0 : index
    %get3A_26 = vector.load %arg4[%get3A_24, %get3A_25] : memref<1x128xf32, #tpu.memory_space<vmem>>, vector<1x128xf32>
    %add3A_27 = vector.broadcast %get3A_26 : vector<1x128xf32> to vector<1024x128xf32>
    %add3A_28 = arith.addf %mul3A_23, %add3A_27 : vector<1024x128xf32>
    %gt3A = arith.constant 0.000000e+00 : f32
    %gt3A_29 = vector.broadcast %gt3A : f32 to vector<1024x128xf32>
    %gt3A_30 = arith.cmpf ogt, %add3A_28, %gt3A_29 : vector<1024x128xf32>
    %mul3A_31 = arith.constant 2.000000e-01 : f32
    %mul3A_32 = vector.broadcast %mul3A_31 : f32 to vector<1024x128xf32>
    %mul3A_33 = arith.mulf %mul3A_32, %add3A_28 : vector<1024x128xf32>
    %select_n3A = arith.select %gt3A_30, %add3A_28, %mul3A_33 : vector<1024x128xi1>, vector<1024x128xf32>
    %swap3A = arith.constant 0 : index
    %swap3A_34 = arith.constant 0 : index
    %swap3A_35 = vector.load %arg5[%swap3A, %swap3A_34] : memref<1024x128xf32, #tpu.memory_space<vmem>>, vector<1024x128xf32>
    tpu.vector_store %arg5[%swap3A, %swap3A_34], %select_n3A {strides = array<i32>} : memref<1024x128xf32, #tpu.memory_space<vmem>>, vector<1024x128xf32>,
    return
  }
  func.func @transform_0(%arg0: i32) -> (i32, i32) {
    %c0_i32 = arith.constant 0 : i32
    %c0_i32_0 = arith.constant 0 : i32
    return %arg0, %c0_i32 : i32, i32
  }
  func.func @transform_1(%arg0: i32) -> (i32, i32) {
    %c0_i32 = arith.constant 0 : i32
    %c0_i32_0 = arith.constant 0 : i32
    %c0_i32_1 = arith.constant 0 : i32
    return %c0_i32, %c0_i32_0 : i32, i32
  }
  func.func @transform_2(%arg0: i32) -> (i32, i32) {
    %c0_i32 = arith.constant 0 : i32
    %c0_i32_0 = arith.constant 0 : i32
    %c0_i32_1 = arith.constant 0 : i32
    return %c0_i32, %c0_i32_0 : i32, i32
  }
  func.func @transform_3(%arg0: i32) -> (i32, i32) {
    %c0_i32 = arith.constant 0 : i32
    %c0_i32_0 = arith.constant 0 : i32
    %c0_i32_1 = arith.constant 0 : i32
    return %c0_i32, %c0_i32_0 : i32, i32
  }
  func.func @transform_4(%arg0: i32) -> (i32, i32) {
    %c0_i32 = arith.constant 0 : i32
    %c0_i32_0 = arith.constant 0 : i32
    return %arg0, %c0_i32 : i32, i32
  }
}

module attributes {stable_mosaic.version = 14 : i64} {
  func.func @_econv_body(%arg0: i32, %arg1: memref<2560x128xf32, #tpu.memory_space<vmem>>, %arg2: memref<128x128xf32, #tpu.memory_space<vmem>>, %arg3: memref<128x128xf32, #tpu.memory_space<vmem>>, %arg4: memref<128x128xf32, #tpu.memory_space<vmem>>, %arg5: memref<2x128xf32, #tpu.memory_space<vmem>>) attributes {dimension_semantics = [#tpu.dimension_semantics<arbitrary>], iteration_bounds = array<i64: 64>, scalar_prefetch = 0 : i64, scratch_operands = 0 : i64, tpu.core_type = #tpu.core_type<tc>, window_params = [{transform_indices = @transform_0, window_bounds = array<i64: 2560, 128>}, {transform_indices = @transform_1, window_bounds = array<i64: 128, 128>}, {pipeline_mode = #tpu.pipeline_mode<synchronous>, transform_indices = @transform_2, window_bounds = array<i64: 128, 128>}, {transform_indices = @transform_3, window_bounds = array<i64: 128, 128>}, {pipeline_mode = #tpu.pipeline_mode<synchronous>, transform_indices = @transform_4, window_bounds = array<i64: 2, 128>}]} {
    %get3A = arith.constant 0 : index
    %get3A_0 = arith.constant 0 : index
    %get3A_1 = vector.load %arg3[%get3A, %get3A_0] : memref<128x128xf32, #tpu.memory_space<vmem>>, vector<128x128xf32>
    %get3A_2 = arith.constant 0 : index
    %get3A_3 = arith.constant 0 : index
    %get3A_4 = vector.load %arg2[%get3A_2, %get3A_3] : memref<128x128xf32, #tpu.memory_space<vmem>>, vector<128x64xf32>
    %get3A_5 = arith.constant 0 : index
    %get3A_6 = arith.constant 0 : index
    %get3A_7 = vector.load %arg1[%get3A_5, %get3A_6] : memref<2560x128xf32, #tpu.memory_space<vmem>>, vector<128x64xf32>
    %sub3A = arith.subf %get3A_7, %get3A_4 : vector<128x64xf32>
    %concatenate3A = tpu.concatenate %sub3A, %get3A_4 in 1 : vector<128x64xf32>, vector<128x64xf32> -> vector<128x128xf32>
    %dot_general3A = arith.constant dense<0.000000e+00> : vector<128x128xf32>
    %dot_general3A_8 = tpu.matmul %concatenate3A, %get3A_1, %dot_general3A {dimension_numbers = #tpu.dot_dimension_numbers<[1], [1], [0], [0], [0, 0, 1, 0], [], []>, transpose_lhs_hint = false} : vector<128x128xf32>, vector<128x128xf32>, vector<128x128xf32> -> vector<128x128xf32>
    %mul3A = arith.mulf %dot_general3A_8, %dot_general3A_8 : vector<128x128xf32>
    %get3A_9 = arith.constant 128 : index
    %get3A_10 = arith.constant 0 : index
    %get3A_11 = vector.load %arg1[%get3A_9, %get3A_10] : memref<2560x128xf32, #tpu.memory_space<vmem>>, vector<128x64xf32>
    %sub3A_12 = arith.subf %get3A_11, %get3A_4 : vector<128x64xf32>
    %concatenate3A_13 = tpu.concatenate %sub3A_12, %get3A_4 in 1 : vector<128x64xf32>, vector<128x64xf32> -> vector<128x128xf32>
    %dot_general3A_14 = arith.constant dense<0.000000e+00> : vector<128x128xf32>
    %dot_general3A_15 = tpu.matmul %concatenate3A_13, %get3A_1, %dot_general3A_14 {dimension_numbers = #tpu.dot_dimension_numbers<[1], [1], [0], [0], [0, 0, 1, 0], [], []>, transpose_lhs_hint = false} : vector<128x128xf32>, vector<128x128xf32>, vector<128x128xf32> -> vector<128x128xf32>
    %max3A = arith.maximumf %dot_general3A_8, %dot_general3A_15 : vector<128x128xf32>
    %add3A = arith.addf %dot_general3A_8, %dot_general3A_15 : vector<128x128xf32>
    %mul3A_16 = arith.mulf %dot_general3A_15, %dot_general3A_15 : vector<128x128xf32>
    %add3A_17 = arith.addf %mul3A, %mul3A_16 : vector<128x128xf32>
    %get3A_18 = arith.constant 256 : index
    %get3A_19 = arith.constant 0 : index
    %get3A_20 = vector.load %arg1[%get3A_18, %get3A_19] : memref<2560x128xf32, #tpu.memory_space<vmem>>, vector<128x64xf32>
    %sub3A_21 = arith.subf %get3A_20, %get3A_4 : vector<128x64xf32>
    %concatenate3A_22 = tpu.concatenate %sub3A_21, %get3A_4 in 1 : vector<128x64xf32>, vector<128x64xf32> -> vector<128x128xf32>
    %dot_general3A_23 = arith.constant dense<0.000000e+00> : vector<128x128xf32>
    %dot_general3A_24 = tpu.matmul %concatenate3A_22, %get3A_1, %dot_general3A_23 {dimension_numbers = #tpu.dot_dimension_numbers<[1], [1], [0], [0], [0, 0, 1, 0], [], []>, transpose_lhs_hint = false} : vector<128x128xf32>, vector<128x128xf32>, vector<128x128xf32> -> vector<128x128xf32>
    %max3A_25 = arith.maximumf %max3A, %dot_general3A_24 : vector<128x128xf32>
    %add3A_26 = arith.addf %add3A, %dot_general3A_24 : vector<128x128xf32>
    %mul3A_27 = arith.mulf %dot_general3A_24, %dot_general3A_24 : vector<128x128xf32>
    %add3A_28 = arith.addf %add3A_17, %mul3A_27 : vector<128x128xf32>
    %get3A_29 = arith.constant 384 : index
    %get3A_30 = arith.constant 0 : index
    %get3A_31 = vector.load %arg1[%get3A_29, %get3A_30] : memref<2560x128xf32, #tpu.memory_space<vmem>>, vector<128x64xf32>
    %sub3A_32 = arith.subf %get3A_31, %get3A_4 : vector<128x64xf32>
    %concatenate3A_33 = tpu.concatenate %sub3A_32, %get3A_4 in 1 : vector<128x64xf32>, vector<128x64xf32> -> vector<128x128xf32>
    %dot_general3A_34 = arith.constant dense<0.000000e+00> : vector<128x128xf32>
    %dot_general3A_35 = tpu.matmul %concatenate3A_33, %get3A_1, %dot_general3A_34 {dimension_numbers = #tpu.dot_dimension_numbers<[1], [1], [0], [0], [0, 0, 1, 0], [], []>, transpose_lhs_hint = false} : vector<128x128xf32>, vector<128x128xf32>, vector<128x128xf32> -> vector<128x128xf32>
    %max3A_36 = arith.maximumf %max3A_25, %dot_general3A_35 : vector<128x128xf32>
    %add3A_37 = arith.addf %add3A_26, %dot_general3A_35 : vector<128x128xf32>
    %mul3A_38 = arith.mulf %dot_general3A_35, %dot_general3A_35 : vector<128x128xf32>
    %add3A_39 = arith.addf %add3A_28, %mul3A_38 : vector<128x128xf32>
    %get3A_40 = arith.constant 512 : index
    %get3A_41 = arith.constant 0 : index
    %get3A_42 = vector.load %arg1[%get3A_40, %get3A_41] : memref<2560x128xf32, #tpu.memory_space<vmem>>, vector<128x64xf32>
    %sub3A_43 = arith.subf %get3A_42, %get3A_4 : vector<128x64xf32>
    %concatenate3A_44 = tpu.concatenate %sub3A_43, %get3A_4 in 1 : vector<128x64xf32>, vector<128x64xf32> -> vector<128x128xf32>
    %dot_general3A_45 = arith.constant dense<0.000000e+00> : vector<128x128xf32>
    %dot_general3A_46 = tpu.matmul %concatenate3A_44, %get3A_1, %dot_general3A_45 {dimension_numbers = #tpu.dot_dimension_numbers<[1], [1], [0], [0], [0, 0, 1, 0], [], []>, transpose_lhs_hint = false} : vector<128x128xf32>, vector<128x128xf32>, vector<128x128xf32> -> vector<128x128xf32>
    %max3A_47 = arith.maximumf %max3A_36, %dot_general3A_46 : vector<128x128xf32>
    %add3A_48 = arith.addf %add3A_37, %dot_general3A_46 : vector<128x128xf32>
    %mul3A_49 = arith.mulf %dot_general3A_46, %dot_general3A_46 : vector<128x128xf32>
    %add3A_50 = arith.addf %add3A_39, %mul3A_49 : vector<128x128xf32>
    %get3A_51 = arith.constant 640 : index
    %get3A_52 = arith.constant 0 : index
    %get3A_53 = vector.load %arg1[%get3A_51, %get3A_52] : memref<2560x128xf32, #tpu.memory_space<vmem>>, vector<128x64xf32>
    %sub3A_54 = arith.subf %get3A_53, %get3A_4 : vector<128x64xf32>
    %concatenate3A_55 = tpu.concatenate %sub3A_54, %get3A_4 in 1 : vector<128x64xf32>, vector<128x64xf32> -> vector<128x128xf32>
    %dot_general3A_56 = arith.constant dense<0.000000e+00> : vector<128x128xf32>
    %dot_general3A_57 = tpu.matmul %concatenate3A_55, %get3A_1, %dot_general3A_56 {dimension_numbers = #tpu.dot_dimension_numbers<[1], [1], [0], [0], [0, 0, 1, 0], [], []>, transpose_lhs_hint = false} : vector<128x128xf32>, vector<128x128xf32>, vector<128x128xf32> -> vector<128x128xf32>
    %max3A_58 = arith.maximumf %max3A_47, %dot_general3A_57 : vector<128x128xf32>
    %add3A_59 = arith.addf %add3A_48, %dot_general3A_57 : vector<128x128xf32>
    %mul3A_60 = arith.mulf %dot_general3A_57, %dot_general3A_57 : vector<128x128xf32>
    %add3A_61 = arith.addf %add3A_50, %mul3A_60 : vector<128x128xf32>
    %get3A_62 = arith.constant 768 : index
    %get3A_63 = arith.constant 0 : index
    %get3A_64 = vector.load %arg1[%get3A_62, %get3A_63] : memref<2560x128xf32, #tpu.memory_space<vmem>>, vector<128x64xf32>
    %sub3A_65 = arith.subf %get3A_64, %get3A_4 : vector<128x64xf32>
    %concatenate3A_66 = tpu.concatenate %sub3A_65, %get3A_4 in 1 : vector<128x64xf32>, vector<128x64xf32> -> vector<128x128xf32>
    %dot_general3A_67 = arith.constant dense<0.000000e+00> : vector<128x128xf32>
    %dot_general3A_68 = tpu.matmul %concatenate3A_66, %get3A_1, %dot_general3A_67 {dimension_numbers = #tpu.dot_dimension_numbers<[1], [1], [0], [0], [0, 0, 1, 0], [], []>, transpose_lhs_hint = false} : vector<128x128xf32>, vector<128x128xf32>, vector<128x128xf32> -> vector<128x128xf32>
    %max3A_69 = arith.maximumf %max3A_58, %dot_general3A_68 : vector<128x128xf32>
    %add3A_70 = arith.addf %add3A_59, %dot_general3A_68 : vector<128x128xf32>
    %mul3A_71 = arith.mulf %dot_general3A_68, %dot_general3A_68 : vector<128x128xf32>
    %add3A_72 = arith.addf %add3A_61, %mul3A_71 : vector<128x128xf32>
    %get3A_73 = arith.constant 896 : index
    %get3A_74 = arith.constant 0 : index
    %get3A_75 = vector.load %arg1[%get3A_73, %get3A_74] : memref<2560x128xf32, #tpu.memory_space<vmem>>, vector<128x64xf32>
    %sub3A_76 = arith.subf %get3A_75, %get3A_4 : vector<128x64xf32>
    %concatenate3A_77 = tpu.concatenate %sub3A_76, %get3A_4 in 1 : vector<128x64xf32>, vector<128x64xf32> -> vector<128x128xf32>
    %dot_general3A_78 = arith.constant dense<0.000000e+00> : vector<128x128xf32>
    %dot_general3A_79 = tpu.matmul %concatenate3A_77, %get3A_1, %dot_general3A_78 {dimension_numbers = #tpu.dot_dimension_numbers<[1], [1], [0], [0], [0, 0, 1, 0], [], []>, transpose_lhs_hint = false} : vector<128x128xf32>, vector<128x128xf32>, vector<128x128xf32> -> vector<128x128xf32>
    %max3A_80 = arith.maximumf %max3A_69, %dot_general3A_79 : vector<128x128xf32>
    %add3A_81 = arith.addf %add3A_70, %dot_general3A_79 : vector<128x128xf32>
    %mul3A_82 = arith.mulf %dot_general3A_79, %dot_general3A_79 : vector<128x128xf32>
    %add3A_83 = arith.addf %add3A_72, %mul3A_82 : vector<128x128xf32>
    %get3A_84 = arith.constant 1024 : index
    %get3A_85 = arith.constant 0 : index
    %get3A_86 = vector.load %arg1[%get3A_84, %get3A_85] : memref<2560x128xf32, #tpu.memory_space<vmem>>, vector<128x64xf32>
    %sub3A_87 = arith.subf %get3A_86, %get3A_4 : vector<128x64xf32>
    %concatenate3A_88 = tpu.concatenate %sub3A_87, %get3A_4 in 1 : vector<128x64xf32>, vector<128x64xf32> -> vector<128x128xf32>
    %dot_general3A_89 = arith.constant dense<0.000000e+00> : vector<128x128xf32>
    %dot_general3A_90 = tpu.matmul %concatenate3A_88, %get3A_1, %dot_general3A_89 {dimension_numbers = #tpu.dot_dimension_numbers<[1], [1], [0], [0], [0, 0, 1, 0], [], []>, transpose_lhs_hint = false} : vector<128x128xf32>, vector<128x128xf32>, vector<128x128xf32> -> vector<128x128xf32>
    %max3A_91 = arith.maximumf %max3A_80, %dot_general3A_90 : vector<128x128xf32>
    %add3A_92 = arith.addf %add3A_81, %dot_general3A_90 : vector<128x128xf32>
    %mul3A_93 = arith.mulf %dot_general3A_90, %dot_general3A_90 : vector<128x128xf32>
    %add3A_94 = arith.addf %add3A_83, %mul3A_93 : vector<128x128xf32>
    %get3A_95 = arith.constant 1152 : index
    %get3A_96 = arith.constant 0 : index
    %get3A_97 = vector.load %arg1[%get3A_95, %get3A_96] : memref<2560x128xf32, #tpu.memory_space<vmem>>, vector<128x64xf32>
    %sub3A_98 = arith.subf %get3A_97, %get3A_4 : vector<128x64xf32>
    %concatenate3A_99 = tpu.concatenate %sub3A_98, %get3A_4 in 1 : vector<128x64xf32>, vector<128x64xf32> -> vector<128x128xf32>
    %dot_general3A_100 = arith.constant dense<0.000000e+00> : vector<128x128xf32>
    %dot_general3A_101 = tpu.matmul %concatenate3A_99, %get3A_1, %dot_general3A_100 {dimension_numbers = #tpu.dot_dimension_numbers<[1], [1], [0], [0], [0, 0, 1, 0], [], []>, transpose_lhs_hint = false} : vector<128x128xf32>, vector<128x128xf32>, vector<128x128xf32> -> vector<128x128xf32>
    %max3A_102 = arith.maximumf %max3A_91, %dot_general3A_101 : vector<128x128xf32>
    %add3A_103 = arith.addf %add3A_92, %dot_general3A_101 : vector<128x128xf32>
    %mul3A_104 = arith.mulf %dot_general3A_101, %dot_general3A_101 : vector<128x128xf32>
    %add3A_105 = arith.addf %add3A_94, %mul3A_104 : vector<128x128xf32>
    %get3A_106 = arith.constant 1280 : index
    %get3A_107 = arith.constant 0 : index
    %get3A_108 = vector.load %arg1[%get3A_106, %get3A_107] : memref<2560x128xf32, #tpu.memory_space<vmem>>, vector<128x64xf32>
    %sub3A_109 = arith.subf %get3A_108, %get3A_4 : vector<128x64xf32>
    %concatenate3A_110 = tpu.concatenate %sub3A_109, %get3A_4 in 1 : vector<128x64xf32>, vector<128x64xf32> -> vector<128x128xf32>
    %dot_general3A_111 = arith.constant dense<0.000000e+00> : vector<128x128xf32>
    %dot_general3A_112 = tpu.matmul %concatenate3A_110, %get3A_1, %dot_general3A_111 {dimension_numbers = #tpu.dot_dimension_numbers<[1], [1], [0], [0], [0, 0, 1, 0], [], []>, transpose_lhs_hint = false} : vector<128x128xf32>, vector<128x128xf32>, vector<128x128xf32> -> vector<128x128xf32>
    %max3A_113 = arith.maximumf %max3A_102, %dot_general3A_112 : vector<128x128xf32>
    %add3A_114 = arith.addf %add3A_103, %dot_general3A_112 : vector<128x128xf32>
    %mul3A_115 = arith.mulf %dot_general3A_112, %dot_general3A_112 : vector<128x128xf32>
    %add3A_116 = arith.addf %add3A_105, %mul3A_115 : vector<128x128xf32>
    %get3A_117 = arith.constant 1408 : index
    %get3A_118 = arith.constant 0 : index
    %get3A_119 = vector.load %arg1[%get3A_117, %get3A_118] : memref<2560x128xf32, #tpu.memory_space<vmem>>, vector<128x64xf32>
    %sub3A_120 = arith.subf %get3A_119, %get3A_4 : vector<128x64xf32>
    %concatenate3A_121 = tpu.concatenate %sub3A_120, %get3A_4 in 1 : vector<128x64xf32>, vector<128x64xf32> -> vector<128x128xf32>
    %dot_general3A_122 = arith.constant dense<0.000000e+00> : vector<128x128xf32>
    %dot_general3A_123 = tpu.matmul %concatenate3A_121, %get3A_1, %dot_general3A_122 {dimension_numbers = #tpu.dot_dimension_numbers<[1], [1], [0], [0], [0, 0, 1, 0], [], []>, transpose_lhs_hint = false} : vector<128x128xf32>, vector<128x128xf32>, vector<128x128xf32> -> vector<128x128xf32>
    %max3A_124 = arith.maximumf %max3A_113, %dot_general3A_123 : vector<128x128xf32>
    %add3A_125 = arith.addf %add3A_114, %dot_general3A_123 : vector<128x128xf32>
    %mul3A_126 = arith.mulf %dot_general3A_123, %dot_general3A_123 : vector<128x128xf32>
    %add3A_127 = arith.addf %add3A_116, %mul3A_126 : vector<128x128xf32>
    %get3A_128 = arith.constant 1536 : index
    %get3A_129 = arith.constant 0 : index
    %get3A_130 = vector.load %arg1[%get3A_128, %get3A_129] : memref<2560x128xf32, #tpu.memory_space<vmem>>, vector<128x64xf32>
    %sub3A_131 = arith.subf %get3A_130, %get3A_4 : vector<128x64xf32>
    %concatenate3A_132 = tpu.concatenate %sub3A_131, %get3A_4 in 1 : vector<128x64xf32>, vector<128x64xf32> -> vector<128x128xf32>
    %dot_general3A_133 = arith.constant dense<0.000000e+00> : vector<128x128xf32>
    %dot_general3A_134 = tpu.matmul %concatenate3A_132, %get3A_1, %dot_general3A_133 {dimension_numbers = #tpu.dot_dimension_numbers<[1], [1], [0], [0], [0, 0, 1, 0], [], []>, transpose_lhs_hint = false} : vector<128x128xf32>, vector<128x128xf32>, vector<128x128xf32> -> vector<128x128xf32>
    %max3A_135 = arith.maximumf %max3A_124, %dot_general3A_134 : vector<128x128xf32>
    %add3A_136 = arith.addf %add3A_125, %dot_general3A_134 : vector<128x128xf32>
    %mul3A_137 = arith.mulf %dot_general3A_134, %dot_general3A_134 : vector<128x128xf32>
    %add3A_138 = arith.addf %add3A_127, %mul3A_137 : vector<128x128xf32>
    %get3A_139 = arith.constant 1664 : index
    %get3A_140 = arith.constant 0 : index
    %get3A_141 = vector.load %arg1[%get3A_139, %get3A_140] : memref<2560x128xf32, #tpu.memory_space<vmem>>, vector<128x64xf32>
    %sub3A_142 = arith.subf %get3A_141, %get3A_4 : vector<128x64xf32>
    %concatenate3A_143 = tpu.concatenate %sub3A_142, %get3A_4 in 1 : vector<128x64xf32>, vector<128x64xf32> -> vector<128x128xf32>
    %dot_general3A_144 = arith.constant dense<0.000000e+00> : vector<128x128xf32>
    %dot_general3A_145 = tpu.matmul %concatenate3A_143, %get3A_1, %dot_general3A_144 {dimension_numbers = #tpu.dot_dimension_numbers<[1], [1], [0], [0], [0, 0, 1, 0], [], []>, transpose_lhs_hint = false} : vector<128x128xf32>, vector<128x128xf32>, vector<128x128xf32> -> vector<128x128xf32>
    %max3A_146 = arith.maximumf %max3A_135, %dot_general3A_145 : vector<128x128xf32>
    %add3A_147 = arith.addf %add3A_136, %dot_general3A_145 : vector<128x128xf32>
    %mul3A_148 = arith.mulf %dot_general3A_145, %dot_general3A_145 : vector<128x128xf32>
    %add3A_149 = arith.addf %add3A_138, %mul3A_148 : vector<128x128xf32>
    %get3A_150 = arith.constant 1792 : index
    %get3A_151 = arith.constant 0 : index
    %get3A_152 = vector.load %arg1[%get3A_150, %get3A_151] : memref<2560x128xf32, #tpu.memory_space<vmem>>, vector<128x64xf32>
    %sub3A_153 = arith.subf %get3A_152, %get3A_4 : vector<128x64xf32>
    %concatenate3A_154 = tpu.concatenate %sub3A_153, %get3A_4 in 1 : vector<128x64xf32>, vector<128x64xf32> -> vector<128x128xf32>
    %dot_general3A_155 = arith.constant dense<0.000000e+00> : vector<128x128xf32>
    %dot_general3A_156 = tpu.matmul %concatenate3A_154, %get3A_1, %dot_general3A_155 {dimension_numbers = #tpu.dot_dimension_numbers<[1], [1], [0], [0], [0, 0, 1, 0], [], []>, transpose_lhs_hint = false} : vector<128x128xf32>, vector<128x128xf32>, vector<128x128xf32> -> vector<128x128xf32>
    %max3A_157 = arith.maximumf %max3A_146, %dot_general3A_156 : vector<128x128xf32>
    %add3A_158 = arith.addf %add3A_147, %dot_general3A_156 : vector<128x128xf32>
    %mul3A_159 = arith.mulf %dot_general3A_156, %dot_general3A_156 : vector<128x128xf32>
    %add3A_160 = arith.addf %add3A_149, %mul3A_159 : vector<128x128xf32>
    %get3A_161 = arith.constant 1920 : index
    %get3A_162 = arith.constant 0 : index
    %get3A_163 = vector.load %arg1[%get3A_161, %get3A_162] : memref<2560x128xf32, #tpu.memory_space<vmem>>, vector<128x64xf32>
    %sub3A_164 = arith.subf %get3A_163, %get3A_4 : vector<128x64xf32>
    %concatenate3A_165 = tpu.concatenate %sub3A_164, %get3A_4 in 1 : vector<128x64xf32>, vector<128x64xf32> -> vector<128x128xf32>
    %dot_general3A_166 = arith.constant dense<0.000000e+00> : vector<128x128xf32>
    %dot_general3A_167 = tpu.matmul %concatenate3A_165, %get3A_1, %dot_general3A_166 {dimension_numbers = #tpu.dot_dimension_numbers<[1], [1], [0], [0], [0, 0, 1, 0], [], []>, transpose_lhs_hint = false} : vector<128x128xf32>, vector<128x128xf32>, vector<128x128xf32> -> vector<128x128xf32>
    %max3A_168 = arith.maximumf %max3A_157, %dot_general3A_167 : vector<128x128xf32>
    %add3A_169 = arith.addf %add3A_158, %dot_general3A_167 : vector<128x128xf32>
    %mul3A_170 = arith.mulf %dot_general3A_167, %dot_general3A_167 : vector<128x128xf32>
    %add3A_171 = arith.addf %add3A_160, %mul3A_170 : vector<128x128xf32>
    %get3A_172 = arith.constant 2048 : index
    %get3A_173 = arith.constant 0 : index
    %get3A_174 = vector.load %arg1[%get3A_172, %get3A_173] : memref<2560x128xf32, #tpu.memory_space<vmem>>, vector<128x64xf32>
    %sub3A_175 = arith.subf %get3A_174, %get3A_4 : vector<128x64xf32>
    %concatenate3A_176 = tpu.concatenate %sub3A_175, %get3A_4 in 1 : vector<128x64xf32>, vector<128x64xf32> -> vector<128x128xf32>
    %dot_general3A_177 = arith.constant dense<0.000000e+00> : vector<128x128xf32>
    %dot_general3A_178 = tpu.matmul %concatenate3A_176, %get3A_1, %dot_general3A_177 {dimension_numbers = #tpu.dot_dimension_numbers<[1], [1], [0], [0], [0, 0, 1, 0], [], []>, transpose_lhs_hint = false} : vector<128x128xf32>, vector<128x128xf32>, vector<128x128xf32> -> vector<128x128xf32>
    %max3A_179 = arith.maximumf %max3A_168, %dot_general3A_178 : vector<128x128xf32>
    %add3A_180 = arith.addf %add3A_169, %dot_general3A_178 : vector<128x128xf32>
    %mul3A_181 = arith.mulf %dot_general3A_178, %dot_general3A_178 : vector<128x128xf32>
    %add3A_182 = arith.addf %add3A_171, %mul3A_181 : vector<128x128xf32>
    %get3A_183 = arith.constant 2176 : index
    %get3A_184 = arith.constant 0 : index
    %get3A_185 = vector.load %arg1[%get3A_183, %get3A_184] : memref<2560x128xf32, #tpu.memory_space<vmem>>, vector<128x64xf32>
    %sub3A_186 = arith.subf %get3A_185, %get3A_4 : vector<128x64xf32>
    %concatenate3A_187 = tpu.concatenate %sub3A_186, %get3A_4 in 1 : vector<128x64xf32>, vector<128x64xf32> -> vector<128x128xf32>
    %dot_general3A_188 = arith.constant dense<0.000000e+00> : vector<128x128xf32>
    %dot_general3A_189 = tpu.matmul %concatenate3A_187, %get3A_1, %dot_general3A_188 {dimension_numbers = #tpu.dot_dimension_numbers<[1], [1], [0], [0], [0, 0, 1, 0], [], []>, transpose_lhs_hint = false} : vector<128x128xf32>, vector<128x128xf32>, vector<128x128xf32> -> vector<128x128xf32>
    %max3A_190 = arith.maximumf %max3A_179, %dot_general3A_189 : vector<128x128xf32>
    %add3A_191 = arith.addf %add3A_180, %dot_general3A_189 : vector<128x128xf32>
    %mul3A_192 = arith.mulf %dot_general3A_189, %dot_general3A_189 : vector<128x128xf32>
    %add3A_193 = arith.addf %add3A_182, %mul3A_192 : vector<128x128xf32>
    %get3A_194 = arith.constant 2304 : index
    %get3A_195 = arith.constant 0 : index
    %get3A_196 = vector.load %arg1[%get3A_194, %get3A_195] : memref<2560x128xf32, #tpu.memory_space<vmem>>, vector<128x64xf32>
    %sub3A_197 = arith.subf %get3A_196, %get3A_4 : vector<128x64xf32>
    %concatenate3A_198 = tpu.concatenate %sub3A_197, %get3A_4 in 1 : vector<128x64xf32>, vector<128x64xf32> -> vector<128x128xf32>
    %dot_general3A_199 = arith.constant dense<0.000000e+00> : vector<128x128xf32>
    %dot_general3A_200 = tpu.matmul %concatenate3A_198, %get3A_1, %dot_general3A_199 {dimension_numbers = #tpu.dot_dimension_numbers<[1], [1], [0], [0], [0, 0, 1, 0], [], []>, transpose_lhs_hint = false} : vector<128x128xf32>, vector<128x128xf32>, vector<128x128xf32> -> vector<128x128xf32>
    %max3A_201 = arith.maximumf %max3A_190, %dot_general3A_200 : vector<128x128xf32>
    %add3A_202 = arith.addf %add3A_191, %dot_general3A_200 : vector<128x128xf32>
    %mul3A_203 = arith.mulf %dot_general3A_200, %dot_general3A_200 : vector<128x128xf32>
    %add3A_204 = arith.addf %add3A_193, %mul3A_203 : vector<128x128xf32>
    %get3A_205 = arith.constant 2432 : index
    %get3A_206 = arith.constant 0 : index
    %get3A_207 = vector.load %arg1[%get3A_205, %get3A_206] : memref<2560x128xf32, #tpu.memory_space<vmem>>, vector<128x64xf32>
    %sub3A_208 = arith.subf %get3A_207, %get3A_4 : vector<128x64xf32>
    %concatenate3A_209 = tpu.concatenate %sub3A_208, %get3A_4 in 1 : vector<128x64xf32>, vector<128x64xf32> -> vector<128x128xf32>
    %dot_general3A_210 = arith.constant dense<0.000000e+00> : vector<128x128xf32>
    %dot_general3A_211 = tpu.matmul %concatenate3A_209, %get3A_1, %dot_general3A_210 {dimension_numbers = #tpu.dot_dimension_numbers<[1], [1], [0], [0], [0, 0, 1, 0], [], []>, transpose_lhs_hint = false} : vector<128x128xf32>, vector<128x128xf32>, vector<128x128xf32> -> vector<128x128xf32>
    %max3A_212 = arith.maximumf %max3A_201, %dot_general3A_211 : vector<128x128xf32>
    %add3A_213 = arith.addf %add3A_202, %dot_general3A_211 : vector<128x128xf32>
    %mul3A_214 = arith.mulf %dot_general3A_211, %dot_general3A_211 : vector<128x128xf32>
    %add3A_215 = arith.addf %add3A_204, %mul3A_214 : vector<128x128xf32>
    %swap3A = arith.constant 0 : index
    %swap3A_216 = arith.constant 0 : index
    %swap3A_217 = vector.load %arg4[%swap3A, %swap3A_216] : memref<128x128xf32, #tpu.memory_space<vmem>>, vector<128x128xf32>
    tpu.vector_store %arg4[%swap3A, %swap3A_216], %max3A_212 {strides = array<i32>} : memref<128x128xf32, #tpu.memory_space<vmem>>, vector<128x128xf32>,
    %reduce_sum3A = arith.constant dense<0.000000e+00> : vector<128xf32>
    %reduce_sum3A_218 = vector.multi_reduction <add>, %add3A_213, %reduce_sum3A [0] : vector<128x128xf32> to vector<128xf32>
    %broadcast_in_dim3A = vector.shape_cast %reduce_sum3A_218 : vector<128xf32> to vector<1x128xf32>
    %reduce_sum3A_219 = arith.constant dense<0.000000e+00> : vector<128xf32>
    %reduce_sum3A_220 = vector.multi_reduction <add>, %add3A_215, %reduce_sum3A_219 [0] : vector<128x128xf32> to vector<128xf32>
    %broadcast_in_dim3A_221 = vector.shape_cast %reduce_sum3A_220 : vector<128xf32> to vector<1x128xf32>
    %concatenate3A_222 = tpu.concatenate %broadcast_in_dim3A, %broadcast_in_dim3A_221 in 0 : vector<1x128xf32>, vector<1x128xf32> -> vector<2x128xf32>
    %eq3A = arith.constant 0 : i32
    %eq3A_223 = arith.cmpi eq, %arg0, %eq3A : i32
    %convert_element_type3A = arith.extui %eq3A_223 : i1 to i32
    %cond3A = arith.constant 0 : i32
    %cond3A_224 = arith.cmpi ne, %convert_element_type3A, %cond3A : i32
    scf.if %cond3A_224 {
      %swap3A_229 = arith.constant 0 : index
      %swap3A_230 = arith.constant 0 : index
      %swap3A_231 = vector.load %arg5[%swap3A_229, %swap3A_230] : memref<2x128xf32, #tpu.memory_space<vmem>>, vector<2x128xf32>
      tpu.vector_store %arg5[%swap3A_229, %swap3A_230], %concatenate3A_222 {strides = array<i32>} : memref<2x128xf32, #tpu.memory_space<vmem>>, vector<2x128xf32>,
    } else {
    }
    %gt3A = arith.constant 0 : i32
    %gt3A_225 = arith.cmpi sgt, %arg0, %gt3A : i32
    %convert_element_type3A_226 = arith.extui %gt3A_225 : i1 to i32
    %cond3A_227 = arith.constant 0 : i32
    %cond3A_228 = arith.cmpi ne, %convert_element_type3A_226, %cond3A_227 : i32
    scf.if %cond3A_228 {
      %get3A_229 = arith.constant 0 : index
      %get3A_230 = arith.constant 0 : index
      %get3A_231 = vector.load %arg5[%get3A_229, %get3A_230] : memref<2x128xf32, #tpu.memory_space<vmem>>, vector<2x128xf32>
      %add3A_232 = arith.addf %get3A_231, %concatenate3A_222 : vector<2x128xf32>
      %swap3A_233 = arith.constant 0 : index
      %swap3A_234 = arith.constant 0 : index
      %swap3A_235 = vector.load %arg5[%swap3A_233, %swap3A_234] : memref<2x128xf32, #tpu.memory_space<vmem>>, vector<2x128xf32>
      tpu.vector_store %arg5[%swap3A_233, %swap3A_234], %add3A_232 {strides = array<i32>} : memref<2x128xf32, #tpu.memory_space<vmem>>, vector<2x128xf32>,
    } else {
    }
    return
  }
  func.func @transform_0(%arg0: i32) -> (i32, i32) {
    %c0_i32 = arith.constant 0 : i32
    %c0_i32_0 = arith.constant 0 : i32
    return %arg0, %c0_i32 : i32, i32
  }
  func.func @transform_1(%arg0: i32) -> (i32, i32) {
    %c0_i32 = arith.constant 0 : i32
    %c0_i32_0 = arith.constant 0 : i32
    return %arg0, %c0_i32 : i32, i32
  }
  func.func @transform_2(%arg0: i32) -> (i32, i32) {
    %c0_i32 = arith.constant 0 : i32
    %c0_i32_0 = arith.constant 0 : i32
    %c0_i32_1 = arith.constant 0 : i32
    return %c0_i32, %c0_i32_0 : i32, i32
  }
  func.func @transform_3(%arg0: i32) -> (i32, i32) {
    %c0_i32 = arith.constant 0 : i32
    %c0_i32_0 = arith.constant 0 : i32
    return %arg0, %c0_i32 : i32, i32
  }
  func.func @transform_4(%arg0: i32) -> (i32, i32) {
    %c0_i32 = arith.constant 0 : i32
    %c0_i32_0 = arith.constant 0 : i32
    %c0_i32_1 = arith.constant 0 : i32
    return %c0_i32, %c0_i32_0 : i32, i32
  }
}

module attributes {stable_mosaic.version = 14 : i64} {
  func.func @_econv_body(%arg0: i32, %arg1: memref<2560x128xf32, #tpu.memory_space<vmem>>, %arg2: memref<128x128xf32, #tpu.memory_space<vmem>>, %arg3: memref<256x256xf32, #tpu.memory_space<vmem>>, %arg4: memref<128x256xf32, #tpu.memory_space<vmem>>, %arg5: memref<2x256xf32, #tpu.memory_space<vmem>>) attributes {dimension_semantics = [#tpu.dimension_semantics<arbitrary>], iteration_bounds = array<i64: 64>, scalar_prefetch = 0 : i64, scratch_operands = 0 : i64, tpu.core_type = #tpu.core_type<tc>, window_params = [{transform_indices = @transform_0, window_bounds = array<i64: 2560, 128>}, {transform_indices = @transform_1, window_bounds = array<i64: 128, 128>}, {pipeline_mode = #tpu.pipeline_mode<synchronous>, transform_indices = @transform_2, window_bounds = array<i64: 256, 256>}, {transform_indices = @transform_3, window_bounds = array<i64: 128, 256>}, {pipeline_mode = #tpu.pipeline_mode<synchronous>, transform_indices = @transform_4, window_bounds = array<i64: 2, 256>}]} {
    %get3A = arith.constant 0 : index
    %get3A_0 = arith.constant 0 : index
    %get3A_1 = vector.load %arg3[%get3A, %get3A_0] : memref<256x256xf32, #tpu.memory_space<vmem>>, vector<256x256xf32>
    %get3A_2 = arith.constant 0 : index
    %get3A_3 = arith.constant 0 : index
    %get3A_4 = vector.load %arg2[%get3A_2, %get3A_3] : memref<128x128xf32, #tpu.memory_space<vmem>>, vector<128x128xf32>
    %get3A_5 = arith.constant 0 : index
    %get3A_6 = arith.constant 0 : index
    %get3A_7 = vector.load %arg1[%get3A_5, %get3A_6] : memref<2560x128xf32, #tpu.memory_space<vmem>>, vector<128x128xf32>
    %sub3A = arith.subf %get3A_7, %get3A_4 : vector<128x128xf32>
    %concatenate3A = tpu.concatenate %sub3A, %get3A_4 in 1 : vector<128x128xf32>, vector<128x128xf32> -> vector<128x256xf32>
    %dot_general3A = arith.constant dense<0.000000e+00> : vector<128x256xf32>
    %dot_general3A_8 = tpu.matmul %concatenate3A, %get3A_1, %dot_general3A {dimension_numbers = #tpu.dot_dimension_numbers<[1], [1], [0], [0], [0, 0, 1, 0], [], []>, transpose_lhs_hint = false} : vector<128x256xf32>, vector<256x256xf32>, vector<128x256xf32> -> vector<128x256xf32>
    %mul3A = arith.mulf %dot_general3A_8, %dot_general3A_8 : vector<128x256xf32>
    %get3A_9 = arith.constant 128 : index
    %get3A_10 = arith.constant 0 : index
    %get3A_11 = vector.load %arg1[%get3A_9, %get3A_10] : memref<2560x128xf32, #tpu.memory_space<vmem>>, vector<128x128xf32>
    %sub3A_12 = arith.subf %get3A_11, %get3A_4 : vector<128x128xf32>
    %concatenate3A_13 = tpu.concatenate %sub3A_12, %get3A_4 in 1 : vector<128x128xf32>, vector<128x128xf32> -> vector<128x256xf32>
    %dot_general3A_14 = arith.constant dense<0.000000e+00> : vector<128x256xf32>
    %dot_general3A_15 = tpu.matmul %concatenate3A_13, %get3A_1, %dot_general3A_14 {dimension_numbers = #tpu.dot_dimension_numbers<[1], [1], [0], [0], [0, 0, 1, 0], [], []>, transpose_lhs_hint = false} : vector<128x256xf32>, vector<256x256xf32>, vector<128x256xf32> -> vector<128x256xf32>
    %max3A = arith.maximumf %dot_general3A_8, %dot_general3A_15 : vector<128x256xf32>
    %add3A = arith.addf %dot_general3A_8, %dot_general3A_15 : vector<128x256xf32>
    %mul3A_16 = arith.mulf %dot_general3A_15, %dot_general3A_15 : vector<128x256xf32>
    %add3A_17 = arith.addf %mul3A, %mul3A_16 : vector<128x256xf32>
    %get3A_18 = arith.constant 256 : index
    %get3A_19 = arith.constant 0 : index
    %get3A_20 = vector.load %arg1[%get3A_18, %get3A_19] : memref<2560x128xf32, #tpu.memory_space<vmem>>, vector<128x128xf32>
    %sub3A_21 = arith.subf %get3A_20, %get3A_4 : vector<128x128xf32>
    %concatenate3A_22 = tpu.concatenate %sub3A_21, %get3A_4 in 1 : vector<128x128xf32>, vector<128x128xf32> -> vector<128x256xf32>
    %dot_general3A_23 = arith.constant dense<0.000000e+00> : vector<128x256xf32>
    %dot_general3A_24 = tpu.matmul %concatenate3A_22, %get3A_1, %dot_general3A_23 {dimension_numbers = #tpu.dot_dimension_numbers<[1], [1], [0], [0], [0, 0, 1, 0], [], []>, transpose_lhs_hint = false} : vector<128x256xf32>, vector<256x256xf32>, vector<128x256xf32> -> vector<128x256xf32>
    %max3A_25 = arith.maximumf %max3A, %dot_general3A_24 : vector<128x256xf32>
    %add3A_26 = arith.addf %add3A, %dot_general3A_24 : vector<128x256xf32>
    %mul3A_27 = arith.mulf %dot_general3A_24, %dot_general3A_24 : vector<128x256xf32>
    %add3A_28 = arith.addf %add3A_17, %mul3A_27 : vector<128x256xf32>
    %get3A_29 = arith.constant 384 : index
    %get3A_30 = arith.constant 0 : index
    %get3A_31 = vector.load %arg1[%get3A_29, %get3A_30] : memref<2560x128xf32, #tpu.memory_space<vmem>>, vector<128x128xf32>
    %sub3A_32 = arith.subf %get3A_31, %get3A_4 : vector<128x128xf32>
    %concatenate3A_33 = tpu.concatenate %sub3A_32, %get3A_4 in 1 : vector<128x128xf32>, vector<128x128xf32> -> vector<128x256xf32>
    %dot_general3A_34 = arith.constant dense<0.000000e+00> : vector<128x256xf32>
    %dot_general3A_35 = tpu.matmul %concatenate3A_33, %get3A_1, %dot_general3A_34 {dimension_numbers = #tpu.dot_dimension_numbers<[1], [1], [0], [0], [0, 0, 1, 0], [], []>, transpose_lhs_hint = false} : vector<128x256xf32>, vector<256x256xf32>, vector<128x256xf32> -> vector<128x256xf32>
    %max3A_36 = arith.maximumf %max3A_25, %dot_general3A_35 : vector<128x256xf32>
    %add3A_37 = arith.addf %add3A_26, %dot_general3A_35 : vector<128x256xf32>
    %mul3A_38 = arith.mulf %dot_general3A_35, %dot_general3A_35 : vector<128x256xf32>
    %add3A_39 = arith.addf %add3A_28, %mul3A_38 : vector<128x256xf32>
    %get3A_40 = arith.constant 512 : index
    %get3A_41 = arith.constant 0 : index
    %get3A_42 = vector.load %arg1[%get3A_40, %get3A_41] : memref<2560x128xf32, #tpu.memory_space<vmem>>, vector<128x128xf32>
    %sub3A_43 = arith.subf %get3A_42, %get3A_4 : vector<128x128xf32>
    %concatenate3A_44 = tpu.concatenate %sub3A_43, %get3A_4 in 1 : vector<128x128xf32>, vector<128x128xf32> -> vector<128x256xf32>
    %dot_general3A_45 = arith.constant dense<0.000000e+00> : vector<128x256xf32>
    %dot_general3A_46 = tpu.matmul %concatenate3A_44, %get3A_1, %dot_general3A_45 {dimension_numbers = #tpu.dot_dimension_numbers<[1], [1], [0], [0], [0, 0, 1, 0], [], []>, transpose_lhs_hint = false} : vector<128x256xf32>, vector<256x256xf32>, vector<128x256xf32> -> vector<128x256xf32>
    %max3A_47 = arith.maximumf %max3A_36, %dot_general3A_46 : vector<128x256xf32>
    %add3A_48 = arith.addf %add3A_37, %dot_general3A_46 : vector<128x256xf32>
    %mul3A_49 = arith.mulf %dot_general3A_46, %dot_general3A_46 : vector<128x256xf32>
    %add3A_50 = arith.addf %add3A_39, %mul3A_49 : vector<128x256xf32>
    %get3A_51 = arith.constant 640 : index
    %get3A_52 = arith.constant 0 : index
    %get3A_53 = vector.load %arg1[%get3A_51, %get3A_52] : memref<2560x128xf32, #tpu.memory_space<vmem>>, vector<128x128xf32>
    %sub3A_54 = arith.subf %get3A_53, %get3A_4 : vector<128x128xf32>
    %concatenate3A_55 = tpu.concatenate %sub3A_54, %get3A_4 in 1 : vector<128x128xf32>, vector<128x128xf32> -> vector<128x256xf32>
    %dot_general3A_56 = arith.constant dense<0.000000e+00> : vector<128x256xf32>
    %dot_general3A_57 = tpu.matmul %concatenate3A_55, %get3A_1, %dot_general3A_56 {dimension_numbers = #tpu.dot_dimension_numbers<[1], [1], [0], [0], [0, 0, 1, 0], [], []>, transpose_lhs_hint = false} : vector<128x256xf32>, vector<256x256xf32>, vector<128x256xf32> -> vector<128x256xf32>
    %max3A_58 = arith.maximumf %max3A_47, %dot_general3A_57 : vector<128x256xf32>
    %add3A_59 = arith.addf %add3A_48, %dot_general3A_57 : vector<128x256xf32>
    %mul3A_60 = arith.mulf %dot_general3A_57, %dot_general3A_57 : vector<128x256xf32>
    %add3A_61 = arith.addf %add3A_50, %mul3A_60 : vector<128x256xf32>
    %get3A_62 = arith.constant 768 : index
    %get3A_63 = arith.constant 0 : index
    %get3A_64 = vector.load %arg1[%get3A_62, %get3A_63] : memref<2560x128xf32, #tpu.memory_space<vmem>>, vector<128x128xf32>
    %sub3A_65 = arith.subf %get3A_64, %get3A_4 : vector<128x128xf32>
    %concatenate3A_66 = tpu.concatenate %sub3A_65, %get3A_4 in 1 : vector<128x128xf32>, vector<128x128xf32> -> vector<128x256xf32>
    %dot_general3A_67 = arith.constant dense<0.000000e+00> : vector<128x256xf32>
    %dot_general3A_68 = tpu.matmul %concatenate3A_66, %get3A_1, %dot_general3A_67 {dimension_numbers = #tpu.dot_dimension_numbers<[1], [1], [0], [0], [0, 0, 1, 0], [], []>, transpose_lhs_hint = false} : vector<128x256xf32>, vector<256x256xf32>, vector<128x256xf32> -> vector<128x256xf32>
    %max3A_69 = arith.maximumf %max3A_58, %dot_general3A_68 : vector<128x256xf32>
    %add3A_70 = arith.addf %add3A_59, %dot_general3A_68 : vector<128x256xf32>
    %mul3A_71 = arith.mulf %dot_general3A_68, %dot_general3A_68 : vector<128x256xf32>
    %add3A_72 = arith.addf %add3A_61, %mul3A_71 : vector<128x256xf32>
    %get3A_73 = arith.constant 896 : index
    %get3A_74 = arith.constant 0 : index
    %get3A_75 = vector.load %arg1[%get3A_73, %get3A_74] : memref<2560x128xf32, #tpu.memory_space<vmem>>, vector<128x128xf32>
    %sub3A_76 = arith.subf %get3A_75, %get3A_4 : vector<128x128xf32>
    %concatenate3A_77 = tpu.concatenate %sub3A_76, %get3A_4 in 1 : vector<128x128xf32>, vector<128x128xf32> -> vector<128x256xf32>
    %dot_general3A_78 = arith.constant dense<0.000000e+00> : vector<128x256xf32>
    %dot_general3A_79 = tpu.matmul %concatenate3A_77, %get3A_1, %dot_general3A_78 {dimension_numbers = #tpu.dot_dimension_numbers<[1], [1], [0], [0], [0, 0, 1, 0], [], []>, transpose_lhs_hint = false} : vector<128x256xf32>, vector<256x256xf32>, vector<128x256xf32> -> vector<128x256xf32>
    %max3A_80 = arith.maximumf %max3A_69, %dot_general3A_79 : vector<128x256xf32>
    %add3A_81 = arith.addf %add3A_70, %dot_general3A_79 : vector<128x256xf32>
    %mul3A_82 = arith.mulf %dot_general3A_79, %dot_general3A_79 : vector<128x256xf32>
    %add3A_83 = arith.addf %add3A_72, %mul3A_82 : vector<128x256xf32>
    %get3A_84 = arith.constant 1024 : index
    %get3A_85 = arith.constant 0 : index
    %get3A_86 = vector.load %arg1[%get3A_84, %get3A_85] : memref<2560x128xf32, #tpu.memory_space<vmem>>, vector<128x128xf32>
    %sub3A_87 = arith.subf %get3A_86, %get3A_4 : vector<128x128xf32>
    %concatenate3A_88 = tpu.concatenate %sub3A_87, %get3A_4 in 1 : vector<128x128xf32>, vector<128x128xf32> -> vector<128x256xf32>
    %dot_general3A_89 = arith.constant dense<0.000000e+00> : vector<128x256xf32>
    %dot_general3A_90 = tpu.matmul %concatenate3A_88, %get3A_1, %dot_general3A_89 {dimension_numbers = #tpu.dot_dimension_numbers<[1], [1], [0], [0], [0, 0, 1, 0], [], []>, transpose_lhs_hint = false} : vector<128x256xf32>, vector<256x256xf32>, vector<128x256xf32> -> vector<128x256xf32>
    %max3A_91 = arith.maximumf %max3A_80, %dot_general3A_90 : vector<128x256xf32>
    %add3A_92 = arith.addf %add3A_81, %dot_general3A_90 : vector<128x256xf32>
    %mul3A_93 = arith.mulf %dot_general3A_90, %dot_general3A_90 : vector<128x256xf32>
    %add3A_94 = arith.addf %add3A_83, %mul3A_93 : vector<128x256xf32>
    %get3A_95 = arith.constant 1152 : index
    %get3A_96 = arith.constant 0 : index
    %get3A_97 = vector.load %arg1[%get3A_95, %get3A_96] : memref<2560x128xf32, #tpu.memory_space<vmem>>, vector<128x128xf32>
    %sub3A_98 = arith.subf %get3A_97, %get3A_4 : vector<128x128xf32>
    %concatenate3A_99 = tpu.concatenate %sub3A_98, %get3A_4 in 1 : vector<128x128xf32>, vector<128x128xf32> -> vector<128x256xf32>
    %dot_general3A_100 = arith.constant dense<0.000000e+00> : vector<128x256xf32>
    %dot_general3A_101 = tpu.matmul %concatenate3A_99, %get3A_1, %dot_general3A_100 {dimension_numbers = #tpu.dot_dimension_numbers<[1], [1], [0], [0], [0, 0, 1, 0], [], []>, transpose_lhs_hint = false} : vector<128x256xf32>, vector<256x256xf32>, vector<128x256xf32> -> vector<128x256xf32>
    %max3A_102 = arith.maximumf %max3A_91, %dot_general3A_101 : vector<128x256xf32>
    %add3A_103 = arith.addf %add3A_92, %dot_general3A_101 : vector<128x256xf32>
    %mul3A_104 = arith.mulf %dot_general3A_101, %dot_general3A_101 : vector<128x256xf32>
    %add3A_105 = arith.addf %add3A_94, %mul3A_104 : vector<128x256xf32>
    %get3A_106 = arith.constant 1280 : index
    %get3A_107 = arith.constant 0 : index
    %get3A_108 = vector.load %arg1[%get3A_106, %get3A_107] : memref<2560x128xf32, #tpu.memory_space<vmem>>, vector<128x128xf32>
    %sub3A_109 = arith.subf %get3A_108, %get3A_4 : vector<128x128xf32>
    %concatenate3A_110 = tpu.concatenate %sub3A_109, %get3A_4 in 1 : vector<128x128xf32>, vector<128x128xf32> -> vector<128x256xf32>
    %dot_general3A_111 = arith.constant dense<0.000000e+00> : vector<128x256xf32>
    %dot_general3A_112 = tpu.matmul %concatenate3A_110, %get3A_1, %dot_general3A_111 {dimension_numbers = #tpu.dot_dimension_numbers<[1], [1], [0], [0], [0, 0, 1, 0], [], []>, transpose_lhs_hint = false} : vector<128x256xf32>, vector<256x256xf32>, vector<128x256xf32> -> vector<128x256xf32>
    %max3A_113 = arith.maximumf %max3A_102, %dot_general3A_112 : vector<128x256xf32>
    %add3A_114 = arith.addf %add3A_103, %dot_general3A_112 : vector<128x256xf32>
    %mul3A_115 = arith.mulf %dot_general3A_112, %dot_general3A_112 : vector<128x256xf32>
    %add3A_116 = arith.addf %add3A_105, %mul3A_115 : vector<128x256xf32>
    %get3A_117 = arith.constant 1408 : index
    %get3A_118 = arith.constant 0 : index
    %get3A_119 = vector.load %arg1[%get3A_117, %get3A_118] : memref<2560x128xf32, #tpu.memory_space<vmem>>, vector<128x128xf32>
    %sub3A_120 = arith.subf %get3A_119, %get3A_4 : vector<128x128xf32>
    %concatenate3A_121 = tpu.concatenate %sub3A_120, %get3A_4 in 1 : vector<128x128xf32>, vector<128x128xf32> -> vector<128x256xf32>
    %dot_general3A_122 = arith.constant dense<0.000000e+00> : vector<128x256xf32>
    %dot_general3A_123 = tpu.matmul %concatenate3A_121, %get3A_1, %dot_general3A_122 {dimension_numbers = #tpu.dot_dimension_numbers<[1], [1], [0], [0], [0, 0, 1, 0], [], []>, transpose_lhs_hint = false} : vector<128x256xf32>, vector<256x256xf32>, vector<128x256xf32> -> vector<128x256xf32>
    %max3A_124 = arith.maximumf %max3A_113, %dot_general3A_123 : vector<128x256xf32>
    %add3A_125 = arith.addf %add3A_114, %dot_general3A_123 : vector<128x256xf32>
    %mul3A_126 = arith.mulf %dot_general3A_123, %dot_general3A_123 : vector<128x256xf32>
    %add3A_127 = arith.addf %add3A_116, %mul3A_126 : vector<128x256xf32>
    %get3A_128 = arith.constant 1536 : index
    %get3A_129 = arith.constant 0 : index
    %get3A_130 = vector.load %arg1[%get3A_128, %get3A_129] : memref<2560x128xf32, #tpu.memory_space<vmem>>, vector<128x128xf32>
    %sub3A_131 = arith.subf %get3A_130, %get3A_4 : vector<128x128xf32>
    %concatenate3A_132 = tpu.concatenate %sub3A_131, %get3A_4 in 1 : vector<128x128xf32>, vector<128x128xf32> -> vector<128x256xf32>
    %dot_general3A_133 = arith.constant dense<0.000000e+00> : vector<128x256xf32>
    %dot_general3A_134 = tpu.matmul %concatenate3A_132, %get3A_1, %dot_general3A_133 {dimension_numbers = #tpu.dot_dimension_numbers<[1], [1], [0], [0], [0, 0, 1, 0], [], []>, transpose_lhs_hint = false} : vector<128x256xf32>, vector<256x256xf32>, vector<128x256xf32> -> vector<128x256xf32>
    %max3A_135 = arith.maximumf %max3A_124, %dot_general3A_134 : vector<128x256xf32>
    %add3A_136 = arith.addf %add3A_125, %dot_general3A_134 : vector<128x256xf32>
    %mul3A_137 = arith.mulf %dot_general3A_134, %dot_general3A_134 : vector<128x256xf32>
    %add3A_138 = arith.addf %add3A_127, %mul3A_137 : vector<128x256xf32>
    %get3A_139 = arith.constant 1664 : index
    %get3A_140 = arith.constant 0 : index
    %get3A_141 = vector.load %arg1[%get3A_139, %get3A_140] : memref<2560x128xf32, #tpu.memory_space<vmem>>, vector<128x128xf32>
    %sub3A_142 = arith.subf %get3A_141, %get3A_4 : vector<128x128xf32>
    %concatenate3A_143 = tpu.concatenate %sub3A_142, %get3A_4 in 1 : vector<128x128xf32>, vector<128x128xf32> -> vector<128x256xf32>
    %dot_general3A_144 = arith.constant dense<0.000000e+00> : vector<128x256xf32>
    %dot_general3A_145 = tpu.matmul %concatenate3A_143, %get3A_1, %dot_general3A_144 {dimension_numbers = #tpu.dot_dimension_numbers<[1], [1], [0], [0], [0, 0, 1, 0], [], []>, transpose_lhs_hint = false} : vector<128x256xf32>, vector<256x256xf32>, vector<128x256xf32> -> vector<128x256xf32>
    %max3A_146 = arith.maximumf %max3A_135, %dot_general3A_145 : vector<128x256xf32>
    %add3A_147 = arith.addf %add3A_136, %dot_general3A_145 : vector<128x256xf32>
    %mul3A_148 = arith.mulf %dot_general3A_145, %dot_general3A_145 : vector<128x256xf32>
    %add3A_149 = arith.addf %add3A_138, %mul3A_148 : vector<128x256xf32>
    %get3A_150 = arith.constant 1792 : index
    %get3A_151 = arith.constant 0 : index
    %get3A_152 = vector.load %arg1[%get3A_150, %get3A_151] : memref<2560x128xf32, #tpu.memory_space<vmem>>, vector<128x128xf32>
    %sub3A_153 = arith.subf %get3A_152, %get3A_4 : vector<128x128xf32>
    %concatenate3A_154 = tpu.concatenate %sub3A_153, %get3A_4 in 1 : vector<128x128xf32>, vector<128x128xf32> -> vector<128x256xf32>
    %dot_general3A_155 = arith.constant dense<0.000000e+00> : vector<128x256xf32>
    %dot_general3A_156 = tpu.matmul %concatenate3A_154, %get3A_1, %dot_general3A_155 {dimension_numbers = #tpu.dot_dimension_numbers<[1], [1], [0], [0], [0, 0, 1, 0], [], []>, transpose_lhs_hint = false} : vector<128x256xf32>, vector<256x256xf32>, vector<128x256xf32> -> vector<128x256xf32>
    %max3A_157 = arith.maximumf %max3A_146, %dot_general3A_156 : vector<128x256xf32>
    %add3A_158 = arith.addf %add3A_147, %dot_general3A_156 : vector<128x256xf32>
    %mul3A_159 = arith.mulf %dot_general3A_156, %dot_general3A_156 : vector<128x256xf32>
    %add3A_160 = arith.addf %add3A_149, %mul3A_159 : vector<128x256xf32>
    %get3A_161 = arith.constant 1920 : index
    %get3A_162 = arith.constant 0 : index
    %get3A_163 = vector.load %arg1[%get3A_161, %get3A_162] : memref<2560x128xf32, #tpu.memory_space<vmem>>, vector<128x128xf32>
    %sub3A_164 = arith.subf %get3A_163, %get3A_4 : vector<128x128xf32>
    %concatenate3A_165 = tpu.concatenate %sub3A_164, %get3A_4 in 1 : vector<128x128xf32>, vector<128x128xf32> -> vector<128x256xf32>
    %dot_general3A_166 = arith.constant dense<0.000000e+00> : vector<128x256xf32>
    %dot_general3A_167 = tpu.matmul %concatenate3A_165, %get3A_1, %dot_general3A_166 {dimension_numbers = #tpu.dot_dimension_numbers<[1], [1], [0], [0], [0, 0, 1, 0], [], []>, transpose_lhs_hint = false} : vector<128x256xf32>, vector<256x256xf32>, vector<128x256xf32> -> vector<128x256xf32>
    %max3A_168 = arith.maximumf %max3A_157, %dot_general3A_167 : vector<128x256xf32>
    %add3A_169 = arith.addf %add3A_158, %dot_general3A_167 : vector<128x256xf32>
    %mul3A_170 = arith.mulf %dot_general3A_167, %dot_general3A_167 : vector<128x256xf32>
    %add3A_171 = arith.addf %add3A_160, %mul3A_170 : vector<128x256xf32>
    %get3A_172 = arith.constant 2048 : index
    %get3A_173 = arith.constant 0 : index
    %get3A_174 = vector.load %arg1[%get3A_172, %get3A_173] : memref<2560x128xf32, #tpu.memory_space<vmem>>, vector<128x128xf32>
    %sub3A_175 = arith.subf %get3A_174, %get3A_4 : vector<128x128xf32>
    %concatenate3A_176 = tpu.concatenate %sub3A_175, %get3A_4 in 1 : vector<128x128xf32>, vector<128x128xf32> -> vector<128x256xf32>
    %dot_general3A_177 = arith.constant dense<0.000000e+00> : vector<128x256xf32>
    %dot_general3A_178 = tpu.matmul %concatenate3A_176, %get3A_1, %dot_general3A_177 {dimension_numbers = #tpu.dot_dimension_numbers<[1], [1], [0], [0], [0, 0, 1, 0], [], []>, transpose_lhs_hint = false} : vector<128x256xf32>, vector<256x256xf32>, vector<128x256xf32> -> vector<128x256xf32>
    %max3A_179 = arith.maximumf %max3A_168, %dot_general3A_178 : vector<128x256xf32>
    %add3A_180 = arith.addf %add3A_169, %dot_general3A_178 : vector<128x256xf32>
    %mul3A_181 = arith.mulf %dot_general3A_178, %dot_general3A_178 : vector<128x256xf32>
    %add3A_182 = arith.addf %add3A_171, %mul3A_181 : vector<128x256xf32>
    %get3A_183 = arith.constant 2176 : index
    %get3A_184 = arith.constant 0 : index
    %get3A_185 = vector.load %arg1[%get3A_183, %get3A_184] : memref<2560x128xf32, #tpu.memory_space<vmem>>, vector<128x128xf32>
    %sub3A_186 = arith.subf %get3A_185, %get3A_4 : vector<128x128xf32>
    %concatenate3A_187 = tpu.concatenate %sub3A_186, %get3A_4 in 1 : vector<128x128xf32>, vector<128x128xf32> -> vector<128x256xf32>
    %dot_general3A_188 = arith.constant dense<0.000000e+00> : vector<128x256xf32>
    %dot_general3A_189 = tpu.matmul %concatenate3A_187, %get3A_1, %dot_general3A_188 {dimension_numbers = #tpu.dot_dimension_numbers<[1], [1], [0], [0], [0, 0, 1, 0], [], []>, transpose_lhs_hint = false} : vector<128x256xf32>, vector<256x256xf32>, vector<128x256xf32> -> vector<128x256xf32>
    %max3A_190 = arith.maximumf %max3A_179, %dot_general3A_189 : vector<128x256xf32>
    %add3A_191 = arith.addf %add3A_180, %dot_general3A_189 : vector<128x256xf32>
    %mul3A_192 = arith.mulf %dot_general3A_189, %dot_general3A_189 : vector<128x256xf32>
    %add3A_193 = arith.addf %add3A_182, %mul3A_192 : vector<128x256xf32>
    %get3A_194 = arith.constant 2304 : index
    %get3A_195 = arith.constant 0 : index
    %get3A_196 = vector.load %arg1[%get3A_194, %get3A_195] : memref<2560x128xf32, #tpu.memory_space<vmem>>, vector<128x128xf32>
    %sub3A_197 = arith.subf %get3A_196, %get3A_4 : vector<128x128xf32>
    %concatenate3A_198 = tpu.concatenate %sub3A_197, %get3A_4 in 1 : vector<128x128xf32>, vector<128x128xf32> -> vector<128x256xf32>
    %dot_general3A_199 = arith.constant dense<0.000000e+00> : vector<128x256xf32>
    %dot_general3A_200 = tpu.matmul %concatenate3A_198, %get3A_1, %dot_general3A_199 {dimension_numbers = #tpu.dot_dimension_numbers<[1], [1], [0], [0], [0, 0, 1, 0], [], []>, transpose_lhs_hint = false} : vector<128x256xf32>, vector<256x256xf32>, vector<128x256xf32> -> vector<128x256xf32>
    %max3A_201 = arith.maximumf %max3A_190, %dot_general3A_200 : vector<128x256xf32>
    %add3A_202 = arith.addf %add3A_191, %dot_general3A_200 : vector<128x256xf32>
    %mul3A_203 = arith.mulf %dot_general3A_200, %dot_general3A_200 : vector<128x256xf32>
    %add3A_204 = arith.addf %add3A_193, %mul3A_203 : vector<128x256xf32>
    %get3A_205 = arith.constant 2432 : index
    %get3A_206 = arith.constant 0 : index
    %get3A_207 = vector.load %arg1[%get3A_205, %get3A_206] : memref<2560x128xf32, #tpu.memory_space<vmem>>, vector<128x128xf32>
    %sub3A_208 = arith.subf %get3A_207, %get3A_4 : vector<128x128xf32>
    %concatenate3A_209 = tpu.concatenate %sub3A_208, %get3A_4 in 1 : vector<128x128xf32>, vector<128x128xf32> -> vector<128x256xf32>
    %dot_general3A_210 = arith.constant dense<0.000000e+00> : vector<128x256xf32>
    %dot_general3A_211 = tpu.matmul %concatenate3A_209, %get3A_1, %dot_general3A_210 {dimension_numbers = #tpu.dot_dimension_numbers<[1], [1], [0], [0], [0, 0, 1, 0], [], []>, transpose_lhs_hint = false} : vector<128x256xf32>, vector<256x256xf32>, vector<128x256xf32> -> vector<128x256xf32>
    %max3A_212 = arith.maximumf %max3A_201, %dot_general3A_211 : vector<128x256xf32>
    %add3A_213 = arith.addf %add3A_202, %dot_general3A_211 : vector<128x256xf32>
    %mul3A_214 = arith.mulf %dot_general3A_211, %dot_general3A_211 : vector<128x256xf32>
    %add3A_215 = arith.addf %add3A_204, %mul3A_214 : vector<128x256xf32>
    %swap3A = arith.constant 0 : index
    %swap3A_216 = arith.constant 0 : index
    %swap3A_217 = vector.load %arg4[%swap3A, %swap3A_216] : memref<128x256xf32, #tpu.memory_space<vmem>>, vector<128x256xf32>
    tpu.vector_store %arg4[%swap3A, %swap3A_216], %max3A_212 {strides = array<i32>} : memref<128x256xf32, #tpu.memory_space<vmem>>, vector<128x256xf32>,
    %reduce_sum3A = arith.constant dense<0.000000e+00> : vector<256xf32>
    %reduce_sum3A_218 = vector.multi_reduction <add>, %add3A_213, %reduce_sum3A [0] : vector<128x256xf32> to vector<256xf32>
    %broadcast_in_dim3A = vector.shape_cast %reduce_sum3A_218 : vector<256xf32> to vector<1x256xf32>
    %reduce_sum3A_219 = arith.constant dense<0.000000e+00> : vector<256xf32>
    %reduce_sum3A_220 = vector.multi_reduction <add>, %add3A_215, %reduce_sum3A_219 [0] : vector<128x256xf32> to vector<256xf32>
    %broadcast_in_dim3A_221 = vector.shape_cast %reduce_sum3A_220 : vector<256xf32> to vector<1x256xf32>
    %concatenate3A_222 = tpu.concatenate %broadcast_in_dim3A, %broadcast_in_dim3A_221 in 0 : vector<1x256xf32>, vector<1x256xf32> -> vector<2x256xf32>
    %eq3A = arith.constant 0 : i32
    %eq3A_223 = arith.cmpi eq, %arg0, %eq3A : i32
    %convert_element_type3A = arith.extui %eq3A_223 : i1 to i32
    %cond3A = arith.constant 0 : i32
    %cond3A_224 = arith.cmpi ne, %convert_element_type3A, %cond3A : i32
    scf.if %cond3A_224 {
      %swap3A_229 = arith.constant 0 : index
      %swap3A_230 = arith.constant 0 : index
      %swap3A_231 = vector.load %arg5[%swap3A_229, %swap3A_230] : memref<2x256xf32, #tpu.memory_space<vmem>>, vector<2x256xf32>
      tpu.vector_store %arg5[%swap3A_229, %swap3A_230], %concatenate3A_222 {strides = array<i32>} : memref<2x256xf32, #tpu.memory_space<vmem>>, vector<2x256xf32>,
    } else {
    }
    %gt3A = arith.constant 0 : i32
    %gt3A_225 = arith.cmpi sgt, %arg0, %gt3A : i32
    %convert_element_type3A_226 = arith.extui %gt3A_225 : i1 to i32
    %cond3A_227 = arith.constant 0 : i32
    %cond3A_228 = arith.cmpi ne, %convert_element_type3A_226, %cond3A_227 : i32
    scf.if %cond3A_228 {
      %get3A_229 = arith.constant 0 : index
      %get3A_230 = arith.constant 0 : index
      %get3A_231 = vector.load %arg5[%get3A_229, %get3A_230] : memref<2x256xf32, #tpu.memory_space<vmem>>, vector<2x256xf32>
      %add3A_232 = arith.addf %get3A_231, %concatenate3A_222 : vector<2x256xf32>
      %swap3A_233 = arith.constant 0 : index
      %swap3A_234 = arith.constant 0 : index
      %swap3A_235 = vector.load %arg5[%swap3A_233, %swap3A_234] : memref<2x256xf32, #tpu.memory_space<vmem>>, vector<2x256xf32>
      tpu.vector_store %arg5[%swap3A_233, %swap3A_234], %add3A_232 {strides = array<i32>} : memref<2x256xf32, #tpu.memory_space<vmem>>, vector<2x256xf32>,
    } else {
    }
    return
  }
  func.func @transform_0(%arg0: i32) -> (i32, i32) {
    %c0_i32 = arith.constant 0 : i32
    %c0_i32_0 = arith.constant 0 : i32
    return %arg0, %c0_i32 : i32, i32
  }
  func.func @transform_1(%arg0: i32) -> (i32, i32) {
    %c0_i32 = arith.constant 0 : i32
    %c0_i32_0 = arith.constant 0 : i32
    return %arg0, %c0_i32 : i32, i32
  }
  func.func @transform_2(%arg0: i32) -> (i32, i32) {
    %c0_i32 = arith.constant 0 : i32
    %c0_i32_0 = arith.constant 0 : i32
    %c0_i32_1 = arith.constant 0 : i32
    return %c0_i32, %c0_i32_0 : i32, i32
  }
  func.func @transform_3(%arg0: i32) -> (i32, i32) {
    %c0_i32 = arith.constant 0 : i32
    %c0_i32_0 = arith.constant 0 : i32
    return %arg0, %c0_i32 : i32, i32
  }
  func.func @transform_4(%arg0: i32) -> (i32, i32) {
    %c0_i32 = arith.constant 0 : i32
    %c0_i32_0 = arith.constant 0 : i32
    %c0_i32_1 = arith.constant 0 : i32
    return %c0_i32, %c0_i32_0 : i32, i32
  }
}

module attributes {stable_mosaic.version = 14 : i64} {
  func.func @_norm_body(%arg0: i32, %arg1: memref<1024x256xf32, #tpu.memory_space<vmem>>, %arg2: memref<2x256xf32, #tpu.memory_space<vmem>>, %arg3: memref<1x256xf32, #tpu.memory_space<vmem>>, %arg4: memref<1x256xf32, #tpu.memory_space<vmem>>, %arg5: memref<1024x256xf32, #tpu.memory_space<vmem>>) attributes {dimension_semantics = [#tpu.dimension_semantics<arbitrary>], iteration_bounds = array<i64: 8>, scalar_prefetch = 0 : i64, scratch_operands = 0 : i64, tpu.core_type = #tpu.core_type<tc>, window_params = [{transform_indices = @transform_0, window_bounds = array<i64: 1024, 256>}, {pipeline_mode = #tpu.pipeline_mode<synchronous>, transform_indices = @transform_1, window_bounds = array<i64: 2, 256>}, {pipeline_mode = #tpu.pipeline_mode<synchronous>, transform_indices = @transform_2, window_bounds = array<i64: 1, 256>}, {pipeline_mode = #tpu.pipeline_mode<synchronous>, transform_indices = @transform_3, window_bounds = array<i64: 1, 256>}, {transform_indices = @transform_4, window_bounds = array<i64: 1024, 256>}]} {
    %get3A = arith.constant 0 : index
    %get3A_0 = arith.constant 0 : index
    %get3A_1 = vector.load %arg2[%get3A, %get3A_0] : memref<2x256xf32, #tpu.memory_space<vmem>>, vector<1x256xf32>
    %mul3A = arith.constant 6.10351572E-6 : f32
    %mul3A_2 = vector.broadcast %mul3A : f32 to vector<1x256xf32>
    %mul3A_3 = arith.mulf %get3A_1, %mul3A_2 : vector<1x256xf32>
    %get3A_4 = arith.constant 1 : index
    %get3A_5 = arith.constant 0 : index
    %get3A_6 = vector.load %arg2[%get3A_4, %get3A_5] : memref<2x256xf32, #tpu.memory_space<vmem>>, vector<1x256xf32>
    %mul3A_7 = arith.constant 6.10351572E-6 : f32
    %mul3A_8 = vector.broadcast %mul3A_7 : f32 to vector<1x256xf32>
    %mul3A_9 = arith.mulf %get3A_6, %mul3A_8 : vector<1x256xf32>
    %mul3A_10 = arith.mulf %mul3A_3, %mul3A_3 : vector<1x256xf32>
    %sub3A = arith.subf %mul3A_9, %mul3A_10 : vector<1x256xf32>
    %add3A = arith.constant 9.99999974E-6 : f32
    %add3A_11 = vector.broadcast %add3A : f32 to vector<1x256xf32>
    %add3A_12 = arith.addf %sub3A, %add3A_11 : vector<1x256xf32>
    %rsqrt3A = math.rsqrt %add3A_12 : vector<1x256xf32>
    %get3A_13 = arith.constant 0 : index
    %get3A_14 = arith.constant 0 : index
    %get3A_15 = vector.load %arg1[%get3A_13, %get3A_14] : memref<1024x256xf32, #tpu.memory_space<vmem>>, vector<1024x256xf32>
    %sub3A_16 = vector.broadcast %mul3A_3 : vector<1x256xf32> to vector<1024x256xf32>
    %sub3A_17 = arith.subf %get3A_15, %sub3A_16 : vector<1024x256xf32>
    %get3A_18 = arith.constant 0 : index
    %get3A_19 = arith.constant 0 : index
    %get3A_20 = vector.load %arg3[%get3A_18, %get3A_19] : memref<1x256xf32, #tpu.memory_space<vmem>>, vector<1x256xf32>
    %mul3A_21 = arith.mulf %rsqrt3A, %get3A_20 : vector<1x256xf32>
    %mul3A_22 = vector.broadcast %mul3A_21 : vector<1x256xf32> to vector<1024x256xf32>
    %mul3A_23 = arith.mulf %sub3A_17, %mul3A_22 : vector<1024x256xf32>
    %get3A_24 = arith.constant 0 : index
    %get3A_25 = arith.constant 0 : index
    %get3A_26 = vector.load %arg4[%get3A_24, %get3A_25] : memref<1x256xf32, #tpu.memory_space<vmem>>, vector<1x256xf32>
    %add3A_27 = vector.broadcast %get3A_26 : vector<1x256xf32> to vector<1024x256xf32>
    %add3A_28 = arith.addf %mul3A_23, %add3A_27 : vector<1024x256xf32>
    %gt3A = arith.constant 0.000000e+00 : f32
    %gt3A_29 = vector.broadcast %gt3A : f32 to vector<1024x256xf32>
    %gt3A_30 = arith.cmpf ogt, %add3A_28, %gt3A_29 : vector<1024x256xf32>
    %mul3A_31 = arith.constant 2.000000e-01 : f32
    %mul3A_32 = vector.broadcast %mul3A_31 : f32 to vector<1024x256xf32>
    %mul3A_33 = arith.mulf %mul3A_32, %add3A_28 : vector<1024x256xf32>
    %select_n3A = arith.select %gt3A_30, %add3A_28, %mul3A_33 : vector<1024x256xi1>, vector<1024x256xf32>
    %swap3A = arith.constant 0 : index
    %swap3A_34 = arith.constant 0 : index
    %swap3A_35 = vector.load %arg5[%swap3A, %swap3A_34] : memref<1024x256xf32, #tpu.memory_space<vmem>>, vector<1024x256xf32>
    tpu.vector_store %arg5[%swap3A, %swap3A_34], %select_n3A {strides = array<i32>} : memref<1024x256xf32, #tpu.memory_space<vmem>>, vector<1024x256xf32>,
    return
  }
  func.func @transform_0(%arg0: i32) -> (i32, i32) {
    %c0_i32 = arith.constant 0 : i32
    %c0_i32_0 = arith.constant 0 : i32
    return %arg0, %c0_i32 : i32, i32
  }
  func.func @transform_1(%arg0: i32) -> (i32, i32) {
    %c0_i32 = arith.constant 0 : i32
    %c0_i32_0 = arith.constant 0 : i32
    %c0_i32_1 = arith.constant 0 : i32
    return %c0_i32, %c0_i32_0 : i32, i32
  }
  func.func @transform_2(%arg0: i32) -> (i32, i32) {
    %c0_i32 = arith.constant 0 : i32
    %c0_i32_0 = arith.constant 0 : i32
    %c0_i32_1 = arith.constant 0 : i32
    return %c0_i32, %c0_i32_0 : i32, i32
  }
  func.func @transform_3(%arg0: i32) -> (i32, i32) {
    %c0_i32 = arith.constant 0 : i32
    %c0_i32_0 = arith.constant 0 : i32
    %c0_i32_1 = arith.constant 0 : i32
    return %c0_i32, %c0_i32_0 : i32, i32
  }
  func.func @transform_4(%arg0: i32) -> (i32, i32) {
    %c0_i32 = arith.constant 0 : i32
    %c0_i32_0 = arith.constant 0 : i32
    return %arg0, %c0_i32 : i32, i32
  }
}

module attributes {stable_mosaic.version = 14 : i64} {
  func.func @_fc_body(%arg0: i32, %arg1: memref<1024x512xf32, #tpu.memory_space<vmem>>, %arg2: memref<256x512xf32, #tpu.memory_space<vmem>>, %arg3: memref<1024x256xf32, #tpu.memory_space<vmem>>, %arg4: memref<2x256xf32, #tpu.memory_space<vmem>>) attributes {dimension_semantics = [#tpu.dimension_semantics<arbitrary>], iteration_bounds = array<i64: 8>, scalar_prefetch = 0 : i64, scratch_operands = 0 : i64, tpu.core_type = #tpu.core_type<tc>, window_params = [{transform_indices = @transform_0, window_bounds = array<i64: 1024, 512>}, {pipeline_mode = #tpu.pipeline_mode<synchronous>, transform_indices = @transform_1, window_bounds = array<i64: 256, 512>}, {transform_indices = @transform_2, window_bounds = array<i64: 1024, 256>}, {pipeline_mode = #tpu.pipeline_mode<synchronous>, transform_indices = @transform_3, window_bounds = array<i64: 2, 256>}]} {
    %get3A = arith.constant 0 : index
    %get3A_0 = arith.constant 0 : index
    %get3A_1 = vector.load %arg1[%get3A, %get3A_0] : memref<1024x512xf32, #tpu.memory_space<vmem>>, vector<1024x512xf32>
    %get3A_2 = arith.constant 0 : index
    %get3A_3 = arith.constant 0 : index
    %get3A_4 = vector.load %arg2[%get3A_2, %get3A_3] : memref<256x512xf32, #tpu.memory_space<vmem>>, vector<256x512xf32>
    %dot_general3A = arith.constant dense<0.000000e+00> : vector<1024x256xf32>
    %dot_general3A_5 = tpu.matmul %get3A_1, %get3A_4, %dot_general3A {dimension_numbers = #tpu.dot_dimension_numbers<[1], [1], [0], [0], [0, 0, 1, 0], [], []>, transpose_lhs_hint = false} : vector<1024x512xf32>, vector<256x512xf32>, vector<1024x256xf32> -> vector<1024x256xf32>
    %swap3A = arith.constant 0 : index
    %swap3A_6 = arith.constant 0 : index
    %swap3A_7 = vector.load %arg3[%swap3A, %swap3A_6] : memref<1024x256xf32, #tpu.memory_space<vmem>>, vector<1024x256xf32>
    tpu.vector_store %arg3[%swap3A, %swap3A_6], %dot_general3A_5 {strides = array<i32>} : memref<1024x256xf32, #tpu.memory_space<vmem>>, vector<1024x256xf32>,
    %reduce_sum3A = arith.constant dense<0.000000e+00> : vector<256xf32>
    %reduce_sum3A_8 = vector.multi_reduction <add>, %dot_general3A_5, %reduce_sum3A [0] : vector<1024x256xf32> to vector<256xf32>
    %broadcast_in_dim3A = vector.shape_cast %reduce_sum3A_8 : vector<256xf32> to vector<1x256xf32>
    %mul3A = arith.mulf %dot_general3A_5, %dot_general3A_5 : vector<1024x256xf32>
    %reduce_sum3A_9 = arith.constant dense<0.000000e+00> : vector<256xf32>
    %reduce_sum3A_10 = vector.multi_reduction <add>, %mul3A, %reduce_sum3A_9 [0] : vector<1024x256xf32> to vector<256xf32>
    %broadcast_in_dim3A_11 = vector.shape_cast %reduce_sum3A_10 : vector<256xf32> to vector<1x256xf32>
    %concatenate3A = tpu.concatenate %broadcast_in_dim3A, %broadcast_in_dim3A_11 in 0 : vector<1x256xf32>, vector<1x256xf32> -> vector<2x256xf32>
    %eq3A = arith.constant 0 : i32
    %eq3A_12 = arith.cmpi eq, %arg0, %eq3A : i32
    %convert_element_type3A = arith.extui %eq3A_12 : i1 to i32
    %cond3A = arith.constant 0 : i32
    %cond3A_13 = arith.cmpi ne, %convert_element_type3A, %cond3A : i32
    scf.if %cond3A_13 {
      %swap3A_18 = arith.constant 0 : index
      %swap3A_19 = arith.constant 0 : index
      %swap3A_20 = vector.load %arg4[%swap3A_18, %swap3A_19] : memref<2x256xf32, #tpu.memory_space<vmem>>, vector<2x256xf32>
      tpu.vector_store %arg4[%swap3A_18, %swap3A_19], %concatenate3A {strides = array<i32>} : memref<2x256xf32, #tpu.memory_space<vmem>>, vector<2x256xf32>,
    } else {
    }
    %gt3A = arith.constant 0 : i32
    %gt3A_14 = arith.cmpi sgt, %arg0, %gt3A : i32
    %convert_element_type3A_15 = arith.extui %gt3A_14 : i1 to i32
    %cond3A_16 = arith.constant 0 : i32
    %cond3A_17 = arith.cmpi ne, %convert_element_type3A_15, %cond3A_16 : i32
    scf.if %cond3A_17 {
      %get3A_18 = arith.constant 0 : index
      %get3A_19 = arith.constant 0 : index
      %get3A_20 = vector.load %arg4[%get3A_18, %get3A_19] : memref<2x256xf32, #tpu.memory_space<vmem>>, vector<2x256xf32>
      %add3A = arith.addf %get3A_20, %concatenate3A : vector<2x256xf32>
      %swap3A_21 = arith.constant 0 : index
      %swap3A_22 = arith.constant 0 : index
      %swap3A_23 = vector.load %arg4[%swap3A_21, %swap3A_22] : memref<2x256xf32, #tpu.memory_space<vmem>>, vector<2x256xf32>
      tpu.vector_store %arg4[%swap3A_21, %swap3A_22], %add3A {strides = array<i32>} : memref<2x256xf32, #tpu.memory_space<vmem>>, vector<2x256xf32>,
    } else {
    }
    return
  }
  func.func @transform_0(%arg0: i32) -> (i32, i32) {
    %c0_i32 = arith.constant 0 : i32
    %c0_i32_0 = arith.constant 0 : i32
    return %arg0, %c0_i32 : i32, i32
  }
  func.func @transform_1(%arg0: i32) -> (i32, i32) {
    %c0_i32 = arith.constant 0 : i32
    %c0_i32_0 = arith.constant 0 : i32
    %c0_i32_1 = arith.constant 0 : i32
    return %c0_i32, %c0_i32_0 : i32, i32
  }
  func.func @transform_2(%arg0: i32) -> (i32, i32) {
    %c0_i32 = arith.constant 0 : i32
    %c0_i32_0 = arith.constant 0 : i32
    return %arg0, %c0_i32 : i32, i32
  }
  func.func @transform_3(%arg0: i32) -> (i32, i32) {
    %c0_i32 = arith.constant 0 : i32
    %c0_i32_0 = arith.constant 0 : i32
    %c0_i32_1 = arith.constant 0 : i32
    return %c0_i32, %c0_i32_0 : i32, i32
  }
}

module attributes {stable_mosaic.version = 14 : i64} {
  func.func @_norm_body(%arg0: i32, %arg1: memref<1024x256xf32, #tpu.memory_space<vmem>>, %arg2: memref<2x256xf32, #tpu.memory_space<vmem>>, %arg3: memref<1x256xf32, #tpu.memory_space<vmem>>, %arg4: memref<1x256xf32, #tpu.memory_space<vmem>>, %arg5: memref<1024x256xf32, #tpu.memory_space<vmem>>) attributes {dimension_semantics = [#tpu.dimension_semantics<arbitrary>], iteration_bounds = array<i64: 8>, scalar_prefetch = 0 : i64, scratch_operands = 0 : i64, tpu.core_type = #tpu.core_type<tc>, window_params = [{transform_indices = @transform_0, window_bounds = array<i64: 1024, 256>}, {pipeline_mode = #tpu.pipeline_mode<synchronous>, transform_indices = @transform_1, window_bounds = array<i64: 2, 256>}, {pipeline_mode = #tpu.pipeline_mode<synchronous>, transform_indices = @transform_2, window_bounds = array<i64: 1, 256>}, {pipeline_mode = #tpu.pipeline_mode<synchronous>, transform_indices = @transform_3, window_bounds = array<i64: 1, 256>}, {transform_indices = @transform_4, window_bounds = array<i64: 1024, 256>}]} {
    %get3A = arith.constant 0 : index
    %get3A_0 = arith.constant 0 : index
    %get3A_1 = vector.load %arg2[%get3A, %get3A_0] : memref<2x256xf32, #tpu.memory_space<vmem>>, vector<1x256xf32>
    %mul3A = arith.constant 1.22070313E-4 : f32
    %mul3A_2 = vector.broadcast %mul3A : f32 to vector<1x256xf32>
    %mul3A_3 = arith.mulf %get3A_1, %mul3A_2 : vector<1x256xf32>
    %get3A_4 = arith.constant 1 : index
    %get3A_5 = arith.constant 0 : index
    %get3A_6 = vector.load %arg2[%get3A_4, %get3A_5] : memref<2x256xf32, #tpu.memory_space<vmem>>, vector<1x256xf32>
    %mul3A_7 = arith.constant 1.22070313E-4 : f32
    %mul3A_8 = vector.broadcast %mul3A_7 : f32 to vector<1x256xf32>
    %mul3A_9 = arith.mulf %get3A_6, %mul3A_8 : vector<1x256xf32>
    %mul3A_10 = arith.mulf %mul3A_3, %mul3A_3 : vector<1x256xf32>
    %sub3A = arith.subf %mul3A_9, %mul3A_10 : vector<1x256xf32>
    %add3A = arith.constant 9.99999974E-6 : f32
    %add3A_11 = vector.broadcast %add3A : f32 to vector<1x256xf32>
    %add3A_12 = arith.addf %sub3A, %add3A_11 : vector<1x256xf32>
    %rsqrt3A = math.rsqrt %add3A_12 : vector<1x256xf32>
    %get3A_13 = arith.constant 0 : index
    %get3A_14 = arith.constant 0 : index
    %get3A_15 = vector.load %arg1[%get3A_13, %get3A_14] : memref<1024x256xf32, #tpu.memory_space<vmem>>, vector<1024x256xf32>
    %sub3A_16 = vector.broadcast %mul3A_3 : vector<1x256xf32> to vector<1024x256xf32>
    %sub3A_17 = arith.subf %get3A_15, %sub3A_16 : vector<1024x256xf32>
    %get3A_18 = arith.constant 0 : index
    %get3A_19 = arith.constant 0 : index
    %get3A_20 = vector.load %arg3[%get3A_18, %get3A_19] : memref<1x256xf32, #tpu.memory_space<vmem>>, vector<1x256xf32>
    %mul3A_21 = arith.mulf %rsqrt3A, %get3A_20 : vector<1x256xf32>
    %mul3A_22 = vector.broadcast %mul3A_21 : vector<1x256xf32> to vector<1024x256xf32>
    %mul3A_23 = arith.mulf %sub3A_17, %mul3A_22 : vector<1024x256xf32>
    %get3A_24 = arith.constant 0 : index
    %get3A_25 = arith.constant 0 : index
    %get3A_26 = vector.load %arg4[%get3A_24, %get3A_25] : memref<1x256xf32, #tpu.memory_space<vmem>>, vector<1x256xf32>
    %add3A_27 = vector.broadcast %get3A_26 : vector<1x256xf32> to vector<1024x256xf32>
    %add3A_28 = arith.addf %mul3A_23, %add3A_27 : vector<1024x256xf32>
    %gt3A = arith.constant 0.000000e+00 : f32
    %gt3A_29 = vector.broadcast %gt3A : f32 to vector<1024x256xf32>
    %gt3A_30 = arith.cmpf ogt, %add3A_28, %gt3A_29 : vector<1024x256xf32>
    %mul3A_31 = arith.constant 2.000000e-01 : f32
    %mul3A_32 = vector.broadcast %mul3A_31 : f32 to vector<1024x256xf32>
    %mul3A_33 = arith.mulf %mul3A_32, %add3A_28 : vector<1024x256xf32>
    %select_n3A = arith.select %gt3A_30, %add3A_28, %mul3A_33 : vector<1024x256xi1>, vector<1024x256xf32>
    %swap3A = arith.constant 0 : index
    %swap3A_34 = arith.constant 0 : index
    %swap3A_35 = vector.load %arg5[%swap3A, %swap3A_34] : memref<1024x256xf32, #tpu.memory_space<vmem>>, vector<1024x256xf32>
    tpu.vector_store %arg5[%swap3A, %swap3A_34], %select_n3A {strides = array<i32>} : memref<1024x256xf32, #tpu.memory_space<vmem>>, vector<1024x256xf32>,
    return
  }
  func.func @transform_0(%arg0: i32) -> (i32, i32) {
    %c0_i32 = arith.constant 0 : i32
    %c0_i32_0 = arith.constant 0 : i32
    return %arg0, %c0_i32 : i32, i32
  }
  func.func @transform_1(%arg0: i32) -> (i32, i32) {
    %c0_i32 = arith.constant 0 : i32
    %c0_i32_0 = arith.constant 0 : i32
    %c0_i32_1 = arith.constant 0 : i32
    return %c0_i32, %c0_i32_0 : i32, i32
  }
  func.func @transform_2(%arg0: i32) -> (i32, i32) {
    %c0_i32 = arith.constant 0 : i32
    %c0_i32_0 = arith.constant 0 : i32
    %c0_i32_1 = arith.constant 0 : i32
    return %c0_i32, %c0_i32_0 : i32, i32
  }
  func.func @transform_3(%arg0: i32) -> (i32, i32) {
    %c0_i32 = arith.constant 0 : i32
    %c0_i32_0 = arith.constant 0 : i32
    %c0_i32_1 = arith.constant 0 : i32
    return %c0_i32, %c0_i32_0 : i32, i32
  }
  func.func @transform_4(%arg0: i32) -> (i32, i32) {
    %c0_i32 = arith.constant 0 : i32
    %c0_i32_0 = arith.constant 0 : i32
    return %arg0, %c0_i32 : i32, i32
  }
}

</mosaic_0001>

<sc_bundles>
// kernel: kernel.20.cloned.1.call-start
scs
__scs_entry_jumppad:
0x0: {  	(pc) =	sbr.rel $0x88, $3  }
0x1: {  	(tag) =	ssettag $0x0;
	lr =	simm.s32 $0x1  }
0x2: {  	[smem:$0x3F91] =	sst lr;
	_ =	strace $0xD0000000  }
0x3: {  	_ = 	snop  }
0x4: {  	_ = 	snop  }
0x5: {  	_ = 	snop  }
0x6: {  	_ = 	snop  }
0x7: {  	_ = 	snop  }
__scs_overlays_trampoline_lowered:
0x8: {  	[smem:$0x3FA0] =	sst s0  }
0x9: {  	[smem:$0x3FA1] =	sst s1  }
0xa: {  	[smem:$0x3FA2] =	sst s2  }
0xb: {  	[smem:$0x3FA3] =	sst s3  }
0xc: {  	[smem:$0x3FA4] =	sst s4  }
0xd: {  	[smem:$0x3FA5] =	sst s5  }
0xe: {  	[smem:$0x3FA6] =	sst s6  }
0xf: {  	[smem:$0x3FA7] =	sst s7  }
0x10: {  	[smem:$0x3FA8] =	sst s8  }
0x11: {  	[smem:$0x3FA9] =	sst s9;
	s0 =	simm.s32 @!p0 $0x0  }
0x12: {  	s1 =	sld [smem:$0x3F8F];
	s0 =	simm.s32 @p0 $0x1  }
0x13: {  	[smem:$0x3FAA] =	sst s0;
	s0 =	simm.s32 @!p1 $0x0  }
0x14: {  	s2 =	sld [smem:$0x3F8E];
	s0 =	simm.s32 @p1 $0x1  }
0x15: {  	[smem:$0x3FAB] =	sst s0;
	s0 =	simm.s32 @!p2 $0x0  }
0x16: {  	s3 =	sld [smem:$0x3FDB];
	s0 =	simm.s32 @p2 $0x1  }
0x17: {  	s4 =	simm.s32 $0x1BF5;
	[smem:$0x3FAD] =	sst s0  }
0x18: {  	s0 =	sld [smem:$0x3F90];
	_ =	swait.ge [sflag:s4], $0x0  }
0x19: {  	s7 =	sld [smem:$0x3F91]  }
0x1a: {  	s8 =	sadd.s32 $0xFFFFE003, lr  }
0x1b: {  	s9 =	sadd.s32 $0xFFFFFEF7, lr;
	s5 =	simm.s32 $0xFFFFFFFF;
	p2 =	slt.u32 s8, $0xFFFFF086  }
0x1c: {  	p1 =	slt.u32 s9, $0xF7A;
	s5 =	simm.s32 @!p2 $0x0  }
0x1d: {  	s5 =	simm.s32 @p1 $0x1;
	p0 =	seq.s32 s7, s2  }
0x1e: {  	s7 =	smul.u32 @!p0 $0xF7A, s2;
	p2 =	seq.s32 @!p0 s5, $0x0  }
0x1f: {  	s9 =	smul.u32 $0xF7A, s1;
	s8 =	simm.s32 @!p0 $0x1BF5;
	p2 =	por !p2, p0  }
0x20: {  	[sflag:s8] =	ssyncset.s32 @!p0 $0xFFFFF086;
	s6 =	sadd.s32 @!p0 s3, s7;
	s7 =	simm.s32 @!p0 $0x108  }
0x21: {  	s3 =	sadd.s32 s3, s9;
	s6 =	sadd.s32 @!p0 $0x88, s6;
	s7 =	simm.s32 @p2 $0x1082  }
0x22: {  	[simem:s7], [sflag:s8] =	dma.local @!p0 [hbm:s6], $0xF7A  }
0x23: {  	s9 =	sor.u32 $0xD0000000, s2;
	s6 =	simm.s32 $0x108;
	_ =	swait.ge @!p0 [sflag:s8], $0x0  }
0x24: {  	s3 =	sadd.s32 $0x88, s3;
	s6 =	simm.s32 @!p1 $0x1082;
	[sflag:s4] =	ssyncset.s32 $0xFFFFF086  }
0x25: {  	[simem:s6], [sflag:s4] =	dma.local [hbm:s3], $0xF7A  }
0x26: {  	[smem:$0x3F91] =	sst s1;
	(tag) =	ssettag s2;
	_ =	strace s9  }
0x27: {  	s1 =	sld [smem:$0x3FA1]  }
0x28: {  	s2 =	sld [smem:$0x3FA2]  }
0x29: {  	s4 =	sld [smem:$0x3FA4]  }
0x2a: {  	p0 =	seq.s32 s5, $0x0;
	s5 =	sld [smem:$0x3FA5]  }
0x2b: {  	s6 =	sld [smem:$0x3FA6]  }
0x2c: {  	s7 =	sld [smem:$0x3FA7]  }
0x2d: {  	s3 =	simm.s32 $0x108;
	s8 =	sld [smem:$0x3FA8]  }
0x2e: {  	s3 =	simm.s32 @!p0 $0x1082;
	s9 =	sld [smem:$0x3FA9]  }
0x2f: {  	lr =	sadd.s32 s0, s3;
	s0 =	sld [smem:$0x3FA0]  }
0x30: {  	s3 =	sld [smem:$0x3FA3]  }
0x31: {  	[smem:$0x3FAC] =	sst s10  }
0x32: {  	s10 =	sld [smem:$0x3FAA];
	_ =	sdelay $0x3  }
0x33: {  	p0 =	seq.s32 s10, $0x1;
	s10 =	sld [smem:$0x3FAC];
	_ =	sdelay $0x3  }
0x34: {  	[smem:$0x3FAC] =	sst s10  }
0x35: {  	s10 =	sld [smem:$0x3FAB];
	_ =	sdelay $0x3  }
0x36: {  	p1 =	seq.s32 s10, $0x1;
	s10 =	sld [smem:$0x3FAC];
	_ =	sdelay $0x3  }
0x37: {  	[smem:$0x3FAC] =	sst s10  }
0x38: {  	s10 =	sld [smem:$0x3FAD]  }
0x39: {  	_ = 	snop;
	(pc) =	sbr.ind lr, $3  }
0x3a: {  	_ = 	snop  }
0x3b: {  	_ = 	snop  }
0x3c: {  	p2 =	seq.s32 s10, $0x1;
	s10 =	sld [smem:$0x3FAC]  }
0x3d: {  	_ =	shalt  }
0x3e: {  	_ =	shalt  }
0x3f: {  	_ =	shalt  }
0x40: {  	_ =	shalt  }
0x41: {  	_ =	shalt  }
0x42: {  	_ =	shalt  }
0x43: {  	_ =	shalt  }
0x44: {  	_ =	shalt  }
0x45: {  	_ =	shalt  }
0x46: {  	_ =	shalt  }
0x47: {  	_ =	shalt  }
0x48: {  	_ =	shalt  }
0x49: {  	_ =	shalt  }
0x4a: {  	_ =	shalt  }
0x4b: {  	_ =	shalt  }
0x4c: {  	_ =	shalt  }
0x4d: {  	_ =	shalt  }
0x4e: {  	_ =	shalt  }
0x4f: {  	_ =	shalt  }
0x50: {  	_ =	shalt  }
0x51: {  	_ =	shalt  }
0x52: {  	_ =	shalt  }
0x53: {  	_ =	shalt  }
0x54: {  	_ =	shalt  }
0x55: {  	_ =	shalt  }
0x56: {  	_ =	shalt  }
0x57: {  	_ =	shalt  }
0x58: {  	_ =	shalt  }
0x59: {  	_ =	shalt  }
0x5a: {  	_ =	shalt  }
0x5b: {  	_ =	shalt  }
0x5c: {  	_ =	shalt  }
0x5d: {  	_ =	shalt  }
0x5e: {  	_ =	shalt  }
0x5f: {  	_ =	shalt  }
0x60: {  	_ =	shalt  }
0x61: {  	_ =	shalt  }
0x62: {  	_ =	shalt  }
0x63: {  	_ =	shalt  }
0x64: {  	_ =	shalt  }
0x65: {  	_ =	shalt  }
0x66: {  	_ =	shalt  }
0x67: {  	_ =	shalt  }
0x68: {  	_ =	shalt  }
0x69: {  	_ =	shalt  }
0x6a: {  	_ =	shalt  }
0x6b: {  	_ =	shalt  }
0x6c: {  	_ =	shalt  }
0x6d: {  	_ =	shalt  }
0x6e: {  	_ =	shalt  }
0x6f: {  	_ =	shalt  }
0x70: {  	_ =	shalt  }
0x71: {  	_ =	shalt  }
0x72: {  	_ =	shalt  }
0x73: {  	_ =	shalt  }
0x74: {  	_ =	shalt  }
0x75: {  	_ =	shalt  }
0x76: {  	_ =	shalt  }
0x77: {  	_ =	shalt  }
0x78: {  	_ =	shalt  }
0x79: {  	_ =	shalt  }
0x7a: {  	_ =	shalt  }
0x7b: {  	_ =	shalt  }
0x7c: {  	_ =	shalt  }
0x7d: {  	_ =	shalt  }
0x7e: {  	_ =	shalt  }
0x7f: {  	_ =	shalt  }
0x80: {  	_ =	shalt  }
0x81: {  	_ =	shalt  }
0x82: {  	_ =	shalt  }
0x83: {  	_ =	shalt  }
0x84: {  	_ =	shalt  }
0x85: {  	_ =	shalt  }
0x86: {  	_ =	shalt  }
0x87: {  	_ =	shalt  }
.Lfunc_end0:
.L_simem_size_0:
called_computation_lowered:
.L_overlay_start_0:
0x88: {  	s2 =	sld [smem:$0x3FD9]  }
0x89: {  	s3 =	sld [smem:$0x3FFE];
	_ =	sdelay $0x1  }
0x8a: {  	s1 =	srdreg.scid  }
0x8b: {  	s0 =	sand.u32 $0x1, s1  }
0x8c: {  	s17 =	sshll.u32 s0, $0xA;
	s2 =	sadd.s32 s3, s2  }
0x8d: {  	s2 =	sadd.s32 s2, s17  }
0x8e: {  	[smem:$0x3FB8] =	sst s2  }
0x8f: {  	_ = 	snop  }
0x90: {  	s2 =	sld [smem:$0x3FD0];
	(tm) =	ssettm $0x1  }
0x91: {  	s18 =	sld [smem:$0x3FFB];
	_ =	sdelay $0x3  }
0x92: {  	_ =	strace s18  }
0x93: {  	s3 =	sld [smem:$0x3FFC];
	_ =	sdelay $0x3  }
0x94: {  	_ =	strace s3  }
0x95: {  	s3 =	sld [smem:$0x3FFD];
	_ =	sdelay $0x3  }
0x96: {  	_ =	strace s3  }
0x97: {  	_ =	strace $0x8FFFFFFF  }
0x98: {  	s19 =	sld [smem:$0x3FDB];
	_ =	sdelay $0x1  }
0x99: {  	s4 =	simm.s32 $_scs_section_size  }
0x9a: {  	s5 =	simm.s32 $_size__tile_overlayer_lowered;
	s6 =	simm.s32 $_tile_overlayer_lowered  }
0x9b: {  	s22 =	simm.s32 $0x1BFF;
	s21 =	sshll.u32 s6, $0x1;
	s3 =	sadd.s32 s4, s19  }
0x9c: {  	s7 =	simm.s32 $0x0;
	s20 =	sshll.u32 s5, $0x1;
	s5 =	sadd.s32 s21, s3  }
0x9d: {  	[timem:s7], [sflag:s22] =	dma.local [hbm:s5], s20  }
0x9e: {  	_ =	swait.ge [sflag:s22], s20  }
0x9f: {  	s4 =	ssub.s32 $0x0, s20;
	[sflag:s22] =	ssyncset.done $0x0  }
0xa0: {  	[sflag:s22] =	ssyncadd.s32 s4;
	_ =	sdelay $0x1  }
0xa1: {  	s23 =	simm.s32 $0x1B8B  }
0xa2: {  	_ =	swait.ge [sflag:s23], $0x1  }
0xa3: {  	[sflag:s23] =	ssyncset.done $0x0  }
0xa4: {  	s25 =	simm.s32 $0x1B8E;
	s24 =	sld [smem:$0x3FFE];
	[sflag:s23] =	ssyncadd.s32 $0xFFFFFFFF  }
0xa5: {  	s26 =	simm.s32 $execute0_lowered;
	[smem:$0x3FD2] =	sst s25  }
0xa6: {  	s5 =	sshll.u32 s26, $0x1;
	_ =	strace $0x80000046;
	[dreg:$0x1] =	wrdreg $0xFFFFFFFF  }
0xa7: {  	s28 =	simm.s32 $_size_execute0_lowered;
	s3 =	sadd.s32 s3, s5;
	[dreg:$0x0] =	wrdreg $0x0  }
0xa8: {  	s5 =	sshll.u32 s28, $0x1;
	[dreg:$0x2] =	wrdreg s3  }
0xa9: {  	[dreg:$0x3] =	wrdreg s5  }
0xaa: {  	[dreg:$0x4] =	wrdreg $0xC0  }
0xab: {  	_ =	task [dreg:s7], $0x5FFFF  }
0xac: {  	[dreg:$0x1] =	wrdreg $0xFFFFFFFF  }
0xad: {  	[dreg:$0x0] =	wrdreg $0x60  }
0xae: {  	[dreg:$0x2] =	wrdreg s2  }
0xaf: {  	[dreg:$0x3] =	wrdreg s24  }
0xb0: {  	[dreg:$0x4] =	wrdreg $0x9  }
0xb1: {  	_ =	task.clear_ibuf [dreg:s7], $0x5FFFF;
	_ =	strace $0x90000046  }
0xb2: {  	s29 =	simm.s32 $0x9;
	_ =	strace $0x80000048  }
0xb3: {  	_ =	swait.ge [sflag:s29], $0x1  }
0xb4: {  	[sflag:s29] =	ssyncadd.s32 $0xFFFFFFFF  }
0xb5: {  	_ =	strace $0x90000048  }
0xb6: {  	_ =	sfence  }
0xb7: {  	s30 =	sld [smem:$0x0];
	_ =	sdelay $0x2  }
0xb8: {  	s31 =	sshll.u32 s1, $0xD;
	s1 =	sshrl.u32 s1, $0x2  }
0xb9: {  	s3 =	sand.u32 $0x4000, s31;
	s1 =	sadd.s32 s1, s30  }
0xba: {  	s0 =	sor.u32 s3, s0;
	s1 =	sshll.u32 s1, $0x11  }
0xbb: {  	s0 =	sor.u32 s1, s0  }
0xbc: {  	s0 =	sadd.s32 $0x8F2B, s0  }
0xbd: {  	[sflag:s0] =	ssyncadd.remote.s32 $0x1  }
0xbe: {  	_ =	sfence.sel $0xFFFF  }
0xbf: {  	[dreg:$0x0] =	wrdreg $0xFFFFFFFF;
	(pc) =	sbr.abs _section_cstart, $3  }
0xc0: {  	[dreg:$0x1] =	wrdreg $0xFFFFFFFF  }
0xc1: {  	_ =	task.clear_ibuf [dreg:s7], $0x2FFFF;
	_ =	strace $0x9FFFFFFF  }
0xc2: {  	(tm) =	ssettm $0x7FFFFFFF  }
0xc3: {  	_ =	shalt  }
tec
execute0_lowered:
.L_overlay_start_1:
0x0: {  	(tag) =	ssettag $0x1  }
0x1: {  	s2 =	rddreg [dreg:$0x0]  }
0x2: {  	s4 =	rddreg [dreg:$0x1]  }
0x3: {  	s0 =	rddreg [dreg:$0x2];
	s1 =	stileid.u32  }
0x4: {  	s5 =	srdreg.scid;
	s3 =	simm.s32 $0x0;
	s6 =	smul.u32 $0x2800, s1  }
0x5: {  	s10 =	simm.s32 $0x0;
	s5 =	sand.u32 $0x1, s5;
	s8 =	smul.u32 $0x28000, s1  }
0x6: {  	[smem:$0x7FF] =	sst s3;
	s7 =	smul.u32 $0x1400, s5;
	s9 =	ssub.s32 $0x2, s5  }
0x7: {  	_ =	strace $0x80000047;
	s5 =	smul.u32 $0x14000, s5;
	s31 =	sshrl.u32 s9, $0x1  }
0x8: {  	s8 =	sadd.s32 s8, s4;
	s6 =	sadd.s32 s7, s6;
	s7 =	ssub.s32 s9, s31  }
0x9: {  	s5 =	sadd.s32 s5, s8;
	s8 =	simm.s32 $0x100;
	s6 =	sshrl.u32 s6, $0x3  }
0xa: {  	s9 =	simm.s32 $0x1;
	s5 =	sadd.s32 $0x8000, s5;
	s6 =	sadd.s32 s6, s4  }
0xb: {  	s4 =	smax.u32 s7, $0x1;
	s7 =	simm.s32 $0x2;
	s6 =	sadd.s32 $0x3000, s6  }
.LBB2_1:
0xc: {  	s11 =	sadd.s32 $0x0, s6  }
0xd: {  	[tilespmem:s3], [sflag:$0x2] =	stream.linear.gather [hbm4b:s11+s3], $0x100, $0x38;
	[tilespmem:$0x8100] =	vst v63  }
0xe: {  	_ =	swait.ge [sflag:s7], $0x100  }
0xf: {  	[sflag:s7] =	ssyncset.done $0x0  }
0x10: {  	[sflag:s7] =	ssyncadd.s32 $0xFFFFFF00  }
0x11: {  	[tilespmem:s8], [sflag:$0x1] =	stream.indirect.gather [hbm4b:s2+s8], $0x80, s3, s8, $0xb8;
	[tilespmem:$0x8100] =	vst v63  }
0x12: {  	_ =	swait.ge [sflag:s9], $0x8000  }
0x13: {  	[sflag:s9] =	ssyncset.done $0x0  }
0x14: {  	[sflag:s9] =	ssyncadd.s32 $0xFFFF8000  }
0x15: {  	[hbm4b:s5+s3] =	stream.linear.scatter [tilespmem:s8], [sflag:$0x2], $0x8000, $0x38;
	[tilespmem:$0x8100] =	vst v63  }
0x16: {  	s12 =	simm.s32 $0x20;
	_ =	swait.ge [sflag:s7], $0x8000  }
0x17: {  	s13 =	simm.s32 $0x40;
	s11 =	sadd.s32 $0x1000, s5;
	[sflag:s7] =	ssyncset.done $0x0  }
.LBB2_2:
0x18: {  	s14 =	sadd.s32 s12, s6  }
0x19: {  	[sflag:s7] =	ssyncadd.s32 $0xFFFF8000;
	s12 =	smov.u32 s13;
	s15 =	sadd.s32 $0x20, s13  }
0x1a: {  	[tilespmem:s3], [sflag:$0x2] =	stream.linear.gather [hbm4b:s14+s3], $0x100, $0x38;
	[tilespmem:$0x8100] =	vst v63  }
0x1b: {  	p0 =	sne.s32 s13, $0x260;
	_ =	swait.ge [sflag:s7], $0x100  }
0x1c: {  	[sflag:s7] =	ssyncset.done $0x0  }
0x1d: {  	[sflag:s7] =	ssyncadd.s32 $0xFFFFFF00  }
0x1e: {  	[tilespmem:s8], [sflag:$0x1] =	stream.indirect.gather [hbm4b:s2+s8], $0x80, s3, s8, $0xb8;
	[tilespmem:$0x8100] =	vst v63  }
0x1f: {  	_ =	swait.ge [sflag:s9], $0x8000  }
.Ltmp0:
0x20: {  	[sflag:s9] =	ssyncset.done $0x0;
	(pc) =	sbr.rel @p0 .LBB2_2-.Ltmp0, $4  }
0x21: {  	[sflag:s9] =	ssyncadd.s32 $0xFFFF8000  }
0x22: {  	[hbm4b:s11+s3] =	stream.linear.scatter [tilespmem:s8], [sflag:$0x2], $0x8000, $0x38;
	[tilespmem:$0x8100] =	vst v63  }
0x23: {  	_ =	swait.ge [sflag:s7], $0x8000  }
0x24: {  	s13 =	smov.u32 s15;
	s11 =	sadd.s32 $0x1000, s11;
	[sflag:s7] =	ssyncset.done $0x0  }
0x25: {  	s12 =	sadd.s32 s12, s6;
	[sflag:s7] =	ssyncadd.s32 $0xFFFF8000  }
0x26: {  	[tilespmem:s3], [sflag:$0x2] =	stream.linear.gather [hbm4b:s12+s3], $0x100, $0x38;
	[tilespmem:$0x8100] =	vst v63  }
0x27: {  	_ =	swait.ge [sflag:s7], $0x100  }
0x28: {  	[sflag:s7] =	ssyncset.done $0x0  }
0x29: {  	[sflag:s7] =	ssyncadd.s32 $0xFFFFFF00  }
0x2a: {  	[tilespmem:s8], [sflag:$0x1] =	stream.indirect.gather [hbm4b:s2+s8], $0x80, s3, s8, $0xb8;
	[tilespmem:$0x8100] =	vst v63  }
0x2b: {  	s10 =	sadd.s32 $0x1, s10;
	_ =	swait.ge [sflag:s9], $0x8000  }
0x2c: {  	p0 =	sne.s32 s10, s4;
	[sflag:s9] =	ssyncset.done $0x0  }
.Ltmp1:
0x2d: {  	[sflag:s9] =	ssyncadd.s32 $0xFFFF8000;
	(pc) =	sbr.rel @p0 .LBB2_1-.Ltmp1, $4  }
0x2e: {  	[hbm4b:s11+s3] =	stream.linear.scatter [tilespmem:s8], [sflag:$0x2], $0x8000, $0x38;
	[tilespmem:$0x8100] =	vst v63  }
0x2f: {  	_ =	swait.ge [sflag:s7], $0x8000  }
0x30: {  	[sflag:s7] =	ssyncset.done $0x0  }
0x31: {  	[sflag:s7] =	ssyncadd.s32 $0xFFFF8000  }
0x32: {  	_ =	sfence.sel $0x180000  }
0x33: {  	[bflag:$0x0] =	sbarrier.arrive $0xFFFF  }
0x34: {  	p0 =	sne.s32 s1, $0x0;
	_ =	strace $0x90000047  }
0x35: {  	s0 =	sadd.s32 @!p0 $0x100000, s0;
	[bflag:$0x2] =	sbarrier.arrive $0xFFFF  }
0x36: {  	[sflag:s0] =	ssyncadd.tile.s32 @!p0 $0x1;
	_ =	shalt  }
.Lfunc_end2:
_tile_overlayer_lowered:
.L_overlay_start_2:
0x37: {  	(tag) =	ssettag $0x2  }
0x38: {  	s0 =	rddreg [dreg:$0x0];
	s2 =	stileid.u32  }
0x39: {  	s1 =	rddreg [dreg:$0x1];
	p0 =	sne.s32 s2, $0x0  }
0x3a: {  	s3 =	rddreg [dreg:$0x2];
	[bflag:$0x3] =	sbarrier.arrive $0xFFFF;
	s2 =	simm.s32 @!p0 $0x1C02  }
0x3b: {  	[timem:s3], [sflag:s2] =	dma.local @!p0 [hbm:s0], s1  }
0x3c: {  	s0 =	simm.s32 @!p0 $0x2  }
0x3d: {  	_ =	swait.ge @!p0 [sflag:s0], s1  }
0x3e: {  	s1 =	ssub.s32 @!p0 $0x0, s1;
	[sflag:s0] =	ssyncset.done @!p0 $0x0  }
0x3f: {  	[sflag:s0] =	ssyncadd.s32 @!p0 s1  }
0x40: {  	[bflag:$0x3] =	sbarrier.arrive $0xFFFF  }
0x41: {  	_ =	shalt  }

// kernel: kernel.23.cloned.1.call-start
scs
__scs_entry_jumppad:
0x0: {  	(pc) =	sbr.rel $0x88, $3  }
0x1: {  	(tag) =	ssettag $0x0;
	lr =	simm.s32 $0x1  }
0x2: {  	[smem:$0x3F91] =	sst lr;
	_ =	strace $0xD0000000  }
0x3: {  	_ = 	snop  }
0x4: {  	_ = 	snop  }
0x5: {  	_ = 	snop  }
0x6: {  	_ = 	snop  }
0x7: {  	_ = 	snop  }
__scs_overlays_trampoline_lowered:
0x8: {  	[smem:$0x3FA0] =	sst s0  }
0x9: {  	[smem:$0x3FA1] =	sst s1  }
0xa: {  	[smem:$0x3FA2] =	sst s2  }
0xb: {  	[smem:$0x3FA3] =	sst s3  }
0xc: {  	[smem:$0x3FA4] =	sst s4  }
0xd: {  	[smem:$0x3FA5] =	sst s5  }
0xe: {  	[smem:$0x3FA6] =	sst s6  }
0xf: {  	[smem:$0x3FA7] =	sst s7  }
0x10: {  	[smem:$0x3FA8] =	sst s8  }
0x11: {  	[smem:$0x3FA9] =	sst s9;
	s0 =	simm.s32 @!p0 $0x0  }
0x12: {  	s1 =	sld [smem:$0x3F8F];
	s0 =	simm.s32 @p0 $0x1  }
0x13: {  	[smem:$0x3FAA] =	sst s0;
	s0 =	simm.s32 @!p1 $0x0  }
0x14: {  	s2 =	sld [smem:$0x3F8E];
	s0 =	simm.s32 @p1 $0x1  }
0x15: {  	[smem:$0x3FAB] =	sst s0;
	s0 =	simm.s32 @!p2 $0x0  }
0x16: {  	s3 =	sld [smem:$0x3FDB];
	s0 =	simm.s32 @p2 $0x1  }
0x17: {  	s4 =	simm.s32 $0x1BF5;
	[smem:$0x3FAD] =	sst s0  }
0x18: {  	s0 =	sld [smem:$0x3F90];
	_ =	swait.ge [sflag:s4], $0x0  }
0x19: {  	s7 =	sld [smem:$0x3F91]  }
0x1a: {  	s8 =	sadd.s32 $0xFFFFE003, lr  }
0x1b: {  	s9 =	sadd.s32 $0xFFFFFEF7, lr;
	s5 =	simm.s32 $0xFFFFFFFF;
	p2 =	slt.u32 s8, $0xFFFFF086  }
0x1c: {  	p1 =	slt.u32 s9, $0xF7A;
	s5 =	simm.s32 @!p2 $0x0  }
0x1d: {  	s5 =	simm.s32 @p1 $0x1;
	p0 =	seq.s32 s7, s2  }
0x1e: {  	s7 =	smul.u32 @!p0 $0xF7A, s2;
	p2 =	seq.s32 @!p0 s5, $0x0  }
0x1f: {  	s9 =	smul.u32 $0xF7A, s1;
	s8 =	simm.s32 @!p0 $0x1BF5;
	p2 =	por !p2, p0  }
0x20: {  	[sflag:s8] =	ssyncset.s32 @!p0 $0xFFFFF086;
	s6 =	sadd.s32 @!p0 s3, s7;
	s7 =	simm.s32 @!p0 $0x108  }
0x21: {  	s3 =	sadd.s32 s3, s9;
	s6 =	sadd.s32 @!p0 $0x88, s6;
	s7 =	simm.s32 @p2 $0x1082  }
0x22: {  	[simem:s7], [sflag:s8] =	dma.local @!p0 [hbm:s6], $0xF7A  }
0x23: {  	s9 =	sor.u32 $0xD0000000, s2;
	s6 =	simm.s32 $0x108;
	_ =	swait.ge @!p0 [sflag:s8], $0x0  }
0x24: {  	s3 =	sadd.s32 $0x88, s3;
	s6 =	simm.s32 @!p1 $0x1082;
	[sflag:s4] =	ssyncset.s32 $0xFFFFF086  }
0x25: {  	[simem:s6], [sflag:s4] =	dma.local [hbm:s3], $0xF7A  }
0x26: {  	[smem:$0x3F91] =	sst s1;
	(tag) =	ssettag s2;
	_ =	strace s9  }
0x27: {  	s1 =	sld [smem:$0x3FA1]  }
0x28: {  	s2 =	sld [smem:$0x3FA2]  }
0x29: {  	s4 =	sld [smem:$0x3FA4]  }
0x2a: {  	p0 =	seq.s32 s5, $0x0;
	s5 =	sld [smem:$0x3FA5]  }
0x2b: {  	s6 =	sld [smem:$0x3FA6]  }
0x2c: {  	s7 =	sld [smem:$0x3FA7]  }
0x2d: {  	s3 =	simm.s32 $0x108;
	s8 =	sld [smem:$0x3FA8]  }
0x2e: {  	s3 =	simm.s32 @!p0 $0x1082;
	s9 =	sld [smem:$0x3FA9]  }
0x2f: {  	lr =	sadd.s32 s0, s3;
	s0 =	sld [smem:$0x3FA0]  }
0x30: {  	s3 =	sld [smem:$0x3FA3]  }
0x31: {  	[smem:$0x3FAC] =	sst s10  }
0x32: {  	s10 =	sld [smem:$0x3FAA];
	_ =	sdelay $0x3  }
0x33: {  	p0 =	seq.s32 s10, $0x1;
	s10 =	sld [smem:$0x3FAC];
	_ =	sdelay $0x3  }
0x34: {  	[smem:$0x3FAC] =	sst s10  }
0x35: {  	s10 =	sld [smem:$0x3FAB];
	_ =	sdelay $0x3  }
0x36: {  	p1 =	seq.s32 s10, $0x1;
	s10 =	sld [smem:$0x3FAC];
	_ =	sdelay $0x3  }
0x37: {  	[smem:$0x3FAC] =	sst s10  }
0x38: {  	s10 =	sld [smem:$0x3FAD]  }
0x39: {  	_ = 	snop;
	(pc) =	sbr.ind lr, $3  }
0x3a: {  	_ = 	snop  }
0x3b: {  	_ = 	snop  }
0x3c: {  	p2 =	seq.s32 s10, $0x1;
	s10 =	sld [smem:$0x3FAC]  }
0x3d: {  	_ =	shalt  }
0x3e: {  	_ =	shalt  }
0x3f: {  	_ =	shalt  }
0x40: {  	_ =	shalt  }
0x41: {  	_ =	shalt  }
0x42: {  	_ =	shalt  }
0x43: {  	_ =	shalt  }
0x44: {  	_ =	shalt  }
0x45: {  	_ =	shalt  }
0x46: {  	_ =	shalt  }
0x47: {  	_ =	shalt  }
0x48: {  	_ =	shalt  }
0x49: {  	_ =	shalt  }
0x4a: {  	_ =	shalt  }
0x4b: {  	_ =	shalt  }
0x4c: {  	_ =	shalt  }
0x4d: {  	_ =	shalt  }
0x4e: {  	_ =	shalt  }
0x4f: {  	_ =	shalt  }
0x50: {  	_ =	shalt  }
0x51: {  	_ =	shalt  }
0x52: {  	_ =	shalt  }
0x53: {  	_ =	shalt  }
0x54: {  	_ =	shalt  }
0x55: {  	_ =	shalt  }
0x56: {  	_ =	shalt  }
0x57: {  	_ =	shalt  }
0x58: {  	_ =	shalt  }
0x59: {  	_ =	shalt  }
0x5a: {  	_ =	shalt  }
0x5b: {  	_ =	shalt  }
0x5c: {  	_ =	shalt  }
0x5d: {  	_ =	shalt  }
0x5e: {  	_ =	shalt  }
0x5f: {  	_ =	shalt  }
0x60: {  	_ =	shalt  }
0x61: {  	_ =	shalt  }
0x62: {  	_ =	shalt  }
0x63: {  	_ =	shalt  }
0x64: {  	_ =	shalt  }
0x65: {  	_ =	shalt  }
0x66: {  	_ =	shalt  }
0x67: {  	_ =	shalt  }
0x68: {  	_ =	shalt  }
0x69: {  	_ =	shalt  }
0x6a: {  	_ =	shalt  }
0x6b: {  	_ =	shalt  }
0x6c: {  	_ =	shalt  }
0x6d: {  	_ =	shalt  }
0x6e: {  	_ =	shalt  }
0x6f: {  	_ =	shalt  }
0x70: {  	_ =	shalt  }
0x71: {  	_ =	shalt  }
0x72: {  	_ =	shalt  }
0x73: {  	_ =	shalt  }
0x74: {  	_ =	shalt  }
0x75: {  	_ =	shalt  }
0x76: {  	_ =	shalt  }
0x77: {  	_ =	shalt  }
0x78: {  	_ =	shalt  }
0x79: {  	_ =	shalt  }
0x7a: {  	_ =	shalt  }
0x7b: {  	_ =	shalt  }
0x7c: {  	_ =	shalt  }
0x7d: {  	_ =	shalt  }
0x7e: {  	_ =	shalt  }
0x7f: {  	_ =	shalt  }
0x80: {  	_ =	shalt  }
0x81: {  	_ =	shalt  }
0x82: {  	_ =	shalt  }
0x83: {  	_ =	shalt  }
0x84: {  	_ =	shalt  }
0x85: {  	_ =	shalt  }
0x86: {  	_ =	shalt  }
0x87: {  	_ =	shalt  }
.Lfunc_end0:
.L_simem_size_0:
called_computation.1_lowered:
.L_overlay_start_0:
0x88: {  	s2 =	sld [smem:$0x3FD9]  }
0x89: {  	s3 =	sld [smem:$0x3FFE];
	_ =	sdelay $0x1  }
0x8a: {  	s1 =	srdreg.scid  }
0x8b: {  	s0 =	sand.u32 $0x1, s1  }
0x8c: {  	s17 =	sshll.u32 s0, $0xA;
	s2 =	sadd.s32 s3, s2  }
0x8d: {  	s2 =	sadd.s32 s2, s17  }
0x8e: {  	[smem:$0x3FB8] =	sst s2  }
0x8f: {  	_ = 	snop  }
0x90: {  	s2 =	sld [smem:$0x3FD0];
	(tm) =	ssettm $0x1  }
0x91: {  	s18 =	sld [smem:$0x3FFB];
	_ =	sdelay $0x3  }
0x92: {  	_ =	strace s18  }
0x93: {  	s3 =	sld [smem:$0x3FFC];
	_ =	sdelay $0x3  }
0x94: {  	_ =	strace s3  }
0x95: {  	s3 =	sld [smem:$0x3FFD];
	_ =	sdelay $0x3  }
0x96: {  	_ =	strace s3  }
0x97: {  	_ =	strace $0x8FFFFFFF  }
0x98: {  	s19 =	sld [smem:$0x3FDB];
	_ =	sdelay $0x1  }
0x99: {  	s4 =	simm.s32 $_scs_section_size  }
0x9a: {  	s5 =	simm.s32 $_size__tile_overlayer_lowered;
	s6 =	simm.s32 $_tile_overlayer_lowered  }
0x9b: {  	s22 =	simm.s32 $0x1BFF;
	s21 =	sshll.u32 s6, $0x1;
	s3 =	sadd.s32 s4, s19  }
0x9c: {  	s7 =	simm.s32 $0x0;
	s20 =	sshll.u32 s5, $0x1;
	s5 =	sadd.s32 s21, s3  }
0x9d: {  	[timem:s7], [sflag:s22] =	dma.local [hbm:s5], s20  }
0x9e: {  	_ =	swait.ge [sflag:s22], s20  }
0x9f: {  	s4 =	ssub.s32 $0x0, s20;
	[sflag:s22] =	ssyncset.done $0x0  }
0xa0: {  	[sflag:s22] =	ssyncadd.s32 s4;
	_ =	sdelay $0x1  }
0xa1: {  	s23 =	simm.s32 $0x1B8B  }
0xa2: {  	_ =	swait.ge [sflag:s23], $0x1  }
0xa3: {  	[sflag:s23] =	ssyncset.done $0x0  }
0xa4: {  	s25 =	simm.s32 $0x1B8E;
	s24 =	sld [smem:$0x3FFE];
	[sflag:s23] =	ssyncadd.s32 $0xFFFFFFFF  }
0xa5: {  	s26 =	simm.s32 $execute0_lowered;
	[smem:$0x3FD2] =	sst s25  }
0xa6: {  	s5 =	sshll.u32 s26, $0x1;
	_ =	strace $0x80000049;
	[dreg:$0x1] =	wrdreg $0xFFFFFFFF  }
0xa7: {  	s28 =	simm.s32 $_size_execute0_lowered;
	s3 =	sadd.s32 s3, s5;
	[dreg:$0x0] =	wrdreg $0x0  }
0xa8: {  	s5 =	sshll.u32 s28, $0x1;
	[dreg:$0x2] =	wrdreg s3  }
0xa9: {  	[dreg:$0x3] =	wrdreg s5  }
0xaa: {  	[dreg:$0x4] =	wrdreg $0xC0  }
0xab: {  	_ =	task [dreg:s7], $0x5FFFF  }
0xac: {  	[dreg:$0x1] =	wrdreg $0xFFFFFFFF  }
0xad: {  	[dreg:$0x0] =	wrdreg $0x60  }
0xae: {  	[dreg:$0x2] =	wrdreg s24  }
0xaf: {  	[dreg:$0x3] =	wrdreg s2  }
0xb0: {  	[dreg:$0x4] =	wrdreg $0x9  }
0xb1: {  	_ =	task.clear_ibuf [dreg:s7], $0x5FFFF;
	_ =	strace $0x90000049  }
0xb2: {  	s29 =	simm.s32 $0x9;
	_ =	strace $0x8000004B  }
0xb3: {  	_ =	swait.ge [sflag:s29], $0x1  }
0xb4: {  	[sflag:s29] =	ssyncadd.s32 $0xFFFFFFFF  }
0xb5: {  	_ =	strace $0x9000004B  }
0xb6: {  	_ =	sfence  }
0xb7: {  	s30 =	sld [smem:$0x0];
	_ =	sdelay $0x2  }
0xb8: {  	s31 =	sshll.u32 s1, $0xD;
	s1 =	sshrl.u32 s1, $0x2  }
0xb9: {  	s3 =	sand.u32 $0x4000, s31;
	s1 =	sadd.s32 s1, s30  }
0xba: {  	s0 =	sor.u32 s3, s0;
	s1 =	sshll.u32 s1, $0x11  }
0xbb: {  	s0 =	sor.u32 s1, s0  }
0xbc: {  	s0 =	sadd.s32 $0x8F2B, s0  }
0xbd: {  	[sflag:s0] =	ssyncadd.remote.s32 $0x1  }
0xbe: {  	_ =	sfence.sel $0xFFFF  }
0xbf: {  	[dreg:$0x0] =	wrdreg $0xFFFFFFFF;
	(pc) =	sbr.abs _section_cstart, $3  }
0xc0: {  	[dreg:$0x1] =	wrdreg $0xFFFFFFFF  }
0xc1: {  	_ =	task.clear_ibuf [dreg:s7], $0x2FFFF;
	_ =	strace $0x9FFFFFFF  }
0xc2: {  	(tm) =	ssettm $0x7FFFFFFF  }
0xc3: {  	_ =	shalt  }
tec
execute0_lowered:
.L_overlay_start_1:
0x0: {  	(tag) =	ssettag $0x1  }
0x1: {  	s3 =	rddreg [dreg:$0x0]  }
0x2: {  	s6 =	rddreg [dreg:$0x1]  }
0x3: {  	s0 =	rddreg [dreg:$0x2];
	s1 =	stileid.u32  }
0x4: {  	s2 =	simm.s32 $0x0;
	s5 =	srdreg.scid;
	s4 =	smul.u32 $0x28000, s1  }
0x5: {  	[smem:$0x7FF] =	sst s2;
	s5 =	sand.u32 $0x1, s5;
	s7 =	smul.u32 $0x2800, s1  }
0x6: {  	_ =	strace $0x8000004A;
	s8 =	ssub.s32 $0x2, s5;
	s9 =	smul.u32 $0x1400, s5  }
0x7: {  	s5 =	smul.u32 $0x14000, s5;
	s10 =	sadd.s32 s4, s3;
	s31 =	sshrl.u32 s8, $0x1  }
0x8: {  	s3 =	sadd.s32 $0x3000, s3;
	s4 =	ssub.s32 s8, s31;
	s7 =	sadd.s32 s9, s7  }
0x9: {  	s5 =	sadd.s32 s5, s10;
	s8 =	simm.s32 $0x100;
	s9 =	simm.s32 $0x1  }
0xa: {  	s10 =	simm.s32 $0x0;
	s4 =	smax.u32 s4, $0x1;
	s7 =	sshrl.u32 s7, $0x3  }
0xb: {  	s5 =	sadd.s32 $0x23000, s5;
	s6 =	sadd.s32 s7, s6;
	s7 =	simm.s32 $0x2  }
.LBB2_1:
0xc: {  	s11 =	sadd.s32 $0x0, s6  }
0xd: {  	[tilespmem:s2], [sflag:$0x2] =	stream.linear.gather [hbm4b:s11+s2], $0x100, $0x38;
	[tilespmem:$0x8100] =	vst v63  }
0xe: {  	_ =	swait.ge [sflag:s7], $0x100  }
0xf: {  	[sflag:s7] =	ssyncset.done $0x0  }
0x10: {  	[sflag:s7] =	ssyncadd.s32 $0xFFFFFF00  }
0x11: {  	[tilespmem:s8], [sflag:$0x1] =	stream.indirect.gather [hbm4b:s3+s8], $0x80, s2, s8, $0xb8;
	[tilespmem:$0x8100] =	vst v63  }
0x12: {  	_ =	swait.ge [sflag:s9], $0x8000  }
0x13: {  	[sflag:s9] =	ssyncset.done $0x0  }
0x14: {  	[sflag:s9] =	ssyncadd.s32 $0xFFFF8000  }
0x15: {  	[hbm4b:s5+s2] =	stream.linear.scatter [tilespmem:s8], [sflag:$0x2], $0x8000, $0x38;
	[tilespmem:$0x8100] =	vst v63  }
0x16: {  	s12 =	simm.s32 $0x20;
	_ =	swait.ge [sflag:s7], $0x8000  }
0x17: {  	s13 =	simm.s32 $0x40;
	s11 =	sadd.s32 $0x1000, s5;
	[sflag:s7] =	ssyncset.done $0x0  }
.LBB2_2:
0x18: {  	s14 =	sadd.s32 s12, s6  }
0x19: {  	[sflag:s7] =	ssyncadd.s32 $0xFFFF8000;
	s12 =	smov.u32 s13;
	s15 =	sadd.s32 $0x20, s13  }
0x1a: {  	[tilespmem:s2], [sflag:$0x2] =	stream.linear.gather [hbm4b:s14+s2], $0x100, $0x38;
	[tilespmem:$0x8100] =	vst v63  }
0x1b: {  	p0 =	sne.s32 s13, $0x260;
	_ =	swait.ge [sflag:s7], $0x100  }
0x1c: {  	[sflag:s7] =	ssyncset.done $0x0  }
0x1d: {  	[sflag:s7] =	ssyncadd.s32 $0xFFFFFF00  }
0x1e: {  	[tilespmem:s8], [sflag:$0x1] =	stream.indirect.gather [hbm4b:s3+s8], $0x80, s2, s8, $0xb8;
	[tilespmem:$0x8100] =	vst v63  }
0x1f: {  	_ =	swait.ge [sflag:s9], $0x8000  }
.Ltmp0:
0x20: {  	[sflag:s9] =	ssyncset.done $0x0;
	(pc) =	sbr.rel @p0 .LBB2_2-.Ltmp0, $4  }
0x21: {  	[sflag:s9] =	ssyncadd.s32 $0xFFFF8000  }
0x22: {  	[hbm4b:s11+s2] =	stream.linear.scatter [tilespmem:s8], [sflag:$0x2], $0x8000, $0x38;
	[tilespmem:$0x8100] =	vst v63  }
0x23: {  	_ =	swait.ge [sflag:s7], $0x8000  }
0x24: {  	s13 =	smov.u32 s15;
	s11 =	sadd.s32 $0x1000, s11;
	[sflag:s7] =	ssyncset.done $0x0  }
0x25: {  	s12 =	sadd.s32 s12, s6;
	[sflag:s7] =	ssyncadd.s32 $0xFFFF8000  }
0x26: {  	[tilespmem:s2], [sflag:$0x2] =	stream.linear.gather [hbm4b:s12+s2], $0x100, $0x38;
	[tilespmem:$0x8100] =	vst v63  }
0x27: {  	_ =	swait.ge [sflag:s7], $0x100  }
0x28: {  	[sflag:s7] =	ssyncset.done $0x0  }
0x29: {  	[sflag:s7] =	ssyncadd.s32 $0xFFFFFF00  }
0x2a: {  	[tilespmem:s8], [sflag:$0x1] =	stream.indirect.gather [hbm4b:s3+s8], $0x80, s2, s8, $0xb8;
	[tilespmem:$0x8100] =	vst v63  }
0x2b: {  	s10 =	sadd.s32 $0x1, s10;
	_ =	swait.ge [sflag:s9], $0x8000  }
0x2c: {  	p0 =	sne.s32 s10, s4;
	[sflag:s9] =	ssyncset.done $0x0  }
.Ltmp1:
0x2d: {  	[sflag:s9] =	ssyncadd.s32 $0xFFFF8000;
	(pc) =	sbr.rel @p0 .LBB2_1-.Ltmp1, $4  }
0x2e: {  	[hbm4b:s11+s2] =	stream.linear.scatter [tilespmem:s8], [sflag:$0x2], $0x8000, $0x38;
	[tilespmem:$0x8100] =	vst v63  }
0x2f: {  	_ =	swait.ge [sflag:s7], $0x8000  }
0x30: {  	[sflag:s7] =	ssyncset.done $0x0  }
0x31: {  	[sflag:s7] =	ssyncadd.s32 $0xFFFF8000  }
0x32: {  	_ =	sfence.sel $0x180000  }
0x33: {  	[bflag:$0x0] =	sbarrier.arrive $0xFFFF  }
0x34: {  	p0 =	sne.s32 s1, $0x0;
	_ =	strace $0x9000004A  }
0x35: {  	s0 =	sadd.s32 @!p0 $0x100000, s0;
	[bflag:$0x2] =	sbarrier.arrive $0xFFFF  }
0x36: {  	[sflag:s0] =	ssyncadd.tile.s32 @!p0 $0x1;
	_ =	shalt  }
.Lfunc_end2:
_tile_overlayer_lowered:
.L_overlay_start_2:
0x37: {  	(tag) =	ssettag $0x2  }
0x38: {  	s0 =	rddreg [dreg:$0x0];
	s2 =	stileid.u32  }
0x39: {  	s1 =	rddreg [dreg:$0x1];
	p0 =	sne.s32 s2, $0x0  }
0x3a: {  	s3 =	rddreg [dreg:$0x2];
	[bflag:$0x3] =	sbarrier.arrive $0xFFFF;
	s2 =	simm.s32 @!p0 $0x1C02  }
0x3b: {  	[timem:s3], [sflag:s2] =	dma.local @!p0 [hbm:s0], s1  }
0x3c: {  	s0 =	simm.s32 @!p0 $0x2  }
0x3d: {  	_ =	swait.ge @!p0 [sflag:s0], s1  }
0x3e: {  	s1 =	ssub.s32 @!p0 $0x0, s1;
	[sflag:s0] =	ssyncset.done @!p0 $0x0  }
0x3f: {  	[sflag:s0] =	ssyncadd.s32 @!p0 s1  }
0x40: {  	[bflag:$0x3] =	sbarrier.arrive $0xFFFF  }
0x41: {  	_ =	shalt  }

// kernel: kernel.26.cloned.1.call-start
scs
__scs_entry_jumppad:
0x0: {  	(pc) =	sbr.rel $0x88, $3  }
0x1: {  	(tag) =	ssettag $0x0;
	lr =	simm.s32 $0x1  }
0x2: {  	[smem:$0x3F91] =	sst lr;
	_ =	strace $0xD0000000  }
0x3: {  	_ = 	snop  }
0x4: {  	_ = 	snop  }
0x5: {  	_ = 	snop  }
0x6: {  	_ = 	snop  }
0x7: {  	_ = 	snop  }
__scs_overlays_trampoline_lowered:
0x8: {  	[smem:$0x3FA0] =	sst s0  }
0x9: {  	[smem:$0x3FA1] =	sst s1  }
0xa: {  	[smem:$0x3FA2] =	sst s2  }
0xb: {  	[smem:$0x3FA3] =	sst s3  }
0xc: {  	[smem:$0x3FA4] =	sst s4  }
0xd: {  	[smem:$0x3FA5] =	sst s5  }
0xe: {  	[smem:$0x3FA6] =	sst s6  }
0xf: {  	[smem:$0x3FA7] =	sst s7  }
0x10: {  	[smem:$0x3FA8] =	sst s8  }
0x11: {  	[smem:$0x3FA9] =	sst s9;
	s0 =	simm.s32 @!p0 $0x0  }
0x12: {  	s1 =	sld [smem:$0x3F8F];
	s0 =	simm.s32 @p0 $0x1  }
0x13: {  	[smem:$0x3FAA] =	sst s0;
	s0 =	simm.s32 @!p1 $0x0  }
0x14: {  	s2 =	sld [smem:$0x3F8E];
	s0 =	simm.s32 @p1 $0x1  }
0x15: {  	[smem:$0x3FAB] =	sst s0;
	s0 =	simm.s32 @!p2 $0x0  }
0x16: {  	s3 =	sld [smem:$0x3FDB];
	s0 =	simm.s32 @p2 $0x1  }
0x17: {  	s4 =	simm.s32 $0x1BF5;
	[smem:$0x3FAD] =	sst s0  }
0x18: {  	s0 =	sld [smem:$0x3F90];
	_ =	swait.ge [sflag:s4], $0x0  }
0x19: {  	s7 =	sld [smem:$0x3F91]  }
0x1a: {  	s8 =	sadd.s32 $0xFFFFE003, lr  }
0x1b: {  	s9 =	sadd.s32 $0xFFFFFEF7, lr;
	s5 =	simm.s32 $0xFFFFFFFF;
	p2 =	slt.u32 s8, $0xFFFFF086  }
0x1c: {  	p1 =	slt.u32 s9, $0xF7A;
	s5 =	simm.s32 @!p2 $0x0  }
0x1d: {  	s5 =	simm.s32 @p1 $0x1;
	p0 =	seq.s32 s7, s2  }
0x1e: {  	s7 =	smul.u32 @!p0 $0xF7A, s2;
	p2 =	seq.s32 @!p0 s5, $0x0  }
0x1f: {  	s9 =	smul.u32 $0xF7A, s1;
	s8 =	simm.s32 @!p0 $0x1BF5;
	p2 =	por !p2, p0  }
0x20: {  	[sflag:s8] =	ssyncset.s32 @!p0 $0xFFFFF086;
	s6 =	sadd.s32 @!p0 s3, s7;
	s7 =	simm.s32 @!p0 $0x108  }
0x21: {  	s3 =	sadd.s32 s3, s9;
	s6 =	sadd.s32 @!p0 $0x88, s6;
	s7 =	simm.s32 @p2 $0x1082  }
0x22: {  	[simem:s7], [sflag:s8] =	dma.local @!p0 [hbm:s6], $0xF7A  }
0x23: {  	s9 =	sor.u32 $0xD0000000, s2;
	s6 =	simm.s32 $0x108;
	_ =	swait.ge @!p0 [sflag:s8], $0x0  }
0x24: {  	s3 =	sadd.s32 $0x88, s3;
	s6 =	simm.s32 @!p1 $0x1082;
	[sflag:s4] =	ssyncset.s32 $0xFFFFF086  }
0x25: {  	[simem:s6], [sflag:s4] =	dma.local [hbm:s3], $0xF7A  }
0x26: {  	[smem:$0x3F91] =	sst s1;
	(tag) =	ssettag s2;
	_ =	strace s9  }
0x27: {  	s1 =	sld [smem:$0x3FA1]  }
0x28: {  	s2 =	sld [smem:$0x3FA2]  }
0x29: {  	s4 =	sld [smem:$0x3FA4]  }
0x2a: {  	p0 =	seq.s32 s5, $0x0;
	s5 =	sld [smem:$0x3FA5]  }
0x2b: {  	s6 =	sld [smem:$0x3FA6]  }
0x2c: {  	s7 =	sld [smem:$0x3FA7]  }
0x2d: {  	s3 =	simm.s32 $0x108;
	s8 =	sld [smem:$0x3FA8]  }
0x2e: {  	s3 =	simm.s32 @!p0 $0x1082;
	s9 =	sld [smem:$0x3FA9]  }
0x2f: {  	lr =	sadd.s32 s0, s3;
	s0 =	sld [smem:$0x3FA0]  }
0x30: {  	s3 =	sld [smem:$0x3FA3]  }
0x31: {  	[smem:$0x3FAC] =	sst s10  }
0x32: {  	s10 =	sld [smem:$0x3FAA];
	_ =	sdelay $0x3  }
0x33: {  	p0 =	seq.s32 s10, $0x1;
	s10 =	sld [smem:$0x3FAC];
	_ =	sdelay $0x3  }
0x34: {  	[smem:$0x3FAC] =	sst s10  }
0x35: {  	s10 =	sld [smem:$0x3FAB];
	_ =	sdelay $0x3  }
0x36: {  	p1 =	seq.s32 s10, $0x1;
	s10 =	sld [smem:$0x3FAC];
	_ =	sdelay $0x3  }
0x37: {  	[smem:$0x3FAC] =	sst s10  }
0x38: {  	s10 =	sld [smem:$0x3FAD]  }
0x39: {  	_ = 	snop;
	(pc) =	sbr.ind lr, $3  }
0x3a: {  	_ = 	snop  }
0x3b: {  	_ = 	snop  }
0x3c: {  	p2 =	seq.s32 s10, $0x1;
	s10 =	sld [smem:$0x3FAC]  }
0x3d: {  	_ =	shalt  }
0x3e: {  	_ =	shalt  }
0x3f: {  	_ =	shalt  }
0x40: {  	_ =	shalt  }
0x41: {  	_ =	shalt  }
0x42: {  	_ =	shalt  }
0x43: {  	_ =	shalt  }
0x44: {  	_ =	shalt  }
0x45: {  	_ =	shalt  }
0x46: {  	_ =	shalt  }
0x47: {  	_ =	shalt  }
0x48: {  	_ =	shalt  }
0x49: {  	_ =	shalt  }
0x4a: {  	_ =	shalt  }
0x4b: {  	_ =	shalt  }
0x4c: {  	_ =	shalt  }
0x4d: {  	_ =	shalt  }
0x4e: {  	_ =	shalt  }
0x4f: {  	_ =	shalt  }
0x50: {  	_ =	shalt  }
0x51: {  	_ =	shalt  }
0x52: {  	_ =	shalt  }
0x53: {  	_ =	shalt  }
0x54: {  	_ =	shalt  }
0x55: {  	_ =	shalt  }
0x56: {  	_ =	shalt  }
0x57: {  	_ =	shalt  }
0x58: {  	_ =	shalt  }
0x59: {  	_ =	shalt  }
0x5a: {  	_ =	shalt  }
0x5b: {  	_ =	shalt  }
0x5c: {  	_ =	shalt  }
0x5d: {  	_ =	shalt  }
0x5e: {  	_ =	shalt  }
0x5f: {  	_ =	shalt  }
0x60: {  	_ =	shalt  }
0x61: {  	_ =	shalt  }
0x62: {  	_ =	shalt  }
0x63: {  	_ =	shalt  }
0x64: {  	_ =	shalt  }
0x65: {  	_ =	shalt  }
0x66: {  	_ =	shalt  }
0x67: {  	_ =	shalt  }
0x68: {  	_ =	shalt  }
0x69: {  	_ =	shalt  }
0x6a: {  	_ =	shalt  }
0x6b: {  	_ =	shalt  }
0x6c: {  	_ =	shalt  }
0x6d: {  	_ =	shalt  }
0x6e: {  	_ =	shalt  }
0x6f: {  	_ =	shalt  }
0x70: {  	_ =	shalt  }
0x71: {  	_ =	shalt  }
0x72: {  	_ =	shalt  }
0x73: {  	_ =	shalt  }
0x74: {  	_ =	shalt  }
0x75: {  	_ =	shalt  }
0x76: {  	_ =	shalt  }
0x77: {  	_ =	shalt  }
0x78: {  	_ =	shalt  }
0x79: {  	_ =	shalt  }
0x7a: {  	_ =	shalt  }
0x7b: {  	_ =	shalt  }
0x7c: {  	_ =	shalt  }
0x7d: {  	_ =	shalt  }
0x7e: {  	_ =	shalt  }
0x7f: {  	_ =	shalt  }
0x80: {  	_ =	shalt  }
0x81: {  	_ =	shalt  }
0x82: {  	_ =	shalt  }
0x83: {  	_ =	shalt  }
0x84: {  	_ =	shalt  }
0x85: {  	_ =	shalt  }
0x86: {  	_ =	shalt  }
0x87: {  	_ =	shalt  }
.Lfunc_end0:
.L_simem_size_0:
called_computation.2_lowered:
.L_overlay_start_0:
0x88: {  	s2 =	sld [smem:$0x3FD9]  }
0x89: {  	s3 =	sld [smem:$0x3FFE];
	_ =	sdelay $0x1  }
0x8a: {  	s1 =	srdreg.scid  }
0x8b: {  	s0 =	sand.u32 $0x1, s1  }
0x8c: {  	s17 =	sshll.u32 s0, $0xA;
	s2 =	sadd.s32 s3, s2  }
0x8d: {  	s2 =	sadd.s32 s2, s17  }
0x8e: {  	[smem:$0x3FB8] =	sst s2  }
0x8f: {  	_ = 	snop  }
0x90: {  	s2 =	sld [smem:$0x3FD0];
	(tm) =	ssettm $0x1  }
0x91: {  	s18 =	sld [smem:$0x3FFB];
	_ =	sdelay $0x3  }
0x92: {  	_ =	strace s18  }
0x93: {  	s3 =	sld [smem:$0x3FFC];
	_ =	sdelay $0x3  }
0x94: {  	_ =	strace s3  }
0x95: {  	s3 =	sld [smem:$0x3FFD];
	_ =	sdelay $0x3  }
0x96: {  	_ =	strace s3  }
0x97: {  	_ =	strace $0x8FFFFFFF  }
0x98: {  	s19 =	sld [smem:$0x3FDB];
	_ =	sdelay $0x1  }
0x99: {  	s4 =	simm.s32 $_scs_section_size  }
0x9a: {  	s5 =	simm.s32 $_size__tile_overlayer_lowered;
	s6 =	simm.s32 $_tile_overlayer_lowered  }
0x9b: {  	s22 =	simm.s32 $0x1BFF;
	s21 =	sshll.u32 s6, $0x1;
	s3 =	sadd.s32 s4, s19  }
0x9c: {  	s7 =	simm.s32 $0x0;
	s20 =	sshll.u32 s5, $0x1;
	s5 =	sadd.s32 s21, s3  }
0x9d: {  	[timem:s7], [sflag:s22] =	dma.local [hbm:s5], s20  }
0x9e: {  	_ =	swait.ge [sflag:s22], s20  }
0x9f: {  	s4 =	ssub.s32 $0x0, s20;
	[sflag:s22] =	ssyncset.done $0x0  }
0xa0: {  	[sflag:s22] =	ssyncadd.s32 s4;
	_ =	sdelay $0x1  }
0xa1: {  	s23 =	simm.s32 $0x1B8B  }
0xa2: {  	_ =	swait.ge [sflag:s23], $0x1  }
0xa3: {  	[sflag:s23] =	ssyncset.done $0x0  }
0xa4: {  	s25 =	simm.s32 $0x1B8E;
	s24 =	sld [smem:$0x3FFE];
	[sflag:s23] =	ssyncadd.s32 $0xFFFFFFFF  }
0xa5: {  	s26 =	simm.s32 $execute0_lowered;
	[smem:$0x3FD2] =	sst s25  }
0xa6: {  	s5 =	sshll.u32 s26, $0x1;
	_ =	strace $0x8000004C;
	[dreg:$0x1] =	wrdreg $0xFFFFFFFF  }
0xa7: {  	s28 =	simm.s32 $_size_execute0_lowered;
	s3 =	sadd.s32 s3, s5;
	[dreg:$0x0] =	wrdreg $0x0  }
0xa8: {  	s5 =	sshll.u32 s28, $0x1;
	[dreg:$0x2] =	wrdreg s3  }
0xa9: {  	[dreg:$0x3] =	wrdreg s5  }
0xaa: {  	[dreg:$0x4] =	wrdreg $0xC0  }
0xab: {  	_ =	task [dreg:s7], $0x5FFFF  }
0xac: {  	[dreg:$0x1] =	wrdreg $0xFFFFFFFF  }
0xad: {  	[dreg:$0x0] =	wrdreg $0x60  }
0xae: {  	[dreg:$0x2] =	wrdreg s2  }
0xaf: {  	[dreg:$0x3] =	wrdreg s24  }
0xb0: {  	[dreg:$0x4] =	wrdreg $0x9  }
0xb1: {  	_ =	task.clear_ibuf [dreg:s7], $0x5FFFF;
	_ =	strace $0x9000004C  }
0xb2: {  	s29 =	simm.s32 $0x9;
	_ =	strace $0x8000004E  }
0xb3: {  	_ =	swait.ge [sflag:s29], $0x1  }
0xb4: {  	[sflag:s29] =	ssyncadd.s32 $0xFFFFFFFF  }
0xb5: {  	_ =	strace $0x9000004E  }
0xb6: {  	_ =	sfence  }
0xb7: {  	s30 =	sld [smem:$0x0];
	_ =	sdelay $0x2  }
0xb8: {  	s31 =	sshll.u32 s1, $0xD;
	s1 =	sshrl.u32 s1, $0x2  }
0xb9: {  	s3 =	sand.u32 $0x4000, s31;
	s1 =	sadd.s32 s1, s30  }
0xba: {  	s0 =	sor.u32 s3, s0;
	s1 =	sshll.u32 s1, $0x11  }
0xbb: {  	s0 =	sor.u32 s1, s0  }
0xbc: {  	s0 =	sadd.s32 $0x8F2B, s0  }
0xbd: {  	[sflag:s0] =	ssyncadd.remote.s32 $0x1  }
0xbe: {  	_ =	sfence.sel $0xFFFF  }
0xbf: {  	[dreg:$0x0] =	wrdreg $0xFFFFFFFF;
	(pc) =	sbr.abs _section_cstart, $3  }
0xc0: {  	[dreg:$0x1] =	wrdreg $0xFFFFFFFF  }
0xc1: {  	_ =	task.clear_ibuf [dreg:s7], $0x2FFFF;
	_ =	strace $0x9FFFFFFF  }
0xc2: {  	(tm) =	ssettm $0x7FFFFFFF  }
0xc3: {  	_ =	shalt  }
tec
execute0_lowered:
.L_overlay_start_1:
0x0: {  	(tag) =	ssettag $0x1  }
0x1: {  	s2 =	rddreg [dreg:$0x0]  }
0x2: {  	s4 =	rddreg [dreg:$0x1]  }
0x3: {  	s0 =	rddreg [dreg:$0x2];
	s1 =	stileid.u32  }
0x4: {  	s5 =	srdreg.scid;
	s3 =	simm.s32 $0x0;
	s6 =	smul.u32 $0x2800, s1  }
0x5: {  	s10 =	simm.s32 $0x0;
	s5 =	sand.u32 $0x1, s5;
	s8 =	smul.u32 $0x28000, s1  }
0x6: {  	[smem:$0x7FF] =	sst s3;
	s7 =	smul.u32 $0x1400, s5;
	s9 =	ssub.s32 $0x2, s5  }
0x7: {  	_ =	strace $0x8000004D;
	s5 =	smul.u32 $0x14000, s5;
	s31 =	sshrl.u32 s9, $0x1  }
0x8: {  	s8 =	sadd.s32 s8, s4;
	s6 =	sadd.s32 s7, s6;
	s7 =	ssub.s32 s9, s31  }
0x9: {  	s5 =	sadd.s32 s5, s8;
	s8 =	simm.s32 $0x100;
	s6 =	sshrl.u32 s6, $0x3  }
0xa: {  	s9 =	simm.s32 $0x1;
	s5 =	sadd.s32 $0x28000, s5;
	s6 =	sadd.s32 s6, s4  }
0xb: {  	s4 =	smax.u32 s7, $0x1;
	s7 =	simm.s32 $0x2;
	s6 =	sadd.s32 $0x23000, s6  }
.LBB2_1:
0xc: {  	s11 =	sadd.s32 $0x0, s6  }
0xd: {  	[tilespmem:s3], [sflag:$0x2] =	stream.linear.gather [hbm4b:s11+s3], $0x100, $0x38;
	[tilespmem:$0x8100] =	vst v63  }
0xe: {  	_ =	swait.ge [sflag:s7], $0x100  }
0xf: {  	[sflag:s7] =	ssyncset.done $0x0  }
0x10: {  	[sflag:s7] =	ssyncadd.s32 $0xFFFFFF00  }
0x11: {  	[tilespmem:s8], [sflag:$0x1] =	stream.indirect.gather [hbm4b:s2+s8], $0x80, s3, s8, $0xb8;
	[tilespmem:$0x8100] =	vst v63  }
0x12: {  	_ =	swait.ge [sflag:s9], $0x8000  }
0x13: {  	[sflag:s9] =	ssyncset.done $0x0  }
0x14: {  	[sflag:s9] =	ssyncadd.s32 $0xFFFF8000  }
0x15: {  	[hbm4b:s5+s3] =	stream.linear.scatter [tilespmem:s8], [sflag:$0x2], $0x8000, $0x38;
	[tilespmem:$0x8100] =	vst v63  }
0x16: {  	s12 =	simm.s32 $0x20;
	_ =	swait.ge [sflag:s7], $0x8000  }
0x17: {  	s13 =	simm.s32 $0x40;
	s11 =	sadd.s32 $0x1000, s5;
	[sflag:s7] =	ssyncset.done $0x0  }
.LBB2_2:
0x18: {  	s14 =	sadd.s32 s12, s6  }
0x19: {  	[sflag:s7] =	ssyncadd.s32 $0xFFFF8000;
	s12 =	smov.u32 s13;
	s15 =	sadd.s32 $0x20, s13  }
0x1a: {  	[tilespmem:s3], [sflag:$0x2] =	stream.linear.gather [hbm4b:s14+s3], $0x100, $0x38;
	[tilespmem:$0x8100] =	vst v63  }
0x1b: {  	p0 =	sne.s32 s13, $0x260;
	_ =	swait.ge [sflag:s7], $0x100  }
0x1c: {  	[sflag:s7] =	ssyncset.done $0x0  }
0x1d: {  	[sflag:s7] =	ssyncadd.s32 $0xFFFFFF00  }
0x1e: {  	[tilespmem:s8], [sflag:$0x1] =	stream.indirect.gather [hbm4b:s2+s8], $0x80, s3, s8, $0xb8;
	[tilespmem:$0x8100] =	vst v63  }
0x1f: {  	_ =	swait.ge [sflag:s9], $0x8000  }
.Ltmp0:
0x20: {  	[sflag:s9] =	ssyncset.done $0x0;
	(pc) =	sbr.rel @p0 .LBB2_2-.Ltmp0, $4  }
0x21: {  	[sflag:s9] =	ssyncadd.s32 $0xFFFF8000  }
0x22: {  	[hbm4b:s11+s3] =	stream.linear.scatter [tilespmem:s8], [sflag:$0x2], $0x8000, $0x38;
	[tilespmem:$0x8100] =	vst v63  }
0x23: {  	_ =	swait.ge [sflag:s7], $0x8000  }
0x24: {  	s13 =	smov.u32 s15;
	s11 =	sadd.s32 $0x1000, s11;
	[sflag:s7] =	ssyncset.done $0x0  }
0x25: {  	s12 =	sadd.s32 s12, s6;
	[sflag:s7] =	ssyncadd.s32 $0xFFFF8000  }
0x26: {  	[tilespmem:s3], [sflag:$0x2] =	stream.linear.gather [hbm4b:s12+s3], $0x100, $0x38;
	[tilespmem:$0x8100] =	vst v63  }
0x27: {  	_ =	swait.ge [sflag:s7], $0x100  }
0x28: {  	[sflag:s7] =	ssyncset.done $0x0  }
0x29: {  	[sflag:s7] =	ssyncadd.s32 $0xFFFFFF00  }
0x2a: {  	[tilespmem:s8], [sflag:$0x1] =	stream.indirect.gather [hbm4b:s2+s8], $0x80, s3, s8, $0xb8;
	[tilespmem:$0x8100] =	vst v63  }
0x2b: {  	s10 =	sadd.s32 $0x1, s10;
	_ =	swait.ge [sflag:s9], $0x8000  }
0x2c: {  	p0 =	sne.s32 s10, s4;
	[sflag:s9] =	ssyncset.done $0x0  }
.Ltmp1:
0x2d: {  	[sflag:s9] =	ssyncadd.s32 $0xFFFF8000;
	(pc) =	sbr.rel @p0 .LBB2_1-.Ltmp1, $4  }
0x2e: {  	[hbm4b:s11+s3] =	stream.linear.scatter [tilespmem:s8], [sflag:$0x2], $0x8000, $0x38;
	[tilespmem:$0x8100] =	vst v63  }
0x2f: {  	_ =	swait.ge [sflag:s7], $0x8000  }
0x30: {  	[sflag:s7] =	ssyncset.done $0x0  }
0x31: {  	[sflag:s7] =	ssyncadd.s32 $0xFFFF8000  }
0x32: {  	_ =	sfence.sel $0x180000  }
0x33: {  	[bflag:$0x0] =	sbarrier.arrive $0xFFFF  }
0x34: {  	p0 =	sne.s32 s1, $0x0;
	_ =	strace $0x9000004D  }
0x35: {  	s0 =	sadd.s32 @!p0 $0x100000, s0;
	[bflag:$0x2] =	sbarrier.arrive $0xFFFF  }
0x36: {  	[sflag:s0] =	ssyncadd.tile.s32 @!p0 $0x1;
	_ =	shalt  }
.Lfunc_end2:
_tile_overlayer_lowered:
.L_overlay_start_2:
0x37: {  	(tag) =	ssettag $0x2  }
0x38: {  	s0 =	rddreg [dreg:$0x0];
	s2 =	stileid.u32  }
0x39: {  	s1 =	rddreg [dreg:$0x1];
	p0 =	sne.s32 s2, $0x0  }
0x3a: {  	s3 =	rddreg [dreg:$0x2];
	[bflag:$0x3] =	sbarrier.arrive $0xFFFF;
	s2 =	simm.s32 @!p0 $0x1C02  }
0x3b: {  	[timem:s3], [sflag:s2] =	dma.local @!p0 [hbm:s0], s1  }
0x3c: {  	s0 =	simm.s32 @!p0 $0x2  }
0x3d: {  	_ =	swait.ge @!p0 [sflag:s0], s1  }
0x3e: {  	s1 =	ssub.s32 @!p0 $0x0, s1;
	[sflag:s0] =	ssyncset.done @!p0 $0x0  }
0x3f: {  	[sflag:s0] =	ssyncadd.s32 @!p0 s1  }
0x40: {  	[bflag:$0x3] =	sbarrier.arrive $0xFFFF  }
0x41: {  	_ =	shalt  }

// kernel: kernel.29.cloned.1.call-start
scs
__scs_entry_jumppad:
0x0: {  	(pc) =	sbr.rel $0x88, $3  }
0x1: {  	(tag) =	ssettag $0x0;
	lr =	simm.s32 $0x1  }
0x2: {  	[smem:$0x3F91] =	sst lr;
	_ =	strace $0xD0000000  }
0x3: {  	_ = 	snop  }
0x4: {  	_ = 	snop  }
0x5: {  	_ = 	snop  }
0x6: {  	_ = 	snop  }
0x7: {  	_ = 	snop  }
__scs_overlays_trampoline_lowered:
0x8: {  	[smem:$0x3FA0] =	sst s0  }
0x9: {  	[smem:$0x3FA1] =	sst s1  }
0xa: {  	[smem:$0x3FA2] =	sst s2  }
0xb: {  	[smem:$0x3FA3] =	sst s3  }
0xc: {  	[smem:$0x3FA4] =	sst s4  }
0xd: {  	[smem:$0x3FA5] =	sst s5  }
0xe: {  	[smem:$0x3FA6] =	sst s6  }
0xf: {  	[smem:$0x3FA7] =	sst s7  }
0x10: {  	[smem:$0x3FA8] =	sst s8  }
0x11: {  	[smem:$0x3FA9] =	sst s9;
	s0 =	simm.s32 @!p0 $0x0  }
0x12: {  	s1 =	sld [smem:$0x3F8F];
	s0 =	simm.s32 @p0 $0x1  }
0x13: {  	[smem:$0x3FAA] =	sst s0;
	s0 =	simm.s32 @!p1 $0x0  }
0x14: {  	s2 =	sld [smem:$0x3F8E];
	s0 =	simm.s32 @p1 $0x1  }
0x15: {  	[smem:$0x3FAB] =	sst s0;
	s0 =	simm.s32 @!p2 $0x0  }
0x16: {  	s3 =	sld [smem:$0x3FDB];
	s0 =	simm.s32 @p2 $0x1  }
0x17: {  	s4 =	simm.s32 $0x1BF5;
	[smem:$0x3FAD] =	sst s0  }
0x18: {  	s0 =	sld [smem:$0x3F90];
	_ =	swait.ge [sflag:s4], $0x0  }
0x19: {  	s7 =	sld [smem:$0x3F91]  }
0x1a: {  	s8 =	sadd.s32 $0xFFFFE003, lr  }
0x1b: {  	s9 =	sadd.s32 $0xFFFFFEF7, lr;
	s5 =	simm.s32 $0xFFFFFFFF;
	p2 =	slt.u32 s8, $0xFFFFF086  }
0x1c: {  	p1 =	slt.u32 s9, $0xF7A;
	s5 =	simm.s32 @!p2 $0x0  }
0x1d: {  	s5 =	simm.s32 @p1 $0x1;
	p0 =	seq.s32 s7, s2  }
0x1e: {  	s7 =	smul.u32 @!p0 $0xF7A, s2;
	p2 =	seq.s32 @!p0 s5, $0x0  }
0x1f: {  	s9 =	smul.u32 $0xF7A, s1;
	s8 =	simm.s32 @!p0 $0x1BF5;
	p2 =	por !p2, p0  }
0x20: {  	[sflag:s8] =	ssyncset.s32 @!p0 $0xFFFFF086;
	s6 =	sadd.s32 @!p0 s3, s7;
	s7 =	simm.s32 @!p0 $0x108  }
0x21: {  	s3 =	sadd.s32 s3, s9;
	s6 =	sadd.s32 @!p0 $0x88, s6;
	s7 =	simm.s32 @p2 $0x1082  }
0x22: {  	[simem:s7], [sflag:s8] =	dma.local @!p0 [hbm:s6], $0xF7A  }
0x23: {  	s9 =	sor.u32 $0xD0000000, s2;
	s6 =	simm.s32 $0x108;
	_ =	swait.ge @!p0 [sflag:s8], $0x0  }
0x24: {  	s3 =	sadd.s32 $0x88, s3;
	s6 =	simm.s32 @!p1 $0x1082;
	[sflag:s4] =	ssyncset.s32 $0xFFFFF086  }
0x25: {  	[simem:s6], [sflag:s4] =	dma.local [hbm:s3], $0xF7A  }
0x26: {  	[smem:$0x3F91] =	sst s1;
	(tag) =	ssettag s2;
	_ =	strace s9  }
0x27: {  	s1 =	sld [smem:$0x3FA1]  }
0x28: {  	s2 =	sld [smem:$0x3FA2]  }
0x29: {  	s4 =	sld [smem:$0x3FA4]  }
0x2a: {  	p0 =	seq.s32 s5, $0x0;
	s5 =	sld [smem:$0x3FA5]  }
0x2b: {  	s6 =	sld [smem:$0x3FA6]  }
0x2c: {  	s7 =	sld [smem:$0x3FA7]  }
0x2d: {  	s3 =	simm.s32 $0x108;
	s8 =	sld [smem:$0x3FA8]  }
0x2e: {  	s3 =	simm.s32 @!p0 $0x1082;
	s9 =	sld [smem:$0x3FA9]  }
0x2f: {  	lr =	sadd.s32 s0, s3;
	s0 =	sld [smem:$0x3FA0]  }
0x30: {  	s3 =	sld [smem:$0x3FA3]  }
0x31: {  	[smem:$0x3FAC] =	sst s10  }
0x32: {  	s10 =	sld [smem:$0x3FAA];
	_ =	sdelay $0x3  }
0x33: {  	p0 =	seq.s32 s10, $0x1;
	s10 =	sld [smem:$0x3FAC];
	_ =	sdelay $0x3  }
0x34: {  	[smem:$0x3FAC] =	sst s10  }
0x35: {  	s10 =	sld [smem:$0x3FAB];
	_ =	sdelay $0x3  }
0x36: {  	p1 =	seq.s32 s10, $0x1;
	s10 =	sld [smem:$0x3FAC];
	_ =	sdelay $0x3  }
0x37: {  	[smem:$0x3FAC] =	sst s10  }
0x38: {  	s10 =	sld [smem:$0x3FAD]  }
0x39: {  	_ = 	snop;
	(pc) =	sbr.ind lr, $3  }
0x3a: {  	_ = 	snop  }
0x3b: {  	_ = 	snop  }
0x3c: {  	p2 =	seq.s32 s10, $0x1;
	s10 =	sld [smem:$0x3FAC]  }
0x3d: {  	_ =	shalt  }
0x3e: {  	_ =	shalt  }
0x3f: {  	_ =	shalt  }
0x40: {  	_ =	shalt  }
0x41: {  	_ =	shalt  }
0x42: {  	_ =	shalt  }
0x43: {  	_ =	shalt  }
0x44: {  	_ =	shalt  }
0x45: {  	_ =	shalt  }
0x46: {  	_ =	shalt  }
0x47: {  	_ =	shalt  }
0x48: {  	_ =	shalt  }
0x49: {  	_ =	shalt  }
0x4a: {  	_ =	shalt  }
0x4b: {  	_ =	shalt  }
0x4c: {  	_ =	shalt  }
0x4d: {  	_ =	shalt  }
0x4e: {  	_ =	shalt  }
0x4f: {  	_ =	shalt  }
0x50: {  	_ =	shalt  }
0x51: {  	_ =	shalt  }
0x52: {  	_ =	shalt  }
0x53: {  	_ =	shalt  }
0x54: {  	_ =	shalt  }
0x55: {  	_ =	shalt  }
0x56: {  	_ =	shalt  }
0x57: {  	_ =	shalt  }
0x58: {  	_ =	shalt  }
0x59: {  	_ =	shalt  }
0x5a: {  	_ =	shalt  }
0x5b: {  	_ =	shalt  }
0x5c: {  	_ =	shalt  }
0x5d: {  	_ =	shalt  }
0x5e: {  	_ =	shalt  }
0x5f: {  	_ =	shalt  }
0x60: {  	_ =	shalt  }
0x61: {  	_ =	shalt  }
0x62: {  	_ =	shalt  }
0x63: {  	_ =	shalt  }
0x64: {  	_ =	shalt  }
0x65: {  	_ =	shalt  }
0x66: {  	_ =	shalt  }
0x67: {  	_ =	shalt  }
0x68: {  	_ =	shalt  }
0x69: {  	_ =	shalt  }
0x6a: {  	_ =	shalt  }
0x6b: {  	_ =	shalt  }
0x6c: {  	_ =	shalt  }
0x6d: {  	_ =	shalt  }
0x6e: {  	_ =	shalt  }
0x6f: {  	_ =	shalt  }
0x70: {  	_ =	shalt  }
0x71: {  	_ =	shalt  }
0x72: {  	_ =	shalt  }
0x73: {  	_ =	shalt  }
0x74: {  	_ =	shalt  }
0x75: {  	_ =	shalt  }
0x76: {  	_ =	shalt  }
0x77: {  	_ =	shalt  }
0x78: {  	_ =	shalt  }
0x79: {  	_ =	shalt  }
0x7a: {  	_ =	shalt  }
0x7b: {  	_ =	shalt  }
0x7c: {  	_ =	shalt  }
0x7d: {  	_ =	shalt  }
0x7e: {  	_ =	shalt  }
0x7f: {  	_ =	shalt  }
0x80: {  	_ =	shalt  }
0x81: {  	_ =	shalt  }
0x82: {  	_ =	shalt  }
0x83: {  	_ =	shalt  }
0x84: {  	_ =	shalt  }
0x85: {  	_ =	shalt  }
0x86: {  	_ =	shalt  }
0x87: {  	_ =	shalt  }
.Lfunc_end0:
.L_simem_size_0:
called_computation.3_lowered:
.L_overlay_start_0:
0x88: {  	s2 =	sld [smem:$0x3FD9]  }
0x89: {  	s3 =	sld [smem:$0x3FFE];
	_ =	sdelay $0x1  }
0x8a: {  	s1 =	srdreg.scid  }
0x8b: {  	s0 =	sand.u32 $0x1, s1  }
0x8c: {  	s17 =	sshll.u32 s0, $0xA;
	s2 =	sadd.s32 s3, s2  }
0x8d: {  	s2 =	sadd.s32 s2, s17  }
0x8e: {  	[smem:$0x3FB8] =	sst s2  }
0x8f: {  	_ = 	snop  }
0x90: {  	s2 =	sld [smem:$0x3FD0];
	(tm) =	ssettm $0x1  }
0x91: {  	s18 =	sld [smem:$0x3FFB];
	_ =	sdelay $0x3  }
0x92: {  	_ =	strace s18  }
0x93: {  	s3 =	sld [smem:$0x3FFC];
	_ =	sdelay $0x3  }
0x94: {  	_ =	strace s3  }
0x95: {  	s3 =	sld [smem:$0x3FFD];
	_ =	sdelay $0x3  }
0x96: {  	_ =	strace s3  }
0x97: {  	_ =	strace $0x8FFFFFFF  }
0x98: {  	s19 =	sld [smem:$0x3FDB];
	_ =	sdelay $0x1  }
0x99: {  	s4 =	simm.s32 $_scs_section_size  }
0x9a: {  	s5 =	simm.s32 $_size__tile_overlayer_lowered;
	s6 =	simm.s32 $_tile_overlayer_lowered  }
0x9b: {  	s22 =	simm.s32 $0x1BFF;
	s21 =	sshll.u32 s6, $0x1;
	s3 =	sadd.s32 s4, s19  }
0x9c: {  	s7 =	simm.s32 $0x0;
	s20 =	sshll.u32 s5, $0x1;
	s5 =	sadd.s32 s21, s3  }
0x9d: {  	[timem:s7], [sflag:s22] =	dma.local [hbm:s5], s20  }
0x9e: {  	_ =	swait.ge [sflag:s22], s20  }
0x9f: {  	s4 =	ssub.s32 $0x0, s20;
	[sflag:s22] =	ssyncset.done $0x0  }
0xa0: {  	[sflag:s22] =	ssyncadd.s32 s4;
	_ =	sdelay $0x1  }
0xa1: {  	s23 =	simm.s32 $0x1B8B  }
0xa2: {  	_ =	swait.ge [sflag:s23], $0x1  }
0xa3: {  	[sflag:s23] =	ssyncset.done $0x0  }
0xa4: {  	s25 =	simm.s32 $0x1B8E;
	s24 =	sld [smem:$0x3FFE];
	[sflag:s23] =	ssyncadd.s32 $0xFFFFFFFF  }
0xa5: {  	s26 =	simm.s32 $execute0_lowered;
	[smem:$0x3FD2] =	sst s25  }
0xa6: {  	s5 =	sshll.u32 s26, $0x1;
	_ =	strace $0x8000004F;
	[dreg:$0x1] =	wrdreg $0xFFFFFFFF  }
0xa7: {  	s28 =	simm.s32 $_size_execute0_lowered;
	s3 =	sadd.s32 s3, s5;
	[dreg:$0x0] =	wrdreg $0x0  }
0xa8: {  	s5 =	sshll.u32 s28, $0x1;
	[dreg:$0x2] =	wrdreg s3  }
0xa9: {  	[dreg:$0x3] =	wrdreg s5  }
0xaa: {  	[dreg:$0x4] =	wrdreg $0xC0  }
0xab: {  	_ =	task [dreg:s7], $0x5FFFF  }
0xac: {  	[dreg:$0x1] =	wrdreg $0xFFFFFFFF  }
0xad: {  	[dreg:$0x0] =	wrdreg $0x60  }
0xae: {  	[dreg:$0x2] =	wrdreg s2  }
0xaf: {  	[dreg:$0x3] =	wrdreg s24  }
0xb0: {  	[dreg:$0x4] =	wrdreg $0x9  }
0xb1: {  	_ =	task.clear_ibuf [dreg:s7], $0x5FFFF;
	_ =	strace $0x9000004F  }
0xb2: {  	s29 =	simm.s32 $0x9;
	_ =	strace $0x80000051  }
0xb3: {  	_ =	swait.ge [sflag:s29], $0x1  }
0xb4: {  	[sflag:s29] =	ssyncadd.s32 $0xFFFFFFFF  }
0xb5: {  	_ =	strace $0x90000051  }
0xb6: {  	_ =	sfence  }
0xb7: {  	s30 =	sld [smem:$0x0];
	_ =	sdelay $0x2  }
0xb8: {  	s31 =	sshll.u32 s1, $0xD;
	s1 =	sshrl.u32 s1, $0x2  }
0xb9: {  	s3 =	sand.u32 $0x4000, s31;
	s1 =	sadd.s32 s1, s30  }
0xba: {  	s0 =	sor.u32 s3, s0;
	s1 =	sshll.u32 s1, $0x11  }
0xbb: {  	s0 =	sor.u32 s1, s0  }
0xbc: {  	s0 =	sadd.s32 $0x8F2B, s0  }
0xbd: {  	[sflag:s0] =	ssyncadd.remote.s32 $0x1  }
0xbe: {  	_ =	sfence.sel $0xFFFF  }
0xbf: {  	[dreg:$0x0] =	wrdreg $0xFFFFFFFF;
	(pc) =	sbr.abs _section_cstart, $3  }
0xc0: {  	[dreg:$0x1] =	wrdreg $0xFFFFFFFF  }
0xc1: {  	_ =	task.clear_ibuf [dreg:s7], $0x2FFFF;
	_ =	strace $0x9FFFFFFF  }
0xc2: {  	(tm) =	ssettm $0x7FFFFFFF  }
0xc3: {  	_ =	shalt  }
tec
execute0_lowered:
.L_overlay_start_1:
0x0: {  	(tag) =	ssettag $0x1  }
0x1: {  	s2 =	rddreg [dreg:$0x0]  }
0x2: {  	s4 =	rddreg [dreg:$0x1]  }
0x3: {  	s0 =	rddreg [dreg:$0x2];
	s1 =	stileid.u32  }
0x4: {  	s5 =	srdreg.scid;
	s3 =	simm.s32 $0x0;
	s6 =	smul.u32 $0x2800, s1  }
0x5: {  	s10 =	simm.s32 $0x0;
	s5 =	sand.u32 $0x1, s5;
	s8 =	smul.u32 $0x28000, s1  }
0x6: {  	[smem:$0x7FF] =	sst s3;
	s7 =	smul.u32 $0x1400, s5;
	s9 =	ssub.s32 $0x2, s5  }
0x7: {  	_ =	strace $0x80000050;
	s5 =	smul.u32 $0x14000, s5;
	s31 =	sshrl.u32 s9, $0x1  }
0x8: {  	s8 =	sadd.s32 s8, s4;
	s6 =	sadd.s32 s7, s6;
	s7 =	ssub.s32 s9, s31  }
0x9: {  	s5 =	sadd.s32 s5, s8;
	s8 =	simm.s32 $0x100;
	s6 =	sshrl.u32 s6, $0x3  }
0xa: {  	s9 =	simm.s32 $0x1;
	s5 =	sadd.s32 $0x28000, s5;
	s6 =	sadd.s32 s6, s4  }
0xb: {  	s4 =	smax.u32 s7, $0x1;
	s7 =	simm.s32 $0x2;
	s6 =	sadd.s32 $0x23000, s6  }
.LBB2_1:
0xc: {  	s11 =	sadd.s32 $0x0, s6  }
0xd: {  	[tilespmem:s3], [sflag:$0x2] =	stream.linear.gather [hbm4b:s11+s3], $0x100, $0x38;
	[tilespmem:$0x8100] =	vst v63  }
0xe: {  	_ =	swait.ge [sflag:s7], $0x100  }
0xf: {  	[sflag:s7] =	ssyncset.done $0x0  }
0x10: {  	[sflag:s7] =	ssyncadd.s32 $0xFFFFFF00  }
0x11: {  	[tilespmem:s8], [sflag:$0x1] =	stream.indirect.gather [hbm4b:s2+s8], $0x80, s3, s8, $0xb8;
	[tilespmem:$0x8100] =	vst v63  }
0x12: {  	_ =	swait.ge [sflag:s9], $0x8000  }
0x13: {  	[sflag:s9] =	ssyncset.done $0x0  }
0x14: {  	[sflag:s9] =	ssyncadd.s32 $0xFFFF8000  }
0x15: {  	[hbm4b:s5+s3] =	stream.linear.scatter [tilespmem:s8], [sflag:$0x2], $0x8000, $0x38;
	[tilespmem:$0x8100] =	vst v63  }
0x16: {  	s12 =	simm.s32 $0x20;
	_ =	swait.ge [sflag:s7], $0x8000  }
0x17: {  	s13 =	simm.s32 $0x40;
	s11 =	sadd.s32 $0x1000, s5;
	[sflag:s7] =	ssyncset.done $0x0  }
.LBB2_2:
0x18: {  	s14 =	sadd.s32 s12, s6  }
0x19: {  	[sflag:s7] =	ssyncadd.s32 $0xFFFF8000;
	s12 =	smov.u32 s13;
	s15 =	sadd.s32 $0x20, s13  }
0x1a: {  	[tilespmem:s3], [sflag:$0x2] =	stream.linear.gather [hbm4b:s14+s3], $0x100, $0x38;
	[tilespmem:$0x8100] =	vst v63  }
0x1b: {  	p0 =	sne.s32 s13, $0x260;
	_ =	swait.ge [sflag:s7], $0x100  }
0x1c: {  	[sflag:s7] =	ssyncset.done $0x0  }
0x1d: {  	[sflag:s7] =	ssyncadd.s32 $0xFFFFFF00  }
0x1e: {  	[tilespmem:s8], [sflag:$0x1] =	stream.indirect.gather [hbm4b:s2+s8], $0x80, s3, s8, $0xb8;
	[tilespmem:$0x8100] =	vst v63  }
0x1f: {  	_ =	swait.ge [sflag:s9], $0x8000  }
.Ltmp0:
0x20: {  	[sflag:s9] =	ssyncset.done $0x0;
	(pc) =	sbr.rel @p0 .LBB2_2-.Ltmp0, $4  }
0x21: {  	[sflag:s9] =	ssyncadd.s32 $0xFFFF8000  }
0x22: {  	[hbm4b:s11+s3] =	stream.linear.scatter [tilespmem:s8], [sflag:$0x2], $0x8000, $0x38;
	[tilespmem:$0x8100] =	vst v63  }
0x23: {  	_ =	swait.ge [sflag:s7], $0x8000  }
0x24: {  	s13 =	smov.u32 s15;
	s11 =	sadd.s32 $0x1000, s11;
	[sflag:s7] =	ssyncset.done $0x0  }
0x25: {  	s12 =	sadd.s32 s12, s6;
	[sflag:s7] =	ssyncadd.s32 $0xFFFF8000  }
0x26: {  	[tilespmem:s3], [sflag:$0x2] =	stream.linear.gather [hbm4b:s12+s3], $0x100, $0x38;
	[tilespmem:$0x8100] =	vst v63  }
0x27: {  	_ =	swait.ge [sflag:s7], $0x100  }
0x28: {  	[sflag:s7] =	ssyncset.done $0x0  }
0x29: {  	[sflag:s7] =	ssyncadd.s32 $0xFFFFFF00  }
0x2a: {  	[tilespmem:s8], [sflag:$0x1] =	stream.indirect.gather [hbm4b:s2+s8], $0x80, s3, s8, $0xb8;
	[tilespmem:$0x8100] =	vst v63  }
0x2b: {  	s10 =	sadd.s32 $0x1, s10;
	_ =	swait.ge [sflag:s9], $0x8000  }
0x2c: {  	p0 =	sne.s32 s10, s4;
	[sflag:s9] =	ssyncset.done $0x0  }
.Ltmp1:
0x2d: {  	[sflag:s9] =	ssyncadd.s32 $0xFFFF8000;
	(pc) =	sbr.rel @p0 .LBB2_1-.Ltmp1, $4  }
0x2e: {  	[hbm4b:s11+s3] =	stream.linear.scatter [tilespmem:s8], [sflag:$0x2], $0x8000, $0x38;
	[tilespmem:$0x8100] =	vst v63  }
0x2f: {  	_ =	swait.ge [sflag:s7], $0x8000  }
0x30: {  	[sflag:s7] =	ssyncset.done $0x0  }
0x31: {  	[sflag:s7] =	ssyncadd.s32 $0xFFFF8000  }
0x32: {  	_ =	sfence.sel $0x180000  }
0x33: {  	[bflag:$0x0] =	sbarrier.arrive $0xFFFF  }
0x34: {  	p0 =	sne.s32 s1, $0x0;
	_ =	strace $0x90000050  }
0x35: {  	s0 =	sadd.s32 @!p0 $0x100000, s0;
	[bflag:$0x2] =	sbarrier.arrive $0xFFFF  }
0x36: {  	[sflag:s0] =	ssyncadd.tile.s32 @!p0 $0x1;
	_ =	shalt  }
.Lfunc_end2:
_tile_overlayer_lowered:
.L_overlay_start_2:
0x37: {  	(tag) =	ssettag $0x2  }
0x38: {  	s0 =	rddreg [dreg:$0x0];
	s2 =	stileid.u32  }
0x39: {  	s1 =	rddreg [dreg:$0x1];
	p0 =	sne.s32 s2, $0x0  }
0x3a: {  	s3 =	rddreg [dreg:$0x2];
	[bflag:$0x3] =	sbarrier.arrive $0xFFFF;
	s2 =	simm.s32 @!p0 $0x1C02  }
0x3b: {  	[timem:s3], [sflag:s2] =	dma.local @!p0 [hbm:s0], s1  }
0x3c: {  	s0 =	simm.s32 @!p0 $0x2  }
0x3d: {  	_ =	swait.ge @!p0 [sflag:s0], s1  }
0x3e: {  	s1 =	ssub.s32 @!p0 $0x0, s1;
	[sflag:s0] =	ssyncset.done @!p0 $0x0  }
0x3f: {  	[sflag:s0] =	ssyncadd.s32 @!p0 s1  }
0x40: {  	[bflag:$0x3] =	sbarrier.arrive $0xFFFF  }
0x41: {  	_ =	shalt  }

</sc_bundles>
